<compile_context>
chip_gen: v7x
topology: tpu7x:2x2x1
jax: 0.10.2.dev20260603
libtpu: 0.0.44.dev20260713+nightly
codegen_flags: <defaults>
</compile_context>

<pallas_src>
import functools

import jax
import jax.numpy as jnp
from jax import lax
from jax.experimental import pallas as pl
from jax.experimental.pallas import tpu as pltpu
from jax.experimental.pallas import tpu_sc as plsc

NEG_SLOPE = 0.2
NS = 64
F32 = jnp.float32


def _sc_hist_body(h_hbm, out_hbm, zbuf, h0_v, h1_v, fidx, ones_v, shared):
    s = lax.axis_index("s")

    for g in range(16):
        zbuf[pl.ds(g * 16, 16)] = jnp.zeros((16,), F32)
    pltpu.sync_copy(zbuf, shared.at[pl.ds(s * 256, 256)])

    base = s * 512
    pltpu.sync_copy(h_hbm.at[0, pl.ds(base, 512)], h0_v)
    pltpu.sync_copy(h_hbm.at[1, pl.ds(base, 512)], h1_v)
    for g in range(32):
        a = h0_v[pl.ds(g * 16, 16)]
        b = h1_v[pl.ds(g * 16, 16)]
        fidx[g // 8, pl.ds((g % 8) * 16, 16)] = a * NS + b
        ones_v[g // 8, pl.ds((g % 8) * 16, 16)] = jnp.ones((16,), F32)

    plsc.subcore_barrier()
    for m in range(4):
        pltpu.sync_copy(ones_v.at[m], shared.at[fidx.at[m]], add=True)
    plsc.subcore_barrier()

    @pl.when(s == 0)
    def _writeback():
        pltpu.sync_copy(shared, out_hbm)


def _sc_hist(hyperedge_index):
    mesh = plsc.VectorSubcoreMesh(core_axis_name="c", subcore_axis_name="s",
                                  num_cores=1)
    hist = pl.kernel(
        _sc_hist_body,
        out_type=jax.ShapeDtypeStruct((NS * NS,), F32),
        mesh=mesh,
        scratch_types=[
            pltpu.VMEM((256,), F32),
            pltpu.VMEM((512,), jnp.int32),
            pltpu.VMEM((512,), jnp.int32),
            pltpu.VMEM((4, 128), jnp.int32),
            pltpu.VMEM((4, 128), F32),
            pltpu.VMEM_SHARED((NS * NS,), F32),
        ],
    )(hyperedge_index.astype(jnp.int32))
    return hist.reshape(1, NS, NS)


def _dot(a, b, dims, precision=lax.Precision.HIGHEST):
    return lax.dot_general(a, b, (dims, ((), ())),
                           precision=precision,
                           preferred_element_type=F32)


def _masks(cnt):
    eye = (lax.broadcasted_iota(jnp.int32, (NS, NS), 0)
           == lax.broadcasted_iota(jnp.int32, (NS, NS), 1)).astype(F32)

    def tcol(row):
        return _dot(eye, row, ((1,), (1,)))

    d_col = jnp.sum(cnt, axis=1, keepdims=True)
    bdeg_row = jnp.sum(cnt, axis=0, keepdims=True)
    bdeg_col = tcol(bdeg_row)
    bnorm_col = jnp.where(bdeg_col > 0,
                          1.0 / jnp.where(bdeg_col > 0, bdeg_col, 1.0), 0.0)
    iota_k = lax.broadcasted_iota(jnp.int32, (1, NS), 1).astype(F32)
    ne = jnp.max(jnp.where(bdeg_row > 0, iota_k + 1.0, 0.0))
    valid_row = (iota_k < ne).astype(F32)
    pair_mask = tcol(valid_row) * valid_row
    return eye, d_col, bdeg_col, bnorm_col, ne, pair_mask


def _tc_body(c3_ref, xs_ref, w_ref, attv_ref, o_ref, oc_ref,
             oacc, accs, *, B, C, E, NBLK):
    i = pl.program_id(0)

    @pl.when(i == 0)
    def _setup():
        accs[0] = jnp.float32(0.0)
        accs[1] = jnp.float32(0.0)
        accs[2] = jnp.float32(0.0)

    for b in range(B):
        @pl.when(i == b * (NBLK - 1) // B)
        def _step(b=b):
            cnt = sum(c3_ref[j] for j in range(c3_ref.shape[0]))
            eye, d_col, bdeg_col, bnorm_col, ne, pair_mask = _masks(cnt)
            att1 = attv_ref[0:1, :]
            att2 = attv_ref[1:2, :]
            mask = cnt > 0
            xb = _dot(xs_ref[b], w_ref[...], ((1,), (0,)),
                      precision=lax.Precision.DEFAULT)
            es = _dot(cnt, xb, ((0,), (0,)))
            p_col = _dot(xb, att1, ((1,), (1,)))
            q_row = _dot(att2, es, ((1,), (1,)))
            lg = p_col + q_row
            lg = jnp.where(lg > 0, lg, NEG_SLOPE * lg)
            amax = jnp.max(jnp.where(mask, lg, -3e38), axis=1, keepdims=True)
            ex = jnp.exp(jnp.where(mask, lg - amax, -3e38))
            denom = jnp.sum(cnt * ex, axis=1, keepdims=True)
            wm = cnt * ex / (denom + 1e-16)
            out1 = bnorm_col * _dot(wm, xb, ((0,), (0,)))
            out2 = d_col * _dot(wm, out1, ((1,), (0,)))
            oacc[:, b, :] = out2

            acc_sx = jnp.sum(d_col * jnp.sum(xb, axis=1, keepdims=True))
            acc_sj = jnp.sum(bdeg_col * jnp.sum(es, axis=1, keepdims=True))
            g = _dot(es, es, ((1,), (1,)))
            n2c = jnp.sum(es * es, axis=1, keepdims=True)
            n2r = _dot(n2c, eye, ((0,), (0,)))
            nprod = jnp.sqrt(n2c) * jnp.sqrt(n2r)
            alpha_c = g / (nprod + 1e-8)
            dist = jnp.sqrt(jnp.maximum(n2c + n2r - 2.0 * g, 0.0))
            items = alpha_c * dist + (1.0 - alpha_c) * jnp.maximum(4.2 - dist, 0.0)
            accs[0] = accs[0] + jnp.sum(pair_mask * items)
            accs[1] = accs[1] + acc_sx
            accs[2] = accs[2] + acc_sj

    @pl.when(i < NBLK - 1)
    def _zero():
        o_ref[...] = jnp.zeros_like(o_ref)

    @pl.when(i == NBLK - 1)
    def _final():
        o_ref[0:NS] = oacc[...]
        o_ref[pl.ds(NS, 3 * NS)] = jnp.zeros((3 * NS,) + oacc.shape[1:], F32)
        _, _, _, _, ne, _ = _masks(sum(c3_ref[j] for j in range(c3_ref.shape[0])))
        mean_diff = (accs[1] - accs[2]) / jnp.float32(E * B * C)
        loss_mean = accs[0] / (ne * ne * B)
        loss_hyper = jnp.abs(loss_mean) / ((ne + 1.0) ** 2)
        oc_ref[...] = jnp.zeros_like(oc_ref) + (jnp.abs(mean_diff) + loss_hyper)


def kernel(x, hyperedge_index, weight, att):
    B, N, C = x.shape
    E = hyperedge_index.shape[1]
    nsb = 4 * NS
    nblk = N // nsb

    cnt3 = _sc_hist(hyperedge_index)
    attv = att.reshape(2, C)

    body = functools.partial(_tc_body, B=B, C=C, E=E, NBLK=nblk)
    out2, oc = pl.pallas_call(
        body,
        grid=(nblk,),
        in_specs=[
            pl.BlockSpec((1, NS, NS), lambda i: (0, 0, 0)),
            pl.BlockSpec((B, NS, C), lambda i: (0, 0, 0)),
            pl.BlockSpec((C, C), lambda i: (0, 0)),
            pl.BlockSpec((2, C), lambda i: (0, 0)),
        ],
        out_specs=[
            pl.BlockSpec((nsb, B, C),
                         lambda i: (jnp.where(i == nblk - 1, 0, i + 1), 0, 0)),
            pl.BlockSpec((8, 128), lambda i: (0, 0)),
        ],
        out_shape=[
            jax.ShapeDtypeStruct((N, B, C), F32),
            jax.ShapeDtypeStruct((8, 128), F32),
        ],
        scratch_shapes=[
            pltpu.VMEM((NS, B, C), F32),
            pltpu.SMEM((4,), F32),
        ],
    )(cnt3, x, weight, attv)
    return out2, oc[0, 0]

# --- scband reference (transcript-rebuilt; emitter-appended) ---
"""Pipeline reference for scband-model-81183471829005 (READ-ONLY COPY).

The authoritative reference and input builder live on the scoring server;
editing this copy changes nothing except your own understanding.
"""

import jax, jax.numpy as jnp
import numpy as np

NEG_SLOPE = 0.2
NE_MAX = 64


def setup_inputs(seed: int = 0) -> dict:
    key = jax.random.key(seed)
    k1, k2, k3, k4 = jax.random.split(key, 4)
    x = jax.random.normal(k1, (16, 2048, 512), dtype=jnp.float32)
    # both rows sorted: row0 = node ids in [0,64), row1 = hyperedge ids in [0,64)
    # sorted + dense coverage of edge ids makes the torch dict-insertion-order
    # aggregation equivalent to a segment_sum keyed by edge id
    hyperedge_index = jnp.sort(jax.random.randint(k2, (2, 8192), 0, 64), axis=-1)
    s_w = (6.0 / (512 + 512)) ** 0.5
    weight = jax.random.uniform(k3, (512, 512), minval=-s_w, maxval=s_w, dtype=jnp.float32)
    s_a = (6.0 / (1 + 2 * 512)) ** 0.5
    att = jax.random.uniform(k4, (1, 1, 1024), minval=-s_a, maxval=s_a, dtype=jnp.float32)
    return {"x": x, "hyperedge_index": hyperedge_index, "weight": weight, "att": att}


def reference(x, hyperedge_index, weight, att):
    hi0 = hyperedge_index[0]
    hi1 = hyperedge_index[1]
    ne = jnp.max(hi1) + 1
    N = x.shape[1]
    B = x.shape[0]
    xw = jnp.matmul(x, weight)                 # [B, N, C]
    xt = jnp.transpose(xw, (1, 0, 2))          # [N, B, C]
    x_i = xt[hi0]                              # [E, B, C]
    edge_sums = jax.ops.segment_sum(xt[hi0], hi1, num_segments=NE_MAX)  # [NE_MAX, B, C]
    x_j = edge_sums[hi1]                       # [E, B, C]
    inner = jnp.einsum('ibe,jbe->ijb', edge_sums, edge_sums)
    norms = jnp.linalg.norm(edge_sums, axis=2)                      # [NE_MAX, B]
    norm_products = norms[:, None, :] * norms[None, :, :]
    alpha_c = inner / (norm_products + 1e-8)
    distances = jnp.linalg.norm(edge_sums[:, None, :, :] - edge_sums[None, :, :, :], axis=3)
    loss_items = alpha_c * distances + (1.0 - alpha_c) * jnp.maximum(4.2 - distances, 0.0)
    seg_ids = jnp.arange(NE_MAX)
    valid = seg_ids < ne
    pair_mask = valid[:, None] & valid[None, :]
    loss_sum = jnp.sum(jnp.where(pair_mask[:, :, None], loss_items, 0.0))
    ne_f = ne.astype(x.dtype)
    loss_mean = loss_sum / (ne_f * ne_f * B)
    loss_hyper = jnp.abs(loss_mean) / ((ne_f + 1.0) ** 2)
    # attention coefficients
    alpha = jnp.sum(jnp.concatenate([x_i, x_j], axis=-1) * att, axis=-1)  # [E, B]
    alpha = jnp.where(alpha > 0, alpha, NEG_SLOPE * alpha)                # leaky_relu
    # segment softmax over nodes (PyG softmax(alpha, hi0, num_nodes=N))
    amax = jax.ops.segment_max(alpha, hi0, num_segments=N)
    amax = jnp.where(jnp.isfinite(amax), amax, 0.0)
    ex = jnp.exp(alpha - amax[hi0])
    denom = jax.ops.segment_sum(ex, hi0, num_segments=N)
    alpha = ex / (denom[hi0] + 1e-16)
    # dropout omitted (eval mode)
    D = jax.ops.segment_sum(jnp.ones(hi0.shape[0], dtype=x.dtype), hi0, num_segments=N)
    Bdeg = jax.ops.segment_sum(jnp.ones(hi1.shape[0], dtype=x.dtype), hi1, num_segments=NE_MAX)
    Bnorm = jnp.where(Bdeg > 0, 1.0 / jnp.where(Bdeg > 0, Bdeg, 1.0), 0.0)
    alpha_t = jnp.transpose(alpha)             # [B, E]
    # propagate 1 (source_to_target): gather at hi0, scatter-add at hi1, norm=B
    msg1 = Bnorm[hi1][None, :, None] * xw[:, hi0, :] * alpha_t[:, :, None]   # [B, E, C]
    out1 = jax.ops.segment_sum(jnp.transpose(msg1, (1, 0, 2)), hi1, num_segments=N)  # [N, B, C]
    out1_bnc = jnp.transpose(out1, (1, 0, 2))                                # [B, N, C]
    # propagate 2 (target_to_source): gather at hi1, scatter-add at hi0, norm=D
    msg2 = D[hi0][None, :, None] * out1_bnc[:, hi1, :] * alpha_t[:, :, None]
    out2 = jax.ops.segment_sum(jnp.transpose(msg2, (1, 0, 2)), hi0, num_segments=N)  # [N, B, C] == torch out.transpose(0,1)
    constrain = jnp.abs(jnp.mean(x_i - x_j)) + loss_hyper
    return (out2, constrain)

if __name__ == "__main__":
    import jax
    _d = setup_inputs()
    print(jax.jit(kernel)(*tuple(_d.values())))

</pallas_src>

<mosaic_0001>
#map = affine_map<(d0, d1) -> (0, 0)>
#map1 = affine_map<(d0, d1) -> (0)>
module attributes {stable_mosaic.version = 14 : i64} {
  func.func @_sc_hist_body(%arg0: i32, %arg1: i32, %arg2: memref<2x8192xi32, #tpu.memory_space<hbm>>, %arg3: memref<4096xf32, #tpu.memory_space<hbm>>, %arg4: memref<256xf32, #tpu.memory_space<vmem>>, %arg5: memref<512xi32, #tpu.memory_space<vmem>>, %arg6: memref<512xi32, #tpu.memory_space<vmem>>, %arg7: memref<4x128xi32, #tpu.memory_space<vmem>>, %arg8: memref<4x128xf32, #tpu.memory_space<vmem>>, %arg9: memref<4096xf32, #tpu.memory_space<vmem_shared>>) attributes {dimension_semantics = [#tpu.dimension_semantics<core_parallel>, #tpu.dimension_semantics<subcore_parallel>], iteration_bounds = array<i64: 1, 16>, scalar_prefetch = 0 : i64, scratch_operands = 6 : i64, tpu.core_type = #tpu.core_type<sc_vector_subcore>, window_params = [{transform_indices = #map}, {transform_indices = #map1}]} {
    %broadcast_in_dim3A = arith.constant 0.000000e+00 : f32
    %broadcast_in_dim3A_0 = vector.broadcast %broadcast_in_dim3A : f32 to vector<16xf32>
    %swap3A = arith.constant 0 : index
    %swap3A_1 = tpu.vector_load %arg4[%swap3A] {strides = array<i32>} : memref<256xf32, #tpu.memory_space<vmem>>, vector<16xf32>,
    %swap3A_2 = vector.shape_cast %swap3A_1 : vector<16xf32> to vector<16xf32>
    %swap3A_3 = vector.shape_cast %broadcast_in_dim3A_0 : vector<16xf32> to vector<16xf32>
    tpu.vector_store %arg4[%swap3A], %swap3A_3 {strides = array<i32>} : memref<256xf32, #tpu.memory_space<vmem>>, vector<16xf32>,
    %broadcast_in_dim3A_4 = arith.constant 0.000000e+00 : f32
    %broadcast_in_dim3A_5 = vector.broadcast %broadcast_in_dim3A_4 : f32 to vector<16xf32>
    %swap3A_6 = arith.constant 16 : index
    %swap3A_7 = tpu.vector_load %arg4[%swap3A_6] {strides = array<i32>} : memref<256xf32, #tpu.memory_space<vmem>>, vector<16xf32>,
    %swap3A_8 = vector.shape_cast %swap3A_7 : vector<16xf32> to vector<16xf32>
    %swap3A_9 = vector.shape_cast %broadcast_in_dim3A_5 : vector<16xf32> to vector<16xf32>
    tpu.vector_store %arg4[%swap3A_6], %swap3A_9 {strides = array<i32>} : memref<256xf32, #tpu.memory_space<vmem>>, vector<16xf32>,
    %broadcast_in_dim3A_10 = arith.constant 0.000000e+00 : f32
    %broadcast_in_dim3A_11 = vector.broadcast %broadcast_in_dim3A_10 : f32 to vector<16xf32>
    %swap3A_12 = arith.constant 32 : index
    %swap3A_13 = tpu.vector_load %arg4[%swap3A_12] {strides = array<i32>} : memref<256xf32, #tpu.memory_space<vmem>>, vector<16xf32>,
    %swap3A_14 = vector.shape_cast %swap3A_13 : vector<16xf32> to vector<16xf32>
    %swap3A_15 = vector.shape_cast %broadcast_in_dim3A_11 : vector<16xf32> to vector<16xf32>
    tpu.vector_store %arg4[%swap3A_12], %swap3A_15 {strides = array<i32>} : memref<256xf32, #tpu.memory_space<vmem>>, vector<16xf32>,
    %broadcast_in_dim3A_16 = arith.constant 0.000000e+00 : f32
    %broadcast_in_dim3A_17 = vector.broadcast %broadcast_in_dim3A_16 : f32 to vector<16xf32>
    %swap3A_18 = arith.constant 48 : index
    %swap3A_19 = tpu.vector_load %arg4[%swap3A_18] {strides = array<i32>} : memref<256xf32, #tpu.memory_space<vmem>>, vector<16xf32>,
    %swap3A_20 = vector.shape_cast %swap3A_19 : vector<16xf32> to vector<16xf32>
    %swap3A_21 = vector.shape_cast %broadcast_in_dim3A_17 : vector<16xf32> to vector<16xf32>
    tpu.vector_store %arg4[%swap3A_18], %swap3A_21 {strides = array<i32>} : memref<256xf32, #tpu.memory_space<vmem>>, vector<16xf32>,
    %broadcast_in_dim3A_22 = arith.constant 0.000000e+00 : f32
    %broadcast_in_dim3A_23 = vector.broadcast %broadcast_in_dim3A_22 : f32 to vector<16xf32>
    %swap3A_24 = arith.constant 64 : index
    %swap3A_25 = tpu.vector_load %arg4[%swap3A_24] {strides = array<i32>} : memref<256xf32, #tpu.memory_space<vmem>>, vector<16xf32>,
    %swap3A_26 = vector.shape_cast %swap3A_25 : vector<16xf32> to vector<16xf32>
    %swap3A_27 = vector.shape_cast %broadcast_in_dim3A_23 : vector<16xf32> to vector<16xf32>
    tpu.vector_store %arg4[%swap3A_24], %swap3A_27 {strides = array<i32>} : memref<256xf32, #tpu.memory_space<vmem>>, vector<16xf32>,
    %broadcast_in_dim3A_28 = arith.constant 0.000000e+00 : f32
    %broadcast_in_dim3A_29 = vector.broadcast %broadcast_in_dim3A_28 : f32 to vector<16xf32>
    %swap3A_30 = arith.constant 80 : index
    %swap3A_31 = tpu.vector_load %arg4[%swap3A_30] {strides = array<i32>} : memref<256xf32, #tpu.memory_space<vmem>>, vector<16xf32>,
    %swap3A_32 = vector.shape_cast %swap3A_31 : vector<16xf32> to vector<16xf32>
    %swap3A_33 = vector.shape_cast %broadcast_in_dim3A_29 : vector<16xf32> to vector<16xf32>
    tpu.vector_store %arg4[%swap3A_30], %swap3A_33 {strides = array<i32>} : memref<256xf32, #tpu.memory_space<vmem>>, vector<16xf32>,
    %broadcast_in_dim3A_34 = arith.constant 0.000000e+00 : f32
    %broadcast_in_dim3A_35 = vector.broadcast %broadcast_in_dim3A_34 : f32 to vector<16xf32>
    %swap3A_36 = arith.constant 96 : index
    %swap3A_37 = tpu.vector_load %arg4[%swap3A_36] {strides = array<i32>} : memref<256xf32, #tpu.memory_space<vmem>>, vector<16xf32>,
    %swap3A_38 = vector.shape_cast %swap3A_37 : vector<16xf32> to vector<16xf32>
    %swap3A_39 = vector.shape_cast %broadcast_in_dim3A_35 : vector<16xf32> to vector<16xf32>
    tpu.vector_store %arg4[%swap3A_36], %swap3A_39 {strides = array<i32>} : memref<256xf32, #tpu.memory_space<vmem>>, vector<16xf32>,
    %broadcast_in_dim3A_40 = arith.constant 0.000000e+00 : f32
    %broadcast_in_dim3A_41 = vector.broadcast %broadcast_in_dim3A_40 : f32 to vector<16xf32>
    %swap3A_42 = arith.constant 112 : index
    %swap3A_43 = tpu.vector_load %arg4[%swap3A_42] {strides = array<i32>} : memref<256xf32, #tpu.memory_space<vmem>>, vector<16xf32>,
    %swap3A_44 = vector.shape_cast %swap3A_43 : vector<16xf32> to vector<16xf32>
    %swap3A_45 = vector.shape_cast %broadcast_in_dim3A_41 : vector<16xf32> to vector<16xf32>
    tpu.vector_store %arg4[%swap3A_42], %swap3A_45 {strides = array<i32>} : memref<256xf32, #tpu.memory_space<vmem>>, vector<16xf32>,
    %broadcast_in_dim3A_46 = arith.constant 0.000000e+00 : f32
    %broadcast_in_dim3A_47 = vector.broadcast %broadcast_in_dim3A_46 : f32 to vector<16xf32>
    %swap3A_48 = arith.constant 128 : index
    %swap3A_49 = tpu.vector_load %arg4[%swap3A_48] {strides = array<i32>} : memref<256xf32, #tpu.memory_space<vmem>>, vector<16xf32>,
    %swap3A_50 = vector.shape_cast %swap3A_49 : vector<16xf32> to vector<16xf32>
    %swap3A_51 = vector.shape_cast %broadcast_in_dim3A_47 : vector<16xf32> to vector<16xf32>
    tpu.vector_store %arg4[%swap3A_48], %swap3A_51 {strides = array<i32>} : memref<256xf32, #tpu.memory_space<vmem>>, vector<16xf32>,
    %broadcast_in_dim3A_52 = arith.constant 0.000000e+00 : f32
    %broadcast_in_dim3A_53 = vector.broadcast %broadcast_in_dim3A_52 : f32 to vector<16xf32>
    %swap3A_54 = arith.constant 144 : index
    %swap3A_55 = tpu.vector_load %arg4[%swap3A_54] {strides = array<i32>} : memref<256xf32, #tpu.memory_space<vmem>>, vector<16xf32>,
    %swap3A_56 = vector.shape_cast %swap3A_55 : vector<16xf32> to vector<16xf32>
    %swap3A_57 = vector.shape_cast %broadcast_in_dim3A_53 : vector<16xf32> to vector<16xf32>
    tpu.vector_store %arg4[%swap3A_54], %swap3A_57 {strides = array<i32>} : memref<256xf32, #tpu.memory_space<vmem>>, vector<16xf32>,
    %broadcast_in_dim3A_58 = arith.constant 0.000000e+00 : f32
    %broadcast_in_dim3A_59 = vector.broadcast %broadcast_in_dim3A_58 : f32 to vector<16xf32>
    %swap3A_60 = arith.constant 160 : index
    %swap3A_61 = tpu.vector_load %arg4[%swap3A_60] {strides = array<i32>} : memref<256xf32, #tpu.memory_space<vmem>>, vector<16xf32>,
    %swap3A_62 = vector.shape_cast %swap3A_61 : vector<16xf32> to vector<16xf32>
    %swap3A_63 = vector.shape_cast %broadcast_in_dim3A_59 : vector<16xf32> to vector<16xf32>
    tpu.vector_store %arg4[%swap3A_60], %swap3A_63 {strides = array<i32>} : memref<256xf32, #tpu.memory_space<vmem>>, vector<16xf32>,
    %broadcast_in_dim3A_64 = arith.constant 0.000000e+00 : f32
    %broadcast_in_dim3A_65 = vector.broadcast %broadcast_in_dim3A_64 : f32 to vector<16xf32>
    %swap3A_66 = arith.constant 176 : index
    %swap3A_67 = tpu.vector_load %arg4[%swap3A_66] {strides = array<i32>} : memref<256xf32, #tpu.memory_space<vmem>>, vector<16xf32>,
    %swap3A_68 = vector.shape_cast %swap3A_67 : vector<16xf32> to vector<16xf32>
    %swap3A_69 = vector.shape_cast %broadcast_in_dim3A_65 : vector<16xf32> to vector<16xf32>
    tpu.vector_store %arg4[%swap3A_66], %swap3A_69 {strides = array<i32>} : memref<256xf32, #tpu.memory_space<vmem>>, vector<16xf32>,
    %broadcast_in_dim3A_70 = arith.constant 0.000000e+00 : f32
    %broadcast_in_dim3A_71 = vector.broadcast %broadcast_in_dim3A_70 : f32 to vector<16xf32>
    %swap3A_72 = arith.constant 192 : index
    %swap3A_73 = tpu.vector_load %arg4[%swap3A_72] {strides = array<i32>} : memref<256xf32, #tpu.memory_space<vmem>>, vector<16xf32>,
    %swap3A_74 = vector.shape_cast %swap3A_73 : vector<16xf32> to vector<16xf32>
    %swap3A_75 = vector.shape_cast %broadcast_in_dim3A_71 : vector<16xf32> to vector<16xf32>
    tpu.vector_store %arg4[%swap3A_72], %swap3A_75 {strides = array<i32>} : memref<256xf32, #tpu.memory_space<vmem>>, vector<16xf32>,
    %broadcast_in_dim3A_76 = arith.constant 0.000000e+00 : f32
    %broadcast_in_dim3A_77 = vector.broadcast %broadcast_in_dim3A_76 : f32 to vector<16xf32>
    %swap3A_78 = arith.constant 208 : index
    %swap3A_79 = tpu.vector_load %arg4[%swap3A_78] {strides = array<i32>} : memref<256xf32, #tpu.memory_space<vmem>>, vector<16xf32>,
    %swap3A_80 = vector.shape_cast %swap3A_79 : vector<16xf32> to vector<16xf32>
    %swap3A_81 = vector.shape_cast %broadcast_in_dim3A_77 : vector<16xf32> to vector<16xf32>
    tpu.vector_store %arg4[%swap3A_78], %swap3A_81 {strides = array<i32>} : memref<256xf32, #tpu.memory_space<vmem>>, vector<16xf32>,
    %broadcast_in_dim3A_82 = arith.constant 0.000000e+00 : f32
    %broadcast_in_dim3A_83 = vector.broadcast %broadcast_in_dim3A_82 : f32 to vector<16xf32>
    %swap3A_84 = arith.constant 224 : index
    %swap3A_85 = tpu.vector_load %arg4[%swap3A_84] {strides = array<i32>} : memref<256xf32, #tpu.memory_space<vmem>>, vector<16xf32>,
    %swap3A_86 = vector.shape_cast %swap3A_85 : vector<16xf32> to vector<16xf32>
    %swap3A_87 = vector.shape_cast %broadcast_in_dim3A_83 : vector<16xf32> to vector<16xf32>
    tpu.vector_store %arg4[%swap3A_84], %swap3A_87 {strides = array<i32>} : memref<256xf32, #tpu.memory_space<vmem>>, vector<16xf32>,
    %broadcast_in_dim3A_88 = arith.constant 0.000000e+00 : f32
    %broadcast_in_dim3A_89 = vector.broadcast %broadcast_in_dim3A_88 : f32 to vector<16xf32>
    %swap3A_90 = arith.constant 240 : index
    %swap3A_91 = tpu.vector_load %arg4[%swap3A_90] {strides = array<i32>} : memref<256xf32, #tpu.memory_space<vmem>>, vector<16xf32>,
    %swap3A_92 = vector.shape_cast %swap3A_91 : vector<16xf32> to vector<16xf32>
    %swap3A_93 = vector.shape_cast %broadcast_in_dim3A_89 : vector<16xf32> to vector<16xf32>
    tpu.vector_store %arg4[%swap3A_90], %swap3A_93 {strides = array<i32>} : memref<256xf32, #tpu.memory_space<vmem>>, vector<16xf32>,
    %mul3A = arith.constant 256 : i32
    %mul3A_94 = arith.muli %arg1, %mul3A : i32
    "tpu.region"() ({
      %run_scoped3A_875 = tpu.sem_alloc : memref<!tpu.dma_semaphore, #tpu.memory_space<semaphore_mem>>
      %dma_start3A = tpu.memref_slice %arg9[%mul3A_94] : memref<4096xf32, #tpu.memory_space<vmem_shared>> -> memref<256xf32, #tpu.memory_space<vmem_shared>>
      %dma_start3A_876 = tpu.memref_slice %arg9[%mul3A_94] : memref<4096xf32, #tpu.memory_space<vmem_shared>> -> memref<256xf32, #tpu.memory_space<vmem_shared>>
      tpu.enqueue_dma source(%arg4 : memref<256xf32, #tpu.memory_space<vmem>>) target(%dma_start3A_876 : memref<256xf32, #tpu.memory_space<vmem_shared>>) target_semaphore(%run_scoped3A_875 : memref<!tpu.dma_semaphore, #tpu.memory_space<semaphore_mem>>)
      %dma_wait3A = tpu.memref_slice %arg9[%mul3A_94] : memref<4096xf32, #tpu.memory_space<vmem_shared>> -> memref<256xf32, #tpu.memory_space<vmem_shared>>
      %dma_wait3A_877 = tpu.memref_slice %arg9[%mul3A_94] : memref<4096xf32, #tpu.memory_space<vmem_shared>> -> memref<256xf32, #tpu.memory_space<vmem_shared>>
      tpu.wait_dma2 semaphore(%run_scoped3A_875 : memref<!tpu.dma_semaphore, #tpu.memory_space<semaphore_mem>>) src(%arg4 : memref<256xf32, #tpu.memory_space<vmem>>) dst(%dma_wait3A_877 : memref<256xf32, #tpu.memory_space<vmem_shared>>)
      tpu.yield
    }) : () -> ()
    %mul3A_95 = arith.constant 512 : i32
    %mul3A_96 = arith.muli %arg1, %mul3A_95 : i32
    %run_scoped3A = arith.constant 0 : i32
    "tpu.region"() ({
      %run_scoped3A_875 = tpu.sem_alloc : memref<!tpu.dma_semaphore, #tpu.memory_space<semaphore_mem>>
      %dma_start3A = tpu.memref_slice %arg2[%run_scoped3A, %mul3A_96] : memref<2x8192xi32, #tpu.memory_space<hbm>> -> memref<1x512xi32, #tpu.memory_space<hbm>>
      %dma_start3A_876 = tpu.memref_squeeze %dma_start3A : memref<1x512xi32, #tpu.memory_space<hbm>> -> memref<512xi32, #tpu.memory_space<hbm>>
      %dma_start3A_877 = tpu.memref_slice %arg2[%run_scoped3A, %mul3A_96] : memref<2x8192xi32, #tpu.memory_space<hbm>> -> memref<1x512xi32, #tpu.memory_space<hbm>>
      %dma_start3A_878 = tpu.memref_squeeze %dma_start3A_877 : memref<1x512xi32, #tpu.memory_space<hbm>> -> memref<512xi32, #tpu.memory_space<hbm>>
      tpu.enqueue_dma source(%dma_start3A_878 : memref<512xi32, #tpu.memory_space<hbm>>) target(%arg5 : memref<512xi32, #tpu.memory_space<vmem>>) target_semaphore(%run_scoped3A_875 : memref<!tpu.dma_semaphore, #tpu.memory_space<semaphore_mem>>)
      %dma_wait3A = tpu.memref_slice %arg2[%run_scoped3A, %mul3A_96] : memref<2x8192xi32, #tpu.memory_space<hbm>> -> memref<1x512xi32, #tpu.memory_space<hbm>>
      %dma_wait3A_879 = tpu.memref_squeeze %dma_wait3A : memref<1x512xi32, #tpu.memory_space<hbm>> -> memref<512xi32, #tpu.memory_space<hbm>>
      %dma_wait3A_880 = tpu.memref_slice %arg2[%run_scoped3A, %mul3A_96] : memref<2x8192xi32, #tpu.memory_space<hbm>> -> memref<1x512xi32, #tpu.memory_space<hbm>>
      %dma_wait3A_881 = tpu.memref_squeeze %dma_wait3A_880 : memref<1x512xi32, #tpu.memory_space<hbm>> -> memref<512xi32, #tpu.memory_space<hbm>>
      tpu.wait_dma2 semaphore(%run_scoped3A_875 : memref<!tpu.dma_semaphore, #tpu.memory_space<semaphore_mem>>) src(%dma_wait3A_881 : memref<512xi32, #tpu.memory_space<hbm>>) dst(%arg5 : memref<512xi32, #tpu.memory_space<vmem>>)
      tpu.yield
    }) : () -> ()
    %run_scoped3A_97 = arith.constant 1 : i32
    "tpu.region"() ({
      %run_scoped3A_875 = tpu.sem_alloc : memref<!tpu.dma_semaphore, #tpu.memory_space<semaphore_mem>>
      %dma_start3A = tpu.memref_slice %arg2[%run_scoped3A_97, %mul3A_96] : memref<2x8192xi32, #tpu.memory_space<hbm>> -> memref<1x512xi32, #tpu.memory_space<hbm>>
      %dma_start3A_876 = tpu.memref_squeeze %dma_start3A : memref<1x512xi32, #tpu.memory_space<hbm>> -> memref<512xi32, #tpu.memory_space<hbm>>
      %dma_start3A_877 = tpu.memref_slice %arg2[%run_scoped3A_97, %mul3A_96] : memref<2x8192xi32, #tpu.memory_space<hbm>> -> memref<1x512xi32, #tpu.memory_space<hbm>>
      %dma_start3A_878 = tpu.memref_squeeze %dma_start3A_877 : memref<1x512xi32, #tpu.memory_space<hbm>> -> memref<512xi32, #tpu.memory_space<hbm>>
      tpu.enqueue_dma source(%dma_start3A_878 : memref<512xi32, #tpu.memory_space<hbm>>) target(%arg6 : memref<512xi32, #tpu.memory_space<vmem>>) target_semaphore(%run_scoped3A_875 : memref<!tpu.dma_semaphore, #tpu.memory_space<semaphore_mem>>)
      %dma_wait3A = tpu.memref_slice %arg2[%run_scoped3A_97, %mul3A_96] : memref<2x8192xi32, #tpu.memory_space<hbm>> -> memref<1x512xi32, #tpu.memory_space<hbm>>
      %dma_wait3A_879 = tpu.memref_squeeze %dma_wait3A : memref<1x512xi32, #tpu.memory_space<hbm>> -> memref<512xi32, #tpu.memory_space<hbm>>
      %dma_wait3A_880 = tpu.memref_slice %arg2[%run_scoped3A_97, %mul3A_96] : memref<2x8192xi32, #tpu.memory_space<hbm>> -> memref<1x512xi32, #tpu.memory_space<hbm>>
      %dma_wait3A_881 = tpu.memref_squeeze %dma_wait3A_880 : memref<1x512xi32, #tpu.memory_space<hbm>> -> memref<512xi32, #tpu.memory_space<hbm>>
      tpu.wait_dma2 semaphore(%run_scoped3A_875 : memref<!tpu.dma_semaphore, #tpu.memory_space<semaphore_mem>>) src(%dma_wait3A_881 : memref<512xi32, #tpu.memory_space<hbm>>) dst(%arg6 : memref<512xi32, #tpu.memory_space<vmem>>)
      tpu.yield
    }) : () -> ()
    %get3A = arith.constant 0 : index
    %get3A_98 = tpu.vector_load %arg5[%get3A] {strides = array<i32>} : memref<512xi32, #tpu.memory_space<vmem>>, vector<16xi32>,
    %get3A_99 = vector.shape_cast %get3A_98 : vector<16xi32> to vector<16xi32>
    %get3A_100 = arith.constant 0 : index
    %get3A_101 = tpu.vector_load %arg6[%get3A_100] {strides = array<i32>} : memref<512xi32, #tpu.memory_space<vmem>>, vector<16xi32>,
    %get3A_102 = vector.shape_cast %get3A_101 : vector<16xi32> to vector<16xi32>
    %mul3A_103 = arith.constant 64 : i32
    %mul3A_104 = vector.broadcast %mul3A_103 : i32 to vector<16xi32>
    %mul3A_105 = arith.muli %get3A_99, %mul3A_104 : vector<16xi32>
    %add3A = arith.addi %mul3A_105, %get3A_102 : vector<16xi32>
    %swap3A_106 = arith.constant 0 : i32
    %swap3A_107 = arith.index_cast %swap3A_106 : i32 to index
    %swap3A_108 = arith.constant 0 : index
    %swap3A_109 = tpu.vector_load %arg7[%swap3A_107, %swap3A_108] {strides = array<i32>} : memref<4x128xi32, #tpu.memory_space<vmem>>, vector<1x16xi32>,
    %swap3A_110 = vector.shape_cast %swap3A_109 : vector<1x16xi32> to vector<16xi32>
    %swap3A_111 = vector.shape_cast %add3A : vector<16xi32> to vector<1x16xi32>
    tpu.vector_store %arg7[%swap3A_107, %swap3A_108], %swap3A_111 {strides = array<i32>} : memref<4x128xi32, #tpu.memory_space<vmem>>, vector<1x16xi32>,
    %broadcast_in_dim3A_112 = arith.constant 1.000000e+00 : f32
    %broadcast_in_dim3A_113 = vector.broadcast %broadcast_in_dim3A_112 : f32 to vector<16xf32>
    %swap3A_114 = arith.constant 0 : i32
    %swap3A_115 = arith.index_cast %swap3A_114 : i32 to index
    %swap3A_116 = arith.constant 0 : index
    %swap3A_117 = tpu.vector_load %arg8[%swap3A_115, %swap3A_116] {strides = array<i32>} : memref<4x128xf32, #tpu.memory_space<vmem>>, vector<1x16xf32>,
    %swap3A_118 = vector.shape_cast %swap3A_117 : vector<1x16xf32> to vector<16xf32>
    %swap3A_119 = vector.shape_cast %broadcast_in_dim3A_113 : vector<16xf32> to vector<1x16xf32>
    tpu.vector_store %arg8[%swap3A_115, %swap3A_116], %swap3A_119 {strides = array<i32>} : memref<4x128xf32, #tpu.memory_space<vmem>>, vector<1x16xf32>,
    %get3A_120 = arith.constant 16 : index
    %get3A_121 = tpu.vector_load %arg5[%get3A_120] {strides = array<i32>} : memref<512xi32, #tpu.memory_space<vmem>>, vector<16xi32>,
    %get3A_122 = vector.shape_cast %get3A_121 : vector<16xi32> to vector<16xi32>
    %get3A_123 = arith.constant 16 : index
    %get3A_124 = tpu.vector_load %arg6[%get3A_123] {strides = array<i32>} : memref<512xi32, #tpu.memory_space<vmem>>, vector<16xi32>,
    %get3A_125 = vector.shape_cast %get3A_124 : vector<16xi32> to vector<16xi32>
    %mul3A_126 = arith.constant 64 : i32
    %mul3A_127 = vector.broadcast %mul3A_126 : i32 to vector<16xi32>
    %mul3A_128 = arith.muli %get3A_122, %mul3A_127 : vector<16xi32>
    %add3A_129 = arith.addi %mul3A_128, %get3A_125 : vector<16xi32>
    %swap3A_130 = arith.constant 0 : i32
    %swap3A_131 = arith.index_cast %swap3A_130 : i32 to index
    %swap3A_132 = arith.constant 16 : index
    %swap3A_133 = tpu.vector_load %arg7[%swap3A_131, %swap3A_132] {strides = array<i32>} : memref<4x128xi32, #tpu.memory_space<vmem>>, vector<1x16xi32>,
    %swap3A_134 = vector.shape_cast %swap3A_133 : vector<1x16xi32> to vector<16xi32>
    %swap3A_135 = vector.shape_cast %add3A_129 : vector<16xi32> to vector<1x16xi32>
    tpu.vector_store %arg7[%swap3A_131, %swap3A_132], %swap3A_135 {strides = array<i32>} : memref<4x128xi32, #tpu.memory_space<vmem>>, vector<1x16xi32>,
    %broadcast_in_dim3A_136 = arith.constant 1.000000e+00 : f32
    %broadcast_in_dim3A_137 = vector.broadcast %broadcast_in_dim3A_136 : f32 to vector<16xf32>
    %swap3A_138 = arith.constant 0 : i32
    %swap3A_139 = arith.index_cast %swap3A_138 : i32 to index
    %swap3A_140 = arith.constant 16 : index
    %swap3A_141 = tpu.vector_load %arg8[%swap3A_139, %swap3A_140] {strides = array<i32>} : memref<4x128xf32, #tpu.memory_space<vmem>>, vector<1x16xf32>,
    %swap3A_142 = vector.shape_cast %swap3A_141 : vector<1x16xf32> to vector<16xf32>
    %swap3A_143 = vector.shape_cast %broadcast_in_dim3A_137 : vector<16xf32> to vector<1x16xf32>
    tpu.vector_store %arg8[%swap3A_139, %swap3A_140], %swap3A_143 {strides = array<i32>} : memref<4x128xf32, #tpu.memory_space<vmem>>, vector<1x16xf32>,
    %get3A_144 = arith.constant 32 : index
    %get3A_145 = tpu.vector_load %arg5[%get3A_144] {strides = array<i32>} : memref<512xi32, #tpu.memory_space<vmem>>, vector<16xi32>,
    %get3A_146 = vector.shape_cast %get3A_145 : vector<16xi32> to vector<16xi32>
    %get3A_147 = arith.constant 32 : index
    %get3A_148 = tpu.vector_load %arg6[%get3A_147] {strides = array<i32>} : memref<512xi32, #tpu.memory_space<vmem>>, vector<16xi32>,
    %get3A_149 = vector.shape_cast %get3A_148 : vector<16xi32> to vector<16xi32>
    %mul3A_150 = arith.constant 64 : i32
    %mul3A_151 = vector.broadcast %mul3A_150 : i32 to vector<16xi32>
    %mul3A_152 = arith.muli %get3A_146, %mul3A_151 : vector<16xi32>
    %add3A_153 = arith.addi %mul3A_152, %get3A_149 : vector<16xi32>
    %swap3A_154 = arith.constant 0 : i32
    %swap3A_155 = arith.index_cast %swap3A_154 : i32 to index
    %swap3A_156 = arith.constant 32 : index
    %swap3A_157 = tpu.vector_load %arg7[%swap3A_155, %swap3A_156] {strides = array<i32>} : memref<4x128xi32, #tpu.memory_space<vmem>>, vector<1x16xi32>,
    %swap3A_158 = vector.shape_cast %swap3A_157 : vector<1x16xi32> to vector<16xi32>
    %swap3A_159 = vector.shape_cast %add3A_153 : vector<16xi32> to vector<1x16xi32>
    tpu.vector_store %arg7[%swap3A_155, %swap3A_156], %swap3A_159 {strides = array<i32>} : memref<4x128xi32, #tpu.memory_space<vmem>>, vector<1x16xi32>,
    %broadcast_in_dim3A_160 = arith.constant 1.000000e+00 : f32
    %broadcast_in_dim3A_161 = vector.broadcast %broadcast_in_dim3A_160 : f32 to vector<16xf32>
    %swap3A_162 = arith.constant 0 : i32
    %swap3A_163 = arith.index_cast %swap3A_162 : i32 to index
    %swap3A_164 = arith.constant 32 : index
    %swap3A_165 = tpu.vector_load %arg8[%swap3A_163, %swap3A_164] {strides = array<i32>} : memref<4x128xf32, #tpu.memory_space<vmem>>, vector<1x16xf32>,
    %swap3A_166 = vector.shape_cast %swap3A_165 : vector<1x16xf32> to vector<16xf32>
    %swap3A_167 = vector.shape_cast %broadcast_in_dim3A_161 : vector<16xf32> to vector<1x16xf32>
    tpu.vector_store %arg8[%swap3A_163, %swap3A_164], %swap3A_167 {strides = array<i32>} : memref<4x128xf32, #tpu.memory_space<vmem>>, vector<1x16xf32>,
    %get3A_168 = arith.constant 48 : index
    %get3A_169 = tpu.vector_load %arg5[%get3A_168] {strides = array<i32>} : memref<512xi32, #tpu.memory_space<vmem>>, vector<16xi32>,
    %get3A_170 = vector.shape_cast %get3A_169 : vector<16xi32> to vector<16xi32>
    %get3A_171 = arith.constant 48 : index
    %get3A_172 = tpu.vector_load %arg6[%get3A_171] {strides = array<i32>} : memref<512xi32, #tpu.memory_space<vmem>>, vector<16xi32>,
    %get3A_173 = vector.shape_cast %get3A_172 : vector<16xi32> to vector<16xi32>
    %mul3A_174 = arith.constant 64 : i32
    %mul3A_175 = vector.broadcast %mul3A_174 : i32 to vector<16xi32>
    %mul3A_176 = arith.muli %get3A_170, %mul3A_175 : vector<16xi32>
    %add3A_177 = arith.addi %mul3A_176, %get3A_173 : vector<16xi32>
    %swap3A_178 = arith.constant 0 : i32
    %swap3A_179 = arith.index_cast %swap3A_178 : i32 to index
    %swap3A_180 = arith.constant 48 : index
    %swap3A_181 = tpu.vector_load %arg7[%swap3A_179, %swap3A_180] {strides = array<i32>} : memref<4x128xi32, #tpu.memory_space<vmem>>, vector<1x16xi32>,
    %swap3A_182 = vector.shape_cast %swap3A_181 : vector<1x16xi32> to vector<16xi32>
    %swap3A_183 = vector.shape_cast %add3A_177 : vector<16xi32> to vector<1x16xi32>
    tpu.vector_store %arg7[%swap3A_179, %swap3A_180], %swap3A_183 {strides = array<i32>} : memref<4x128xi32, #tpu.memory_space<vmem>>, vector<1x16xi32>,
    %broadcast_in_dim3A_184 = arith.constant 1.000000e+00 : f32
    %broadcast_in_dim3A_185 = vector.broadcast %broadcast_in_dim3A_184 : f32 to vector<16xf32>
    %swap3A_186 = arith.constant 0 : i32
    %swap3A_187 = arith.index_cast %swap3A_186 : i32 to index
    %swap3A_188 = arith.constant 48 : index
    %swap3A_189 = tpu.vector_load %arg8[%swap3A_187, %swap3A_188] {strides = array<i32>} : memref<4x128xf32, #tpu.memory_space<vmem>>, vector<1x16xf32>,
    %swap3A_190 = vector.shape_cast %swap3A_189 : vector<1x16xf32> to vector<16xf32>
    %swap3A_191 = vector.shape_cast %broadcast_in_dim3A_185 : vector<16xf32> to vector<1x16xf32>
    tpu.vector_store %arg8[%swap3A_187, %swap3A_188], %swap3A_191 {strides = array<i32>} : memref<4x128xf32, #tpu.memory_space<vmem>>, vector<1x16xf32>,
    %get3A_192 = arith.constant 64 : index
    %get3A_193 = tpu.vector_load %arg5[%get3A_192] {strides = array<i32>} : memref<512xi32, #tpu.memory_space<vmem>>, vector<16xi32>,
    %get3A_194 = vector.shape_cast %get3A_193 : vector<16xi32> to vector<16xi32>
    %get3A_195 = arith.constant 64 : index
    %get3A_196 = tpu.vector_load %arg6[%get3A_195] {strides = array<i32>} : memref<512xi32, #tpu.memory_space<vmem>>, vector<16xi32>,
    %get3A_197 = vector.shape_cast %get3A_196 : vector<16xi32> to vector<16xi32>
    %mul3A_198 = arith.constant 64 : i32
    %mul3A_199 = vector.broadcast %mul3A_198 : i32 to vector<16xi32>
    %mul3A_200 = arith.muli %get3A_194, %mul3A_199 : vector<16xi32>
    %add3A_201 = arith.addi %mul3A_200, %get3A_197 : vector<16xi32>
    %swap3A_202 = arith.constant 0 : i32
    %swap3A_203 = arith.index_cast %swap3A_202 : i32 to index
    %swap3A_204 = arith.constant 64 : index
    %swap3A_205 = tpu.vector_load %arg7[%swap3A_203, %swap3A_204] {strides = array<i32>} : memref<4x128xi32, #tpu.memory_space<vmem>>, vector<1x16xi32>,
    %swap3A_206 = vector.shape_cast %swap3A_205 : vector<1x16xi32> to vector<16xi32>
    %swap3A_207 = vector.shape_cast %add3A_201 : vector<16xi32> to vector<1x16xi32>
    tpu.vector_store %arg7[%swap3A_203, %swap3A_204], %swap3A_207 {strides = array<i32>} : memref<4x128xi32, #tpu.memory_space<vmem>>, vector<1x16xi32>,
    %broadcast_in_dim3A_208 = arith.constant 1.000000e+00 : f32
    %broadcast_in_dim3A_209 = vector.broadcast %broadcast_in_dim3A_208 : f32 to vector<16xf32>
    %swap3A_210 = arith.constant 0 : i32
    %swap3A_211 = arith.index_cast %swap3A_210 : i32 to index
    %swap3A_212 = arith.constant 64 : index
    %swap3A_213 = tpu.vector_load %arg8[%swap3A_211, %swap3A_212] {strides = array<i32>} : memref<4x128xf32, #tpu.memory_space<vmem>>, vector<1x16xf32>,
    %swap3A_214 = vector.shape_cast %swap3A_213 : vector<1x16xf32> to vector<16xf32>
    %swap3A_215 = vector.shape_cast %broadcast_in_dim3A_209 : vector<16xf32> to vector<1x16xf32>
    tpu.vector_store %arg8[%swap3A_211, %swap3A_212], %swap3A_215 {strides = array<i32>} : memref<4x128xf32, #tpu.memory_space<vmem>>, vector<1x16xf32>,
    %get3A_216 = arith.constant 80 : index
    %get3A_217 = tpu.vector_load %arg5[%get3A_216] {strides = array<i32>} : memref<512xi32, #tpu.memory_space<vmem>>, vector<16xi32>,
    %get3A_218 = vector.shape_cast %get3A_217 : vector<16xi32> to vector<16xi32>
    %get3A_219 = arith.constant 80 : index
    %get3A_220 = tpu.vector_load %arg6[%get3A_219] {strides = array<i32>} : memref<512xi32, #tpu.memory_space<vmem>>, vector<16xi32>,
    %get3A_221 = vector.shape_cast %get3A_220 : vector<16xi32> to vector<16xi32>
    %mul3A_222 = arith.constant 64 : i32
    %mul3A_223 = vector.broadcast %mul3A_222 : i32 to vector<16xi32>
    %mul3A_224 = arith.muli %get3A_218, %mul3A_223 : vector<16xi32>
    %add3A_225 = arith.addi %mul3A_224, %get3A_221 : vector<16xi32>
    %swap3A_226 = arith.constant 0 : i32
    %swap3A_227 = arith.index_cast %swap3A_226 : i32 to index
    %swap3A_228 = arith.constant 80 : index
    %swap3A_229 = tpu.vector_load %arg7[%swap3A_227, %swap3A_228] {strides = array<i32>} : memref<4x128xi32, #tpu.memory_space<vmem>>, vector<1x16xi32>,
    %swap3A_230 = vector.shape_cast %swap3A_229 : vector<1x16xi32> to vector<16xi32>
    %swap3A_231 = vector.shape_cast %add3A_225 : vector<16xi32> to vector<1x16xi32>
    tpu.vector_store %arg7[%swap3A_227, %swap3A_228], %swap3A_231 {strides = array<i32>} : memref<4x128xi32, #tpu.memory_space<vmem>>, vector<1x16xi32>,
    %broadcast_in_dim3A_232 = arith.constant 1.000000e+00 : f32
    %broadcast_in_dim3A_233 = vector.broadcast %broadcast_in_dim3A_232 : f32 to vector<16xf32>
    %swap3A_234 = arith.constant 0 : i32
    %swap3A_235 = arith.index_cast %swap3A_234 : i32 to index
    %swap3A_236 = arith.constant 80 : index
    %swap3A_237 = tpu.vector_load %arg8[%swap3A_235, %swap3A_236] {strides = array<i32>} : memref<4x128xf32, #tpu.memory_space<vmem>>, vector<1x16xf32>,
    %swap3A_238 = vector.shape_cast %swap3A_237 : vector<1x16xf32> to vector<16xf32>
    %swap3A_239 = vector.shape_cast %broadcast_in_dim3A_233 : vector<16xf32> to vector<1x16xf32>
    tpu.vector_store %arg8[%swap3A_235, %swap3A_236], %swap3A_239 {strides = array<i32>} : memref<4x128xf32, #tpu.memory_space<vmem>>, vector<1x16xf32>,
    %get3A_240 = arith.constant 96 : index
    %get3A_241 = tpu.vector_load %arg5[%get3A_240] {strides = array<i32>} : memref<512xi32, #tpu.memory_space<vmem>>, vector<16xi32>,
    %get3A_242 = vector.shape_cast %get3A_241 : vector<16xi32> to vector<16xi32>
    %get3A_243 = arith.constant 96 : index
    %get3A_244 = tpu.vector_load %arg6[%get3A_243] {strides = array<i32>} : memref<512xi32, #tpu.memory_space<vmem>>, vector<16xi32>,
    %get3A_245 = vector.shape_cast %get3A_244 : vector<16xi32> to vector<16xi32>
    %mul3A_246 = arith.constant 64 : i32
    %mul3A_247 = vector.broadcast %mul3A_246 : i32 to vector<16xi32>
    %mul3A_248 = arith.muli %get3A_242, %mul3A_247 : vector<16xi32>
    %add3A_249 = arith.addi %mul3A_248, %get3A_245 : vector<16xi32>
    %swap3A_250 = arith.constant 0 : i32
    %swap3A_251 = arith.index_cast %swap3A_250 : i32 to index
    %swap3A_252 = arith.constant 96 : index
    %swap3A_253 = tpu.vector_load %arg7[%swap3A_251, %swap3A_252] {strides = array<i32>} : memref<4x128xi32, #tpu.memory_space<vmem>>, vector<1x16xi32>,
    %swap3A_254 = vector.shape_cast %swap3A_253 : vector<1x16xi32> to vector<16xi32>
    %swap3A_255 = vector.shape_cast %add3A_249 : vector<16xi32> to vector<1x16xi32>
    tpu.vector_store %arg7[%swap3A_251, %swap3A_252], %swap3A_255 {strides = array<i32>} : memref<4x128xi32, #tpu.memory_space<vmem>>, vector<1x16xi32>,
    %broadcast_in_dim3A_256 = arith.constant 1.000000e+00 : f32
    %broadcast_in_dim3A_257 = vector.broadcast %broadcast_in_dim3A_256 : f32 to vector<16xf32>
    %swap3A_258 = arith.constant 0 : i32
    %swap3A_259 = arith.index_cast %swap3A_258 : i32 to index
    %swap3A_260 = arith.constant 96 : index
    %swap3A_261 = tpu.vector_load %arg8[%swap3A_259, %swap3A_260] {strides = array<i32>} : memref<4x128xf32, #tpu.memory_space<vmem>>, vector<1x16xf32>,
    %swap3A_262 = vector.shape_cast %swap3A_261 : vector<1x16xf32> to vector<16xf32>
    %swap3A_263 = vector.shape_cast %broadcast_in_dim3A_257 : vector<16xf32> to vector<1x16xf32>
    tpu.vector_store %arg8[%swap3A_259, %swap3A_260], %swap3A_263 {strides = array<i32>} : memref<4x128xf32, #tpu.memory_space<vmem>>, vector<1x16xf32>,
    %get3A_264 = arith.constant 112 : index
    %get3A_265 = tpu.vector_load %arg5[%get3A_264] {strides = array<i32>} : memref<512xi32, #tpu.memory_space<vmem>>, vector<16xi32>,
    %get3A_266 = vector.shape_cast %get3A_265 : vector<16xi32> to vector<16xi32>
    %get3A_267 = arith.constant 112 : index
    %get3A_268 = tpu.vector_load %arg6[%get3A_267] {strides = array<i32>} : memref<512xi32, #tpu.memory_space<vmem>>, vector<16xi32>,
    %get3A_269 = vector.shape_cast %get3A_268 : vector<16xi32> to vector<16xi32>
    %mul3A_270 = arith.constant 64 : i32
    %mul3A_271 = vector.broadcast %mul3A_270 : i32 to vector<16xi32>
    %mul3A_272 = arith.muli %get3A_266, %mul3A_271 : vector<16xi32>
    %add3A_273 = arith.addi %mul3A_272, %get3A_269 : vector<16xi32>
    %swap3A_274 = arith.constant 0 : i32
    %swap3A_275 = arith.index_cast %swap3A_274 : i32 to index
    %swap3A_276 = arith.constant 112 : index
    %swap3A_277 = tpu.vector_load %arg7[%swap3A_275, %swap3A_276] {strides = array<i32>} : memref<4x128xi32, #tpu.memory_space<vmem>>, vector<1x16xi32>,
    %swap3A_278 = vector.shape_cast %swap3A_277 : vector<1x16xi32> to vector<16xi32>
    %swap3A_279 = vector.shape_cast %add3A_273 : vector<16xi32> to vector<1x16xi32>
    tpu.vector_store %arg7[%swap3A_275, %swap3A_276], %swap3A_279 {strides = array<i32>} : memref<4x128xi32, #tpu.memory_space<vmem>>, vector<1x16xi32>,
    %broadcast_in_dim3A_280 = arith.constant 1.000000e+00 : f32
    %broadcast_in_dim3A_281 = vector.broadcast %broadcast_in_dim3A_280 : f32 to vector<16xf32>
    %swap3A_282 = arith.constant 0 : i32
    %swap3A_283 = arith.index_cast %swap3A_282 : i32 to index
    %swap3A_284 = arith.constant 112 : index
    %swap3A_285 = tpu.vector_load %arg8[%swap3A_283, %swap3A_284] {strides = array<i32>} : memref<4x128xf32, #tpu.memory_space<vmem>>, vector<1x16xf32>,
    %swap3A_286 = vector.shape_cast %swap3A_285 : vector<1x16xf32> to vector<16xf32>
    %swap3A_287 = vector.shape_cast %broadcast_in_dim3A_281 : vector<16xf32> to vector<1x16xf32>
    tpu.vector_store %arg8[%swap3A_283, %swap3A_284], %swap3A_287 {strides = array<i32>} : memref<4x128xf32, #tpu.memory_space<vmem>>, vector<1x16xf32>,
    %get3A_288 = arith.constant 128 : index
    %get3A_289 = tpu.vector_load %arg5[%get3A_288] {strides = array<i32>} : memref<512xi32, #tpu.memory_space<vmem>>, vector<16xi32>,
    %get3A_290 = vector.shape_cast %get3A_289 : vector<16xi32> to vector<16xi32>
    %get3A_291 = arith.constant 128 : index
    %get3A_292 = tpu.vector_load %arg6[%get3A_291] {strides = array<i32>} : memref<512xi32, #tpu.memory_space<vmem>>, vector<16xi32>,
    %get3A_293 = vector.shape_cast %get3A_292 : vector<16xi32> to vector<16xi32>
    %mul3A_294 = arith.constant 64 : i32
    %mul3A_295 = vector.broadcast %mul3A_294 : i32 to vector<16xi32>
    %mul3A_296 = arith.muli %get3A_290, %mul3A_295 : vector<16xi32>
    %add3A_297 = arith.addi %mul3A_296, %get3A_293 : vector<16xi32>
    %swap3A_298 = arith.constant 1 : i32
    %swap3A_299 = arith.index_cast %swap3A_298 : i32 to index
    %swap3A_300 = arith.constant 0 : index
    %swap3A_301 = tpu.vector_load %arg7[%swap3A_299, %swap3A_300] {strides = array<i32>} : memref<4x128xi32, #tpu.memory_space<vmem>>, vector<1x16xi32>,
    %swap3A_302 = vector.shape_cast %swap3A_301 : vector<1x16xi32> to vector<16xi32>
    %swap3A_303 = vector.shape_cast %add3A_297 : vector<16xi32> to vector<1x16xi32>
    tpu.vector_store %arg7[%swap3A_299, %swap3A_300], %swap3A_303 {strides = array<i32>} : memref<4x128xi32, #tpu.memory_space<vmem>>, vector<1x16xi32>,
    %broadcast_in_dim3A_304 = arith.constant 1.000000e+00 : f32
    %broadcast_in_dim3A_305 = vector.broadcast %broadcast_in_dim3A_304 : f32 to vector<16xf32>
    %swap3A_306 = arith.constant 1 : i32
    %swap3A_307 = arith.index_cast %swap3A_306 : i32 to index
    %swap3A_308 = arith.constant 0 : index
    %swap3A_309 = tpu.vector_load %arg8[%swap3A_307, %swap3A_308] {strides = array<i32>} : memref<4x128xf32, #tpu.memory_space<vmem>>, vector<1x16xf32>,
    %swap3A_310 = vector.shape_cast %swap3A_309 : vector<1x16xf32> to vector<16xf32>
    %swap3A_311 = vector.shape_cast %broadcast_in_dim3A_305 : vector<16xf32> to vector<1x16xf32>
    tpu.vector_store %arg8[%swap3A_307, %swap3A_308], %swap3A_311 {strides = array<i32>} : memref<4x128xf32, #tpu.memory_space<vmem>>, vector<1x16xf32>,
    %get3A_312 = arith.constant 144 : index
    %get3A_313 = tpu.vector_load %arg5[%get3A_312] {strides = array<i32>} : memref<512xi32, #tpu.memory_space<vmem>>, vector<16xi32>,
    %get3A_314 = vector.shape_cast %get3A_313 : vector<16xi32> to vector<16xi32>
    %get3A_315 = arith.constant 144 : index
    %get3A_316 = tpu.vector_load %arg6[%get3A_315] {strides = array<i32>} : memref<512xi32, #tpu.memory_space<vmem>>, vector<16xi32>,
    %get3A_317 = vector.shape_cast %get3A_316 : vector<16xi32> to vector<16xi32>
    %mul3A_318 = arith.constant 64 : i32
    %mul3A_319 = vector.broadcast %mul3A_318 : i32 to vector<16xi32>
    %mul3A_320 = arith.muli %get3A_314, %mul3A_319 : vector<16xi32>
    %add3A_321 = arith.addi %mul3A_320, %get3A_317 : vector<16xi32>
    %swap3A_322 = arith.constant 1 : i32
    %swap3A_323 = arith.index_cast %swap3A_322 : i32 to index
    %swap3A_324 = arith.constant 16 : index
    %swap3A_325 = tpu.vector_load %arg7[%swap3A_323, %swap3A_324] {strides = array<i32>} : memref<4x128xi32, #tpu.memory_space<vmem>>, vector<1x16xi32>,
    %swap3A_326 = vector.shape_cast %swap3A_325 : vector<1x16xi32> to vector<16xi32>
    %swap3A_327 = vector.shape_cast %add3A_321 : vector<16xi32> to vector<1x16xi32>
    tpu.vector_store %arg7[%swap3A_323, %swap3A_324], %swap3A_327 {strides = array<i32>} : memref<4x128xi32, #tpu.memory_space<vmem>>, vector<1x16xi32>,
    %broadcast_in_dim3A_328 = arith.constant 1.000000e+00 : f32
    %broadcast_in_dim3A_329 = vector.broadcast %broadcast_in_dim3A_328 : f32 to vector<16xf32>
    %swap3A_330 = arith.constant 1 : i32
    %swap3A_331 = arith.index_cast %swap3A_330 : i32 to index
    %swap3A_332 = arith.constant 16 : index
    %swap3A_333 = tpu.vector_load %arg8[%swap3A_331, %swap3A_332] {strides = array<i32>} : memref<4x128xf32, #tpu.memory_space<vmem>>, vector<1x16xf32>,
    %swap3A_334 = vector.shape_cast %swap3A_333 : vector<1x16xf32> to vector<16xf32>
    %swap3A_335 = vector.shape_cast %broadcast_in_dim3A_329 : vector<16xf32> to vector<1x16xf32>
    tpu.vector_store %arg8[%swap3A_331, %swap3A_332], %swap3A_335 {strides = array<i32>} : memref<4x128xf32, #tpu.memory_space<vmem>>, vector<1x16xf32>,
    %get3A_336 = arith.constant 160 : index
    %get3A_337 = tpu.vector_load %arg5[%get3A_336] {strides = array<i32>} : memref<512xi32, #tpu.memory_space<vmem>>, vector<16xi32>,
    %get3A_338 = vector.shape_cast %get3A_337 : vector<16xi32> to vector<16xi32>
    %get3A_339 = arith.constant 160 : index
    %get3A_340 = tpu.vector_load %arg6[%get3A_339] {strides = array<i32>} : memref<512xi32, #tpu.memory_space<vmem>>, vector<16xi32>,
    %get3A_341 = vector.shape_cast %get3A_340 : vector<16xi32> to vector<16xi32>
    %mul3A_342 = arith.constant 64 : i32
    %mul3A_343 = vector.broadcast %mul3A_342 : i32 to vector<16xi32>
    %mul3A_344 = arith.muli %get3A_338, %mul3A_343 : vector<16xi32>
    %add3A_345 = arith.addi %mul3A_344, %get3A_341 : vector<16xi32>
    %swap3A_346 = arith.constant 1 : i32
    %swap3A_347 = arith.index_cast %swap3A_346 : i32 to index
    %swap3A_348 = arith.constant 32 : index
    %swap3A_349 = tpu.vector_load %arg7[%swap3A_347, %swap3A_348] {strides = array<i32>} : memref<4x128xi32, #tpu.memory_space<vmem>>, vector<1x16xi32>,
    %swap3A_350 = vector.shape_cast %swap3A_349 : vector<1x16xi32> to vector<16xi32>
    %swap3A_351 = vector.shape_cast %add3A_345 : vector<16xi32> to vector<1x16xi32>
    tpu.vector_store %arg7[%swap3A_347, %swap3A_348], %swap3A_351 {strides = array<i32>} : memref<4x128xi32, #tpu.memory_space<vmem>>, vector<1x16xi32>,
    %broadcast_in_dim3A_352 = arith.constant 1.000000e+00 : f32
    %broadcast_in_dim3A_353 = vector.broadcast %broadcast_in_dim3A_352 : f32 to vector<16xf32>
    %swap3A_354 = arith.constant 1 : i32
    %swap3A_355 = arith.index_cast %swap3A_354 : i32 to index
    %swap3A_356 = arith.constant 32 : index
    %swap3A_357 = tpu.vector_load %arg8[%swap3A_355, %swap3A_356] {strides = array<i32>} : memref<4x128xf32, #tpu.memory_space<vmem>>, vector<1x16xf32>,
    %swap3A_358 = vector.shape_cast %swap3A_357 : vector<1x16xf32> to vector<16xf32>
    %swap3A_359 = vector.shape_cast %broadcast_in_dim3A_353 : vector<16xf32> to vector<1x16xf32>
    tpu.vector_store %arg8[%swap3A_355, %swap3A_356], %swap3A_359 {strides = array<i32>} : memref<4x128xf32, #tpu.memory_space<vmem>>, vector<1x16xf32>,
    %get3A_360 = arith.constant 176 : index
    %get3A_361 = tpu.vector_load %arg5[%get3A_360] {strides = array<i32>} : memref<512xi32, #tpu.memory_space<vmem>>, vector<16xi32>,
    %get3A_362 = vector.shape_cast %get3A_361 : vector<16xi32> to vector<16xi32>
    %get3A_363 = arith.constant 176 : index
    %get3A_364 = tpu.vector_load %arg6[%get3A_363] {strides = array<i32>} : memref<512xi32, #tpu.memory_space<vmem>>, vector<16xi32>,
    %get3A_365 = vector.shape_cast %get3A_364 : vector<16xi32> to vector<16xi32>
    %mul3A_366 = arith.constant 64 : i32
    %mul3A_367 = vector.broadcast %mul3A_366 : i32 to vector<16xi32>
    %mul3A_368 = arith.muli %get3A_362, %mul3A_367 : vector<16xi32>
    %add3A_369 = arith.addi %mul3A_368, %get3A_365 : vector<16xi32>
    %swap3A_370 = arith.constant 1 : i32
    %swap3A_371 = arith.index_cast %swap3A_370 : i32 to index
    %swap3A_372 = arith.constant 48 : index
    %swap3A_373 = tpu.vector_load %arg7[%swap3A_371, %swap3A_372] {strides = array<i32>} : memref<4x128xi32, #tpu.memory_space<vmem>>, vector<1x16xi32>,
    %swap3A_374 = vector.shape_cast %swap3A_373 : vector<1x16xi32> to vector<16xi32>
    %swap3A_375 = vector.shape_cast %add3A_369 : vector<16xi32> to vector<1x16xi32>
    tpu.vector_store %arg7[%swap3A_371, %swap3A_372], %swap3A_375 {strides = array<i32>} : memref<4x128xi32, #tpu.memory_space<vmem>>, vector<1x16xi32>,
    %broadcast_in_dim3A_376 = arith.constant 1.000000e+00 : f32
    %broadcast_in_dim3A_377 = vector.broadcast %broadcast_in_dim3A_376 : f32 to vector<16xf32>
    %swap3A_378 = arith.constant 1 : i32
    %swap3A_379 = arith.index_cast %swap3A_378 : i32 to index
    %swap3A_380 = arith.constant 48 : index
    %swap3A_381 = tpu.vector_load %arg8[%swap3A_379, %swap3A_380] {strides = array<i32>} : memref<4x128xf32, #tpu.memory_space<vmem>>, vector<1x16xf32>,
    %swap3A_382 = vector.shape_cast %swap3A_381 : vector<1x16xf32> to vector<16xf32>
    %swap3A_383 = vector.shape_cast %broadcast_in_dim3A_377 : vector<16xf32> to vector<1x16xf32>
    tpu.vector_store %arg8[%swap3A_379, %swap3A_380], %swap3A_383 {strides = array<i32>} : memref<4x128xf32, #tpu.memory_space<vmem>>, vector<1x16xf32>,
    %get3A_384 = arith.constant 192 : index
    %get3A_385 = tpu.vector_load %arg5[%get3A_384] {strides = array<i32>} : memref<512xi32, #tpu.memory_space<vmem>>, vector<16xi32>,
    %get3A_386 = vector.shape_cast %get3A_385 : vector<16xi32> to vector<16xi32>
    %get3A_387 = arith.constant 192 : index
    %get3A_388 = tpu.vector_load %arg6[%get3A_387] {strides = array<i32>} : memref<512xi32, #tpu.memory_space<vmem>>, vector<16xi32>,
    %get3A_389 = vector.shape_cast %get3A_388 : vector<16xi32> to vector<16xi32>
    %mul3A_390 = arith.constant 64 : i32
    %mul3A_391 = vector.broadcast %mul3A_390 : i32 to vector<16xi32>
    %mul3A_392 = arith.muli %get3A_386, %mul3A_391 : vector<16xi32>
    %add3A_393 = arith.addi %mul3A_392, %get3A_389 : vector<16xi32>
    %swap3A_394 = arith.constant 1 : i32
    %swap3A_395 = arith.index_cast %swap3A_394 : i32 to index
    %swap3A_396 = arith.constant 64 : index
    %swap3A_397 = tpu.vector_load %arg7[%swap3A_395, %swap3A_396] {strides = array<i32>} : memref<4x128xi32, #tpu.memory_space<vmem>>, vector<1x16xi32>,
    %swap3A_398 = vector.shape_cast %swap3A_397 : vector<1x16xi32> to vector<16xi32>
    %swap3A_399 = vector.shape_cast %add3A_393 : vector<16xi32> to vector<1x16xi32>
    tpu.vector_store %arg7[%swap3A_395, %swap3A_396], %swap3A_399 {strides = array<i32>} : memref<4x128xi32, #tpu.memory_space<vmem>>, vector<1x16xi32>,
    %broadcast_in_dim3A_400 = arith.constant 1.000000e+00 : f32
    %broadcast_in_dim3A_401 = vector.broadcast %broadcast_in_dim3A_400 : f32 to vector<16xf32>
    %swap3A_402 = arith.constant 1 : i32
    %swap3A_403 = arith.index_cast %swap3A_402 : i32 to index
    %swap3A_404 = arith.constant 64 : index
    %swap3A_405 = tpu.vector_load %arg8[%swap3A_403, %swap3A_404] {strides = array<i32>} : memref<4x128xf32, #tpu.memory_space<vmem>>, vector<1x16xf32>,
    %swap3A_406 = vector.shape_cast %swap3A_405 : vector<1x16xf32> to vector<16xf32>
    %swap3A_407 = vector.shape_cast %broadcast_in_dim3A_401 : vector<16xf32> to vector<1x16xf32>
    tpu.vector_store %arg8[%swap3A_403, %swap3A_404], %swap3A_407 {strides = array<i32>} : memref<4x128xf32, #tpu.memory_space<vmem>>, vector<1x16xf32>,
    %get3A_408 = arith.constant 208 : index
    %get3A_409 = tpu.vector_load %arg5[%get3A_408] {strides = array<i32>} : memref<512xi32, #tpu.memory_space<vmem>>, vector<16xi32>,
    %get3A_410 = vector.shape_cast %get3A_409 : vector<16xi32> to vector<16xi32>
    %get3A_411 = arith.constant 208 : index
    %get3A_412 = tpu.vector_load %arg6[%get3A_411] {strides = array<i32>} : memref<512xi32, #tpu.memory_space<vmem>>, vector<16xi32>,
    %get3A_413 = vector.shape_cast %get3A_412 : vector<16xi32> to vector<16xi32>
    %mul3A_414 = arith.constant 64 : i32
    %mul3A_415 = vector.broadcast %mul3A_414 : i32 to vector<16xi32>
    %mul3A_416 = arith.muli %get3A_410, %mul3A_415 : vector<16xi32>
    %add3A_417 = arith.addi %mul3A_416, %get3A_413 : vector<16xi32>
    %swap3A_418 = arith.constant 1 : i32
    %swap3A_419 = arith.index_cast %swap3A_418 : i32 to index
    %swap3A_420 = arith.constant 80 : index
    %swap3A_421 = tpu.vector_load %arg7[%swap3A_419, %swap3A_420] {strides = array<i32>} : memref<4x128xi32, #tpu.memory_space<vmem>>, vector<1x16xi32>,
    %swap3A_422 = vector.shape_cast %swap3A_421 : vector<1x16xi32> to vector<16xi32>
    %swap3A_423 = vector.shape_cast %add3A_417 : vector<16xi32> to vector<1x16xi32>
    tpu.vector_store %arg7[%swap3A_419, %swap3A_420], %swap3A_423 {strides = array<i32>} : memref<4x128xi32, #tpu.memory_space<vmem>>, vector<1x16xi32>,
    %broadcast_in_dim3A_424 = arith.constant 1.000000e+00 : f32
    %broadcast_in_dim3A_425 = vector.broadcast %broadcast_in_dim3A_424 : f32 to vector<16xf32>
    %swap3A_426 = arith.constant 1 : i32
    %swap3A_427 = arith.index_cast %swap3A_426 : i32 to index
    %swap3A_428 = arith.constant 80 : index
    %swap3A_429 = tpu.vector_load %arg8[%swap3A_427, %swap3A_428] {strides = array<i32>} : memref<4x128xf32, #tpu.memory_space<vmem>>, vector<1x16xf32>,
    %swap3A_430 = vector.shape_cast %swap3A_429 : vector<1x16xf32> to vector<16xf32>
    %swap3A_431 = vector.shape_cast %broadcast_in_dim3A_425 : vector<16xf32> to vector<1x16xf32>
    tpu.vector_store %arg8[%swap3A_427, %swap3A_428], %swap3A_431 {strides = array<i32>} : memref<4x128xf32, #tpu.memory_space<vmem>>, vector<1x16xf32>,
    %get3A_432 = arith.constant 224 : index
    %get3A_433 = tpu.vector_load %arg5[%get3A_432] {strides = array<i32>} : memref<512xi32, #tpu.memory_space<vmem>>, vector<16xi32>,
    %get3A_434 = vector.shape_cast %get3A_433 : vector<16xi32> to vector<16xi32>
    %get3A_435 = arith.constant 224 : index
    %get3A_436 = tpu.vector_load %arg6[%get3A_435] {strides = array<i32>} : memref<512xi32, #tpu.memory_space<vmem>>, vector<16xi32>,
    %get3A_437 = vector.shape_cast %get3A_436 : vector<16xi32> to vector<16xi32>
    %mul3A_438 = arith.constant 64 : i32
    %mul3A_439 = vector.broadcast %mul3A_438 : i32 to vector<16xi32>
    %mul3A_440 = arith.muli %get3A_434, %mul3A_439 : vector<16xi32>
    %add3A_441 = arith.addi %mul3A_440, %get3A_437 : vector<16xi32>
    %swap3A_442 = arith.constant 1 : i32
    %swap3A_443 = arith.index_cast %swap3A_442 : i32 to index
    %swap3A_444 = arith.constant 96 : index
    %swap3A_445 = tpu.vector_load %arg7[%swap3A_443, %swap3A_444] {strides = array<i32>} : memref<4x128xi32, #tpu.memory_space<vmem>>, vector<1x16xi32>,
    %swap3A_446 = vector.shape_cast %swap3A_445 : vector<1x16xi32> to vector<16xi32>
    %swap3A_447 = vector.shape_cast %add3A_441 : vector<16xi32> to vector<1x16xi32>
    tpu.vector_store %arg7[%swap3A_443, %swap3A_444], %swap3A_447 {strides = array<i32>} : memref<4x128xi32, #tpu.memory_space<vmem>>, vector<1x16xi32>,
    %broadcast_in_dim3A_448 = arith.constant 1.000000e+00 : f32
    %broadcast_in_dim3A_449 = vector.broadcast %broadcast_in_dim3A_448 : f32 to vector<16xf32>
    %swap3A_450 = arith.constant 1 : i32
    %swap3A_451 = arith.index_cast %swap3A_450 : i32 to index
    %swap3A_452 = arith.constant 96 : index
    %swap3A_453 = tpu.vector_load %arg8[%swap3A_451, %swap3A_452] {strides = array<i32>} : memref<4x128xf32, #tpu.memory_space<vmem>>, vector<1x16xf32>,
    %swap3A_454 = vector.shape_cast %swap3A_453 : vector<1x16xf32> to vector<16xf32>
    %swap3A_455 = vector.shape_cast %broadcast_in_dim3A_449 : vector<16xf32> to vector<1x16xf32>
    tpu.vector_store %arg8[%swap3A_451, %swap3A_452], %swap3A_455 {strides = array<i32>} : memref<4x128xf32, #tpu.memory_space<vmem>>, vector<1x16xf32>,
    %get3A_456 = arith.constant 240 : index
    %get3A_457 = tpu.vector_load %arg5[%get3A_456] {strides = array<i32>} : memref<512xi32, #tpu.memory_space<vmem>>, vector<16xi32>,
    %get3A_458 = vector.shape_cast %get3A_457 : vector<16xi32> to vector<16xi32>
    %get3A_459 = arith.constant 240 : index
    %get3A_460 = tpu.vector_load %arg6[%get3A_459] {strides = array<i32>} : memref<512xi32, #tpu.memory_space<vmem>>, vector<16xi32>,
    %get3A_461 = vector.shape_cast %get3A_460 : vector<16xi32> to vector<16xi32>
    %mul3A_462 = arith.constant 64 : i32
    %mul3A_463 = vector.broadcast %mul3A_462 : i32 to vector<16xi32>
    %mul3A_464 = arith.muli %get3A_458, %mul3A_463 : vector<16xi32>
    %add3A_465 = arith.addi %mul3A_464, %get3A_461 : vector<16xi32>
    %swap3A_466 = arith.constant 1 : i32
    %swap3A_467 = arith.index_cast %swap3A_466 : i32 to index
    %swap3A_468 = arith.constant 112 : index
    %swap3A_469 = tpu.vector_load %arg7[%swap3A_467, %swap3A_468] {strides = array<i32>} : memref<4x128xi32, #tpu.memory_space<vmem>>, vector<1x16xi32>,
    %swap3A_470 = vector.shape_cast %swap3A_469 : vector<1x16xi32> to vector<16xi32>
    %swap3A_471 = vector.shape_cast %add3A_465 : vector<16xi32> to vector<1x16xi32>
    tpu.vector_store %arg7[%swap3A_467, %swap3A_468], %swap3A_471 {strides = array<i32>} : memref<4x128xi32, #tpu.memory_space<vmem>>, vector<1x16xi32>,
    %broadcast_in_dim3A_472 = arith.constant 1.000000e+00 : f32
    %broadcast_in_dim3A_473 = vector.broadcast %broadcast_in_dim3A_472 : f32 to vector<16xf32>
    %swap3A_474 = arith.constant 1 : i32
    %swap3A_475 = arith.index_cast %swap3A_474 : i32 to index
    %swap3A_476 = arith.constant 112 : index
    %swap3A_477 = tpu.vector_load %arg8[%swap3A_475, %swap3A_476] {strides = array<i32>} : memref<4x128xf32, #tpu.memory_space<vmem>>, vector<1x16xf32>,
    %swap3A_478 = vector.shape_cast %swap3A_477 : vector<1x16xf32> to vector<16xf32>
    %swap3A_479 = vector.shape_cast %broadcast_in_dim3A_473 : vector<16xf32> to vector<1x16xf32>
    tpu.vector_store %arg8[%swap3A_475, %swap3A_476], %swap3A_479 {strides = array<i32>} : memref<4x128xf32, #tpu.memory_space<vmem>>, vector<1x16xf32>,
    %get3A_480 = arith.constant 256 : index
    %get3A_481 = tpu.vector_load %arg5[%get3A_480] {strides = array<i32>} : memref<512xi32, #tpu.memory_space<vmem>>, vector<16xi32>,
    %get3A_482 = vector.shape_cast %get3A_481 : vector<16xi32> to vector<16xi32>
    %get3A_483 = arith.constant 256 : index
    %get3A_484 = tpu.vector_load %arg6[%get3A_483] {strides = array<i32>} : memref<512xi32, #tpu.memory_space<vmem>>, vector<16xi32>,
    %get3A_485 = vector.shape_cast %get3A_484 : vector<16xi32> to vector<16xi32>
    %mul3A_486 = arith.constant 64 : i32
    %mul3A_487 = vector.broadcast %mul3A_486 : i32 to vector<16xi32>
    %mul3A_488 = arith.muli %get3A_482, %mul3A_487 : vector<16xi32>
    %add3A_489 = arith.addi %mul3A_488, %get3A_485 : vector<16xi32>
    %swap3A_490 = arith.constant 2 : i32
    %swap3A_491 = arith.index_cast %swap3A_490 : i32 to index
    %swap3A_492 = arith.constant 0 : index
    %swap3A_493 = tpu.vector_load %arg7[%swap3A_491, %swap3A_492] {strides = array<i32>} : memref<4x128xi32, #tpu.memory_space<vmem>>, vector<1x16xi32>,
    %swap3A_494 = vector.shape_cast %swap3A_493 : vector<1x16xi32> to vector<16xi32>
    %swap3A_495 = vector.shape_cast %add3A_489 : vector<16xi32> to vector<1x16xi32>
    tpu.vector_store %arg7[%swap3A_491, %swap3A_492], %swap3A_495 {strides = array<i32>} : memref<4x128xi32, #tpu.memory_space<vmem>>, vector<1x16xi32>,
    %broadcast_in_dim3A_496 = arith.constant 1.000000e+00 : f32
    %broadcast_in_dim3A_497 = vector.broadcast %broadcast_in_dim3A_496 : f32 to vector<16xf32>
    %swap3A_498 = arith.constant 2 : i32
    %swap3A_499 = arith.index_cast %swap3A_498 : i32 to index
    %swap3A_500 = arith.constant 0 : index
    %swap3A_501 = tpu.vector_load %arg8[%swap3A_499, %swap3A_500] {strides = array<i32>} : memref<4x128xf32, #tpu.memory_space<vmem>>, vector<1x16xf32>,
    %swap3A_502 = vector.shape_cast %swap3A_501 : vector<1x16xf32> to vector<16xf32>
    %swap3A_503 = vector.shape_cast %broadcast_in_dim3A_497 : vector<16xf32> to vector<1x16xf32>
    tpu.vector_store %arg8[%swap3A_499, %swap3A_500], %swap3A_503 {strides = array<i32>} : memref<4x128xf32, #tpu.memory_space<vmem>>, vector<1x16xf32>,
    %get3A_504 = arith.constant 272 : index
    %get3A_505 = tpu.vector_load %arg5[%get3A_504] {strides = array<i32>} : memref<512xi32, #tpu.memory_space<vmem>>, vector<16xi32>,
    %get3A_506 = vector.shape_cast %get3A_505 : vector<16xi32> to vector<16xi32>
    %get3A_507 = arith.constant 272 : index
    %get3A_508 = tpu.vector_load %arg6[%get3A_507] {strides = array<i32>} : memref<512xi32, #tpu.memory_space<vmem>>, vector<16xi32>,
    %get3A_509 = vector.shape_cast %get3A_508 : vector<16xi32> to vector<16xi32>
    %mul3A_510 = arith.constant 64 : i32
    %mul3A_511 = vector.broadcast %mul3A_510 : i32 to vector<16xi32>
    %mul3A_512 = arith.muli %get3A_506, %mul3A_511 : vector<16xi32>
    %add3A_513 = arith.addi %mul3A_512, %get3A_509 : vector<16xi32>
    %swap3A_514 = arith.constant 2 : i32
    %swap3A_515 = arith.index_cast %swap3A_514 : i32 to index
    %swap3A_516 = arith.constant 16 : index
    %swap3A_517 = tpu.vector_load %arg7[%swap3A_515, %swap3A_516] {strides = array<i32>} : memref<4x128xi32, #tpu.memory_space<vmem>>, vector<1x16xi32>,
    %swap3A_518 = vector.shape_cast %swap3A_517 : vector<1x16xi32> to vector<16xi32>
    %swap3A_519 = vector.shape_cast %add3A_513 : vector<16xi32> to vector<1x16xi32>
    tpu.vector_store %arg7[%swap3A_515, %swap3A_516], %swap3A_519 {strides = array<i32>} : memref<4x128xi32, #tpu.memory_space<vmem>>, vector<1x16xi32>,
    %broadcast_in_dim3A_520 = arith.constant 1.000000e+00 : f32
    %broadcast_in_dim3A_521 = vector.broadcast %broadcast_in_dim3A_520 : f32 to vector<16xf32>
    %swap3A_522 = arith.constant 2 : i32
    %swap3A_523 = arith.index_cast %swap3A_522 : i32 to index
    %swap3A_524 = arith.constant 16 : index
    %swap3A_525 = tpu.vector_load %arg8[%swap3A_523, %swap3A_524] {strides = array<i32>} : memref<4x128xf32, #tpu.memory_space<vmem>>, vector<1x16xf32>,
    %swap3A_526 = vector.shape_cast %swap3A_525 : vector<1x16xf32> to vector<16xf32>
    %swap3A_527 = vector.shape_cast %broadcast_in_dim3A_521 : vector<16xf32> to vector<1x16xf32>
    tpu.vector_store %arg8[%swap3A_523, %swap3A_524], %swap3A_527 {strides = array<i32>} : memref<4x128xf32, #tpu.memory_space<vmem>>, vector<1x16xf32>,
    %get3A_528 = arith.constant 288 : index
    %get3A_529 = tpu.vector_load %arg5[%get3A_528] {strides = array<i32>} : memref<512xi32, #tpu.memory_space<vmem>>, vector<16xi32>,
    %get3A_530 = vector.shape_cast %get3A_529 : vector<16xi32> to vector<16xi32>
    %get3A_531 = arith.constant 288 : index
    %get3A_532 = tpu.vector_load %arg6[%get3A_531] {strides = array<i32>} : memref<512xi32, #tpu.memory_space<vmem>>, vector<16xi32>,
    %get3A_533 = vector.shape_cast %get3A_532 : vector<16xi32> to vector<16xi32>
    %mul3A_534 = arith.constant 64 : i32
    %mul3A_535 = vector.broadcast %mul3A_534 : i32 to vector<16xi32>
    %mul3A_536 = arith.muli %get3A_530, %mul3A_535 : vector<16xi32>
    %add3A_537 = arith.addi %mul3A_536, %get3A_533 : vector<16xi32>
    %swap3A_538 = arith.constant 2 : i32
    %swap3A_539 = arith.index_cast %swap3A_538 : i32 to index
    %swap3A_540 = arith.constant 32 : index
    %swap3A_541 = tpu.vector_load %arg7[%swap3A_539, %swap3A_540] {strides = array<i32>} : memref<4x128xi32, #tpu.memory_space<vmem>>, vector<1x16xi32>,
    %swap3A_542 = vector.shape_cast %swap3A_541 : vector<1x16xi32> to vector<16xi32>
    %swap3A_543 = vector.shape_cast %add3A_537 : vector<16xi32> to vector<1x16xi32>
    tpu.vector_store %arg7[%swap3A_539, %swap3A_540], %swap3A_543 {strides = array<i32>} : memref<4x128xi32, #tpu.memory_space<vmem>>, vector<1x16xi32>,
    %broadcast_in_dim3A_544 = arith.constant 1.000000e+00 : f32
    %broadcast_in_dim3A_545 = vector.broadcast %broadcast_in_dim3A_544 : f32 to vector<16xf32>
    %swap3A_546 = arith.constant 2 : i32
    %swap3A_547 = arith.index_cast %swap3A_546 : i32 to index
    %swap3A_548 = arith.constant 32 : index
    %swap3A_549 = tpu.vector_load %arg8[%swap3A_547, %swap3A_548] {strides = array<i32>} : memref<4x128xf32, #tpu.memory_space<vmem>>, vector<1x16xf32>,
    %swap3A_550 = vector.shape_cast %swap3A_549 : vector<1x16xf32> to vector<16xf32>
    %swap3A_551 = vector.shape_cast %broadcast_in_dim3A_545 : vector<16xf32> to vector<1x16xf32>
    tpu.vector_store %arg8[%swap3A_547, %swap3A_548], %swap3A_551 {strides = array<i32>} : memref<4x128xf32, #tpu.memory_space<vmem>>, vector<1x16xf32>,
    %get3A_552 = arith.constant 304 : index
    %get3A_553 = tpu.vector_load %arg5[%get3A_552] {strides = array<i32>} : memref<512xi32, #tpu.memory_space<vmem>>, vector<16xi32>,
    %get3A_554 = vector.shape_cast %get3A_553 : vector<16xi32> to vector<16xi32>
    %get3A_555 = arith.constant 304 : index
    %get3A_556 = tpu.vector_load %arg6[%get3A_555] {strides = array<i32>} : memref<512xi32, #tpu.memory_space<vmem>>, vector<16xi32>,
    %get3A_557 = vector.shape_cast %get3A_556 : vector<16xi32> to vector<16xi32>
    %mul3A_558 = arith.constant 64 : i32
    %mul3A_559 = vector.broadcast %mul3A_558 : i32 to vector<16xi32>
    %mul3A_560 = arith.muli %get3A_554, %mul3A_559 : vector<16xi32>
    %add3A_561 = arith.addi %mul3A_560, %get3A_557 : vector<16xi32>
    %swap3A_562 = arith.constant 2 : i32
    %swap3A_563 = arith.index_cast %swap3A_562 : i32 to index
    %swap3A_564 = arith.constant 48 : index
    %swap3A_565 = tpu.vector_load %arg7[%swap3A_563, %swap3A_564] {strides = array<i32>} : memref<4x128xi32, #tpu.memory_space<vmem>>, vector<1x16xi32>,
    %swap3A_566 = vector.shape_cast %swap3A_565 : vector<1x16xi32> to vector<16xi32>
    %swap3A_567 = vector.shape_cast %add3A_561 : vector<16xi32> to vector<1x16xi32>
    tpu.vector_store %arg7[%swap3A_563, %swap3A_564], %swap3A_567 {strides = array<i32>} : memref<4x128xi32, #tpu.memory_space<vmem>>, vector<1x16xi32>,
    %broadcast_in_dim3A_568 = arith.constant 1.000000e+00 : f32
    %broadcast_in_dim3A_569 = vector.broadcast %broadcast_in_dim3A_568 : f32 to vector<16xf32>
    %swap3A_570 = arith.constant 2 : i32
    %swap3A_571 = arith.index_cast %swap3A_570 : i32 to index
    %swap3A_572 = arith.constant 48 : index
    %swap3A_573 = tpu.vector_load %arg8[%swap3A_571, %swap3A_572] {strides = array<i32>} : memref<4x128xf32, #tpu.memory_space<vmem>>, vector<1x16xf32>,
    %swap3A_574 = vector.shape_cast %swap3A_573 : vector<1x16xf32> to vector<16xf32>
    %swap3A_575 = vector.shape_cast %broadcast_in_dim3A_569 : vector<16xf32> to vector<1x16xf32>
    tpu.vector_store %arg8[%swap3A_571, %swap3A_572], %swap3A_575 {strides = array<i32>} : memref<4x128xf32, #tpu.memory_space<vmem>>, vector<1x16xf32>,
    %get3A_576 = arith.constant 320 : index
    %get3A_577 = tpu.vector_load %arg5[%get3A_576] {strides = array<i32>} : memref<512xi32, #tpu.memory_space<vmem>>, vector<16xi32>,
    %get3A_578 = vector.shape_cast %get3A_577 : vector<16xi32> to vector<16xi32>
    %get3A_579 = arith.constant 320 : index
    %get3A_580 = tpu.vector_load %arg6[%get3A_579] {strides = array<i32>} : memref<512xi32, #tpu.memory_space<vmem>>, vector<16xi32>,
    %get3A_581 = vector.shape_cast %get3A_580 : vector<16xi32> to vector<16xi32>
    %mul3A_582 = arith.constant 64 : i32
    %mul3A_583 = vector.broadcast %mul3A_582 : i32 to vector<16xi32>
    %mul3A_584 = arith.muli %get3A_578, %mul3A_583 : vector<16xi32>
    %add3A_585 = arith.addi %mul3A_584, %get3A_581 : vector<16xi32>
    %swap3A_586 = arith.constant 2 : i32
    %swap3A_587 = arith.index_cast %swap3A_586 : i32 to index
    %swap3A_588 = arith.constant 64 : index
    %swap3A_589 = tpu.vector_load %arg7[%swap3A_587, %swap3A_588] {strides = array<i32>} : memref<4x128xi32, #tpu.memory_space<vmem>>, vector<1x16xi32>,
    %swap3A_590 = vector.shape_cast %swap3A_589 : vector<1x16xi32> to vector<16xi32>
    %swap3A_591 = vector.shape_cast %add3A_585 : vector<16xi32> to vector<1x16xi32>
    tpu.vector_store %arg7[%swap3A_587, %swap3A_588], %swap3A_591 {strides = array<i32>} : memref<4x128xi32, #tpu.memory_space<vmem>>, vector<1x16xi32>,
    %broadcast_in_dim3A_592 = arith.constant 1.000000e+00 : f32
    %broadcast_in_dim3A_593 = vector.broadcast %broadcast_in_dim3A_592 : f32 to vector<16xf32>
    %swap3A_594 = arith.constant 2 : i32
    %swap3A_595 = arith.index_cast %swap3A_594 : i32 to index
    %swap3A_596 = arith.constant 64 : index
    %swap3A_597 = tpu.vector_load %arg8[%swap3A_595, %swap3A_596] {strides = array<i32>} : memref<4x128xf32, #tpu.memory_space<vmem>>, vector<1x16xf32>,
    %swap3A_598 = vector.shape_cast %swap3A_597 : vector<1x16xf32> to vector<16xf32>
    %swap3A_599 = vector.shape_cast %broadcast_in_dim3A_593 : vector<16xf32> to vector<1x16xf32>
    tpu.vector_store %arg8[%swap3A_595, %swap3A_596], %swap3A_599 {strides = array<i32>} : memref<4x128xf32, #tpu.memory_space<vmem>>, vector<1x16xf32>,
    %get3A_600 = arith.constant 336 : index
    %get3A_601 = tpu.vector_load %arg5[%get3A_600] {strides = array<i32>} : memref<512xi32, #tpu.memory_space<vmem>>, vector<16xi32>,
    %get3A_602 = vector.shape_cast %get3A_601 : vector<16xi32> to vector<16xi32>
    %get3A_603 = arith.constant 336 : index
    %get3A_604 = tpu.vector_load %arg6[%get3A_603] {strides = array<i32>} : memref<512xi32, #tpu.memory_space<vmem>>, vector<16xi32>,
    %get3A_605 = vector.shape_cast %get3A_604 : vector<16xi32> to vector<16xi32>
    %mul3A_606 = arith.constant 64 : i32
    %mul3A_607 = vector.broadcast %mul3A_606 : i32 to vector<16xi32>
    %mul3A_608 = arith.muli %get3A_602, %mul3A_607 : vector<16xi32>
    %add3A_609 = arith.addi %mul3A_608, %get3A_605 : vector<16xi32>
    %swap3A_610 = arith.constant 2 : i32
    %swap3A_611 = arith.index_cast %swap3A_610 : i32 to index
    %swap3A_612 = arith.constant 80 : index
    %swap3A_613 = tpu.vector_load %arg7[%swap3A_611, %swap3A_612] {strides = array<i32>} : memref<4x128xi32, #tpu.memory_space<vmem>>, vector<1x16xi32>,
    %swap3A_614 = vector.shape_cast %swap3A_613 : vector<1x16xi32> to vector<16xi32>
    %swap3A_615 = vector.shape_cast %add3A_609 : vector<16xi32> to vector<1x16xi32>
    tpu.vector_store %arg7[%swap3A_611, %swap3A_612], %swap3A_615 {strides = array<i32>} : memref<4x128xi32, #tpu.memory_space<vmem>>, vector<1x16xi32>,
    %broadcast_in_dim3A_616 = arith.constant 1.000000e+00 : f32
    %broadcast_in_dim3A_617 = vector.broadcast %broadcast_in_dim3A_616 : f32 to vector<16xf32>
    %swap3A_618 = arith.constant 2 : i32
    %swap3A_619 = arith.index_cast %swap3A_618 : i32 to index
    %swap3A_620 = arith.constant 80 : index
    %swap3A_621 = tpu.vector_load %arg8[%swap3A_619, %swap3A_620] {strides = array<i32>} : memref<4x128xf32, #tpu.memory_space<vmem>>, vector<1x16xf32>,
    %swap3A_622 = vector.shape_cast %swap3A_621 : vector<1x16xf32> to vector<16xf32>
    %swap3A_623 = vector.shape_cast %broadcast_in_dim3A_617 : vector<16xf32> to vector<1x16xf32>
    tpu.vector_store %arg8[%swap3A_619, %swap3A_620], %swap3A_623 {strides = array<i32>} : memref<4x128xf32, #tpu.memory_space<vmem>>, vector<1x16xf32>,
    %get3A_624 = arith.constant 352 : index
    %get3A_625 = tpu.vector_load %arg5[%get3A_624] {strides = array<i32>} : memref<512xi32, #tpu.memory_space<vmem>>, vector<16xi32>,
    %get3A_626 = vector.shape_cast %get3A_625 : vector<16xi32> to vector<16xi32>
    %get3A_627 = arith.constant 352 : index
    %get3A_628 = tpu.vector_load %arg6[%get3A_627] {strides = array<i32>} : memref<512xi32, #tpu.memory_space<vmem>>, vector<16xi32>,
    %get3A_629 = vector.shape_cast %get3A_628 : vector<16xi32> to vector<16xi32>
    %mul3A_630 = arith.constant 64 : i32
    %mul3A_631 = vector.broadcast %mul3A_630 : i32 to vector<16xi32>
    %mul3A_632 = arith.muli %get3A_626, %mul3A_631 : vector<16xi32>
    %add3A_633 = arith.addi %mul3A_632, %get3A_629 : vector<16xi32>
    %swap3A_634 = arith.constant 2 : i32
    %swap3A_635 = arith.index_cast %swap3A_634 : i32 to index
    %swap3A_636 = arith.constant 96 : index
    %swap3A_637 = tpu.vector_load %arg7[%swap3A_635, %swap3A_636] {strides = array<i32>} : memref<4x128xi32, #tpu.memory_space<vmem>>, vector<1x16xi32>,
    %swap3A_638 = vector.shape_cast %swap3A_637 : vector<1x16xi32> to vector<16xi32>
    %swap3A_639 = vector.shape_cast %add3A_633 : vector<16xi32> to vector<1x16xi32>
    tpu.vector_store %arg7[%swap3A_635, %swap3A_636], %swap3A_639 {strides = array<i32>} : memref<4x128xi32, #tpu.memory_space<vmem>>, vector<1x16xi32>,
    %broadcast_in_dim3A_640 = arith.constant 1.000000e+00 : f32
    %broadcast_in_dim3A_641 = vector.broadcast %broadcast_in_dim3A_640 : f32 to vector<16xf32>
    %swap3A_642 = arith.constant 2 : i32
    %swap3A_643 = arith.index_cast %swap3A_642 : i32 to index
    %swap3A_644 = arith.constant 96 : index
    %swap3A_645 = tpu.vector_load %arg8[%swap3A_643, %swap3A_644] {strides = array<i32>} : memref<4x128xf32, #tpu.memory_space<vmem>>, vector<1x16xf32>,
    %swap3A_646 = vector.shape_cast %swap3A_645 : vector<1x16xf32> to vector<16xf32>
    %swap3A_647 = vector.shape_cast %broadcast_in_dim3A_641 : vector<16xf32> to vector<1x16xf32>
    tpu.vector_store %arg8[%swap3A_643, %swap3A_644], %swap3A_647 {strides = array<i32>} : memref<4x128xf32, #tpu.memory_space<vmem>>, vector<1x16xf32>,
    %get3A_648 = arith.constant 368 : index
    %get3A_649 = tpu.vector_load %arg5[%get3A_648] {strides = array<i32>} : memref<512xi32, #tpu.memory_space<vmem>>, vector<16xi32>,
    %get3A_650 = vector.shape_cast %get3A_649 : vector<16xi32> to vector<16xi32>
    %get3A_651 = arith.constant 368 : index
    %get3A_652 = tpu.vector_load %arg6[%get3A_651] {strides = array<i32>} : memref<512xi32, #tpu.memory_space<vmem>>, vector<16xi32>,
    %get3A_653 = vector.shape_cast %get3A_652 : vector<16xi32> to vector<16xi32>
    %mul3A_654 = arith.constant 64 : i32
    %mul3A_655 = vector.broadcast %mul3A_654 : i32 to vector<16xi32>
    %mul3A_656 = arith.muli %get3A_650, %mul3A_655 : vector<16xi32>
    %add3A_657 = arith.addi %mul3A_656, %get3A_653 : vector<16xi32>
    %swap3A_658 = arith.constant 2 : i32
    %swap3A_659 = arith.index_cast %swap3A_658 : i32 to index
    %swap3A_660 = arith.constant 112 : index
    %swap3A_661 = tpu.vector_load %arg7[%swap3A_659, %swap3A_660] {strides = array<i32>} : memref<4x128xi32, #tpu.memory_space<vmem>>, vector<1x16xi32>,
    %swap3A_662 = vector.shape_cast %swap3A_661 : vector<1x16xi32> to vector<16xi32>
    %swap3A_663 = vector.shape_cast %add3A_657 : vector<16xi32> to vector<1x16xi32>
    tpu.vector_store %arg7[%swap3A_659, %swap3A_660], %swap3A_663 {strides = array<i32>} : memref<4x128xi32, #tpu.memory_space<vmem>>, vector<1x16xi32>,
    %broadcast_in_dim3A_664 = arith.constant 1.000000e+00 : f32
    %broadcast_in_dim3A_665 = vector.broadcast %broadcast_in_dim3A_664 : f32 to vector<16xf32>
    %swap3A_666 = arith.constant 2 : i32
    %swap3A_667 = arith.index_cast %swap3A_666 : i32 to index
    %swap3A_668 = arith.constant 112 : index
    %swap3A_669 = tpu.vector_load %arg8[%swap3A_667, %swap3A_668] {strides = array<i32>} : memref<4x128xf32, #tpu.memory_space<vmem>>, vector<1x16xf32>,
    %swap3A_670 = vector.shape_cast %swap3A_669 : vector<1x16xf32> to vector<16xf32>
    %swap3A_671 = vector.shape_cast %broadcast_in_dim3A_665 : vector<16xf32> to vector<1x16xf32>
    tpu.vector_store %arg8[%swap3A_667, %swap3A_668], %swap3A_671 {strides = array<i32>} : memref<4x128xf32, #tpu.memory_space<vmem>>, vector<1x16xf32>,
    %get3A_672 = arith.constant 384 : index
    %get3A_673 = tpu.vector_load %arg5[%get3A_672] {strides = array<i32>} : memref<512xi32, #tpu.memory_space<vmem>>, vector<16xi32>,
    %get3A_674 = vector.shape_cast %get3A_673 : vector<16xi32> to vector<16xi32>
    %get3A_675 = arith.constant 384 : index
    %get3A_676 = tpu.vector_load %arg6[%get3A_675] {strides = array<i32>} : memref<512xi32, #tpu.memory_space<vmem>>, vector<16xi32>,
    %get3A_677 = vector.shape_cast %get3A_676 : vector<16xi32> to vector<16xi32>
    %mul3A_678 = arith.constant 64 : i32
    %mul3A_679 = vector.broadcast %mul3A_678 : i32 to vector<16xi32>
    %mul3A_680 = arith.muli %get3A_674, %mul3A_679 : vector<16xi32>
    %add3A_681 = arith.addi %mul3A_680, %get3A_677 : vector<16xi32>
    %swap3A_682 = arith.constant 3 : i32
    %swap3A_683 = arith.index_cast %swap3A_682 : i32 to index
    %swap3A_684 = arith.constant 0 : index
    %swap3A_685 = tpu.vector_load %arg7[%swap3A_683, %swap3A_684] {strides = array<i32>} : memref<4x128xi32, #tpu.memory_space<vmem>>, vector<1x16xi32>,
    %swap3A_686 = vector.shape_cast %swap3A_685 : vector<1x16xi32> to vector<16xi32>
    %swap3A_687 = vector.shape_cast %add3A_681 : vector<16xi32> to vector<1x16xi32>
    tpu.vector_store %arg7[%swap3A_683, %swap3A_684], %swap3A_687 {strides = array<i32>} : memref<4x128xi32, #tpu.memory_space<vmem>>, vector<1x16xi32>,
    %broadcast_in_dim3A_688 = arith.constant 1.000000e+00 : f32
    %broadcast_in_dim3A_689 = vector.broadcast %broadcast_in_dim3A_688 : f32 to vector<16xf32>
    %swap3A_690 = arith.constant 3 : i32
    %swap3A_691 = arith.index_cast %swap3A_690 : i32 to index
    %swap3A_692 = arith.constant 0 : index
    %swap3A_693 = tpu.vector_load %arg8[%swap3A_691, %swap3A_692] {strides = array<i32>} : memref<4x128xf32, #tpu.memory_space<vmem>>, vector<1x16xf32>,
    %swap3A_694 = vector.shape_cast %swap3A_693 : vector<1x16xf32> to vector<16xf32>
    %swap3A_695 = vector.shape_cast %broadcast_in_dim3A_689 : vector<16xf32> to vector<1x16xf32>
    tpu.vector_store %arg8[%swap3A_691, %swap3A_692], %swap3A_695 {strides = array<i32>} : memref<4x128xf32, #tpu.memory_space<vmem>>, vector<1x16xf32>,
    %get3A_696 = arith.constant 400 : index
    %get3A_697 = tpu.vector_load %arg5[%get3A_696] {strides = array<i32>} : memref<512xi32, #tpu.memory_space<vmem>>, vector<16xi32>,
    %get3A_698 = vector.shape_cast %get3A_697 : vector<16xi32> to vector<16xi32>
    %get3A_699 = arith.constant 400 : index
    %get3A_700 = tpu.vector_load %arg6[%get3A_699] {strides = array<i32>} : memref<512xi32, #tpu.memory_space<vmem>>, vector<16xi32>,
    %get3A_701 = vector.shape_cast %get3A_700 : vector<16xi32> to vector<16xi32>
    %mul3A_702 = arith.constant 64 : i32
    %mul3A_703 = vector.broadcast %mul3A_702 : i32 to vector<16xi32>
    %mul3A_704 = arith.muli %get3A_698, %mul3A_703 : vector<16xi32>
    %add3A_705 = arith.addi %mul3A_704, %get3A_701 : vector<16xi32>
    %swap3A_706 = arith.constant 3 : i32
    %swap3A_707 = arith.index_cast %swap3A_706 : i32 to index
    %swap3A_708 = arith.constant 16 : index
    %swap3A_709 = tpu.vector_load %arg7[%swap3A_707, %swap3A_708] {strides = array<i32>} : memref<4x128xi32, #tpu.memory_space<vmem>>, vector<1x16xi32>,
    %swap3A_710 = vector.shape_cast %swap3A_709 : vector<1x16xi32> to vector<16xi32>
    %swap3A_711 = vector.shape_cast %add3A_705 : vector<16xi32> to vector<1x16xi32>
    tpu.vector_store %arg7[%swap3A_707, %swap3A_708], %swap3A_711 {strides = array<i32>} : memref<4x128xi32, #tpu.memory_space<vmem>>, vector<1x16xi32>,
    %broadcast_in_dim3A_712 = arith.constant 1.000000e+00 : f32
    %broadcast_in_dim3A_713 = vector.broadcast %broadcast_in_dim3A_712 : f32 to vector<16xf32>
    %swap3A_714 = arith.constant 3 : i32
    %swap3A_715 = arith.index_cast %swap3A_714 : i32 to index
    %swap3A_716 = arith.constant 16 : index
    %swap3A_717 = tpu.vector_load %arg8[%swap3A_715, %swap3A_716] {strides = array<i32>} : memref<4x128xf32, #tpu.memory_space<vmem>>, vector<1x16xf32>,
    %swap3A_718 = vector.shape_cast %swap3A_717 : vector<1x16xf32> to vector<16xf32>
    %swap3A_719 = vector.shape_cast %broadcast_in_dim3A_713 : vector<16xf32> to vector<1x16xf32>
    tpu.vector_store %arg8[%swap3A_715, %swap3A_716], %swap3A_719 {strides = array<i32>} : memref<4x128xf32, #tpu.memory_space<vmem>>, vector<1x16xf32>,
    %get3A_720 = arith.constant 416 : index
    %get3A_721 = tpu.vector_load %arg5[%get3A_720] {strides = array<i32>} : memref<512xi32, #tpu.memory_space<vmem>>, vector<16xi32>,
    %get3A_722 = vector.shape_cast %get3A_721 : vector<16xi32> to vector<16xi32>
    %get3A_723 = arith.constant 416 : index
    %get3A_724 = tpu.vector_load %arg6[%get3A_723] {strides = array<i32>} : memref<512xi32, #tpu.memory_space<vmem>>, vector<16xi32>,
    %get3A_725 = vector.shape_cast %get3A_724 : vector<16xi32> to vector<16xi32>
    %mul3A_726 = arith.constant 64 : i32
    %mul3A_727 = vector.broadcast %mul3A_726 : i32 to vector<16xi32>
    %mul3A_728 = arith.muli %get3A_722, %mul3A_727 : vector<16xi32>
    %add3A_729 = arith.addi %mul3A_728, %get3A_725 : vector<16xi32>
    %swap3A_730 = arith.constant 3 : i32
    %swap3A_731 = arith.index_cast %swap3A_730 : i32 to index
    %swap3A_732 = arith.constant 32 : index
    %swap3A_733 = tpu.vector_load %arg7[%swap3A_731, %swap3A_732] {strides = array<i32>} : memref<4x128xi32, #tpu.memory_space<vmem>>, vector<1x16xi32>,
    %swap3A_734 = vector.shape_cast %swap3A_733 : vector<1x16xi32> to vector<16xi32>
    %swap3A_735 = vector.shape_cast %add3A_729 : vector<16xi32> to vector<1x16xi32>
    tpu.vector_store %arg7[%swap3A_731, %swap3A_732], %swap3A_735 {strides = array<i32>} : memref<4x128xi32, #tpu.memory_space<vmem>>, vector<1x16xi32>,
    %broadcast_in_dim3A_736 = arith.constant 1.000000e+00 : f32
    %broadcast_in_dim3A_737 = vector.broadcast %broadcast_in_dim3A_736 : f32 to vector<16xf32>
    %swap3A_738 = arith.constant 3 : i32
    %swap3A_739 = arith.index_cast %swap3A_738 : i32 to index
    %swap3A_740 = arith.constant 32 : index
    %swap3A_741 = tpu.vector_load %arg8[%swap3A_739, %swap3A_740] {strides = array<i32>} : memref<4x128xf32, #tpu.memory_space<vmem>>, vector<1x16xf32>,
    %swap3A_742 = vector.shape_cast %swap3A_741 : vector<1x16xf32> to vector<16xf32>
    %swap3A_743 = vector.shape_cast %broadcast_in_dim3A_737 : vector<16xf32> to vector<1x16xf32>
    tpu.vector_store %arg8[%swap3A_739, %swap3A_740], %swap3A_743 {strides = array<i32>} : memref<4x128xf32, #tpu.memory_space<vmem>>, vector<1x16xf32>,
    %get3A_744 = arith.constant 432 : index
    %get3A_745 = tpu.vector_load %arg5[%get3A_744] {strides = array<i32>} : memref<512xi32, #tpu.memory_space<vmem>>, vector<16xi32>,
    %get3A_746 = vector.shape_cast %get3A_745 : vector<16xi32> to vector<16xi32>
    %get3A_747 = arith.constant 432 : index
    %get3A_748 = tpu.vector_load %arg6[%get3A_747] {strides = array<i32>} : memref<512xi32, #tpu.memory_space<vmem>>, vector<16xi32>,
    %get3A_749 = vector.shape_cast %get3A_748 : vector<16xi32> to vector<16xi32>
    %mul3A_750 = arith.constant 64 : i32
    %mul3A_751 = vector.broadcast %mul3A_750 : i32 to vector<16xi32>
    %mul3A_752 = arith.muli %get3A_746, %mul3A_751 : vector<16xi32>
    %add3A_753 = arith.addi %mul3A_752, %get3A_749 : vector<16xi32>
    %swap3A_754 = arith.constant 3 : i32
    %swap3A_755 = arith.index_cast %swap3A_754 : i32 to index
    %swap3A_756 = arith.constant 48 : index
    %swap3A_757 = tpu.vector_load %arg7[%swap3A_755, %swap3A_756] {strides = array<i32>} : memref<4x128xi32, #tpu.memory_space<vmem>>, vector<1x16xi32>,
    %swap3A_758 = vector.shape_cast %swap3A_757 : vector<1x16xi32> to vector<16xi32>
    %swap3A_759 = vector.shape_cast %add3A_753 : vector<16xi32> to vector<1x16xi32>
    tpu.vector_store %arg7[%swap3A_755, %swap3A_756], %swap3A_759 {strides = array<i32>} : memref<4x128xi32, #tpu.memory_space<vmem>>, vector<1x16xi32>,
    %broadcast_in_dim3A_760 = arith.constant 1.000000e+00 : f32
    %broadcast_in_dim3A_761 = vector.broadcast %broadcast_in_dim3A_760 : f32 to vector<16xf32>
    %swap3A_762 = arith.constant 3 : i32
    %swap3A_763 = arith.index_cast %swap3A_762 : i32 to index
    %swap3A_764 = arith.constant 48 : index
    %swap3A_765 = tpu.vector_load %arg8[%swap3A_763, %swap3A_764] {strides = array<i32>} : memref<4x128xf32, #tpu.memory_space<vmem>>, vector<1x16xf32>,
    %swap3A_766 = vector.shape_cast %swap3A_765 : vector<1x16xf32> to vector<16xf32>
    %swap3A_767 = vector.shape_cast %broadcast_in_dim3A_761 : vector<16xf32> to vector<1x16xf32>
    tpu.vector_store %arg8[%swap3A_763, %swap3A_764], %swap3A_767 {strides = array<i32>} : memref<4x128xf32, #tpu.memory_space<vmem>>, vector<1x16xf32>,
    %get3A_768 = arith.constant 448 : index
    %get3A_769 = tpu.vector_load %arg5[%get3A_768] {strides = array<i32>} : memref<512xi32, #tpu.memory_space<vmem>>, vector<16xi32>,
    %get3A_770 = vector.shape_cast %get3A_769 : vector<16xi32> to vector<16xi32>
    %get3A_771 = arith.constant 448 : index
    %get3A_772 = tpu.vector_load %arg6[%get3A_771] {strides = array<i32>} : memref<512xi32, #tpu.memory_space<vmem>>, vector<16xi32>,
    %get3A_773 = vector.shape_cast %get3A_772 : vector<16xi32> to vector<16xi32>
    %mul3A_774 = arith.constant 64 : i32
    %mul3A_775 = vector.broadcast %mul3A_774 : i32 to vector<16xi32>
    %mul3A_776 = arith.muli %get3A_770, %mul3A_775 : vector<16xi32>
    %add3A_777 = arith.addi %mul3A_776, %get3A_773 : vector<16xi32>
    %swap3A_778 = arith.constant 3 : i32
    %swap3A_779 = arith.index_cast %swap3A_778 : i32 to index
    %swap3A_780 = arith.constant 64 : index
    %swap3A_781 = tpu.vector_load %arg7[%swap3A_779, %swap3A_780] {strides = array<i32>} : memref<4x128xi32, #tpu.memory_space<vmem>>, vector<1x16xi32>,
    %swap3A_782 = vector.shape_cast %swap3A_781 : vector<1x16xi32> to vector<16xi32>
    %swap3A_783 = vector.shape_cast %add3A_777 : vector<16xi32> to vector<1x16xi32>
    tpu.vector_store %arg7[%swap3A_779, %swap3A_780], %swap3A_783 {strides = array<i32>} : memref<4x128xi32, #tpu.memory_space<vmem>>, vector<1x16xi32>,
    %broadcast_in_dim3A_784 = arith.constant 1.000000e+00 : f32
    %broadcast_in_dim3A_785 = vector.broadcast %broadcast_in_dim3A_784 : f32 to vector<16xf32>
    %swap3A_786 = arith.constant 3 : i32
    %swap3A_787 = arith.index_cast %swap3A_786 : i32 to index
    %swap3A_788 = arith.constant 64 : index
    %swap3A_789 = tpu.vector_load %arg8[%swap3A_787, %swap3A_788] {strides = array<i32>} : memref<4x128xf32, #tpu.memory_space<vmem>>, vector<1x16xf32>,
    %swap3A_790 = vector.shape_cast %swap3A_789 : vector<1x16xf32> to vector<16xf32>
    %swap3A_791 = vector.shape_cast %broadcast_in_dim3A_785 : vector<16xf32> to vector<1x16xf32>
    tpu.vector_store %arg8[%swap3A_787, %swap3A_788], %swap3A_791 {strides = array<i32>} : memref<4x128xf32, #tpu.memory_space<vmem>>, vector<1x16xf32>,
    %get3A_792 = arith.constant 464 : index
    %get3A_793 = tpu.vector_load %arg5[%get3A_792] {strides = array<i32>} : memref<512xi32, #tpu.memory_space<vmem>>, vector<16xi32>,
    %get3A_794 = vector.shape_cast %get3A_793 : vector<16xi32> to vector<16xi32>
    %get3A_795 = arith.constant 464 : index
    %get3A_796 = tpu.vector_load %arg6[%get3A_795] {strides = array<i32>} : memref<512xi32, #tpu.memory_space<vmem>>, vector<16xi32>,
    %get3A_797 = vector.shape_cast %get3A_796 : vector<16xi32> to vector<16xi32>
    %mul3A_798 = arith.constant 64 : i32
    %mul3A_799 = vector.broadcast %mul3A_798 : i32 to vector<16xi32>
    %mul3A_800 = arith.muli %get3A_794, %mul3A_799 : vector<16xi32>
    %add3A_801 = arith.addi %mul3A_800, %get3A_797 : vector<16xi32>
    %swap3A_802 = arith.constant 3 : i32
    %swap3A_803 = arith.index_cast %swap3A_802 : i32 to index
    %swap3A_804 = arith.constant 80 : index
    %swap3A_805 = tpu.vector_load %arg7[%swap3A_803, %swap3A_804] {strides = array<i32>} : memref<4x128xi32, #tpu.memory_space<vmem>>, vector<1x16xi32>,
    %swap3A_806 = vector.shape_cast %swap3A_805 : vector<1x16xi32> to vector<16xi32>
    %swap3A_807 = vector.shape_cast %add3A_801 : vector<16xi32> to vector<1x16xi32>
    tpu.vector_store %arg7[%swap3A_803, %swap3A_804], %swap3A_807 {strides = array<i32>} : memref<4x128xi32, #tpu.memory_space<vmem>>, vector<1x16xi32>,
    %broadcast_in_dim3A_808 = arith.constant 1.000000e+00 : f32
    %broadcast_in_dim3A_809 = vector.broadcast %broadcast_in_dim3A_808 : f32 to vector<16xf32>
    %swap3A_810 = arith.constant 3 : i32
    %swap3A_811 = arith.index_cast %swap3A_810 : i32 to index
    %swap3A_812 = arith.constant 80 : index
    %swap3A_813 = tpu.vector_load %arg8[%swap3A_811, %swap3A_812] {strides = array<i32>} : memref<4x128xf32, #tpu.memory_space<vmem>>, vector<1x16xf32>,
    %swap3A_814 = vector.shape_cast %swap3A_813 : vector<1x16xf32> to vector<16xf32>
    %swap3A_815 = vector.shape_cast %broadcast_in_dim3A_809 : vector<16xf32> to vector<1x16xf32>
    tpu.vector_store %arg8[%swap3A_811, %swap3A_812], %swap3A_815 {strides = array<i32>} : memref<4x128xf32, #tpu.memory_space<vmem>>, vector<1x16xf32>,
    %get3A_816 = arith.constant 480 : index
    %get3A_817 = tpu.vector_load %arg5[%get3A_816] {strides = array<i32>} : memref<512xi32, #tpu.memory_space<vmem>>, vector<16xi32>,
    %get3A_818 = vector.shape_cast %get3A_817 : vector<16xi32> to vector<16xi32>
    %get3A_819 = arith.constant 480 : index
    %get3A_820 = tpu.vector_load %arg6[%get3A_819] {strides = array<i32>} : memref<512xi32, #tpu.memory_space<vmem>>, vector<16xi32>,
    %get3A_821 = vector.shape_cast %get3A_820 : vector<16xi32> to vector<16xi32>
    %mul3A_822 = arith.constant 64 : i32
    %mul3A_823 = vector.broadcast %mul3A_822 : i32 to vector<16xi32>
    %mul3A_824 = arith.muli %get3A_818, %mul3A_823 : vector<16xi32>
    %add3A_825 = arith.addi %mul3A_824, %get3A_821 : vector<16xi32>
    %swap3A_826 = arith.constant 3 : i32
    %swap3A_827 = arith.index_cast %swap3A_826 : i32 to index
    %swap3A_828 = arith.constant 96 : index
    %swap3A_829 = tpu.vector_load %arg7[%swap3A_827, %swap3A_828] {strides = array<i32>} : memref<4x128xi32, #tpu.memory_space<vmem>>, vector<1x16xi32>,
    %swap3A_830 = vector.shape_cast %swap3A_829 : vector<1x16xi32> to vector<16xi32>
    %swap3A_831 = vector.shape_cast %add3A_825 : vector<16xi32> to vector<1x16xi32>
    tpu.vector_store %arg7[%swap3A_827, %swap3A_828], %swap3A_831 {strides = array<i32>} : memref<4x128xi32, #tpu.memory_space<vmem>>, vector<1x16xi32>,
    %broadcast_in_dim3A_832 = arith.constant 1.000000e+00 : f32
    %broadcast_in_dim3A_833 = vector.broadcast %broadcast_in_dim3A_832 : f32 to vector<16xf32>
    %swap3A_834 = arith.constant 3 : i32
    %swap3A_835 = arith.index_cast %swap3A_834 : i32 to index
    %swap3A_836 = arith.constant 96 : index
    %swap3A_837 = tpu.vector_load %arg8[%swap3A_835, %swap3A_836] {strides = array<i32>} : memref<4x128xf32, #tpu.memory_space<vmem>>, vector<1x16xf32>,
    %swap3A_838 = vector.shape_cast %swap3A_837 : vector<1x16xf32> to vector<16xf32>
    %swap3A_839 = vector.shape_cast %broadcast_in_dim3A_833 : vector<16xf32> to vector<1x16xf32>
    tpu.vector_store %arg8[%swap3A_835, %swap3A_836], %swap3A_839 {strides = array<i32>} : memref<4x128xf32, #tpu.memory_space<vmem>>, vector<1x16xf32>,
    %get3A_840 = arith.constant 496 : index
    %get3A_841 = tpu.vector_load %arg5[%get3A_840] {strides = array<i32>} : memref<512xi32, #tpu.memory_space<vmem>>, vector<16xi32>,
    %get3A_842 = vector.shape_cast %get3A_841 : vector<16xi32> to vector<16xi32>
    %get3A_843 = arith.constant 496 : index
    %get3A_844 = tpu.vector_load %arg6[%get3A_843] {strides = array<i32>} : memref<512xi32, #tpu.memory_space<vmem>>, vector<16xi32>,
    %get3A_845 = vector.shape_cast %get3A_844 : vector<16xi32> to vector<16xi32>
    %mul3A_846 = arith.constant 64 : i32
    %mul3A_847 = vector.broadcast %mul3A_846 : i32 to vector<16xi32>
    %mul3A_848 = arith.muli %get3A_842, %mul3A_847 : vector<16xi32>
    %add3A_849 = arith.addi %mul3A_848, %get3A_845 : vector<16xi32>
    %swap3A_850 = arith.constant 3 : i32
    %swap3A_851 = arith.index_cast %swap3A_850 : i32 to index
    %swap3A_852 = arith.constant 112 : index
    %swap3A_853 = tpu.vector_load %arg7[%swap3A_851, %swap3A_852] {strides = array<i32>} : memref<4x128xi32, #tpu.memory_space<vmem>>, vector<1x16xi32>,
    %swap3A_854 = vector.shape_cast %swap3A_853 : vector<1x16xi32> to vector<16xi32>
    %swap3A_855 = vector.shape_cast %add3A_849 : vector<16xi32> to vector<1x16xi32>
    tpu.vector_store %arg7[%swap3A_851, %swap3A_852], %swap3A_855 {strides = array<i32>} : memref<4x128xi32, #tpu.memory_space<vmem>>, vector<1x16xi32>,
    %broadcast_in_dim3A_856 = arith.constant 1.000000e+00 : f32
    %broadcast_in_dim3A_857 = vector.broadcast %broadcast_in_dim3A_856 : f32 to vector<16xf32>
    %swap3A_858 = arith.constant 3 : i32
    %swap3A_859 = arith.index_cast %swap3A_858 : i32 to index
    %swap3A_860 = arith.constant 112 : index
    %swap3A_861 = tpu.vector_load %arg8[%swap3A_859, %swap3A_860] {strides = array<i32>} : memref<4x128xf32, #tpu.memory_space<vmem>>, vector<1x16xf32>,
    %swap3A_862 = vector.shape_cast %swap3A_861 : vector<1x16xf32> to vector<16xf32>
    %swap3A_863 = vector.shape_cast %broadcast_in_dim3A_857 : vector<16xf32> to vector<1x16xf32>
    tpu.vector_store %arg8[%swap3A_859, %swap3A_860], %swap3A_863 {strides = array<i32>} : memref<4x128xf32, #tpu.memory_space<vmem>>, vector<1x16xf32>,
    %barrier3A = arith.constant 0 : index
    tpu.barrier barrier_id(%barrier3A)
    %run_scoped3A_864 = arith.constant 0 : i32
    %run_scoped3A_865 = arith.constant 0 : i32
    "tpu.region"() ({
      %run_scoped3A_875 = tpu.sem_alloc : memref<!tpu.dma_semaphore, #tpu.memory_space<semaphore_mem>>
      %dma_start3A = arith.constant 0 : i32
      %dma_start3A_876 = tpu.memref_slice %arg8[%run_scoped3A_864, %dma_start3A] : memref<4x128xf32, #tpu.memory_space<vmem>> -> memref<1x128xf32, #tpu.memory_space<vmem>>
      %dma_start3A_877 = tpu.memref_squeeze %dma_start3A_876 : memref<1x128xf32, #tpu.memory_space<vmem>> -> memref<128xf32, #tpu.memory_space<vmem>>
      %dma_start3A_878 = arith.constant 0 : i32
      %dma_start3A_879 = tpu.memref_slice %arg7[%run_scoped3A_865, %dma_start3A_878] : memref<4x128xi32, #tpu.memory_space<vmem>> -> memref<1x128xi32, #tpu.memory_space<vmem>>
      %dma_start3A_880 = tpu.memref_squeeze %dma_start3A_879 : memref<1x128xi32, #tpu.memory_space<vmem>> -> memref<128xi32, #tpu.memory_space<vmem>>
      %dma_start3A_881 = arith.constant 0 : i32
      %dma_start3A_882 = tpu.memref_slice %arg9[%dma_start3A_881] : memref<4096xf32, #tpu.memory_space<vmem_shared>> -> memref<4096xf32, #tpu.memory_space<vmem_shared>>
      tpu.enqueue_indirect_dma source(%dma_start3A_877 : memref<128xf32, #tpu.memory_space<vmem>>) target(%dma_start3A_882 : memref<4096xf32, #tpu.memory_space<vmem_shared>>) offsets(%dma_start3A_880 : memref<128xi32, #tpu.memory_space<vmem>>) semaphore(%run_scoped3A_875 : memref<!tpu.dma_semaphore, #tpu.memory_space<semaphore_mem>>) {add = true}
      %dma_wait3A = arith.constant 0 : i32
      %dma_wait3A_883 = tpu.memref_slice %arg8[%run_scoped3A_864, %dma_wait3A] : memref<4x128xf32, #tpu.memory_space<vmem>> -> memref<1x128xf32, #tpu.memory_space<vmem>>
      %dma_wait3A_884 = tpu.memref_squeeze %dma_wait3A_883 : memref<1x128xf32, #tpu.memory_space<vmem>> -> memref<128xf32, #tpu.memory_space<vmem>>
      %dma_wait3A_885 = arith.constant 0 : i32
      %dma_wait3A_886 = tpu.memref_slice %arg7[%run_scoped3A_865, %dma_wait3A_885] : memref<4x128xi32, #tpu.memory_space<vmem>> -> memref<1x128xi32, #tpu.memory_space<vmem>>
      %dma_wait3A_887 = tpu.memref_squeeze %dma_wait3A_886 : memref<1x128xi32, #tpu.memory_space<vmem>> -> memref<128xi32, #tpu.memory_space<vmem>>
      %dma_wait3A_888 = arith.constant 0 : i32
      %dma_wait3A_889 = tpu.memref_slice %arg9[%dma_wait3A_888] : memref<4096xf32, #tpu.memory_space<vmem_shared>> -> memref<4096xf32, #tpu.memory_space<vmem_shared>>
      tpu.wait_indirect_dma semaphore(%run_scoped3A_875 : memref<!tpu.dma_semaphore, #tpu.memory_space<semaphore_mem>>) src(%dma_wait3A_884 : memref<128xf32, #tpu.memory_space<vmem>>) dst(%dma_wait3A_889 : memref<4096xf32, #tpu.memory_space<vmem_shared>>)
      tpu.yield
    }) : () -> ()
    %run_scoped3A_866 = arith.constant 1 : i32
    %run_scoped3A_867 = arith.constant 1 : i32
    "tpu.region"() ({
      %run_scoped3A_875 = tpu.sem_alloc : memref<!tpu.dma_semaphore, #tpu.memory_space<semaphore_mem>>
      %dma_start3A = arith.constant 0 : i32
      %dma_start3A_876 = tpu.memref_slice %arg8[%run_scoped3A_866, %dma_start3A] : memref<4x128xf32, #tpu.memory_space<vmem>> -> memref<1x128xf32, #tpu.memory_space<vmem>>
      %dma_start3A_877 = tpu.memref_squeeze %dma_start3A_876 : memref<1x128xf32, #tpu.memory_space<vmem>> -> memref<128xf32, #tpu.memory_space<vmem>>
      %dma_start3A_878 = arith.constant 0 : i32
      %dma_start3A_879 = tpu.memref_slice %arg7[%run_scoped3A_867, %dma_start3A_878] : memref<4x128xi32, #tpu.memory_space<vmem>> -> memref<1x128xi32, #tpu.memory_space<vmem>>
      %dma_start3A_880 = tpu.memref_squeeze %dma_start3A_879 : memref<1x128xi32, #tpu.memory_space<vmem>> -> memref<128xi32, #tpu.memory_space<vmem>>
      %dma_start3A_881 = arith.constant 0 : i32
      %dma_start3A_882 = tpu.memref_slice %arg9[%dma_start3A_881] : memref<4096xf32, #tpu.memory_space<vmem_shared>> -> memref<4096xf32, #tpu.memory_space<vmem_shared>>
      tpu.enqueue_indirect_dma source(%dma_start3A_877 : memref<128xf32, #tpu.memory_space<vmem>>) target(%dma_start3A_882 : memref<4096xf32, #tpu.memory_space<vmem_shared>>) offsets(%dma_start3A_880 : memref<128xi32, #tpu.memory_space<vmem>>) semaphore(%run_scoped3A_875 : memref<!tpu.dma_semaphore, #tpu.memory_space<semaphore_mem>>) {add = true}
      %dma_wait3A = arith.constant 0 : i32
      %dma_wait3A_883 = tpu.memref_slice %arg8[%run_scoped3A_866, %dma_wait3A] : memref<4x128xf32, #tpu.memory_space<vmem>> -> memref<1x128xf32, #tpu.memory_space<vmem>>
      %dma_wait3A_884 = tpu.memref_squeeze %dma_wait3A_883 : memref<1x128xf32, #tpu.memory_space<vmem>> -> memref<128xf32, #tpu.memory_space<vmem>>
      %dma_wait3A_885 = arith.constant 0 : i32
      %dma_wait3A_886 = tpu.memref_slice %arg7[%run_scoped3A_867, %dma_wait3A_885] : memref<4x128xi32, #tpu.memory_space<vmem>> -> memref<1x128xi32, #tpu.memory_space<vmem>>
      %dma_wait3A_887 = tpu.memref_squeeze %dma_wait3A_886 : memref<1x128xi32, #tpu.memory_space<vmem>> -> memref<128xi32, #tpu.memory_space<vmem>>
      %dma_wait3A_888 = arith.constant 0 : i32
      %dma_wait3A_889 = tpu.memref_slice %arg9[%dma_wait3A_888] : memref<4096xf32, #tpu.memory_space<vmem_shared>> -> memref<4096xf32, #tpu.memory_space<vmem_shared>>
      tpu.wait_indirect_dma semaphore(%run_scoped3A_875 : memref<!tpu.dma_semaphore, #tpu.memory_space<semaphore_mem>>) src(%dma_wait3A_884 : memref<128xf32, #tpu.memory_space<vmem>>) dst(%dma_wait3A_889 : memref<4096xf32, #tpu.memory_space<vmem_shared>>)
      tpu.yield
    }) : () -> ()
    %run_scoped3A_868 = arith.constant 2 : i32
    %run_scoped3A_869 = arith.constant 2 : i32
    "tpu.region"() ({
      %run_scoped3A_875 = tpu.sem_alloc : memref<!tpu.dma_semaphore, #tpu.memory_space<semaphore_mem>>
      %dma_start3A = arith.constant 0 : i32
      %dma_start3A_876 = tpu.memref_slice %arg8[%run_scoped3A_868, %dma_start3A] : memref<4x128xf32, #tpu.memory_space<vmem>> -> memref<1x128xf32, #tpu.memory_space<vmem>>
      %dma_start3A_877 = tpu.memref_squeeze %dma_start3A_876 : memref<1x128xf32, #tpu.memory_space<vmem>> -> memref<128xf32, #tpu.memory_space<vmem>>
      %dma_start3A_878 = arith.constant 0 : i32
      %dma_start3A_879 = tpu.memref_slice %arg7[%run_scoped3A_869, %dma_start3A_878] : memref<4x128xi32, #tpu.memory_space<vmem>> -> memref<1x128xi32, #tpu.memory_space<vmem>>
      %dma_start3A_880 = tpu.memref_squeeze %dma_start3A_879 : memref<1x128xi32, #tpu.memory_space<vmem>> -> memref<128xi32, #tpu.memory_space<vmem>>
      %dma_start3A_881 = arith.constant 0 : i32
      %dma_start3A_882 = tpu.memref_slice %arg9[%dma_start3A_881] : memref<4096xf32, #tpu.memory_space<vmem_shared>> -> memref<4096xf32, #tpu.memory_space<vmem_shared>>
      tpu.enqueue_indirect_dma source(%dma_start3A_877 : memref<128xf32, #tpu.memory_space<vmem>>) target(%dma_start3A_882 : memref<4096xf32, #tpu.memory_space<vmem_shared>>) offsets(%dma_start3A_880 : memref<128xi32, #tpu.memory_space<vmem>>) semaphore(%run_scoped3A_875 : memref<!tpu.dma_semaphore, #tpu.memory_space<semaphore_mem>>) {add = true}
      %dma_wait3A = arith.constant 0 : i32
      %dma_wait3A_883 = tpu.memref_slice %arg8[%run_scoped3A_868, %dma_wait3A] : memref<4x128xf32, #tpu.memory_space<vmem>> -> memref<1x128xf32, #tpu.memory_space<vmem>>
      %dma_wait3A_884 = tpu.memref_squeeze %dma_wait3A_883 : memref<1x128xf32, #tpu.memory_space<vmem>> -> memref<128xf32, #tpu.memory_space<vmem>>
      %dma_wait3A_885 = arith.constant 0 : i32
      %dma_wait3A_886 = tpu.memref_slice %arg7[%run_scoped3A_869, %dma_wait3A_885] : memref<4x128xi32, #tpu.memory_space<vmem>> -> memref<1x128xi32, #tpu.memory_space<vmem>>
      %dma_wait3A_887 = tpu.memref_squeeze %dma_wait3A_886 : memref<1x128xi32, #tpu.memory_space<vmem>> -> memref<128xi32, #tpu.memory_space<vmem>>
      %dma_wait3A_888 = arith.constant 0 : i32
      %dma_wait3A_889 = tpu.memref_slice %arg9[%dma_wait3A_888] : memref<4096xf32, #tpu.memory_space<vmem_shared>> -> memref<4096xf32, #tpu.memory_space<vmem_shared>>
      tpu.wait_indirect_dma semaphore(%run_scoped3A_875 : memref<!tpu.dma_semaphore, #tpu.memory_space<semaphore_mem>>) src(%dma_wait3A_884 : memref<128xf32, #tpu.memory_space<vmem>>) dst(%dma_wait3A_889 : memref<4096xf32, #tpu.memory_space<vmem_shared>>)
      tpu.yield
    }) : () -> ()
    %run_scoped3A_870 = arith.constant 3 : i32
    %run_scoped3A_871 = arith.constant 3 : i32
    "tpu.region"() ({
      %run_scoped3A_875 = tpu.sem_alloc : memref<!tpu.dma_semaphore, #tpu.memory_space<semaphore_mem>>
      %dma_start3A = arith.constant 0 : i32
      %dma_start3A_876 = tpu.memref_slice %arg8[%run_scoped3A_870, %dma_start3A] : memref<4x128xf32, #tpu.memory_space<vmem>> -> memref<1x128xf32, #tpu.memory_space<vmem>>
      %dma_start3A_877 = tpu.memref_squeeze %dma_start3A_876 : memref<1x128xf32, #tpu.memory_space<vmem>> -> memref<128xf32, #tpu.memory_space<vmem>>
      %dma_start3A_878 = arith.constant 0 : i32
      %dma_start3A_879 = tpu.memref_slice %arg7[%run_scoped3A_871, %dma_start3A_878] : memref<4x128xi32, #tpu.memory_space<vmem>> -> memref<1x128xi32, #tpu.memory_space<vmem>>
      %dma_start3A_880 = tpu.memref_squeeze %dma_start3A_879 : memref<1x128xi32, #tpu.memory_space<vmem>> -> memref<128xi32, #tpu.memory_space<vmem>>
      %dma_start3A_881 = arith.constant 0 : i32
      %dma_start3A_882 = tpu.memref_slice %arg9[%dma_start3A_881] : memref<4096xf32, #tpu.memory_space<vmem_shared>> -> memref<4096xf32, #tpu.memory_space<vmem_shared>>
      tpu.enqueue_indirect_dma source(%dma_start3A_877 : memref<128xf32, #tpu.memory_space<vmem>>) target(%dma_start3A_882 : memref<4096xf32, #tpu.memory_space<vmem_shared>>) offsets(%dma_start3A_880 : memref<128xi32, #tpu.memory_space<vmem>>) semaphore(%run_scoped3A_875 : memref<!tpu.dma_semaphore, #tpu.memory_space<semaphore_mem>>) {add = true}
      %dma_wait3A = arith.constant 0 : i32
      %dma_wait3A_883 = tpu.memref_slice %arg8[%run_scoped3A_870, %dma_wait3A] : memref<4x128xf32, #tpu.memory_space<vmem>> -> memref<1x128xf32, #tpu.memory_space<vmem>>
      %dma_wait3A_884 = tpu.memref_squeeze %dma_wait3A_883 : memref<1x128xf32, #tpu.memory_space<vmem>> -> memref<128xf32, #tpu.memory_space<vmem>>
      %dma_wait3A_885 = arith.constant 0 : i32
      %dma_wait3A_886 = tpu.memref_slice %arg7[%run_scoped3A_871, %dma_wait3A_885] : memref<4x128xi32, #tpu.memory_space<vmem>> -> memref<1x128xi32, #tpu.memory_space<vmem>>
      %dma_wait3A_887 = tpu.memref_squeeze %dma_wait3A_886 : memref<1x128xi32, #tpu.memory_space<vmem>> -> memref<128xi32, #tpu.memory_space<vmem>>
      %dma_wait3A_888 = arith.constant 0 : i32
      %dma_wait3A_889 = tpu.memref_slice %arg9[%dma_wait3A_888] : memref<4096xf32, #tpu.memory_space<vmem_shared>> -> memref<4096xf32, #tpu.memory_space<vmem_shared>>
      tpu.wait_indirect_dma semaphore(%run_scoped3A_875 : memref<!tpu.dma_semaphore, #tpu.memory_space<semaphore_mem>>) src(%dma_wait3A_884 : memref<128xf32, #tpu.memory_space<vmem>>) dst(%dma_wait3A_889 : memref<4096xf32, #tpu.memory_space<vmem_shared>>)
      tpu.yield
    }) : () -> ()
    %barrier3A_872 = arith.constant 0 : index
    tpu.barrier barrier_id(%barrier3A_872)
    %eq3A = arith.constant 0 : i32
    %eq3A_873 = arith.cmpi eq, %arg1, %eq3A : i32
    %convert_element_type3A = arith.extui %eq3A_873 : i1 to i32
    %cond3A = arith.constant 0 : i32
    %cond3A_874 = arith.cmpi ne, %convert_element_type3A, %cond3A : i32
    scf.if %cond3A_874 {
      "tpu.region"() ({
        %run_scoped3A_875 = tpu.sem_alloc : memref<!tpu.dma_semaphore, #tpu.memory_space<semaphore_mem>>
        tpu.enqueue_dma source(%arg9 : memref<4096xf32, #tpu.memory_space<vmem_shared>>) target(%arg3 : memref<4096xf32, #tpu.memory_space<hbm>>) target_semaphore(%run_scoped3A_875 : memref<!tpu.dma_semaphore, #tpu.memory_space<semaphore_mem>>)
        tpu.wait_dma2 semaphore(%run_scoped3A_875 : memref<!tpu.dma_semaphore, #tpu.memory_space<semaphore_mem>>) src(%arg9 : memref<4096xf32, #tpu.memory_space<vmem_shared>>) dst(%arg3 : memref<4096xf32, #tpu.memory_space<hbm>>)
        tpu.yield
      }) : () -> ()
    } else {
    }
    return
  }
}

module attributes {stable_mosaic.version = 14 : i64} {
  func.func @_tc_body(%arg0: i32, %arg1: memref<1x64x64xf32, #tpu.memory_space<vmem>>, %arg2: memref<16x64x512xf32, #tpu.memory_space<vmem>>, %arg3: memref<512x512xf32, #tpu.memory_space<vmem>>, %arg4: memref<2x512xf32, #tpu.memory_space<vmem>>, %arg5: memref<256x16x512xf32, #tpu.memory_space<vmem>>, %arg6: memref<8x128xf32, #tpu.memory_space<vmem>>, %arg7: memref<64x16x512xf32, #tpu.memory_space<vmem>>, %arg8: memref<4xf32, #tpu.memory_space<smem>>) attributes {dimension_semantics = [#tpu.dimension_semantics<arbitrary>], iteration_bounds = array<i64: 8>, scalar_prefetch = 0 : i64, scratch_operands = 2 : i64, tpu.core_type = #tpu.core_type<tc>, window_params = [{pipeline_mode = #tpu.pipeline_mode<synchronous>, transform_indices = @transform_0, window_bounds = array<i64: 1, 64, 64>}, {transform_indices = @transform_1, window_bounds = array<i64: 16, 64, 512>}, {pipeline_mode = #tpu.pipeline_mode<synchronous>, transform_indices = @transform_2, window_bounds = array<i64: 512, 512>}, {pipeline_mode = #tpu.pipeline_mode<synchronous>, transform_indices = @transform_3, window_bounds = array<i64: 2, 512>}, {transform_indices = @transform_4, window_bounds = array<i64: 256, 16, 512>}, {pipeline_mode = #tpu.pipeline_mode<synchronous>, transform_indices = @transform_5, window_bounds = array<i64: 8, 128>}]} {
    %eq3A = arith.constant 0 : i32
    %eq3A_0 = arith.cmpi eq, %arg0, %eq3A : i32
    %convert_element_type3A = arith.extui %eq3A_0 : i1 to i32
    %cond3A = arith.constant 0 : i32
    %cond3A_1 = arith.cmpi ne, %convert_element_type3A, %cond3A : i32
    scf.if %cond3A_1 {
      %swap3A = arith.constant 0.000000e+00 : f32
      %swap3A_91 = arith.constant 0 : index
      %swap3A_92 = memref.load %arg8[%swap3A_91] : memref<4xf32, #tpu.memory_space<smem>>
      memref.store %swap3A, %arg8[%swap3A_91] : memref<4xf32, #tpu.memory_space<smem>>
      %swap3A_93 = arith.constant 0.000000e+00 : f32
      %swap3A_94 = arith.constant 1 : index
      %swap3A_95 = memref.load %arg8[%swap3A_94] : memref<4xf32, #tpu.memory_space<smem>>
      memref.store %swap3A_93, %arg8[%swap3A_94] : memref<4xf32, #tpu.memory_space<smem>>
      %swap3A_96 = arith.constant 0.000000e+00 : f32
      %swap3A_97 = arith.constant 2 : index
      %swap3A_98 = memref.load %arg8[%swap3A_97] : memref<4xf32, #tpu.memory_space<smem>>
      memref.store %swap3A_96, %arg8[%swap3A_97] : memref<4xf32, #tpu.memory_space<smem>>
    } else {
    }
    %eq3A_2 = arith.constant 0 : i32
    %eq3A_3 = arith.cmpi eq, %arg0, %eq3A_2 : i32
    %convert_element_type3A_4 = arith.extui %eq3A_3 : i1 to i32
    %cond3A_5 = arith.constant 0 : i32
    %cond3A_6 = arith.cmpi ne, %convert_element_type3A_4, %cond3A_5 : i32
    scf.if %cond3A_6 {
      %get3A = arith.constant 0 : index
      %get3A_91 = arith.constant 0 : index
      %get3A_92 = arith.constant 0 : index
      %get3A_93 = vector.load %arg1[%get3A, %get3A_91, %get3A_92] : memref<1x64x64xf32, #tpu.memory_space<vmem>>, vector<1x64x64xf32>
      %get3A_94 = vector.shape_cast %get3A_93 : vector<1x64x64xf32> to vector<64x64xf32>
      %add3A = arith.constant 0.000000e+00 : f32
      %add3A_95 = vector.broadcast %add3A : f32 to vector<64x64xf32>
      %add3A_96 = arith.addf %add3A_95, %get3A_94 : vector<64x64xf32>
      %iota3A = tpu.iota {dimensions = array<i32: 0>} : vector<64x64xi32>
      %iota3A_97 = tpu.iota {dimensions = array<i32: 1>} : vector<64x64xi32>
      %eq3A_98 = arith.cmpi eq, %iota3A, %iota3A_97 : vector<64x64xi32>
      %convert_element_type3A_99 = arith.extui %eq3A_98 : vector<64x64xi1> to vector<64x64xi32>
      %convert_element_type3A_100 = arith.sitofp %convert_element_type3A_99 : vector<64x64xi32> to vector<64x64xf32>
      %reduce_sum3A = arith.constant dense<0.000000e+00> : vector<64xf32>
      %reduce_sum3A_101 = vector.multi_reduction <add>, %add3A_96, %reduce_sum3A [1] : vector<64x64xf32> to vector<64xf32>
      %broadcast_in_dim3A = vector.shape_cast %reduce_sum3A_101 : vector<64xf32> to vector<64x1xf32>
      %reduce_sum3A_102 = arith.constant dense<0.000000e+00> : vector<64xf32>
      %reduce_sum3A_103 = vector.multi_reduction <add>, %add3A_96, %reduce_sum3A_102 [0] : vector<64x64xf32> to vector<64xf32>
      %broadcast_in_dim3A_104 = vector.shape_cast %reduce_sum3A_103 : vector<64xf32> to vector<1x64xf32>
      %dot_general3A = arith.constant dense<0.000000e+00> : vector<64x1xf32>
      %dot_general3A_105 = tpu.matmul %convert_element_type3A_100, %broadcast_in_dim3A_104, %dot_general3A {dimension_numbers = #tpu.dot_dimension_numbers<[1], [1], [0], [0], [0, 0, 1, 0], [], []>, precision = #tpu.contract_precision<fp32>, transpose_lhs_hint = false} : vector<64x64xf32>, vector<1x64xf32>, vector<64x1xf32> -> vector<64x1xf32>
      %gt3A = arith.constant 0.000000e+00 : f32
      %gt3A_106 = vector.broadcast %gt3A : f32 to vector<64x1xf32>
      %gt3A_107 = arith.cmpf ogt, %dot_general3A_105, %gt3A_106 : vector<64x1xf32>
      %gt3A_108 = arith.constant 0.000000e+00 : f32
      %gt3A_109 = vector.broadcast %gt3A_108 : f32 to vector<64x1xf32>
      %gt3A_110 = arith.cmpf ogt, %dot_general3A_105, %gt3A_109 : vector<64x1xf32>
      %jit3A = arith.constant 1.000000e+00 : f32
      %broadcast_in_dim3A_111 = vector.broadcast %jit3A : f32 to vector<64x1xf32>
      %select_n3A = arith.select %gt3A_110, %dot_general3A_105, %broadcast_in_dim3A_111 : vector<64x1xi1>, vector<64x1xf32>
      %div3A = arith.constant 1.000000e+00 : f32
      %div3A_112 = vector.broadcast %div3A : f32 to vector<64x1xf32>
      %div3A_113 = arith.divf %div3A_112, %select_n3A : vector<64x1xf32>
      %jit3A_114 = arith.constant 0.000000e+00 : f32
      %broadcast_in_dim3A_115 = vector.broadcast %jit3A_114 : f32 to vector<64x1xf32>
      %select_n3A_116 = arith.select %gt3A_107, %div3A_113, %broadcast_in_dim3A_115 : vector<64x1xi1>, vector<64x1xf32>
      %iota3A_117 = tpu.iota {dimensions = array<i32: 1>} : vector<1x64xi32>
      %convert_element_type3A_118 = arith.sitofp %iota3A_117 : vector<1x64xi32> to vector<1x64xf32>
      %gt3A_119 = arith.constant 0.000000e+00 : f32
      %gt3A_120 = vector.broadcast %gt3A_119 : f32 to vector<1x64xf32>
      %gt3A_121 = arith.cmpf ogt, %broadcast_in_dim3A_104, %gt3A_120 : vector<1x64xf32>
      %add3A_122 = arith.constant 1.000000e+00 : f32
      %add3A_123 = vector.broadcast %add3A_122 : f32 to vector<1x64xf32>
      %add3A_124 = arith.addf %convert_element_type3A_118, %add3A_123 : vector<1x64xf32>
      %jit3A_125 = arith.constant 0.000000e+00 : f32
      %broadcast_in_dim3A_126 = vector.broadcast %jit3A_125 : f32 to vector<1x64xf32>
      %select_n3A_127 = arith.select %gt3A_121, %add3A_124, %broadcast_in_dim3A_126 : vector<1x64xi1>, vector<1x64xf32>
      %reduce_max3A = vector.shape_cast %select_n3A_127 : vector<1x64xf32> to vector<1x1x64xf32>
      %reduce_max3A_128 = arith.constant dense<0xFF800000> : vector<1xf32>
      %reduce_max3A_129 = vector.multi_reduction <maximumf>, %reduce_max3A, %reduce_max3A_128 [1, 2] : vector<1x1x64xf32> to vector<1xf32>
      %reduce_max3A_130 = vector.shape_cast %reduce_max3A_129 : vector<1xf32> to vector<1x1x1xf32>
      %reduce_max3A_131 = vector.extract %reduce_max3A_130[0, 0, 0] : f32 from vector<1x1x1xf32>
      %lt3A_132 = vector.broadcast %reduce_max3A_131 : f32 to vector<1x64xf32>
      %lt3A_133 = arith.cmpf olt, %convert_element_type3A_118, %lt3A_132 : vector<1x64xf32>
      %convert_element_type3A_134 = arith.extui %lt3A_133 : vector<1x64xi1> to vector<1x64xi32>
      %convert_element_type3A_135 = arith.sitofp %convert_element_type3A_134 : vector<1x64xi32> to vector<1x64xf32>
      %dot_general3A_136 = arith.constant dense<0.000000e+00> : vector<64x1xf32>
      %dot_general3A_137 = tpu.matmul %convert_element_type3A_100, %convert_element_type3A_135, %dot_general3A_136 {dimension_numbers = #tpu.dot_dimension_numbers<[1], [1], [0], [0], [0, 0, 1, 0], [], []>, precision = #tpu.contract_precision<fp32>, transpose_lhs_hint = false} : vector<64x64xf32>, vector<1x64xf32>, vector<64x1xf32> -> vector<64x1xf32>
      %mul3A = vector.broadcast %dot_general3A_137 : vector<64x1xf32> to vector<64x64xf32>
      %mul3A_138 = vector.broadcast %convert_element_type3A_135 : vector<1x64xf32> to vector<64x64xf32>
      %mul3A_139 = arith.mulf %mul3A, %mul3A_138 : vector<64x64xf32>
      %get3A_140 = arith.constant 0 : index
      %get3A_141 = arith.constant 0 : index
      %get3A_142 = vector.load %arg4[%get3A_140, %get3A_141] : memref<2x512xf32, #tpu.memory_space<vmem>>, vector<1x512xf32>
      %get3A_143 = arith.constant 1 : index
      %get3A_144 = arith.constant 0 : index
      %get3A_145 = vector.load %arg4[%get3A_143, %get3A_144] : memref<2x512xf32, #tpu.memory_space<vmem>>, vector<1x512xf32>
      %gt3A_146 = arith.constant 0.000000e+00 : f32
      %gt3A_147 = vector.broadcast %gt3A_146 : f32 to vector<64x64xf32>
      %gt3A_148 = arith.cmpf ogt, %add3A_96, %gt3A_147 : vector<64x64xf32>
      %get3A_149 = arith.constant 0 : index
      %get3A_150 = arith.constant 0 : index
      %get3A_151 = arith.constant 0 : index
      %get3A_152 = vector.load %arg2[%get3A_149, %get3A_150, %get3A_151] : memref<16x64x512xf32, #tpu.memory_space<vmem>>, vector<1x64x512xf32>
      %get3A_153 = vector.shape_cast %get3A_152 : vector<1x64x512xf32> to vector<64x512xf32>
      %get3A_154 = arith.constant 0 : index
      %get3A_155 = arith.constant 0 : index
      %get3A_156 = vector.load %arg3[%get3A_154, %get3A_155] : memref<512x512xf32, #tpu.memory_space<vmem>>, vector<512x512xf32>
      %dot_general3A_157 = arith.constant dense<0.000000e+00> : vector<64x512xf32>
      %dot_general3A_158 = tpu.matmul %get3A_153, %get3A_156, %dot_general3A_157 {dimension_numbers = #tpu.dot_dimension_numbers<[1], [0], [0], [1], [0, 0, 1, 1], [], []>, transpose_lhs_hint = false} : vector<64x512xf32>, vector<512x512xf32>, vector<64x512xf32> -> vector<64x512xf32>
      %dot_general3A_159 = arith.constant dense<0.000000e+00> : vector<64x512xf32>
      %dot_general3A_160 = tpu.matmul %add3A_96, %dot_general3A_158, %dot_general3A_159 {dimension_numbers = #tpu.dot_dimension_numbers<[0], [0], [1], [1], [0, 1, 1, 1], [], []>, precision = #tpu.contract_precision<fp32>, transpose_lhs_hint = false} : vector<64x64xf32>, vector<64x512xf32>, vector<64x512xf32> -> vector<64x512xf32>
      %dot_general3A_161 = arith.constant dense<0.000000e+00> : vector<64x1xf32>
      %dot_general3A_162 = tpu.matmul %dot_general3A_158, %get3A_142, %dot_general3A_161 {dimension_numbers = #tpu.dot_dimension_numbers<[1], [1], [0], [0], [0, 0, 1, 0], [], []>, precision = #tpu.contract_precision<fp32>, transpose_lhs_hint = false} : vector<64x512xf32>, vector<1x512xf32>, vector<64x1xf32> -> vector<64x1xf32>
      %dot_general3A_163 = arith.constant dense<0.000000e+00> : vector<1x64xf32>
      %dot_general3A_164 = tpu.matmul %get3A_145, %dot_general3A_160, %dot_general3A_163 {dimension_numbers = #tpu.dot_dimension_numbers<[1], [1], [0], [0], [0, 0, 1, 0], [], []>, precision = #tpu.contract_precision<fp32>, transpose_lhs_hint = false} : vector<1x512xf32>, vector<64x512xf32>, vector<1x64xf32> -> vector<1x64xf32>
      %add3A_165 = vector.broadcast %dot_general3A_162 : vector<64x1xf32> to vector<64x64xf32>
      %add3A_166 = vector.broadcast %dot_general3A_164 : vector<1x64xf32> to vector<64x64xf32>
      %add3A_167 = arith.addf %add3A_165, %add3A_166 : vector<64x64xf32>
      %gt3A_168 = arith.constant 0.000000e+00 : f32
      %gt3A_169 = vector.broadcast %gt3A_168 : f32 to vector<64x64xf32>
      %gt3A_170 = arith.cmpf ogt, %add3A_167, %gt3A_169 : vector<64x64xf32>
      %mul3A_171 = arith.constant 2.000000e-01 : f32
      %mul3A_172 = vector.broadcast %mul3A_171 : f32 to vector<64x64xf32>
      %mul3A_173 = arith.mulf %mul3A_172, %add3A_167 : vector<64x64xf32>
      %select_n3A_174 = arith.select %gt3A_170, %add3A_167, %mul3A_173 : vector<64x64xi1>, vector<64x64xf32>
      %jit3A_175 = arith.constant -3.000000e+38 : f32
      %broadcast_in_dim3A_176 = vector.broadcast %jit3A_175 : f32 to vector<64x64xf32>
      %select_n3A_177 = arith.select %gt3A_148, %select_n3A_174, %broadcast_in_dim3A_176 : vector<64x64xi1>, vector<64x64xf32>
      %reduce_max3A_178 = arith.constant dense<0xFF800000> : vector<64xf32>
      %reduce_max3A_179 = vector.multi_reduction <maximumf>, %select_n3A_177, %reduce_max3A_178 [1] : vector<64x64xf32> to vector<64xf32>
      %broadcast_in_dim3A_180 = vector.shape_cast %reduce_max3A_179 : vector<64xf32> to vector<64x1xf32>
      %sub3A = vector.broadcast %broadcast_in_dim3A_180 : vector<64x1xf32> to vector<64x64xf32>
      %sub3A_181 = arith.subf %select_n3A_174, %sub3A : vector<64x64xf32>
      %jit3A_182 = arith.constant -3.000000e+38 : f32
      %broadcast_in_dim3A_183 = vector.broadcast %jit3A_182 : f32 to vector<64x64xf32>
      %select_n3A_184 = arith.select %gt3A_148, %sub3A_181, %broadcast_in_dim3A_183 : vector<64x64xi1>, vector<64x64xf32>
      %exp3A = math.exp %select_n3A_184 : vector<64x64xf32>
      %mul3A_185 = arith.mulf %add3A_96, %exp3A : vector<64x64xf32>
      %reduce_sum3A_186 = arith.constant dense<0.000000e+00> : vector<64xf32>
      %reduce_sum3A_187 = vector.multi_reduction <add>, %mul3A_185, %reduce_sum3A_186 [1] : vector<64x64xf32> to vector<64xf32>
      %broadcast_in_dim3A_188 = vector.shape_cast %reduce_sum3A_187 : vector<64xf32> to vector<64x1xf32>
      %mul3A_189 = arith.mulf %add3A_96, %exp3A : vector<64x64xf32>
      %add3A_190 = arith.constant 1.000000e-16 : f32
      %add3A_191 = vector.broadcast %add3A_190 : f32 to vector<64x1xf32>
      %add3A_192 = arith.addf %broadcast_in_dim3A_188, %add3A_191 : vector<64x1xf32>
      %div3A_193 = vector.broadcast %add3A_192 : vector<64x1xf32> to vector<64x64xf32>
      %div3A_194 = arith.divf %mul3A_189, %div3A_193 : vector<64x64xf32>
      %dot_general3A_195 = arith.constant dense<0.000000e+00> : vector<64x512xf32>
      %dot_general3A_196 = tpu.matmul %div3A_194, %dot_general3A_158, %dot_general3A_195 {dimension_numbers = #tpu.dot_dimension_numbers<[0], [0], [1], [1], [0, 1, 1, 1], [], []>, precision = #tpu.contract_precision<fp32>, transpose_lhs_hint = false} : vector<64x64xf32>, vector<64x512xf32>, vector<64x512xf32> -> vector<64x512xf32>
      %mul3A_197 = vector.broadcast %select_n3A_116 : vector<64x1xf32> to vector<64x512xf32>
      %mul3A_198 = arith.mulf %mul3A_197, %dot_general3A_196 : vector<64x512xf32>
      %dot_general3A_199 = arith.constant dense<0.000000e+00> : vector<64x512xf32>
      %dot_general3A_200 = tpu.matmul %div3A_194, %mul3A_198, %dot_general3A_199 {dimension_numbers = #tpu.dot_dimension_numbers<[1], [0], [0], [1], [0, 0, 1, 1], [], []>, precision = #tpu.contract_precision<fp32>, transpose_lhs_hint = false} : vector<64x64xf32>, vector<64x512xf32>, vector<64x512xf32> -> vector<64x512xf32>
      %mul3A_201 = vector.broadcast %broadcast_in_dim3A : vector<64x1xf32> to vector<64x512xf32>
      %mul3A_202 = arith.mulf %mul3A_201, %dot_general3A_200 : vector<64x512xf32>
      %swap3A = arith.constant 0 : index
      %swap3A_203 = arith.constant 0 : index
      %swap3A_204 = arith.constant 0 : index
      %swap3A_205 = vector.load %arg7[%swap3A, %swap3A_203, %swap3A_204] : memref<64x16x512xf32, #tpu.memory_space<vmem>>, vector<64x1x512xf32>
      %swap3A_206 = vector.shape_cast %swap3A_205 : vector<64x1x512xf32> to vector<64x512xf32>
      %swap3A_207 = vector.shape_cast %mul3A_202 : vector<64x512xf32> to vector<64x1x512xf32>
      tpu.vector_store %arg7[%swap3A, %swap3A_203, %swap3A_204], %swap3A_207 {strides = array<i32>} : memref<64x16x512xf32, #tpu.memory_space<vmem>>, vector<64x1x512xf32>,
      %reduce_sum3A_208 = arith.constant dense<0.000000e+00> : vector<64xf32>
      %reduce_sum3A_209 = vector.multi_reduction <add>, %dot_general3A_158, %reduce_sum3A_208 [1] : vector<64x512xf32> to vector<64xf32>
      %broadcast_in_dim3A_210 = vector.shape_cast %reduce_sum3A_209 : vector<64xf32> to vector<64x1xf32>
      %mul3A_211 = arith.mulf %broadcast_in_dim3A, %broadcast_in_dim3A_210 : vector<64x1xf32>
      %reduce_sum3A_212 = vector.shape_cast %mul3A_211 : vector<64x1xf32> to vector<1x64x1xf32>
      %reduce_sum3A_213 = arith.constant dense<0.000000e+00> : vector<1xf32>
      %reduce_sum3A_214 = vector.multi_reduction <add>, %reduce_sum3A_212, %reduce_sum3A_213 [1, 2] : vector<1x64x1xf32> to vector<1xf32>
      %reduce_sum3A_215 = vector.shape_cast %reduce_sum3A_214 : vector<1xf32> to vector<1x1x1xf32>
      %reduce_sum3A_216 = vector.extract %reduce_sum3A_215[0, 0, 0] : f32 from vector<1x1x1xf32>
      %reduce_sum3A_217 = arith.constant dense<0.000000e+00> : vector<64xf32>
      %reduce_sum3A_218 = vector.multi_reduction <add>, %dot_general3A_160, %reduce_sum3A_217 [1] : vector<64x512xf32> to vector<64xf32>
      %broadcast_in_dim3A_219 = vector.shape_cast %reduce_sum3A_218 : vector<64xf32> to vector<64x1xf32>
      %mul3A_220 = arith.mulf %dot_general3A_105, %broadcast_in_dim3A_219 : vector<64x1xf32>
      %reduce_sum3A_221 = vector.shape_cast %mul3A_220 : vector<64x1xf32> to vector<1x64x1xf32>
      %reduce_sum3A_222 = arith.constant dense<0.000000e+00> : vector<1xf32>
      %reduce_sum3A_223 = vector.multi_reduction <add>, %reduce_sum3A_221, %reduce_sum3A_222 [1, 2] : vector<1x64x1xf32> to vector<1xf32>
      %reduce_sum3A_224 = vector.shape_cast %reduce_sum3A_223 : vector<1xf32> to vector<1x1x1xf32>
      %reduce_sum3A_225 = vector.extract %reduce_sum3A_224[0, 0, 0] : f32 from vector<1x1x1xf32>
      %dot_general3A_226 = arith.constant dense<0.000000e+00> : vector<64x64xf32>
      %dot_general3A_227 = tpu.matmul %dot_general3A_160, %dot_general3A_160, %dot_general3A_226 {dimension_numbers = #tpu.dot_dimension_numbers<[1], [1], [0], [0], [0, 0, 1, 0], [], []>, precision = #tpu.contract_precision<fp32>, transpose_lhs_hint = false} : vector<64x512xf32>, vector<64x512xf32>, vector<64x64xf32> -> vector<64x64xf32>
      %mul3A_228 = arith.mulf %dot_general3A_160, %dot_general3A_160 : vector<64x512xf32>
      %reduce_sum3A_229 = arith.constant dense<0.000000e+00> : vector<64xf32>
      %reduce_sum3A_230 = vector.multi_reduction <add>, %mul3A_228, %reduce_sum3A_229 [1] : vector<64x512xf32> to vector<64xf32>
      %broadcast_in_dim3A_231 = vector.shape_cast %reduce_sum3A_230 : vector<64xf32> to vector<64x1xf32>
      %dot_general3A_232 = arith.constant dense<0.000000e+00> : vector<1x64xf32>
      %dot_general3A_233 = tpu.matmul %broadcast_in_dim3A_231, %convert_element_type3A_100, %dot_general3A_232 {dimension_numbers = #tpu.dot_dimension_numbers<[0], [0], [1], [1], [0, 1, 1, 1], [], []>, precision = #tpu.contract_precision<fp32>, transpose_lhs_hint = false} : vector<64x1xf32>, vector<64x64xf32>, vector<1x64xf32> -> vector<1x64xf32>
      %sqrt3A = math.sqrt %broadcast_in_dim3A_231 : vector<64x1xf32>
      %sqrt3A_234 = math.sqrt %dot_general3A_233 : vector<1x64xf32>
      %mul3A_235 = vector.broadcast %sqrt3A : vector<64x1xf32> to vector<64x64xf32>
      %mul3A_236 = vector.broadcast %sqrt3A_234 : vector<1x64xf32> to vector<64x64xf32>
      %mul3A_237 = arith.mulf %mul3A_235, %mul3A_236 : vector<64x64xf32>
      %add3A_238 = arith.constant 9.99999993E-9 : f32
      %add3A_239 = vector.broadcast %add3A_238 : f32 to vector<64x64xf32>
      %add3A_240 = arith.addf %mul3A_237, %add3A_239 : vector<64x64xf32>
      %div3A_241 = arith.divf %dot_general3A_227, %add3A_240 : vector<64x64xf32>
      %add3A_242 = vector.broadcast %broadcast_in_dim3A_231 : vector<64x1xf32> to vector<64x64xf32>
      %add3A_243 = vector.broadcast %dot_general3A_233 : vector<1x64xf32> to vector<64x64xf32>
      %add3A_244 = arith.addf %add3A_242, %add3A_243 : vector<64x64xf32>
      %mul3A_245 = arith.constant 2.000000e+00 : f32
      %mul3A_246 = vector.broadcast %mul3A_245 : f32 to vector<64x64xf32>
      %mul3A_247 = arith.mulf %mul3A_246, %dot_general3A_227 : vector<64x64xf32>
      %sub3A_248 = arith.subf %add3A_244, %mul3A_247 : vector<64x64xf32>
      %max3A = arith.constant 0.000000e+00 : f32
      %max3A_249 = vector.broadcast %max3A : f32 to vector<64x64xf32>
      %max3A_250 = arith.maximumf %sub3A_248, %max3A_249 : vector<64x64xf32>
      %sqrt3A_251 = math.sqrt %max3A_250 : vector<64x64xf32>
      %mul3A_252 = arith.mulf %div3A_241, %sqrt3A_251 : vector<64x64xf32>
      %sub3A_253 = arith.constant 1.000000e+00 : f32
      %sub3A_254 = vector.broadcast %sub3A_253 : f32 to vector<64x64xf32>
      %sub3A_255 = arith.subf %sub3A_254, %div3A_241 : vector<64x64xf32>
      %sub3A_256 = arith.constant 4.200000e+00 : f32
      %sub3A_257 = vector.broadcast %sub3A_256 : f32 to vector<64x64xf32>
      %sub3A_258 = arith.subf %sub3A_257, %sqrt3A_251 : vector<64x64xf32>
      %max3A_259 = arith.constant 0.000000e+00 : f32
      %max3A_260 = vector.broadcast %max3A_259 : f32 to vector<64x64xf32>
      %max3A_261 = arith.maximumf %sub3A_258, %max3A_260 : vector<64x64xf32>
      %mul3A_262 = arith.mulf %sub3A_255, %max3A_261 : vector<64x64xf32>
      %add3A_263 = arith.addf %mul3A_252, %mul3A_262 : vector<64x64xf32>
      %get3A_264 = arith.constant 0 : index
      %get3A_265 = memref.load %arg8[%get3A_264] : memref<4xf32, #tpu.memory_space<smem>>
      %mul3A_266 = arith.mulf %mul3A_139, %add3A_263 : vector<64x64xf32>
      %reduce_sum3A_267 = vector.shape_cast %mul3A_266 : vector<64x64xf32> to vector<1x64x64xf32>
      %reduce_sum3A_268 = arith.constant dense<0.000000e+00> : vector<1xf32>
      %reduce_sum3A_269 = vector.multi_reduction <add>, %reduce_sum3A_267, %reduce_sum3A_268 [1, 2] : vector<1x64x64xf32> to vector<1xf32>
      %reduce_sum3A_270 = vector.shape_cast %reduce_sum3A_269 : vector<1xf32> to vector<1x1x1xf32>
      %reduce_sum3A_271 = vector.extract %reduce_sum3A_270[0, 0, 0] : f32 from vector<1x1x1xf32>
      %add3A_272 = arith.addf %get3A_265, %reduce_sum3A_271 : f32
      %swap3A_273 = arith.constant 0 : index
      %swap3A_274 = memref.load %arg8[%swap3A_273] : memref<4xf32, #tpu.memory_space<smem>>
      memref.store %add3A_272, %arg8[%swap3A_273] : memref<4xf32, #tpu.memory_space<smem>>
      %get3A_275 = arith.constant 1 : index
      %get3A_276 = memref.load %arg8[%get3A_275] : memref<4xf32, #tpu.memory_space<smem>>
      %add3A_277 = arith.addf %get3A_276, %reduce_sum3A_216 : f32
      %swap3A_278 = arith.constant 1 : index
      %swap3A_279 = memref.load %arg8[%swap3A_278] : memref<4xf32, #tpu.memory_space<smem>>
      memref.store %add3A_277, %arg8[%swap3A_278] : memref<4xf32, #tpu.memory_space<smem>>
      %get3A_280 = arith.constant 2 : index
      %get3A_281 = memref.load %arg8[%get3A_280] : memref<4xf32, #tpu.memory_space<smem>>
      %add3A_282 = arith.addf %get3A_281, %reduce_sum3A_225 : f32
      %swap3A_283 = arith.constant 2 : index
      %swap3A_284 = memref.load %arg8[%swap3A_283] : memref<4xf32, #tpu.memory_space<smem>>
      memref.store %add3A_282, %arg8[%swap3A_283] : memref<4xf32, #tpu.memory_space<smem>>
    } else {
    }
    %eq3A_7 = arith.constant 0 : i32
    %eq3A_8 = arith.cmpi eq, %arg0, %eq3A_7 : i32
    %convert_element_type3A_9 = arith.extui %eq3A_8 : i1 to i32
    %cond3A_10 = arith.constant 0 : i32
    %cond3A_11 = arith.cmpi ne, %convert_element_type3A_9, %cond3A_10 : i32
    scf.if %cond3A_11 {
      %get3A = arith.constant 0 : index
      %get3A_91 = arith.constant 0 : index
      %get3A_92 = arith.constant 0 : index
      %get3A_93 = vector.load %arg1[%get3A, %get3A_91, %get3A_92] : memref<1x64x64xf32, #tpu.memory_space<vmem>>, vector<1x64x64xf32>
      %get3A_94 = vector.shape_cast %get3A_93 : vector<1x64x64xf32> to vector<64x64xf32>
      %add3A = arith.constant 0.000000e+00 : f32
      %add3A_95 = vector.broadcast %add3A : f32 to vector<64x64xf32>
      %add3A_96 = arith.addf %add3A_95, %get3A_94 : vector<64x64xf32>
      %iota3A = tpu.iota {dimensions = array<i32: 0>} : vector<64x64xi32>
      %iota3A_97 = tpu.iota {dimensions = array<i32: 1>} : vector<64x64xi32>
      %eq3A_98 = arith.cmpi eq, %iota3A, %iota3A_97 : vector<64x64xi32>
      %convert_element_type3A_99 = arith.extui %eq3A_98 : vector<64x64xi1> to vector<64x64xi32>
      %convert_element_type3A_100 = arith.sitofp %convert_element_type3A_99 : vector<64x64xi32> to vector<64x64xf32>
      %reduce_sum3A = arith.constant dense<0.000000e+00> : vector<64xf32>
      %reduce_sum3A_101 = vector.multi_reduction <add>, %add3A_96, %reduce_sum3A [1] : vector<64x64xf32> to vector<64xf32>
      %broadcast_in_dim3A = vector.shape_cast %reduce_sum3A_101 : vector<64xf32> to vector<64x1xf32>
      %reduce_sum3A_102 = arith.constant dense<0.000000e+00> : vector<64xf32>
      %reduce_sum3A_103 = vector.multi_reduction <add>, %add3A_96, %reduce_sum3A_102 [0] : vector<64x64xf32> to vector<64xf32>
      %broadcast_in_dim3A_104 = vector.shape_cast %reduce_sum3A_103 : vector<64xf32> to vector<1x64xf32>
      %dot_general3A = arith.constant dense<0.000000e+00> : vector<64x1xf32>
      %dot_general3A_105 = tpu.matmul %convert_element_type3A_100, %broadcast_in_dim3A_104, %dot_general3A {dimension_numbers = #tpu.dot_dimension_numbers<[1], [1], [0], [0], [0, 0, 1, 0], [], []>, precision = #tpu.contract_precision<fp32>, transpose_lhs_hint = false} : vector<64x64xf32>, vector<1x64xf32>, vector<64x1xf32> -> vector<64x1xf32>
      %gt3A = arith.constant 0.000000e+00 : f32
      %gt3A_106 = vector.broadcast %gt3A : f32 to vector<64x1xf32>
      %gt3A_107 = arith.cmpf ogt, %dot_general3A_105, %gt3A_106 : vector<64x1xf32>
      %gt3A_108 = arith.constant 0.000000e+00 : f32
      %gt3A_109 = vector.broadcast %gt3A_108 : f32 to vector<64x1xf32>
      %gt3A_110 = arith.cmpf ogt, %dot_general3A_105, %gt3A_109 : vector<64x1xf32>
      %jit3A = arith.constant 1.000000e+00 : f32
      %broadcast_in_dim3A_111 = vector.broadcast %jit3A : f32 to vector<64x1xf32>
      %select_n3A = arith.select %gt3A_110, %dot_general3A_105, %broadcast_in_dim3A_111 : vector<64x1xi1>, vector<64x1xf32>
      %div3A = arith.constant 1.000000e+00 : f32
      %div3A_112 = vector.broadcast %div3A : f32 to vector<64x1xf32>
      %div3A_113 = arith.divf %div3A_112, %select_n3A : vector<64x1xf32>
      %jit3A_114 = arith.constant 0.000000e+00 : f32
      %broadcast_in_dim3A_115 = vector.broadcast %jit3A_114 : f32 to vector<64x1xf32>
      %select_n3A_116 = arith.select %gt3A_107, %div3A_113, %broadcast_in_dim3A_115 : vector<64x1xi1>, vector<64x1xf32>
      %iota3A_117 = tpu.iota {dimensions = array<i32: 1>} : vector<1x64xi32>
      %convert_element_type3A_118 = arith.sitofp %iota3A_117 : vector<1x64xi32> to vector<1x64xf32>
      %gt3A_119 = arith.constant 0.000000e+00 : f32
      %gt3A_120 = vector.broadcast %gt3A_119 : f32 to vector<1x64xf32>
      %gt3A_121 = arith.cmpf ogt, %broadcast_in_dim3A_104, %gt3A_120 : vector<1x64xf32>
      %add3A_122 = arith.constant 1.000000e+00 : f32
      %add3A_123 = vector.broadcast %add3A_122 : f32 to vector<1x64xf32>
      %add3A_124 = arith.addf %convert_element_type3A_118, %add3A_123 : vector<1x64xf32>
      %jit3A_125 = arith.constant 0.000000e+00 : f32
      %broadcast_in_dim3A_126 = vector.broadcast %jit3A_125 : f32 to vector<1x64xf32>
      %select_n3A_127 = arith.select %gt3A_121, %add3A_124, %broadcast_in_dim3A_126 : vector<1x64xi1>, vector<1x64xf32>
      %reduce_max3A = vector.shape_cast %select_n3A_127 : vector<1x64xf32> to vector<1x1x64xf32>
      %reduce_max3A_128 = arith.constant dense<0xFF800000> : vector<1xf32>
      %reduce_max3A_129 = vector.multi_reduction <maximumf>, %reduce_max3A, %reduce_max3A_128 [1, 2] : vector<1x1x64xf32> to vector<1xf32>
      %reduce_max3A_130 = vector.shape_cast %reduce_max3A_129 : vector<1xf32> to vector<1x1x1xf32>
      %reduce_max3A_131 = vector.extract %reduce_max3A_130[0, 0, 0] : f32 from vector<1x1x1xf32>
      %lt3A_132 = vector.broadcast %reduce_max3A_131 : f32 to vector<1x64xf32>
      %lt3A_133 = arith.cmpf olt, %convert_element_type3A_118, %lt3A_132 : vector<1x64xf32>
      %convert_element_type3A_134 = arith.extui %lt3A_133 : vector<1x64xi1> to vector<1x64xi32>
      %convert_element_type3A_135 = arith.sitofp %convert_element_type3A_134 : vector<1x64xi32> to vector<1x64xf32>
      %dot_general3A_136 = arith.constant dense<0.000000e+00> : vector<64x1xf32>
      %dot_general3A_137 = tpu.matmul %convert_element_type3A_100, %convert_element_type3A_135, %dot_general3A_136 {dimension_numbers = #tpu.dot_dimension_numbers<[1], [1], [0], [0], [0, 0, 1, 0], [], []>, precision = #tpu.contract_precision<fp32>, transpose_lhs_hint = false} : vector<64x64xf32>, vector<1x64xf32>, vector<64x1xf32> -> vector<64x1xf32>
      %mul3A = vector.broadcast %dot_general3A_137 : vector<64x1xf32> to vector<64x64xf32>
      %mul3A_138 = vector.broadcast %convert_element_type3A_135 : vector<1x64xf32> to vector<64x64xf32>
      %mul3A_139 = arith.mulf %mul3A, %mul3A_138 : vector<64x64xf32>
      %get3A_140 = arith.constant 0 : index
      %get3A_141 = arith.constant 0 : index
      %get3A_142 = vector.load %arg4[%get3A_140, %get3A_141] : memref<2x512xf32, #tpu.memory_space<vmem>>, vector<1x512xf32>
      %get3A_143 = arith.constant 1 : index
      %get3A_144 = arith.constant 0 : index
      %get3A_145 = vector.load %arg4[%get3A_143, %get3A_144] : memref<2x512xf32, #tpu.memory_space<vmem>>, vector<1x512xf32>
      %gt3A_146 = arith.constant 0.000000e+00 : f32
      %gt3A_147 = vector.broadcast %gt3A_146 : f32 to vector<64x64xf32>
      %gt3A_148 = arith.cmpf ogt, %add3A_96, %gt3A_147 : vector<64x64xf32>
      %get3A_149 = arith.constant 1 : index
      %get3A_150 = arith.constant 0 : index
      %get3A_151 = arith.constant 0 : index
      %get3A_152 = vector.load %arg2[%get3A_149, %get3A_150, %get3A_151] : memref<16x64x512xf32, #tpu.memory_space<vmem>>, vector<1x64x512xf32>
      %get3A_153 = vector.shape_cast %get3A_152 : vector<1x64x512xf32> to vector<64x512xf32>
      %get3A_154 = arith.constant 0 : index
      %get3A_155 = arith.constant 0 : index
      %get3A_156 = vector.load %arg3[%get3A_154, %get3A_155] : memref<512x512xf32, #tpu.memory_space<vmem>>, vector<512x512xf32>
      %dot_general3A_157 = arith.constant dense<0.000000e+00> : vector<64x512xf32>
      %dot_general3A_158 = tpu.matmul %get3A_153, %get3A_156, %dot_general3A_157 {dimension_numbers = #tpu.dot_dimension_numbers<[1], [0], [0], [1], [0, 0, 1, 1], [], []>, transpose_lhs_hint = false} : vector<64x512xf32>, vector<512x512xf32>, vector<64x512xf32> -> vector<64x512xf32>
      %dot_general3A_159 = arith.constant dense<0.000000e+00> : vector<64x512xf32>
      %dot_general3A_160 = tpu.matmul %add3A_96, %dot_general3A_158, %dot_general3A_159 {dimension_numbers = #tpu.dot_dimension_numbers<[0], [0], [1], [1], [0, 1, 1, 1], [], []>, precision = #tpu.contract_precision<fp32>, transpose_lhs_hint = false} : vector<64x64xf32>, vector<64x512xf32>, vector<64x512xf32> -> vector<64x512xf32>
      %dot_general3A_161 = arith.constant dense<0.000000e+00> : vector<64x1xf32>
      %dot_general3A_162 = tpu.matmul %dot_general3A_158, %get3A_142, %dot_general3A_161 {dimension_numbers = #tpu.dot_dimension_numbers<[1], [1], [0], [0], [0, 0, 1, 0], [], []>, precision = #tpu.contract_precision<fp32>, transpose_lhs_hint = false} : vector<64x512xf32>, vector<1x512xf32>, vector<64x1xf32> -> vector<64x1xf32>
      %dot_general3A_163 = arith.constant dense<0.000000e+00> : vector<1x64xf32>
      %dot_general3A_164 = tpu.matmul %get3A_145, %dot_general3A_160, %dot_general3A_163 {dimension_numbers = #tpu.dot_dimension_numbers<[1], [1], [0], [0], [0, 0, 1, 0], [], []>, precision = #tpu.contract_precision<fp32>, transpose_lhs_hint = false} : vector<1x512xf32>, vector<64x512xf32>, vector<1x64xf32> -> vector<1x64xf32>
      %add3A_165 = vector.broadcast %dot_general3A_162 : vector<64x1xf32> to vector<64x64xf32>
      %add3A_166 = vector.broadcast %dot_general3A_164 : vector<1x64xf32> to vector<64x64xf32>
      %add3A_167 = arith.addf %add3A_165, %add3A_166 : vector<64x64xf32>
      %gt3A_168 = arith.constant 0.000000e+00 : f32
      %gt3A_169 = vector.broadcast %gt3A_168 : f32 to vector<64x64xf32>
      %gt3A_170 = arith.cmpf ogt, %add3A_167, %gt3A_169 : vector<64x64xf32>
      %mul3A_171 = arith.constant 2.000000e-01 : f32
      %mul3A_172 = vector.broadcast %mul3A_171 : f32 to vector<64x64xf32>
      %mul3A_173 = arith.mulf %mul3A_172, %add3A_167 : vector<64x64xf32>
      %select_n3A_174 = arith.select %gt3A_170, %add3A_167, %mul3A_173 : vector<64x64xi1>, vector<64x64xf32>
      %jit3A_175 = arith.constant -3.000000e+38 : f32
      %broadcast_in_dim3A_176 = vector.broadcast %jit3A_175 : f32 to vector<64x64xf32>
      %select_n3A_177 = arith.select %gt3A_148, %select_n3A_174, %broadcast_in_dim3A_176 : vector<64x64xi1>, vector<64x64xf32>
      %reduce_max3A_178 = arith.constant dense<0xFF800000> : vector<64xf32>
      %reduce_max3A_179 = vector.multi_reduction <maximumf>, %select_n3A_177, %reduce_max3A_178 [1] : vector<64x64xf32> to vector<64xf32>
      %broadcast_in_dim3A_180 = vector.shape_cast %reduce_max3A_179 : vector<64xf32> to vector<64x1xf32>
      %sub3A = vector.broadcast %broadcast_in_dim3A_180 : vector<64x1xf32> to vector<64x64xf32>
      %sub3A_181 = arith.subf %select_n3A_174, %sub3A : vector<64x64xf32>
      %jit3A_182 = arith.constant -3.000000e+38 : f32
      %broadcast_in_dim3A_183 = vector.broadcast %jit3A_182 : f32 to vector<64x64xf32>
      %select_n3A_184 = arith.select %gt3A_148, %sub3A_181, %broadcast_in_dim3A_183 : vector<64x64xi1>, vector<64x64xf32>
      %exp3A = math.exp %select_n3A_184 : vector<64x64xf32>
      %mul3A_185 = arith.mulf %add3A_96, %exp3A : vector<64x64xf32>
      %reduce_sum3A_186 = arith.constant dense<0.000000e+00> : vector<64xf32>
      %reduce_sum3A_187 = vector.multi_reduction <add>, %mul3A_185, %reduce_sum3A_186 [1] : vector<64x64xf32> to vector<64xf32>
      %broadcast_in_dim3A_188 = vector.shape_cast %reduce_sum3A_187 : vector<64xf32> to vector<64x1xf32>
      %mul3A_189 = arith.mulf %add3A_96, %exp3A : vector<64x64xf32>
      %add3A_190 = arith.constant 1.000000e-16 : f32
      %add3A_191 = vector.broadcast %add3A_190 : f32 to vector<64x1xf32>
      %add3A_192 = arith.addf %broadcast_in_dim3A_188, %add3A_191 : vector<64x1xf32>
      %div3A_193 = vector.broadcast %add3A_192 : vector<64x1xf32> to vector<64x64xf32>
      %div3A_194 = arith.divf %mul3A_189, %div3A_193 : vector<64x64xf32>
      %dot_general3A_195 = arith.constant dense<0.000000e+00> : vector<64x512xf32>
      %dot_general3A_196 = tpu.matmul %div3A_194, %dot_general3A_158, %dot_general3A_195 {dimension_numbers = #tpu.dot_dimension_numbers<[0], [0], [1], [1], [0, 1, 1, 1], [], []>, precision = #tpu.contract_precision<fp32>, transpose_lhs_hint = false} : vector<64x64xf32>, vector<64x512xf32>, vector<64x512xf32> -> vector<64x512xf32>
      %mul3A_197 = vector.broadcast %select_n3A_116 : vector<64x1xf32> to vector<64x512xf32>
      %mul3A_198 = arith.mulf %mul3A_197, %dot_general3A_196 : vector<64x512xf32>
      %dot_general3A_199 = arith.constant dense<0.000000e+00> : vector<64x512xf32>
      %dot_general3A_200 = tpu.matmul %div3A_194, %mul3A_198, %dot_general3A_199 {dimension_numbers = #tpu.dot_dimension_numbers<[1], [0], [0], [1], [0, 0, 1, 1], [], []>, precision = #tpu.contract_precision<fp32>, transpose_lhs_hint = false} : vector<64x64xf32>, vector<64x512xf32>, vector<64x512xf32> -> vector<64x512xf32>
      %mul3A_201 = vector.broadcast %broadcast_in_dim3A : vector<64x1xf32> to vector<64x512xf32>
      %mul3A_202 = arith.mulf %mul3A_201, %dot_general3A_200 : vector<64x512xf32>
      %swap3A = arith.constant 0 : index
      %swap3A_203 = arith.constant 1 : index
      %swap3A_204 = arith.constant 0 : index
      %swap3A_205 = vector.load %arg7[%swap3A, %swap3A_203, %swap3A_204] : memref<64x16x512xf32, #tpu.memory_space<vmem>>, vector<64x1x512xf32>
      %swap3A_206 = vector.shape_cast %swap3A_205 : vector<64x1x512xf32> to vector<64x512xf32>
      %swap3A_207 = vector.shape_cast %mul3A_202 : vector<64x512xf32> to vector<64x1x512xf32>
      tpu.vector_store %arg7[%swap3A, %swap3A_203, %swap3A_204], %swap3A_207 {strides = array<i32>} : memref<64x16x512xf32, #tpu.memory_space<vmem>>, vector<64x1x512xf32>,
      %reduce_sum3A_208 = arith.constant dense<0.000000e+00> : vector<64xf32>
      %reduce_sum3A_209 = vector.multi_reduction <add>, %dot_general3A_158, %reduce_sum3A_208 [1] : vector<64x512xf32> to vector<64xf32>
      %broadcast_in_dim3A_210 = vector.shape_cast %reduce_sum3A_209 : vector<64xf32> to vector<64x1xf32>
      %mul3A_211 = arith.mulf %broadcast_in_dim3A, %broadcast_in_dim3A_210 : vector<64x1xf32>
      %reduce_sum3A_212 = vector.shape_cast %mul3A_211 : vector<64x1xf32> to vector<1x64x1xf32>
      %reduce_sum3A_213 = arith.constant dense<0.000000e+00> : vector<1xf32>
      %reduce_sum3A_214 = vector.multi_reduction <add>, %reduce_sum3A_212, %reduce_sum3A_213 [1, 2] : vector<1x64x1xf32> to vector<1xf32>
      %reduce_sum3A_215 = vector.shape_cast %reduce_sum3A_214 : vector<1xf32> to vector<1x1x1xf32>
      %reduce_sum3A_216 = vector.extract %reduce_sum3A_215[0, 0, 0] : f32 from vector<1x1x1xf32>
      %reduce_sum3A_217 = arith.constant dense<0.000000e+00> : vector<64xf32>
      %reduce_sum3A_218 = vector.multi_reduction <add>, %dot_general3A_160, %reduce_sum3A_217 [1] : vector<64x512xf32> to vector<64xf32>
      %broadcast_in_dim3A_219 = vector.shape_cast %reduce_sum3A_218 : vector<64xf32> to vector<64x1xf32>
      %mul3A_220 = arith.mulf %dot_general3A_105, %broadcast_in_dim3A_219 : vector<64x1xf32>
      %reduce_sum3A_221 = vector.shape_cast %mul3A_220 : vector<64x1xf32> to vector<1x64x1xf32>
      %reduce_sum3A_222 = arith.constant dense<0.000000e+00> : vector<1xf32>
      %reduce_sum3A_223 = vector.multi_reduction <add>, %reduce_sum3A_221, %reduce_sum3A_222 [1, 2] : vector<1x64x1xf32> to vector<1xf32>
      %reduce_sum3A_224 = vector.shape_cast %reduce_sum3A_223 : vector<1xf32> to vector<1x1x1xf32>
      %reduce_sum3A_225 = vector.extract %reduce_sum3A_224[0, 0, 0] : f32 from vector<1x1x1xf32>
      %dot_general3A_226 = arith.constant dense<0.000000e+00> : vector<64x64xf32>
      %dot_general3A_227 = tpu.matmul %dot_general3A_160, %dot_general3A_160, %dot_general3A_226 {dimension_numbers = #tpu.dot_dimension_numbers<[1], [1], [0], [0], [0, 0, 1, 0], [], []>, precision = #tpu.contract_precision<fp32>, transpose_lhs_hint = false} : vector<64x512xf32>, vector<64x512xf32>, vector<64x64xf32> -> vector<64x64xf32>
      %mul3A_228 = arith.mulf %dot_general3A_160, %dot_general3A_160 : vector<64x512xf32>
      %reduce_sum3A_229 = arith.constant dense<0.000000e+00> : vector<64xf32>
      %reduce_sum3A_230 = vector.multi_reduction <add>, %mul3A_228, %reduce_sum3A_229 [1] : vector<64x512xf32> to vector<64xf32>
      %broadcast_in_dim3A_231 = vector.shape_cast %reduce_sum3A_230 : vector<64xf32> to vector<64x1xf32>
      %dot_general3A_232 = arith.constant dense<0.000000e+00> : vector<1x64xf32>
      %dot_general3A_233 = tpu.matmul %broadcast_in_dim3A_231, %convert_element_type3A_100, %dot_general3A_232 {dimension_numbers = #tpu.dot_dimension_numbers<[0], [0], [1], [1], [0, 1, 1, 1], [], []>, precision = #tpu.contract_precision<fp32>, transpose_lhs_hint = false} : vector<64x1xf32>, vector<64x64xf32>, vector<1x64xf32> -> vector<1x64xf32>
      %sqrt3A = math.sqrt %broadcast_in_dim3A_231 : vector<64x1xf32>
      %sqrt3A_234 = math.sqrt %dot_general3A_233 : vector<1x64xf32>
      %mul3A_235 = vector.broadcast %sqrt3A : vector<64x1xf32> to vector<64x64xf32>
      %mul3A_236 = vector.broadcast %sqrt3A_234 : vector<1x64xf32> to vector<64x64xf32>
      %mul3A_237 = arith.mulf %mul3A_235, %mul3A_236 : vector<64x64xf32>
      %add3A_238 = arith.constant 9.99999993E-9 : f32
      %add3A_239 = vector.broadcast %add3A_238 : f32 to vector<64x64xf32>
      %add3A_240 = arith.addf %mul3A_237, %add3A_239 : vector<64x64xf32>
      %div3A_241 = arith.divf %dot_general3A_227, %add3A_240 : vector<64x64xf32>
      %add3A_242 = vector.broadcast %broadcast_in_dim3A_231 : vector<64x1xf32> to vector<64x64xf32>
      %add3A_243 = vector.broadcast %dot_general3A_233 : vector<1x64xf32> to vector<64x64xf32>
      %add3A_244 = arith.addf %add3A_242, %add3A_243 : vector<64x64xf32>
      %mul3A_245 = arith.constant 2.000000e+00 : f32
      %mul3A_246 = vector.broadcast %mul3A_245 : f32 to vector<64x64xf32>
      %mul3A_247 = arith.mulf %mul3A_246, %dot_general3A_227 : vector<64x64xf32>
      %sub3A_248 = arith.subf %add3A_244, %mul3A_247 : vector<64x64xf32>
      %max3A = arith.constant 0.000000e+00 : f32
      %max3A_249 = vector.broadcast %max3A : f32 to vector<64x64xf32>
      %max3A_250 = arith.maximumf %sub3A_248, %max3A_249 : vector<64x64xf32>
      %sqrt3A_251 = math.sqrt %max3A_250 : vector<64x64xf32>
      %mul3A_252 = arith.mulf %div3A_241, %sqrt3A_251 : vector<64x64xf32>
      %sub3A_253 = arith.constant 1.000000e+00 : f32
      %sub3A_254 = vector.broadcast %sub3A_253 : f32 to vector<64x64xf32>
      %sub3A_255 = arith.subf %sub3A_254, %div3A_241 : vector<64x64xf32>
      %sub3A_256 = arith.constant 4.200000e+00 : f32
      %sub3A_257 = vector.broadcast %sub3A_256 : f32 to vector<64x64xf32>
      %sub3A_258 = arith.subf %sub3A_257, %sqrt3A_251 : vector<64x64xf32>
      %max3A_259 = arith.constant 0.000000e+00 : f32
      %max3A_260 = vector.broadcast %max3A_259 : f32 to vector<64x64xf32>
      %max3A_261 = arith.maximumf %sub3A_258, %max3A_260 : vector<64x64xf32>
      %mul3A_262 = arith.mulf %sub3A_255, %max3A_261 : vector<64x64xf32>
      %add3A_263 = arith.addf %mul3A_252, %mul3A_262 : vector<64x64xf32>
      %get3A_264 = arith.constant 0 : index
      %get3A_265 = memref.load %arg8[%get3A_264] : memref<4xf32, #tpu.memory_space<smem>>
      %mul3A_266 = arith.mulf %mul3A_139, %add3A_263 : vector<64x64xf32>
      %reduce_sum3A_267 = vector.shape_cast %mul3A_266 : vector<64x64xf32> to vector<1x64x64xf32>
      %reduce_sum3A_268 = arith.constant dense<0.000000e+00> : vector<1xf32>
      %reduce_sum3A_269 = vector.multi_reduction <add>, %reduce_sum3A_267, %reduce_sum3A_268 [1, 2] : vector<1x64x64xf32> to vector<1xf32>
      %reduce_sum3A_270 = vector.shape_cast %reduce_sum3A_269 : vector<1xf32> to vector<1x1x1xf32>
      %reduce_sum3A_271 = vector.extract %reduce_sum3A_270[0, 0, 0] : f32 from vector<1x1x1xf32>
      %add3A_272 = arith.addf %get3A_265, %reduce_sum3A_271 : f32
      %swap3A_273 = arith.constant 0 : index
      %swap3A_274 = memref.load %arg8[%swap3A_273] : memref<4xf32, #tpu.memory_space<smem>>
      memref.store %add3A_272, %arg8[%swap3A_273] : memref<4xf32, #tpu.memory_space<smem>>
      %get3A_275 = arith.constant 1 : index
      %get3A_276 = memref.load %arg8[%get3A_275] : memref<4xf32, #tpu.memory_space<smem>>
      %add3A_277 = arith.addf %get3A_276, %reduce_sum3A_216 : f32
      %swap3A_278 = arith.constant 1 : index
      %swap3A_279 = memref.load %arg8[%swap3A_278] : memref<4xf32, #tpu.memory_space<smem>>
      memref.store %add3A_277, %arg8[%swap3A_278] : memref<4xf32, #tpu.memory_space<smem>>
      %get3A_280 = arith.constant 2 : index
      %get3A_281 = memref.load %arg8[%get3A_280] : memref<4xf32, #tpu.memory_space<smem>>
      %add3A_282 = arith.addf %get3A_281, %reduce_sum3A_225 : f32
      %swap3A_283 = arith.constant 2 : index
      %swap3A_284 = memref.load %arg8[%swap3A_283] : memref<4xf32, #tpu.memory_space<smem>>
      memref.store %add3A_282, %arg8[%swap3A_283] : memref<4xf32, #tpu.memory_space<smem>>
    } else {
    }
    %eq3A_12 = arith.constant 0 : i32
    %eq3A_13 = arith.cmpi eq, %arg0, %eq3A_12 : i32
    %convert_element_type3A_14 = arith.extui %eq3A_13 : i1 to i32
    %cond3A_15 = arith.constant 0 : i32
    %cond3A_16 = arith.cmpi ne, %convert_element_type3A_14, %cond3A_15 : i32
    scf.if %cond3A_16 {
      %get3A = arith.constant 0 : index
      %get3A_91 = arith.constant 0 : index
      %get3A_92 = arith.constant 0 : index
      %get3A_93 = vector.load %arg1[%get3A, %get3A_91, %get3A_92] : memref<1x64x64xf32, #tpu.memory_space<vmem>>, vector<1x64x64xf32>
      %get3A_94 = vector.shape_cast %get3A_93 : vector<1x64x64xf32> to vector<64x64xf32>
      %add3A = arith.constant 0.000000e+00 : f32
      %add3A_95 = vector.broadcast %add3A : f32 to vector<64x64xf32>
      %add3A_96 = arith.addf %add3A_95, %get3A_94 : vector<64x64xf32>
      %iota3A = tpu.iota {dimensions = array<i32: 0>} : vector<64x64xi32>
      %iota3A_97 = tpu.iota {dimensions = array<i32: 1>} : vector<64x64xi32>
      %eq3A_98 = arith.cmpi eq, %iota3A, %iota3A_97 : vector<64x64xi32>
      %convert_element_type3A_99 = arith.extui %eq3A_98 : vector<64x64xi1> to vector<64x64xi32>
      %convert_element_type3A_100 = arith.sitofp %convert_element_type3A_99 : vector<64x64xi32> to vector<64x64xf32>
      %reduce_sum3A = arith.constant dense<0.000000e+00> : vector<64xf32>
      %reduce_sum3A_101 = vector.multi_reduction <add>, %add3A_96, %reduce_sum3A [1] : vector<64x64xf32> to vector<64xf32>
      %broadcast_in_dim3A = vector.shape_cast %reduce_sum3A_101 : vector<64xf32> to vector<64x1xf32>
      %reduce_sum3A_102 = arith.constant dense<0.000000e+00> : vector<64xf32>
      %reduce_sum3A_103 = vector.multi_reduction <add>, %add3A_96, %reduce_sum3A_102 [0] : vector<64x64xf32> to vector<64xf32>
      %broadcast_in_dim3A_104 = vector.shape_cast %reduce_sum3A_103 : vector<64xf32> to vector<1x64xf32>
      %dot_general3A = arith.constant dense<0.000000e+00> : vector<64x1xf32>
      %dot_general3A_105 = tpu.matmul %convert_element_type3A_100, %broadcast_in_dim3A_104, %dot_general3A {dimension_numbers = #tpu.dot_dimension_numbers<[1], [1], [0], [0], [0, 0, 1, 0], [], []>, precision = #tpu.contract_precision<fp32>, transpose_lhs_hint = false} : vector<64x64xf32>, vector<1x64xf32>, vector<64x1xf32> -> vector<64x1xf32>
      %gt3A = arith.constant 0.000000e+00 : f32
      %gt3A_106 = vector.broadcast %gt3A : f32 to vector<64x1xf32>
      %gt3A_107 = arith.cmpf ogt, %dot_general3A_105, %gt3A_106 : vector<64x1xf32>
      %gt3A_108 = arith.constant 0.000000e+00 : f32
      %gt3A_109 = vector.broadcast %gt3A_108 : f32 to vector<64x1xf32>
      %gt3A_110 = arith.cmpf ogt, %dot_general3A_105, %gt3A_109 : vector<64x1xf32>
      %jit3A = arith.constant 1.000000e+00 : f32
      %broadcast_in_dim3A_111 = vector.broadcast %jit3A : f32 to vector<64x1xf32>
      %select_n3A = arith.select %gt3A_110, %dot_general3A_105, %broadcast_in_dim3A_111 : vector<64x1xi1>, vector<64x1xf32>
      %div3A = arith.constant 1.000000e+00 : f32
      %div3A_112 = vector.broadcast %div3A : f32 to vector<64x1xf32>
      %div3A_113 = arith.divf %div3A_112, %select_n3A : vector<64x1xf32>
      %jit3A_114 = arith.constant 0.000000e+00 : f32
      %broadcast_in_dim3A_115 = vector.broadcast %jit3A_114 : f32 to vector<64x1xf32>
      %select_n3A_116 = arith.select %gt3A_107, %div3A_113, %broadcast_in_dim3A_115 : vector<64x1xi1>, vector<64x1xf32>
      %iota3A_117 = tpu.iota {dimensions = array<i32: 1>} : vector<1x64xi32>
      %convert_element_type3A_118 = arith.sitofp %iota3A_117 : vector<1x64xi32> to vector<1x64xf32>
      %gt3A_119 = arith.constant 0.000000e+00 : f32
      %gt3A_120 = vector.broadcast %gt3A_119 : f32 to vector<1x64xf32>
      %gt3A_121 = arith.cmpf ogt, %broadcast_in_dim3A_104, %gt3A_120 : vector<1x64xf32>
      %add3A_122 = arith.constant 1.000000e+00 : f32
      %add3A_123 = vector.broadcast %add3A_122 : f32 to vector<1x64xf32>
      %add3A_124 = arith.addf %convert_element_type3A_118, %add3A_123 : vector<1x64xf32>
      %jit3A_125 = arith.constant 0.000000e+00 : f32
      %broadcast_in_dim3A_126 = vector.broadcast %jit3A_125 : f32 to vector<1x64xf32>
      %select_n3A_127 = arith.select %gt3A_121, %add3A_124, %broadcast_in_dim3A_126 : vector<1x64xi1>, vector<1x64xf32>
      %reduce_max3A = vector.shape_cast %select_n3A_127 : vector<1x64xf32> to vector<1x1x64xf32>
      %reduce_max3A_128 = arith.constant dense<0xFF800000> : vector<1xf32>
      %reduce_max3A_129 = vector.multi_reduction <maximumf>, %reduce_max3A, %reduce_max3A_128 [1, 2] : vector<1x1x64xf32> to vector<1xf32>
      %reduce_max3A_130 = vector.shape_cast %reduce_max3A_129 : vector<1xf32> to vector<1x1x1xf32>
      %reduce_max3A_131 = vector.extract %reduce_max3A_130[0, 0, 0] : f32 from vector<1x1x1xf32>
      %lt3A_132 = vector.broadcast %reduce_max3A_131 : f32 to vector<1x64xf32>
      %lt3A_133 = arith.cmpf olt, %convert_element_type3A_118, %lt3A_132 : vector<1x64xf32>
      %convert_element_type3A_134 = arith.extui %lt3A_133 : vector<1x64xi1> to vector<1x64xi32>
      %convert_element_type3A_135 = arith.sitofp %convert_element_type3A_134 : vector<1x64xi32> to vector<1x64xf32>
      %dot_general3A_136 = arith.constant dense<0.000000e+00> : vector<64x1xf32>
      %dot_general3A_137 = tpu.matmul %convert_element_type3A_100, %convert_element_type3A_135, %dot_general3A_136 {dimension_numbers = #tpu.dot_dimension_numbers<[1], [1], [0], [0], [0, 0, 1, 0], [], []>, precision = #tpu.contract_precision<fp32>, transpose_lhs_hint = false} : vector<64x64xf32>, vector<1x64xf32>, vector<64x1xf32> -> vector<64x1xf32>
      %mul3A = vector.broadcast %dot_general3A_137 : vector<64x1xf32> to vector<64x64xf32>
      %mul3A_138 = vector.broadcast %convert_element_type3A_135 : vector<1x64xf32> to vector<64x64xf32>
      %mul3A_139 = arith.mulf %mul3A, %mul3A_138 : vector<64x64xf32>
      %get3A_140 = arith.constant 0 : index
      %get3A_141 = arith.constant 0 : index
      %get3A_142 = vector.load %arg4[%get3A_140, %get3A_141] : memref<2x512xf32, #tpu.memory_space<vmem>>, vector<1x512xf32>
      %get3A_143 = arith.constant 1 : index
      %get3A_144 = arith.constant 0 : index
      %get3A_145 = vector.load %arg4[%get3A_143, %get3A_144] : memref<2x512xf32, #tpu.memory_space<vmem>>, vector<1x512xf32>
      %gt3A_146 = arith.constant 0.000000e+00 : f32
      %gt3A_147 = vector.broadcast %gt3A_146 : f32 to vector<64x64xf32>
      %gt3A_148 = arith.cmpf ogt, %add3A_96, %gt3A_147 : vector<64x64xf32>
      %get3A_149 = arith.constant 2 : index
      %get3A_150 = arith.constant 0 : index
      %get3A_151 = arith.constant 0 : index
      %get3A_152 = vector.load %arg2[%get3A_149, %get3A_150, %get3A_151] : memref<16x64x512xf32, #tpu.memory_space<vmem>>, vector<1x64x512xf32>
      %get3A_153 = vector.shape_cast %get3A_152 : vector<1x64x512xf32> to vector<64x512xf32>
      %get3A_154 = arith.constant 0 : index
      %get3A_155 = arith.constant 0 : index
      %get3A_156 = vector.load %arg3[%get3A_154, %get3A_155] : memref<512x512xf32, #tpu.memory_space<vmem>>, vector<512x512xf32>
      %dot_general3A_157 = arith.constant dense<0.000000e+00> : vector<64x512xf32>
      %dot_general3A_158 = tpu.matmul %get3A_153, %get3A_156, %dot_general3A_157 {dimension_numbers = #tpu.dot_dimension_numbers<[1], [0], [0], [1], [0, 0, 1, 1], [], []>, transpose_lhs_hint = false} : vector<64x512xf32>, vector<512x512xf32>, vector<64x512xf32> -> vector<64x512xf32>
      %dot_general3A_159 = arith.constant dense<0.000000e+00> : vector<64x512xf32>
      %dot_general3A_160 = tpu.matmul %add3A_96, %dot_general3A_158, %dot_general3A_159 {dimension_numbers = #tpu.dot_dimension_numbers<[0], [0], [1], [1], [0, 1, 1, 1], [], []>, precision = #tpu.contract_precision<fp32>, transpose_lhs_hint = false} : vector<64x64xf32>, vector<64x512xf32>, vector<64x512xf32> -> vector<64x512xf32>
      %dot_general3A_161 = arith.constant dense<0.000000e+00> : vector<64x1xf32>
      %dot_general3A_162 = tpu.matmul %dot_general3A_158, %get3A_142, %dot_general3A_161 {dimension_numbers = #tpu.dot_dimension_numbers<[1], [1], [0], [0], [0, 0, 1, 0], [], []>, precision = #tpu.contract_precision<fp32>, transpose_lhs_hint = false} : vector<64x512xf32>, vector<1x512xf32>, vector<64x1xf32> -> vector<64x1xf32>
      %dot_general3A_163 = arith.constant dense<0.000000e+00> : vector<1x64xf32>
      %dot_general3A_164 = tpu.matmul %get3A_145, %dot_general3A_160, %dot_general3A_163 {dimension_numbers = #tpu.dot_dimension_numbers<[1], [1], [0], [0], [0, 0, 1, 0], [], []>, precision = #tpu.contract_precision<fp32>, transpose_lhs_hint = false} : vector<1x512xf32>, vector<64x512xf32>, vector<1x64xf32> -> vector<1x64xf32>
      %add3A_165 = vector.broadcast %dot_general3A_162 : vector<64x1xf32> to vector<64x64xf32>
      %add3A_166 = vector.broadcast %dot_general3A_164 : vector<1x64xf32> to vector<64x64xf32>
      %add3A_167 = arith.addf %add3A_165, %add3A_166 : vector<64x64xf32>
      %gt3A_168 = arith.constant 0.000000e+00 : f32
      %gt3A_169 = vector.broadcast %gt3A_168 : f32 to vector<64x64xf32>
      %gt3A_170 = arith.cmpf ogt, %add3A_167, %gt3A_169 : vector<64x64xf32>
      %mul3A_171 = arith.constant 2.000000e-01 : f32
      %mul3A_172 = vector.broadcast %mul3A_171 : f32 to vector<64x64xf32>
      %mul3A_173 = arith.mulf %mul3A_172, %add3A_167 : vector<64x64xf32>
      %select_n3A_174 = arith.select %gt3A_170, %add3A_167, %mul3A_173 : vector<64x64xi1>, vector<64x64xf32>
      %jit3A_175 = arith.constant -3.000000e+38 : f32
      %broadcast_in_dim3A_176 = vector.broadcast %jit3A_175 : f32 to vector<64x64xf32>
      %select_n3A_177 = arith.select %gt3A_148, %select_n3A_174, %broadcast_in_dim3A_176 : vector<64x64xi1>, vector<64x64xf32>
      %reduce_max3A_178 = arith.constant dense<0xFF800000> : vector<64xf32>
      %reduce_max3A_179 = vector.multi_reduction <maximumf>, %select_n3A_177, %reduce_max3A_178 [1] : vector<64x64xf32> to vector<64xf32>
      %broadcast_in_dim3A_180 = vector.shape_cast %reduce_max3A_179 : vector<64xf32> to vector<64x1xf32>
      %sub3A = vector.broadcast %broadcast_in_dim3A_180 : vector<64x1xf32> to vector<64x64xf32>
      %sub3A_181 = arith.subf %select_n3A_174, %sub3A : vector<64x64xf32>
      %jit3A_182 = arith.constant -3.000000e+38 : f32
      %broadcast_in_dim3A_183 = vector.broadcast %jit3A_182 : f32 to vector<64x64xf32>
      %select_n3A_184 = arith.select %gt3A_148, %sub3A_181, %broadcast_in_dim3A_183 : vector<64x64xi1>, vector<64x64xf32>
      %exp3A = math.exp %select_n3A_184 : vector<64x64xf32>
      %mul3A_185 = arith.mulf %add3A_96, %exp3A : vector<64x64xf32>
      %reduce_sum3A_186 = arith.constant dense<0.000000e+00> : vector<64xf32>
      %reduce_sum3A_187 = vector.multi_reduction <add>, %mul3A_185, %reduce_sum3A_186 [1] : vector<64x64xf32> to vector<64xf32>
      %broadcast_in_dim3A_188 = vector.shape_cast %reduce_sum3A_187 : vector<64xf32> to vector<64x1xf32>
      %mul3A_189 = arith.mulf %add3A_96, %exp3A : vector<64x64xf32>
      %add3A_190 = arith.constant 1.000000e-16 : f32
      %add3A_191 = vector.broadcast %add3A_190 : f32 to vector<64x1xf32>
      %add3A_192 = arith.addf %broadcast_in_dim3A_188, %add3A_191 : vector<64x1xf32>
      %div3A_193 = vector.broadcast %add3A_192 : vector<64x1xf32> to vector<64x64xf32>
      %div3A_194 = arith.divf %mul3A_189, %div3A_193 : vector<64x64xf32>
      %dot_general3A_195 = arith.constant dense<0.000000e+00> : vector<64x512xf32>
      %dot_general3A_196 = tpu.matmul %div3A_194, %dot_general3A_158, %dot_general3A_195 {dimension_numbers = #tpu.dot_dimension_numbers<[0], [0], [1], [1], [0, 1, 1, 1], [], []>, precision = #tpu.contract_precision<fp32>, transpose_lhs_hint = false} : vector<64x64xf32>, vector<64x512xf32>, vector<64x512xf32> -> vector<64x512xf32>
      %mul3A_197 = vector.broadcast %select_n3A_116 : vector<64x1xf32> to vector<64x512xf32>
      %mul3A_198 = arith.mulf %mul3A_197, %dot_general3A_196 : vector<64x512xf32>
      %dot_general3A_199 = arith.constant dense<0.000000e+00> : vector<64x512xf32>
      %dot_general3A_200 = tpu.matmul %div3A_194, %mul3A_198, %dot_general3A_199 {dimension_numbers = #tpu.dot_dimension_numbers<[1], [0], [0], [1], [0, 0, 1, 1], [], []>, precision = #tpu.contract_precision<fp32>, transpose_lhs_hint = false} : vector<64x64xf32>, vector<64x512xf32>, vector<64x512xf32> -> vector<64x512xf32>
      %mul3A_201 = vector.broadcast %broadcast_in_dim3A : vector<64x1xf32> to vector<64x512xf32>
      %mul3A_202 = arith.mulf %mul3A_201, %dot_general3A_200 : vector<64x512xf32>
      %swap3A = arith.constant 0 : index
      %swap3A_203 = arith.constant 2 : index
      %swap3A_204 = arith.constant 0 : index
      %swap3A_205 = vector.load %arg7[%swap3A, %swap3A_203, %swap3A_204] : memref<64x16x512xf32, #tpu.memory_space<vmem>>, vector<64x1x512xf32>
      %swap3A_206 = vector.shape_cast %swap3A_205 : vector<64x1x512xf32> to vector<64x512xf32>
      %swap3A_207 = vector.shape_cast %mul3A_202 : vector<64x512xf32> to vector<64x1x512xf32>
      tpu.vector_store %arg7[%swap3A, %swap3A_203, %swap3A_204], %swap3A_207 {strides = array<i32>} : memref<64x16x512xf32, #tpu.memory_space<vmem>>, vector<64x1x512xf32>,
      %reduce_sum3A_208 = arith.constant dense<0.000000e+00> : vector<64xf32>
      %reduce_sum3A_209 = vector.multi_reduction <add>, %dot_general3A_158, %reduce_sum3A_208 [1] : vector<64x512xf32> to vector<64xf32>
      %broadcast_in_dim3A_210 = vector.shape_cast %reduce_sum3A_209 : vector<64xf32> to vector<64x1xf32>
      %mul3A_211 = arith.mulf %broadcast_in_dim3A, %broadcast_in_dim3A_210 : vector<64x1xf32>
      %reduce_sum3A_212 = vector.shape_cast %mul3A_211 : vector<64x1xf32> to vector<1x64x1xf32>
      %reduce_sum3A_213 = arith.constant dense<0.000000e+00> : vector<1xf32>
      %reduce_sum3A_214 = vector.multi_reduction <add>, %reduce_sum3A_212, %reduce_sum3A_213 [1, 2] : vector<1x64x1xf32> to vector<1xf32>
      %reduce_sum3A_215 = vector.shape_cast %reduce_sum3A_214 : vector<1xf32> to vector<1x1x1xf32>
      %reduce_sum3A_216 = vector.extract %reduce_sum3A_215[0, 0, 0] : f32 from vector<1x1x1xf32>
      %reduce_sum3A_217 = arith.constant dense<0.000000e+00> : vector<64xf32>
      %reduce_sum3A_218 = vector.multi_reduction <add>, %dot_general3A_160, %reduce_sum3A_217 [1] : vector<64x512xf32> to vector<64xf32>
      %broadcast_in_dim3A_219 = vector.shape_cast %reduce_sum3A_218 : vector<64xf32> to vector<64x1xf32>
      %mul3A_220 = arith.mulf %dot_general3A_105, %broadcast_in_dim3A_219 : vector<64x1xf32>
      %reduce_sum3A_221 = vector.shape_cast %mul3A_220 : vector<64x1xf32> to vector<1x64x1xf32>
      %reduce_sum3A_222 = arith.constant dense<0.000000e+00> : vector<1xf32>
      %reduce_sum3A_223 = vector.multi_reduction <add>, %reduce_sum3A_221, %reduce_sum3A_222 [1, 2] : vector<1x64x1xf32> to vector<1xf32>
      %reduce_sum3A_224 = vector.shape_cast %reduce_sum3A_223 : vector<1xf32> to vector<1x1x1xf32>
      %reduce_sum3A_225 = vector.extract %reduce_sum3A_224[0, 0, 0] : f32 from vector<1x1x1xf32>
      %dot_general3A_226 = arith.constant dense<0.000000e+00> : vector<64x64xf32>
      %dot_general3A_227 = tpu.matmul %dot_general3A_160, %dot_general3A_160, %dot_general3A_226 {dimension_numbers = #tpu.dot_dimension_numbers<[1], [1], [0], [0], [0, 0, 1, 0], [], []>, precision = #tpu.contract_precision<fp32>, transpose_lhs_hint = false} : vector<64x512xf32>, vector<64x512xf32>, vector<64x64xf32> -> vector<64x64xf32>
      %mul3A_228 = arith.mulf %dot_general3A_160, %dot_general3A_160 : vector<64x512xf32>
      %reduce_sum3A_229 = arith.constant dense<0.000000e+00> : vector<64xf32>
      %reduce_sum3A_230 = vector.multi_reduction <add>, %mul3A_228, %reduce_sum3A_229 [1] : vector<64x512xf32> to vector<64xf32>
      %broadcast_in_dim3A_231 = vector.shape_cast %reduce_sum3A_230 : vector<64xf32> to vector<64x1xf32>
      %dot_general3A_232 = arith.constant dense<0.000000e+00> : vector<1x64xf32>
      %dot_general3A_233 = tpu.matmul %broadcast_in_dim3A_231, %convert_element_type3A_100, %dot_general3A_232 {dimension_numbers = #tpu.dot_dimension_numbers<[0], [0], [1], [1], [0, 1, 1, 1], [], []>, precision = #tpu.contract_precision<fp32>, transpose_lhs_hint = false} : vector<64x1xf32>, vector<64x64xf32>, vector<1x64xf32> -> vector<1x64xf32>
      %sqrt3A = math.sqrt %broadcast_in_dim3A_231 : vector<64x1xf32>
      %sqrt3A_234 = math.sqrt %dot_general3A_233 : vector<1x64xf32>
      %mul3A_235 = vector.broadcast %sqrt3A : vector<64x1xf32> to vector<64x64xf32>
      %mul3A_236 = vector.broadcast %sqrt3A_234 : vector<1x64xf32> to vector<64x64xf32>
      %mul3A_237 = arith.mulf %mul3A_235, %mul3A_236 : vector<64x64xf32>
      %add3A_238 = arith.constant 9.99999993E-9 : f32
      %add3A_239 = vector.broadcast %add3A_238 : f32 to vector<64x64xf32>
      %add3A_240 = arith.addf %mul3A_237, %add3A_239 : vector<64x64xf32>
      %div3A_241 = arith.divf %dot_general3A_227, %add3A_240 : vector<64x64xf32>
      %add3A_242 = vector.broadcast %broadcast_in_dim3A_231 : vector<64x1xf32> to vector<64x64xf32>
      %add3A_243 = vector.broadcast %dot_general3A_233 : vector<1x64xf32> to vector<64x64xf32>
      %add3A_244 = arith.addf %add3A_242, %add3A_243 : vector<64x64xf32>
      %mul3A_245 = arith.constant 2.000000e+00 : f32
      %mul3A_246 = vector.broadcast %mul3A_245 : f32 to vector<64x64xf32>
      %mul3A_247 = arith.mulf %mul3A_246, %dot_general3A_227 : vector<64x64xf32>
      %sub3A_248 = arith.subf %add3A_244, %mul3A_247 : vector<64x64xf32>
      %max3A = arith.constant 0.000000e+00 : f32
      %max3A_249 = vector.broadcast %max3A : f32 to vector<64x64xf32>
      %max3A_250 = arith.maximumf %sub3A_248, %max3A_249 : vector<64x64xf32>
      %sqrt3A_251 = math.sqrt %max3A_250 : vector<64x64xf32>
      %mul3A_252 = arith.mulf %div3A_241, %sqrt3A_251 : vector<64x64xf32>
      %sub3A_253 = arith.constant 1.000000e+00 : f32
      %sub3A_254 = vector.broadcast %sub3A_253 : f32 to vector<64x64xf32>
      %sub3A_255 = arith.subf %sub3A_254, %div3A_241 : vector<64x64xf32>
      %sub3A_256 = arith.constant 4.200000e+00 : f32
      %sub3A_257 = vector.broadcast %sub3A_256 : f32 to vector<64x64xf32>
      %sub3A_258 = arith.subf %sub3A_257, %sqrt3A_251 : vector<64x64xf32>
      %max3A_259 = arith.constant 0.000000e+00 : f32
      %max3A_260 = vector.broadcast %max3A_259 : f32 to vector<64x64xf32>
      %max3A_261 = arith.maximumf %sub3A_258, %max3A_260 : vector<64x64xf32>
      %mul3A_262 = arith.mulf %sub3A_255, %max3A_261 : vector<64x64xf32>
      %add3A_263 = arith.addf %mul3A_252, %mul3A_262 : vector<64x64xf32>
      %get3A_264 = arith.constant 0 : index
      %get3A_265 = memref.load %arg8[%get3A_264] : memref<4xf32, #tpu.memory_space<smem>>
      %mul3A_266 = arith.mulf %mul3A_139, %add3A_263 : vector<64x64xf32>
      %reduce_sum3A_267 = vector.shape_cast %mul3A_266 : vector<64x64xf32> to vector<1x64x64xf32>
      %reduce_sum3A_268 = arith.constant dense<0.000000e+00> : vector<1xf32>
      %reduce_sum3A_269 = vector.multi_reduction <add>, %reduce_sum3A_267, %reduce_sum3A_268 [1, 2] : vector<1x64x64xf32> to vector<1xf32>
      %reduce_sum3A_270 = vector.shape_cast %reduce_sum3A_269 : vector<1xf32> to vector<1x1x1xf32>
      %reduce_sum3A_271 = vector.extract %reduce_sum3A_270[0, 0, 0] : f32 from vector<1x1x1xf32>
      %add3A_272 = arith.addf %get3A_265, %reduce_sum3A_271 : f32
      %swap3A_273 = arith.constant 0 : index
      %swap3A_274 = memref.load %arg8[%swap3A_273] : memref<4xf32, #tpu.memory_space<smem>>
      memref.store %add3A_272, %arg8[%swap3A_273] : memref<4xf32, #tpu.memory_space<smem>>
      %get3A_275 = arith.constant 1 : index
      %get3A_276 = memref.load %arg8[%get3A_275] : memref<4xf32, #tpu.memory_space<smem>>
      %add3A_277 = arith.addf %get3A_276, %reduce_sum3A_216 : f32
      %swap3A_278 = arith.constant 1 : index
      %swap3A_279 = memref.load %arg8[%swap3A_278] : memref<4xf32, #tpu.memory_space<smem>>
      memref.store %add3A_277, %arg8[%swap3A_278] : memref<4xf32, #tpu.memory_space<smem>>
      %get3A_280 = arith.constant 2 : index
      %get3A_281 = memref.load %arg8[%get3A_280] : memref<4xf32, #tpu.memory_space<smem>>
      %add3A_282 = arith.addf %get3A_281, %reduce_sum3A_225 : f32
      %swap3A_283 = arith.constant 2 : index
      %swap3A_284 = memref.load %arg8[%swap3A_283] : memref<4xf32, #tpu.memory_space<smem>>
      memref.store %add3A_282, %arg8[%swap3A_283] : memref<4xf32, #tpu.memory_space<smem>>
    } else {
    }
    %eq3A_17 = arith.constant 1 : i32
    %eq3A_18 = arith.cmpi eq, %arg0, %eq3A_17 : i32
    %convert_element_type3A_19 = arith.extui %eq3A_18 : i1 to i32
    %cond3A_20 = arith.constant 0 : i32
    %cond3A_21 = arith.cmpi ne, %convert_element_type3A_19, %cond3A_20 : i32
    scf.if %cond3A_21 {
      %get3A = arith.constant 0 : index
      %get3A_91 = arith.constant 0 : index
      %get3A_92 = arith.constant 0 : index
      %get3A_93 = vector.load %arg1[%get3A, %get3A_91, %get3A_92] : memref<1x64x64xf32, #tpu.memory_space<vmem>>, vector<1x64x64xf32>
      %get3A_94 = vector.shape_cast %get3A_93 : vector<1x64x64xf32> to vector<64x64xf32>
      %add3A = arith.constant 0.000000e+00 : f32
      %add3A_95 = vector.broadcast %add3A : f32 to vector<64x64xf32>
      %add3A_96 = arith.addf %add3A_95, %get3A_94 : vector<64x64xf32>
      %iota3A = tpu.iota {dimensions = array<i32: 0>} : vector<64x64xi32>
      %iota3A_97 = tpu.iota {dimensions = array<i32: 1>} : vector<64x64xi32>
      %eq3A_98 = arith.cmpi eq, %iota3A, %iota3A_97 : vector<64x64xi32>
      %convert_element_type3A_99 = arith.extui %eq3A_98 : vector<64x64xi1> to vector<64x64xi32>
      %convert_element_type3A_100 = arith.sitofp %convert_element_type3A_99 : vector<64x64xi32> to vector<64x64xf32>
      %reduce_sum3A = arith.constant dense<0.000000e+00> : vector<64xf32>
      %reduce_sum3A_101 = vector.multi_reduction <add>, %add3A_96, %reduce_sum3A [1] : vector<64x64xf32> to vector<64xf32>
      %broadcast_in_dim3A = vector.shape_cast %reduce_sum3A_101 : vector<64xf32> to vector<64x1xf32>
      %reduce_sum3A_102 = arith.constant dense<0.000000e+00> : vector<64xf32>
      %reduce_sum3A_103 = vector.multi_reduction <add>, %add3A_96, %reduce_sum3A_102 [0] : vector<64x64xf32> to vector<64xf32>
      %broadcast_in_dim3A_104 = vector.shape_cast %reduce_sum3A_103 : vector<64xf32> to vector<1x64xf32>
      %dot_general3A = arith.constant dense<0.000000e+00> : vector<64x1xf32>
      %dot_general3A_105 = tpu.matmul %convert_element_type3A_100, %broadcast_in_dim3A_104, %dot_general3A {dimension_numbers = #tpu.dot_dimension_numbers<[1], [1], [0], [0], [0, 0, 1, 0], [], []>, precision = #tpu.contract_precision<fp32>, transpose_lhs_hint = false} : vector<64x64xf32>, vector<1x64xf32>, vector<64x1xf32> -> vector<64x1xf32>
      %gt3A = arith.constant 0.000000e+00 : f32
      %gt3A_106 = vector.broadcast %gt3A : f32 to vector<64x1xf32>
      %gt3A_107 = arith.cmpf ogt, %dot_general3A_105, %gt3A_106 : vector<64x1xf32>
      %gt3A_108 = arith.constant 0.000000e+00 : f32
      %gt3A_109 = vector.broadcast %gt3A_108 : f32 to vector<64x1xf32>
      %gt3A_110 = arith.cmpf ogt, %dot_general3A_105, %gt3A_109 : vector<64x1xf32>
      %jit3A = arith.constant 1.000000e+00 : f32
      %broadcast_in_dim3A_111 = vector.broadcast %jit3A : f32 to vector<64x1xf32>
      %select_n3A = arith.select %gt3A_110, %dot_general3A_105, %broadcast_in_dim3A_111 : vector<64x1xi1>, vector<64x1xf32>
      %div3A = arith.constant 1.000000e+00 : f32
      %div3A_112 = vector.broadcast %div3A : f32 to vector<64x1xf32>
      %div3A_113 = arith.divf %div3A_112, %select_n3A : vector<64x1xf32>
      %jit3A_114 = arith.constant 0.000000e+00 : f32
      %broadcast_in_dim3A_115 = vector.broadcast %jit3A_114 : f32 to vector<64x1xf32>
      %select_n3A_116 = arith.select %gt3A_107, %div3A_113, %broadcast_in_dim3A_115 : vector<64x1xi1>, vector<64x1xf32>
      %iota3A_117 = tpu.iota {dimensions = array<i32: 1>} : vector<1x64xi32>
      %convert_element_type3A_118 = arith.sitofp %iota3A_117 : vector<1x64xi32> to vector<1x64xf32>
      %gt3A_119 = arith.constant 0.000000e+00 : f32
      %gt3A_120 = vector.broadcast %gt3A_119 : f32 to vector<1x64xf32>
      %gt3A_121 = arith.cmpf ogt, %broadcast_in_dim3A_104, %gt3A_120 : vector<1x64xf32>
      %add3A_122 = arith.constant 1.000000e+00 : f32
      %add3A_123 = vector.broadcast %add3A_122 : f32 to vector<1x64xf32>
      %add3A_124 = arith.addf %convert_element_type3A_118, %add3A_123 : vector<1x64xf32>
      %jit3A_125 = arith.constant 0.000000e+00 : f32
      %broadcast_in_dim3A_126 = vector.broadcast %jit3A_125 : f32 to vector<1x64xf32>
      %select_n3A_127 = arith.select %gt3A_121, %add3A_124, %broadcast_in_dim3A_126 : vector<1x64xi1>, vector<1x64xf32>
      %reduce_max3A = vector.shape_cast %select_n3A_127 : vector<1x64xf32> to vector<1x1x64xf32>
      %reduce_max3A_128 = arith.constant dense<0xFF800000> : vector<1xf32>
      %reduce_max3A_129 = vector.multi_reduction <maximumf>, %reduce_max3A, %reduce_max3A_128 [1, 2] : vector<1x1x64xf32> to vector<1xf32>
      %reduce_max3A_130 = vector.shape_cast %reduce_max3A_129 : vector<1xf32> to vector<1x1x1xf32>
      %reduce_max3A_131 = vector.extract %reduce_max3A_130[0, 0, 0] : f32 from vector<1x1x1xf32>
      %lt3A_132 = vector.broadcast %reduce_max3A_131 : f32 to vector<1x64xf32>
      %lt3A_133 = arith.cmpf olt, %convert_element_type3A_118, %lt3A_132 : vector<1x64xf32>
      %convert_element_type3A_134 = arith.extui %lt3A_133 : vector<1x64xi1> to vector<1x64xi32>
      %convert_element_type3A_135 = arith.sitofp %convert_element_type3A_134 : vector<1x64xi32> to vector<1x64xf32>
      %dot_general3A_136 = arith.constant dense<0.000000e+00> : vector<64x1xf32>
      %dot_general3A_137 = tpu.matmul %convert_element_type3A_100, %convert_element_type3A_135, %dot_general3A_136 {dimension_numbers = #tpu.dot_dimension_numbers<[1], [1], [0], [0], [0, 0, 1, 0], [], []>, precision = #tpu.contract_precision<fp32>, transpose_lhs_hint = false} : vector<64x64xf32>, vector<1x64xf32>, vector<64x1xf32> -> vector<64x1xf32>
      %mul3A = vector.broadcast %dot_general3A_137 : vector<64x1xf32> to vector<64x64xf32>
      %mul3A_138 = vector.broadcast %convert_element_type3A_135 : vector<1x64xf32> to vector<64x64xf32>
      %mul3A_139 = arith.mulf %mul3A, %mul3A_138 : vector<64x64xf32>
      %get3A_140 = arith.constant 0 : index
      %get3A_141 = arith.constant 0 : index
      %get3A_142 = vector.load %arg4[%get3A_140, %get3A_141] : memref<2x512xf32, #tpu.memory_space<vmem>>, vector<1x512xf32>
      %get3A_143 = arith.constant 1 : index
      %get3A_144 = arith.constant 0 : index
      %get3A_145 = vector.load %arg4[%get3A_143, %get3A_144] : memref<2x512xf32, #tpu.memory_space<vmem>>, vector<1x512xf32>
      %gt3A_146 = arith.constant 0.000000e+00 : f32
      %gt3A_147 = vector.broadcast %gt3A_146 : f32 to vector<64x64xf32>
      %gt3A_148 = arith.cmpf ogt, %add3A_96, %gt3A_147 : vector<64x64xf32>
      %get3A_149 = arith.constant 3 : index
      %get3A_150 = arith.constant 0 : index
      %get3A_151 = arith.constant 0 : index
      %get3A_152 = vector.load %arg2[%get3A_149, %get3A_150, %get3A_151] : memref<16x64x512xf32, #tpu.memory_space<vmem>>, vector<1x64x512xf32>
      %get3A_153 = vector.shape_cast %get3A_152 : vector<1x64x512xf32> to vector<64x512xf32>
      %get3A_154 = arith.constant 0 : index
      %get3A_155 = arith.constant 0 : index
      %get3A_156 = vector.load %arg3[%get3A_154, %get3A_155] : memref<512x512xf32, #tpu.memory_space<vmem>>, vector<512x512xf32>
      %dot_general3A_157 = arith.constant dense<0.000000e+00> : vector<64x512xf32>
      %dot_general3A_158 = tpu.matmul %get3A_153, %get3A_156, %dot_general3A_157 {dimension_numbers = #tpu.dot_dimension_numbers<[1], [0], [0], [1], [0, 0, 1, 1], [], []>, transpose_lhs_hint = false} : vector<64x512xf32>, vector<512x512xf32>, vector<64x512xf32> -> vector<64x512xf32>
      %dot_general3A_159 = arith.constant dense<0.000000e+00> : vector<64x512xf32>
      %dot_general3A_160 = tpu.matmul %add3A_96, %dot_general3A_158, %dot_general3A_159 {dimension_numbers = #tpu.dot_dimension_numbers<[0], [0], [1], [1], [0, 1, 1, 1], [], []>, precision = #tpu.contract_precision<fp32>, transpose_lhs_hint = false} : vector<64x64xf32>, vector<64x512xf32>, vector<64x512xf32> -> vector<64x512xf32>
      %dot_general3A_161 = arith.constant dense<0.000000e+00> : vector<64x1xf32>
      %dot_general3A_162 = tpu.matmul %dot_general3A_158, %get3A_142, %dot_general3A_161 {dimension_numbers = #tpu.dot_dimension_numbers<[1], [1], [0], [0], [0, 0, 1, 0], [], []>, precision = #tpu.contract_precision<fp32>, transpose_lhs_hint = false} : vector<64x512xf32>, vector<1x512xf32>, vector<64x1xf32> -> vector<64x1xf32>
      %dot_general3A_163 = arith.constant dense<0.000000e+00> : vector<1x64xf32>
      %dot_general3A_164 = tpu.matmul %get3A_145, %dot_general3A_160, %dot_general3A_163 {dimension_numbers = #tpu.dot_dimension_numbers<[1], [1], [0], [0], [0, 0, 1, 0], [], []>, precision = #tpu.contract_precision<fp32>, transpose_lhs_hint = false} : vector<1x512xf32>, vector<64x512xf32>, vector<1x64xf32> -> vector<1x64xf32>
      %add3A_165 = vector.broadcast %dot_general3A_162 : vector<64x1xf32> to vector<64x64xf32>
      %add3A_166 = vector.broadcast %dot_general3A_164 : vector<1x64xf32> to vector<64x64xf32>
      %add3A_167 = arith.addf %add3A_165, %add3A_166 : vector<64x64xf32>
      %gt3A_168 = arith.constant 0.000000e+00 : f32
      %gt3A_169 = vector.broadcast %gt3A_168 : f32 to vector<64x64xf32>
      %gt3A_170 = arith.cmpf ogt, %add3A_167, %gt3A_169 : vector<64x64xf32>
      %mul3A_171 = arith.constant 2.000000e-01 : f32
      %mul3A_172 = vector.broadcast %mul3A_171 : f32 to vector<64x64xf32>
      %mul3A_173 = arith.mulf %mul3A_172, %add3A_167 : vector<64x64xf32>
      %select_n3A_174 = arith.select %gt3A_170, %add3A_167, %mul3A_173 : vector<64x64xi1>, vector<64x64xf32>
      %jit3A_175 = arith.constant -3.000000e+38 : f32
      %broadcast_in_dim3A_176 = vector.broadcast %jit3A_175 : f32 to vector<64x64xf32>
      %select_n3A_177 = arith.select %gt3A_148, %select_n3A_174, %broadcast_in_dim3A_176 : vector<64x64xi1>, vector<64x64xf32>
      %reduce_max3A_178 = arith.constant dense<0xFF800000> : vector<64xf32>
      %reduce_max3A_179 = vector.multi_reduction <maximumf>, %select_n3A_177, %reduce_max3A_178 [1] : vector<64x64xf32> to vector<64xf32>
      %broadcast_in_dim3A_180 = vector.shape_cast %reduce_max3A_179 : vector<64xf32> to vector<64x1xf32>
      %sub3A = vector.broadcast %broadcast_in_dim3A_180 : vector<64x1xf32> to vector<64x64xf32>
      %sub3A_181 = arith.subf %select_n3A_174, %sub3A : vector<64x64xf32>
      %jit3A_182 = arith.constant -3.000000e+38 : f32
      %broadcast_in_dim3A_183 = vector.broadcast %jit3A_182 : f32 to vector<64x64xf32>
      %select_n3A_184 = arith.select %gt3A_148, %sub3A_181, %broadcast_in_dim3A_183 : vector<64x64xi1>, vector<64x64xf32>
      %exp3A = math.exp %select_n3A_184 : vector<64x64xf32>
      %mul3A_185 = arith.mulf %add3A_96, %exp3A : vector<64x64xf32>
      %reduce_sum3A_186 = arith.constant dense<0.000000e+00> : vector<64xf32>
      %reduce_sum3A_187 = vector.multi_reduction <add>, %mul3A_185, %reduce_sum3A_186 [1] : vector<64x64xf32> to vector<64xf32>
      %broadcast_in_dim3A_188 = vector.shape_cast %reduce_sum3A_187 : vector<64xf32> to vector<64x1xf32>
      %mul3A_189 = arith.mulf %add3A_96, %exp3A : vector<64x64xf32>
      %add3A_190 = arith.constant 1.000000e-16 : f32
      %add3A_191 = vector.broadcast %add3A_190 : f32 to vector<64x1xf32>
      %add3A_192 = arith.addf %broadcast_in_dim3A_188, %add3A_191 : vector<64x1xf32>
      %div3A_193 = vector.broadcast %add3A_192 : vector<64x1xf32> to vector<64x64xf32>
      %div3A_194 = arith.divf %mul3A_189, %div3A_193 : vector<64x64xf32>
      %dot_general3A_195 = arith.constant dense<0.000000e+00> : vector<64x512xf32>
      %dot_general3A_196 = tpu.matmul %div3A_194, %dot_general3A_158, %dot_general3A_195 {dimension_numbers = #tpu.dot_dimension_numbers<[0], [0], [1], [1], [0, 1, 1, 1], [], []>, precision = #tpu.contract_precision<fp32>, transpose_lhs_hint = false} : vector<64x64xf32>, vector<64x512xf32>, vector<64x512xf32> -> vector<64x512xf32>
      %mul3A_197 = vector.broadcast %select_n3A_116 : vector<64x1xf32> to vector<64x512xf32>
      %mul3A_198 = arith.mulf %mul3A_197, %dot_general3A_196 : vector<64x512xf32>
      %dot_general3A_199 = arith.constant dense<0.000000e+00> : vector<64x512xf32>
      %dot_general3A_200 = tpu.matmul %div3A_194, %mul3A_198, %dot_general3A_199 {dimension_numbers = #tpu.dot_dimension_numbers<[1], [0], [0], [1], [0, 0, 1, 1], [], []>, precision = #tpu.contract_precision<fp32>, transpose_lhs_hint = false} : vector<64x64xf32>, vector<64x512xf32>, vector<64x512xf32> -> vector<64x512xf32>
      %mul3A_201 = vector.broadcast %broadcast_in_dim3A : vector<64x1xf32> to vector<64x512xf32>
      %mul3A_202 = arith.mulf %mul3A_201, %dot_general3A_200 : vector<64x512xf32>
      %swap3A = arith.constant 0 : index
      %swap3A_203 = arith.constant 3 : index
      %swap3A_204 = arith.constant 0 : index
      %swap3A_205 = vector.load %arg7[%swap3A, %swap3A_203, %swap3A_204] : memref<64x16x512xf32, #tpu.memory_space<vmem>>, vector<64x1x512xf32>
      %swap3A_206 = vector.shape_cast %swap3A_205 : vector<64x1x512xf32> to vector<64x512xf32>
      %swap3A_207 = vector.shape_cast %mul3A_202 : vector<64x512xf32> to vector<64x1x512xf32>
      tpu.vector_store %arg7[%swap3A, %swap3A_203, %swap3A_204], %swap3A_207 {strides = array<i32>} : memref<64x16x512xf32, #tpu.memory_space<vmem>>, vector<64x1x512xf32>,
      %reduce_sum3A_208 = arith.constant dense<0.000000e+00> : vector<64xf32>
      %reduce_sum3A_209 = vector.multi_reduction <add>, %dot_general3A_158, %reduce_sum3A_208 [1] : vector<64x512xf32> to vector<64xf32>
      %broadcast_in_dim3A_210 = vector.shape_cast %reduce_sum3A_209 : vector<64xf32> to vector<64x1xf32>
      %mul3A_211 = arith.mulf %broadcast_in_dim3A, %broadcast_in_dim3A_210 : vector<64x1xf32>
      %reduce_sum3A_212 = vector.shape_cast %mul3A_211 : vector<64x1xf32> to vector<1x64x1xf32>
      %reduce_sum3A_213 = arith.constant dense<0.000000e+00> : vector<1xf32>
      %reduce_sum3A_214 = vector.multi_reduction <add>, %reduce_sum3A_212, %reduce_sum3A_213 [1, 2] : vector<1x64x1xf32> to vector<1xf32>
      %reduce_sum3A_215 = vector.shape_cast %reduce_sum3A_214 : vector<1xf32> to vector<1x1x1xf32>
      %reduce_sum3A_216 = vector.extract %reduce_sum3A_215[0, 0, 0] : f32 from vector<1x1x1xf32>
      %reduce_sum3A_217 = arith.constant dense<0.000000e+00> : vector<64xf32>
      %reduce_sum3A_218 = vector.multi_reduction <add>, %dot_general3A_160, %reduce_sum3A_217 [1] : vector<64x512xf32> to vector<64xf32>
      %broadcast_in_dim3A_219 = vector.shape_cast %reduce_sum3A_218 : vector<64xf32> to vector<64x1xf32>
      %mul3A_220 = arith.mulf %dot_general3A_105, %broadcast_in_dim3A_219 : vector<64x1xf32>
      %reduce_sum3A_221 = vector.shape_cast %mul3A_220 : vector<64x1xf32> to vector<1x64x1xf32>
      %reduce_sum3A_222 = arith.constant dense<0.000000e+00> : vector<1xf32>
      %reduce_sum3A_223 = vector.multi_reduction <add>, %reduce_sum3A_221, %reduce_sum3A_222 [1, 2] : vector<1x64x1xf32> to vector<1xf32>
      %reduce_sum3A_224 = vector.shape_cast %reduce_sum3A_223 : vector<1xf32> to vector<1x1x1xf32>
      %reduce_sum3A_225 = vector.extract %reduce_sum3A_224[0, 0, 0] : f32 from vector<1x1x1xf32>
      %dot_general3A_226 = arith.constant dense<0.000000e+00> : vector<64x64xf32>
      %dot_general3A_227 = tpu.matmul %dot_general3A_160, %dot_general3A_160, %dot_general3A_226 {dimension_numbers = #tpu.dot_dimension_numbers<[1], [1], [0], [0], [0, 0, 1, 0], [], []>, precision = #tpu.contract_precision<fp32>, transpose_lhs_hint = false} : vector<64x512xf32>, vector<64x512xf32>, vector<64x64xf32> -> vector<64x64xf32>
      %mul3A_228 = arith.mulf %dot_general3A_160, %dot_general3A_160 : vector<64x512xf32>
      %reduce_sum3A_229 = arith.constant dense<0.000000e+00> : vector<64xf32>
      %reduce_sum3A_230 = vector.multi_reduction <add>, %mul3A_228, %reduce_sum3A_229 [1] : vector<64x512xf32> to vector<64xf32>
      %broadcast_in_dim3A_231 = vector.shape_cast %reduce_sum3A_230 : vector<64xf32> to vector<64x1xf32>
      %dot_general3A_232 = arith.constant dense<0.000000e+00> : vector<1x64xf32>
      %dot_general3A_233 = tpu.matmul %broadcast_in_dim3A_231, %convert_element_type3A_100, %dot_general3A_232 {dimension_numbers = #tpu.dot_dimension_numbers<[0], [0], [1], [1], [0, 1, 1, 1], [], []>, precision = #tpu.contract_precision<fp32>, transpose_lhs_hint = false} : vector<64x1xf32>, vector<64x64xf32>, vector<1x64xf32> -> vector<1x64xf32>
      %sqrt3A = math.sqrt %broadcast_in_dim3A_231 : vector<64x1xf32>
      %sqrt3A_234 = math.sqrt %dot_general3A_233 : vector<1x64xf32>
      %mul3A_235 = vector.broadcast %sqrt3A : vector<64x1xf32> to vector<64x64xf32>
      %mul3A_236 = vector.broadcast %sqrt3A_234 : vector<1x64xf32> to vector<64x64xf32>
      %mul3A_237 = arith.mulf %mul3A_235, %mul3A_236 : vector<64x64xf32>
      %add3A_238 = arith.constant 9.99999993E-9 : f32
      %add3A_239 = vector.broadcast %add3A_238 : f32 to vector<64x64xf32>
      %add3A_240 = arith.addf %mul3A_237, %add3A_239 : vector<64x64xf32>
      %div3A_241 = arith.divf %dot_general3A_227, %add3A_240 : vector<64x64xf32>
      %add3A_242 = vector.broadcast %broadcast_in_dim3A_231 : vector<64x1xf32> to vector<64x64xf32>
      %add3A_243 = vector.broadcast %dot_general3A_233 : vector<1x64xf32> to vector<64x64xf32>
      %add3A_244 = arith.addf %add3A_242, %add3A_243 : vector<64x64xf32>
      %mul3A_245 = arith.constant 2.000000e+00 : f32
      %mul3A_246 = vector.broadcast %mul3A_245 : f32 to vector<64x64xf32>
      %mul3A_247 = arith.mulf %mul3A_246, %dot_general3A_227 : vector<64x64xf32>
      %sub3A_248 = arith.subf %add3A_244, %mul3A_247 : vector<64x64xf32>
      %max3A = arith.constant 0.000000e+00 : f32
      %max3A_249 = vector.broadcast %max3A : f32 to vector<64x64xf32>
      %max3A_250 = arith.maximumf %sub3A_248, %max3A_249 : vector<64x64xf32>
      %sqrt3A_251 = math.sqrt %max3A_250 : vector<64x64xf32>
      %mul3A_252 = arith.mulf %div3A_241, %sqrt3A_251 : vector<64x64xf32>
      %sub3A_253 = arith.constant 1.000000e+00 : f32
      %sub3A_254 = vector.broadcast %sub3A_253 : f32 to vector<64x64xf32>
      %sub3A_255 = arith.subf %sub3A_254, %div3A_241 : vector<64x64xf32>
      %sub3A_256 = arith.constant 4.200000e+00 : f32
      %sub3A_257 = vector.broadcast %sub3A_256 : f32 to vector<64x64xf32>
      %sub3A_258 = arith.subf %sub3A_257, %sqrt3A_251 : vector<64x64xf32>
      %max3A_259 = arith.constant 0.000000e+00 : f32
      %max3A_260 = vector.broadcast %max3A_259 : f32 to vector<64x64xf32>
      %max3A_261 = arith.maximumf %sub3A_258, %max3A_260 : vector<64x64xf32>
      %mul3A_262 = arith.mulf %sub3A_255, %max3A_261 : vector<64x64xf32>
      %add3A_263 = arith.addf %mul3A_252, %mul3A_262 : vector<64x64xf32>
      %get3A_264 = arith.constant 0 : index
      %get3A_265 = memref.load %arg8[%get3A_264] : memref<4xf32, #tpu.memory_space<smem>>
      %mul3A_266 = arith.mulf %mul3A_139, %add3A_263 : vector<64x64xf32>
      %reduce_sum3A_267 = vector.shape_cast %mul3A_266 : vector<64x64xf32> to vector<1x64x64xf32>
      %reduce_sum3A_268 = arith.constant dense<0.000000e+00> : vector<1xf32>
      %reduce_sum3A_269 = vector.multi_reduction <add>, %reduce_sum3A_267, %reduce_sum3A_268 [1, 2] : vector<1x64x64xf32> to vector<1xf32>
      %reduce_sum3A_270 = vector.shape_cast %reduce_sum3A_269 : vector<1xf32> to vector<1x1x1xf32>
      %reduce_sum3A_271 = vector.extract %reduce_sum3A_270[0, 0, 0] : f32 from vector<1x1x1xf32>
      %add3A_272 = arith.addf %get3A_265, %reduce_sum3A_271 : f32
      %swap3A_273 = arith.constant 0 : index
      %swap3A_274 = memref.load %arg8[%swap3A_273] : memref<4xf32, #tpu.memory_space<smem>>
      memref.store %add3A_272, %arg8[%swap3A_273] : memref<4xf32, #tpu.memory_space<smem>>
      %get3A_275 = arith.constant 1 : index
      %get3A_276 = memref.load %arg8[%get3A_275] : memref<4xf32, #tpu.memory_space<smem>>
      %add3A_277 = arith.addf %get3A_276, %reduce_sum3A_216 : f32
      %swap3A_278 = arith.constant 1 : index
      %swap3A_279 = memref.load %arg8[%swap3A_278] : memref<4xf32, #tpu.memory_space<smem>>
      memref.store %add3A_277, %arg8[%swap3A_278] : memref<4xf32, #tpu.memory_space<smem>>
      %get3A_280 = arith.constant 2 : index
      %get3A_281 = memref.load %arg8[%get3A_280] : memref<4xf32, #tpu.memory_space<smem>>
      %add3A_282 = arith.addf %get3A_281, %reduce_sum3A_225 : f32
      %swap3A_283 = arith.constant 2 : index
      %swap3A_284 = memref.load %arg8[%swap3A_283] : memref<4xf32, #tpu.memory_space<smem>>
      memref.store %add3A_282, %arg8[%swap3A_283] : memref<4xf32, #tpu.memory_space<smem>>
    } else {
    }
    %eq3A_22 = arith.constant 1 : i32
    %eq3A_23 = arith.cmpi eq, %arg0, %eq3A_22 : i32
    %convert_element_type3A_24 = arith.extui %eq3A_23 : i1 to i32
    %cond3A_25 = arith.constant 0 : i32
    %cond3A_26 = arith.cmpi ne, %convert_element_type3A_24, %cond3A_25 : i32
    scf.if %cond3A_26 {
      %get3A = arith.constant 0 : index
      %get3A_91 = arith.constant 0 : index
      %get3A_92 = arith.constant 0 : index
      %get3A_93 = vector.load %arg1[%get3A, %get3A_91, %get3A_92] : memref<1x64x64xf32, #tpu.memory_space<vmem>>, vector<1x64x64xf32>
      %get3A_94 = vector.shape_cast %get3A_93 : vector<1x64x64xf32> to vector<64x64xf32>
      %add3A = arith.constant 0.000000e+00 : f32
      %add3A_95 = vector.broadcast %add3A : f32 to vector<64x64xf32>
      %add3A_96 = arith.addf %add3A_95, %get3A_94 : vector<64x64xf32>
      %iota3A = tpu.iota {dimensions = array<i32: 0>} : vector<64x64xi32>
      %iota3A_97 = tpu.iota {dimensions = array<i32: 1>} : vector<64x64xi32>
      %eq3A_98 = arith.cmpi eq, %iota3A, %iota3A_97 : vector<64x64xi32>
      %convert_element_type3A_99 = arith.extui %eq3A_98 : vector<64x64xi1> to vector<64x64xi32>
      %convert_element_type3A_100 = arith.sitofp %convert_element_type3A_99 : vector<64x64xi32> to vector<64x64xf32>
      %reduce_sum3A = arith.constant dense<0.000000e+00> : vector<64xf32>
      %reduce_sum3A_101 = vector.multi_reduction <add>, %add3A_96, %reduce_sum3A [1] : vector<64x64xf32> to vector<64xf32>
      %broadcast_in_dim3A = vector.shape_cast %reduce_sum3A_101 : vector<64xf32> to vector<64x1xf32>
      %reduce_sum3A_102 = arith.constant dense<0.000000e+00> : vector<64xf32>
      %reduce_sum3A_103 = vector.multi_reduction <add>, %add3A_96, %reduce_sum3A_102 [0] : vector<64x64xf32> to vector<64xf32>
      %broadcast_in_dim3A_104 = vector.shape_cast %reduce_sum3A_103 : vector<64xf32> to vector<1x64xf32>
      %dot_general3A = arith.constant dense<0.000000e+00> : vector<64x1xf32>
      %dot_general3A_105 = tpu.matmul %convert_element_type3A_100, %broadcast_in_dim3A_104, %dot_general3A {dimension_numbers = #tpu.dot_dimension_numbers<[1], [1], [0], [0], [0, 0, 1, 0], [], []>, precision = #tpu.contract_precision<fp32>, transpose_lhs_hint = false} : vector<64x64xf32>, vector<1x64xf32>, vector<64x1xf32> -> vector<64x1xf32>
      %gt3A = arith.constant 0.000000e+00 : f32
      %gt3A_106 = vector.broadcast %gt3A : f32 to vector<64x1xf32>
      %gt3A_107 = arith.cmpf ogt, %dot_general3A_105, %gt3A_106 : vector<64x1xf32>
      %gt3A_108 = arith.constant 0.000000e+00 : f32
      %gt3A_109 = vector.broadcast %gt3A_108 : f32 to vector<64x1xf32>
      %gt3A_110 = arith.cmpf ogt, %dot_general3A_105, %gt3A_109 : vector<64x1xf32>
      %jit3A = arith.constant 1.000000e+00 : f32
      %broadcast_in_dim3A_111 = vector.broadcast %jit3A : f32 to vector<64x1xf32>
      %select_n3A = arith.select %gt3A_110, %dot_general3A_105, %broadcast_in_dim3A_111 : vector<64x1xi1>, vector<64x1xf32>
      %div3A = arith.constant 1.000000e+00 : f32
      %div3A_112 = vector.broadcast %div3A : f32 to vector<64x1xf32>
      %div3A_113 = arith.divf %div3A_112, %select_n3A : vector<64x1xf32>
      %jit3A_114 = arith.constant 0.000000e+00 : f32
      %broadcast_in_dim3A_115 = vector.broadcast %jit3A_114 : f32 to vector<64x1xf32>
      %select_n3A_116 = arith.select %gt3A_107, %div3A_113, %broadcast_in_dim3A_115 : vector<64x1xi1>, vector<64x1xf32>
      %iota3A_117 = tpu.iota {dimensions = array<i32: 1>} : vector<1x64xi32>
      %convert_element_type3A_118 = arith.sitofp %iota3A_117 : vector<1x64xi32> to vector<1x64xf32>
      %gt3A_119 = arith.constant 0.000000e+00 : f32
      %gt3A_120 = vector.broadcast %gt3A_119 : f32 to vector<1x64xf32>
      %gt3A_121 = arith.cmpf ogt, %broadcast_in_dim3A_104, %gt3A_120 : vector<1x64xf32>
      %add3A_122 = arith.constant 1.000000e+00 : f32
      %add3A_123 = vector.broadcast %add3A_122 : f32 to vector<1x64xf32>
      %add3A_124 = arith.addf %convert_element_type3A_118, %add3A_123 : vector<1x64xf32>
      %jit3A_125 = arith.constant 0.000000e+00 : f32
      %broadcast_in_dim3A_126 = vector.broadcast %jit3A_125 : f32 to vector<1x64xf32>
      %select_n3A_127 = arith.select %gt3A_121, %add3A_124, %broadcast_in_dim3A_126 : vector<1x64xi1>, vector<1x64xf32>
      %reduce_max3A = vector.shape_cast %select_n3A_127 : vector<1x64xf32> to vector<1x1x64xf32>
      %reduce_max3A_128 = arith.constant dense<0xFF800000> : vector<1xf32>
      %reduce_max3A_129 = vector.multi_reduction <maximumf>, %reduce_max3A, %reduce_max3A_128 [1, 2] : vector<1x1x64xf32> to vector<1xf32>
      %reduce_max3A_130 = vector.shape_cast %reduce_max3A_129 : vector<1xf32> to vector<1x1x1xf32>
      %reduce_max3A_131 = vector.extract %reduce_max3A_130[0, 0, 0] : f32 from vector<1x1x1xf32>
      %lt3A_132 = vector.broadcast %reduce_max3A_131 : f32 to vector<1x64xf32>
      %lt3A_133 = arith.cmpf olt, %convert_element_type3A_118, %lt3A_132 : vector<1x64xf32>
      %convert_element_type3A_134 = arith.extui %lt3A_133 : vector<1x64xi1> to vector<1x64xi32>
      %convert_element_type3A_135 = arith.sitofp %convert_element_type3A_134 : vector<1x64xi32> to vector<1x64xf32>
      %dot_general3A_136 = arith.constant dense<0.000000e+00> : vector<64x1xf32>
      %dot_general3A_137 = tpu.matmul %convert_element_type3A_100, %convert_element_type3A_135, %dot_general3A_136 {dimension_numbers = #tpu.dot_dimension_numbers<[1], [1], [0], [0], [0, 0, 1, 0], [], []>, precision = #tpu.contract_precision<fp32>, transpose_lhs_hint = false} : vector<64x64xf32>, vector<1x64xf32>, vector<64x1xf32> -> vector<64x1xf32>
      %mul3A = vector.broadcast %dot_general3A_137 : vector<64x1xf32> to vector<64x64xf32>
      %mul3A_138 = vector.broadcast %convert_element_type3A_135 : vector<1x64xf32> to vector<64x64xf32>
      %mul3A_139 = arith.mulf %mul3A, %mul3A_138 : vector<64x64xf32>
      %get3A_140 = arith.constant 0 : index
      %get3A_141 = arith.constant 0 : index
      %get3A_142 = vector.load %arg4[%get3A_140, %get3A_141] : memref<2x512xf32, #tpu.memory_space<vmem>>, vector<1x512xf32>
      %get3A_143 = arith.constant 1 : index
      %get3A_144 = arith.constant 0 : index
      %get3A_145 = vector.load %arg4[%get3A_143, %get3A_144] : memref<2x512xf32, #tpu.memory_space<vmem>>, vector<1x512xf32>
      %gt3A_146 = arith.constant 0.000000e+00 : f32
      %gt3A_147 = vector.broadcast %gt3A_146 : f32 to vector<64x64xf32>
      %gt3A_148 = arith.cmpf ogt, %add3A_96, %gt3A_147 : vector<64x64xf32>
      %get3A_149 = arith.constant 4 : index
      %get3A_150 = arith.constant 0 : index
      %get3A_151 = arith.constant 0 : index
      %get3A_152 = vector.load %arg2[%get3A_149, %get3A_150, %get3A_151] : memref<16x64x512xf32, #tpu.memory_space<vmem>>, vector<1x64x512xf32>
      %get3A_153 = vector.shape_cast %get3A_152 : vector<1x64x512xf32> to vector<64x512xf32>
      %get3A_154 = arith.constant 0 : index
      %get3A_155 = arith.constant 0 : index
      %get3A_156 = vector.load %arg3[%get3A_154, %get3A_155] : memref<512x512xf32, #tpu.memory_space<vmem>>, vector<512x512xf32>
      %dot_general3A_157 = arith.constant dense<0.000000e+00> : vector<64x512xf32>
      %dot_general3A_158 = tpu.matmul %get3A_153, %get3A_156, %dot_general3A_157 {dimension_numbers = #tpu.dot_dimension_numbers<[1], [0], [0], [1], [0, 0, 1, 1], [], []>, transpose_lhs_hint = false} : vector<64x512xf32>, vector<512x512xf32>, vector<64x512xf32> -> vector<64x512xf32>
      %dot_general3A_159 = arith.constant dense<0.000000e+00> : vector<64x512xf32>
      %dot_general3A_160 = tpu.matmul %add3A_96, %dot_general3A_158, %dot_general3A_159 {dimension_numbers = #tpu.dot_dimension_numbers<[0], [0], [1], [1], [0, 1, 1, 1], [], []>, precision = #tpu.contract_precision<fp32>, transpose_lhs_hint = false} : vector<64x64xf32>, vector<64x512xf32>, vector<64x512xf32> -> vector<64x512xf32>
      %dot_general3A_161 = arith.constant dense<0.000000e+00> : vector<64x1xf32>
      %dot_general3A_162 = tpu.matmul %dot_general3A_158, %get3A_142, %dot_general3A_161 {dimension_numbers = #tpu.dot_dimension_numbers<[1], [1], [0], [0], [0, 0, 1, 0], [], []>, precision = #tpu.contract_precision<fp32>, transpose_lhs_hint = false} : vector<64x512xf32>, vector<1x512xf32>, vector<64x1xf32> -> vector<64x1xf32>
      %dot_general3A_163 = arith.constant dense<0.000000e+00> : vector<1x64xf32>
      %dot_general3A_164 = tpu.matmul %get3A_145, %dot_general3A_160, %dot_general3A_163 {dimension_numbers = #tpu.dot_dimension_numbers<[1], [1], [0], [0], [0, 0, 1, 0], [], []>, precision = #tpu.contract_precision<fp32>, transpose_lhs_hint = false} : vector<1x512xf32>, vector<64x512xf32>, vector<1x64xf32> -> vector<1x64xf32>
      %add3A_165 = vector.broadcast %dot_general3A_162 : vector<64x1xf32> to vector<64x64xf32>
      %add3A_166 = vector.broadcast %dot_general3A_164 : vector<1x64xf32> to vector<64x64xf32>
      %add3A_167 = arith.addf %add3A_165, %add3A_166 : vector<64x64xf32>
      %gt3A_168 = arith.constant 0.000000e+00 : f32
      %gt3A_169 = vector.broadcast %gt3A_168 : f32 to vector<64x64xf32>
      %gt3A_170 = arith.cmpf ogt, %add3A_167, %gt3A_169 : vector<64x64xf32>
      %mul3A_171 = arith.constant 2.000000e-01 : f32
      %mul3A_172 = vector.broadcast %mul3A_171 : f32 to vector<64x64xf32>
      %mul3A_173 = arith.mulf %mul3A_172, %add3A_167 : vector<64x64xf32>
      %select_n3A_174 = arith.select %gt3A_170, %add3A_167, %mul3A_173 : vector<64x64xi1>, vector<64x64xf32>
      %jit3A_175 = arith.constant -3.000000e+38 : f32
      %broadcast_in_dim3A_176 = vector.broadcast %jit3A_175 : f32 to vector<64x64xf32>
      %select_n3A_177 = arith.select %gt3A_148, %select_n3A_174, %broadcast_in_dim3A_176 : vector<64x64xi1>, vector<64x64xf32>
      %reduce_max3A_178 = arith.constant dense<0xFF800000> : vector<64xf32>
      %reduce_max3A_179 = vector.multi_reduction <maximumf>, %select_n3A_177, %reduce_max3A_178 [1] : vector<64x64xf32> to vector<64xf32>
      %broadcast_in_dim3A_180 = vector.shape_cast %reduce_max3A_179 : vector<64xf32> to vector<64x1xf32>
      %sub3A = vector.broadcast %broadcast_in_dim3A_180 : vector<64x1xf32> to vector<64x64xf32>
      %sub3A_181 = arith.subf %select_n3A_174, %sub3A : vector<64x64xf32>
      %jit3A_182 = arith.constant -3.000000e+38 : f32
      %broadcast_in_dim3A_183 = vector.broadcast %jit3A_182 : f32 to vector<64x64xf32>
      %select_n3A_184 = arith.select %gt3A_148, %sub3A_181, %broadcast_in_dim3A_183 : vector<64x64xi1>, vector<64x64xf32>
      %exp3A = math.exp %select_n3A_184 : vector<64x64xf32>
      %mul3A_185 = arith.mulf %add3A_96, %exp3A : vector<64x64xf32>
      %reduce_sum3A_186 = arith.constant dense<0.000000e+00> : vector<64xf32>
      %reduce_sum3A_187 = vector.multi_reduction <add>, %mul3A_185, %reduce_sum3A_186 [1] : vector<64x64xf32> to vector<64xf32>
      %broadcast_in_dim3A_188 = vector.shape_cast %reduce_sum3A_187 : vector<64xf32> to vector<64x1xf32>
      %mul3A_189 = arith.mulf %add3A_96, %exp3A : vector<64x64xf32>
      %add3A_190 = arith.constant 1.000000e-16 : f32
      %add3A_191 = vector.broadcast %add3A_190 : f32 to vector<64x1xf32>
      %add3A_192 = arith.addf %broadcast_in_dim3A_188, %add3A_191 : vector<64x1xf32>
      %div3A_193 = vector.broadcast %add3A_192 : vector<64x1xf32> to vector<64x64xf32>
      %div3A_194 = arith.divf %mul3A_189, %div3A_193 : vector<64x64xf32>
      %dot_general3A_195 = arith.constant dense<0.000000e+00> : vector<64x512xf32>
      %dot_general3A_196 = tpu.matmul %div3A_194, %dot_general3A_158, %dot_general3A_195 {dimension_numbers = #tpu.dot_dimension_numbers<[0], [0], [1], [1], [0, 1, 1, 1], [], []>, precision = #tpu.contract_precision<fp32>, transpose_lhs_hint = false} : vector<64x64xf32>, vector<64x512xf32>, vector<64x512xf32> -> vector<64x512xf32>
      %mul3A_197 = vector.broadcast %select_n3A_116 : vector<64x1xf32> to vector<64x512xf32>
      %mul3A_198 = arith.mulf %mul3A_197, %dot_general3A_196 : vector<64x512xf32>
      %dot_general3A_199 = arith.constant dense<0.000000e+00> : vector<64x512xf32>
      %dot_general3A_200 = tpu.matmul %div3A_194, %mul3A_198, %dot_general3A_199 {dimension_numbers = #tpu.dot_dimension_numbers<[1], [0], [0], [1], [0, 0, 1, 1], [], []>, precision = #tpu.contract_precision<fp32>, transpose_lhs_hint = false} : vector<64x64xf32>, vector<64x512xf32>, vector<64x512xf32> -> vector<64x512xf32>
      %mul3A_201 = vector.broadcast %broadcast_in_dim3A : vector<64x1xf32> to vector<64x512xf32>
      %mul3A_202 = arith.mulf %mul3A_201, %dot_general3A_200 : vector<64x512xf32>
      %swap3A = arith.constant 0 : index
      %swap3A_203 = arith.constant 4 : index
      %swap3A_204 = arith.constant 0 : index
      %swap3A_205 = vector.load %arg7[%swap3A, %swap3A_203, %swap3A_204] : memref<64x16x512xf32, #tpu.memory_space<vmem>>, vector<64x1x512xf32>
      %swap3A_206 = vector.shape_cast %swap3A_205 : vector<64x1x512xf32> to vector<64x512xf32>
      %swap3A_207 = vector.shape_cast %mul3A_202 : vector<64x512xf32> to vector<64x1x512xf32>
      tpu.vector_store %arg7[%swap3A, %swap3A_203, %swap3A_204], %swap3A_207 {strides = array<i32>} : memref<64x16x512xf32, #tpu.memory_space<vmem>>, vector<64x1x512xf32>,
      %reduce_sum3A_208 = arith.constant dense<0.000000e+00> : vector<64xf32>
      %reduce_sum3A_209 = vector.multi_reduction <add>, %dot_general3A_158, %reduce_sum3A_208 [1] : vector<64x512xf32> to vector<64xf32>
      %broadcast_in_dim3A_210 = vector.shape_cast %reduce_sum3A_209 : vector<64xf32> to vector<64x1xf32>
      %mul3A_211 = arith.mulf %broadcast_in_dim3A, %broadcast_in_dim3A_210 : vector<64x1xf32>
      %reduce_sum3A_212 = vector.shape_cast %mul3A_211 : vector<64x1xf32> to vector<1x64x1xf32>
      %reduce_sum3A_213 = arith.constant dense<0.000000e+00> : vector<1xf32>
      %reduce_sum3A_214 = vector.multi_reduction <add>, %reduce_sum3A_212, %reduce_sum3A_213 [1, 2] : vector<1x64x1xf32> to vector<1xf32>
      %reduce_sum3A_215 = vector.shape_cast %reduce_sum3A_214 : vector<1xf32> to vector<1x1x1xf32>
      %reduce_sum3A_216 = vector.extract %reduce_sum3A_215[0, 0, 0] : f32 from vector<1x1x1xf32>
      %reduce_sum3A_217 = arith.constant dense<0.000000e+00> : vector<64xf32>
      %reduce_sum3A_218 = vector.multi_reduction <add>, %dot_general3A_160, %reduce_sum3A_217 [1] : vector<64x512xf32> to vector<64xf32>
      %broadcast_in_dim3A_219 = vector.shape_cast %reduce_sum3A_218 : vector<64xf32> to vector<64x1xf32>
      %mul3A_220 = arith.mulf %dot_general3A_105, %broadcast_in_dim3A_219 : vector<64x1xf32>
      %reduce_sum3A_221 = vector.shape_cast %mul3A_220 : vector<64x1xf32> to vector<1x64x1xf32>
      %reduce_sum3A_222 = arith.constant dense<0.000000e+00> : vector<1xf32>
      %reduce_sum3A_223 = vector.multi_reduction <add>, %reduce_sum3A_221, %reduce_sum3A_222 [1, 2] : vector<1x64x1xf32> to vector<1xf32>
      %reduce_sum3A_224 = vector.shape_cast %reduce_sum3A_223 : vector<1xf32> to vector<1x1x1xf32>
      %reduce_sum3A_225 = vector.extract %reduce_sum3A_224[0, 0, 0] : f32 from vector<1x1x1xf32>
      %dot_general3A_226 = arith.constant dense<0.000000e+00> : vector<64x64xf32>
      %dot_general3A_227 = tpu.matmul %dot_general3A_160, %dot_general3A_160, %dot_general3A_226 {dimension_numbers = #tpu.dot_dimension_numbers<[1], [1], [0], [0], [0, 0, 1, 0], [], []>, precision = #tpu.contract_precision<fp32>, transpose_lhs_hint = false} : vector<64x512xf32>, vector<64x512xf32>, vector<64x64xf32> -> vector<64x64xf32>
      %mul3A_228 = arith.mulf %dot_general3A_160, %dot_general3A_160 : vector<64x512xf32>
      %reduce_sum3A_229 = arith.constant dense<0.000000e+00> : vector<64xf32>
      %reduce_sum3A_230 = vector.multi_reduction <add>, %mul3A_228, %reduce_sum3A_229 [1] : vector<64x512xf32> to vector<64xf32>
      %broadcast_in_dim3A_231 = vector.shape_cast %reduce_sum3A_230 : vector<64xf32> to vector<64x1xf32>
      %dot_general3A_232 = arith.constant dense<0.000000e+00> : vector<1x64xf32>
      %dot_general3A_233 = tpu.matmul %broadcast_in_dim3A_231, %convert_element_type3A_100, %dot_general3A_232 {dimension_numbers = #tpu.dot_dimension_numbers<[0], [0], [1], [1], [0, 1, 1, 1], [], []>, precision = #tpu.contract_precision<fp32>, transpose_lhs_hint = false} : vector<64x1xf32>, vector<64x64xf32>, vector<1x64xf32> -> vector<1x64xf32>
      %sqrt3A = math.sqrt %broadcast_in_dim3A_231 : vector<64x1xf32>
      %sqrt3A_234 = math.sqrt %dot_general3A_233 : vector<1x64xf32>
      %mul3A_235 = vector.broadcast %sqrt3A : vector<64x1xf32> to vector<64x64xf32>
      %mul3A_236 = vector.broadcast %sqrt3A_234 : vector<1x64xf32> to vector<64x64xf32>
      %mul3A_237 = arith.mulf %mul3A_235, %mul3A_236 : vector<64x64xf32>
      %add3A_238 = arith.constant 9.99999993E-9 : f32
      %add3A_239 = vector.broadcast %add3A_238 : f32 to vector<64x64xf32>
      %add3A_240 = arith.addf %mul3A_237, %add3A_239 : vector<64x64xf32>
      %div3A_241 = arith.divf %dot_general3A_227, %add3A_240 : vector<64x64xf32>
      %add3A_242 = vector.broadcast %broadcast_in_dim3A_231 : vector<64x1xf32> to vector<64x64xf32>
      %add3A_243 = vector.broadcast %dot_general3A_233 : vector<1x64xf32> to vector<64x64xf32>
      %add3A_244 = arith.addf %add3A_242, %add3A_243 : vector<64x64xf32>
      %mul3A_245 = arith.constant 2.000000e+00 : f32
      %mul3A_246 = vector.broadcast %mul3A_245 : f32 to vector<64x64xf32>
      %mul3A_247 = arith.mulf %mul3A_246, %dot_general3A_227 : vector<64x64xf32>
      %sub3A_248 = arith.subf %add3A_244, %mul3A_247 : vector<64x64xf32>
      %max3A = arith.constant 0.000000e+00 : f32
      %max3A_249 = vector.broadcast %max3A : f32 to vector<64x64xf32>
      %max3A_250 = arith.maximumf %sub3A_248, %max3A_249 : vector<64x64xf32>
      %sqrt3A_251 = math.sqrt %max3A_250 : vector<64x64xf32>
      %mul3A_252 = arith.mulf %div3A_241, %sqrt3A_251 : vector<64x64xf32>
      %sub3A_253 = arith.constant 1.000000e+00 : f32
      %sub3A_254 = vector.broadcast %sub3A_253 : f32 to vector<64x64xf32>
      %sub3A_255 = arith.subf %sub3A_254, %div3A_241 : vector<64x64xf32>
      %sub3A_256 = arith.constant 4.200000e+00 : f32
      %sub3A_257 = vector.broadcast %sub3A_256 : f32 to vector<64x64xf32>
      %sub3A_258 = arith.subf %sub3A_257, %sqrt3A_251 : vector<64x64xf32>
      %max3A_259 = arith.constant 0.000000e+00 : f32
      %max3A_260 = vector.broadcast %max3A_259 : f32 to vector<64x64xf32>
      %max3A_261 = arith.maximumf %sub3A_258, %max3A_260 : vector<64x64xf32>
      %mul3A_262 = arith.mulf %sub3A_255, %max3A_261 : vector<64x64xf32>
      %add3A_263 = arith.addf %mul3A_252, %mul3A_262 : vector<64x64xf32>
      %get3A_264 = arith.constant 0 : index
      %get3A_265 = memref.load %arg8[%get3A_264] : memref<4xf32, #tpu.memory_space<smem>>
      %mul3A_266 = arith.mulf %mul3A_139, %add3A_263 : vector<64x64xf32>
      %reduce_sum3A_267 = vector.shape_cast %mul3A_266 : vector<64x64xf32> to vector<1x64x64xf32>
      %reduce_sum3A_268 = arith.constant dense<0.000000e+00> : vector<1xf32>
      %reduce_sum3A_269 = vector.multi_reduction <add>, %reduce_sum3A_267, %reduce_sum3A_268 [1, 2] : vector<1x64x64xf32> to vector<1xf32>
      %reduce_sum3A_270 = vector.shape_cast %reduce_sum3A_269 : vector<1xf32> to vector<1x1x1xf32>
      %reduce_sum3A_271 = vector.extract %reduce_sum3A_270[0, 0, 0] : f32 from vector<1x1x1xf32>
      %add3A_272 = arith.addf %get3A_265, %reduce_sum3A_271 : f32
      %swap3A_273 = arith.constant 0 : index
      %swap3A_274 = memref.load %arg8[%swap3A_273] : memref<4xf32, #tpu.memory_space<smem>>
      memref.store %add3A_272, %arg8[%swap3A_273] : memref<4xf32, #tpu.memory_space<smem>>
      %get3A_275 = arith.constant 1 : index
      %get3A_276 = memref.load %arg8[%get3A_275] : memref<4xf32, #tpu.memory_space<smem>>
      %add3A_277 = arith.addf %get3A_276, %reduce_sum3A_216 : f32
      %swap3A_278 = arith.constant 1 : index
      %swap3A_279 = memref.load %arg8[%swap3A_278] : memref<4xf32, #tpu.memory_space<smem>>
      memref.store %add3A_277, %arg8[%swap3A_278] : memref<4xf32, #tpu.memory_space<smem>>
      %get3A_280 = arith.constant 2 : index
      %get3A_281 = memref.load %arg8[%get3A_280] : memref<4xf32, #tpu.memory_space<smem>>
      %add3A_282 = arith.addf %get3A_281, %reduce_sum3A_225 : f32
      %swap3A_283 = arith.constant 2 : index
      %swap3A_284 = memref.load %arg8[%swap3A_283] : memref<4xf32, #tpu.memory_space<smem>>
      memref.store %add3A_282, %arg8[%swap3A_283] : memref<4xf32, #tpu.memory_space<smem>>
    } else {
    }
    %eq3A_27 = arith.constant 2 : i32
    %eq3A_28 = arith.cmpi eq, %arg0, %eq3A_27 : i32
    %convert_element_type3A_29 = arith.extui %eq3A_28 : i1 to i32
    %cond3A_30 = arith.constant 0 : i32
    %cond3A_31 = arith.cmpi ne, %convert_element_type3A_29, %cond3A_30 : i32
    scf.if %cond3A_31 {
      %get3A = arith.constant 0 : index
      %get3A_91 = arith.constant 0 : index
      %get3A_92 = arith.constant 0 : index
      %get3A_93 = vector.load %arg1[%get3A, %get3A_91, %get3A_92] : memref<1x64x64xf32, #tpu.memory_space<vmem>>, vector<1x64x64xf32>
      %get3A_94 = vector.shape_cast %get3A_93 : vector<1x64x64xf32> to vector<64x64xf32>
      %add3A = arith.constant 0.000000e+00 : f32
      %add3A_95 = vector.broadcast %add3A : f32 to vector<64x64xf32>
      %add3A_96 = arith.addf %add3A_95, %get3A_94 : vector<64x64xf32>
      %iota3A = tpu.iota {dimensions = array<i32: 0>} : vector<64x64xi32>
      %iota3A_97 = tpu.iota {dimensions = array<i32: 1>} : vector<64x64xi32>
      %eq3A_98 = arith.cmpi eq, %iota3A, %iota3A_97 : vector<64x64xi32>
      %convert_element_type3A_99 = arith.extui %eq3A_98 : vector<64x64xi1> to vector<64x64xi32>
      %convert_element_type3A_100 = arith.sitofp %convert_element_type3A_99 : vector<64x64xi32> to vector<64x64xf32>
      %reduce_sum3A = arith.constant dense<0.000000e+00> : vector<64xf32>
      %reduce_sum3A_101 = vector.multi_reduction <add>, %add3A_96, %reduce_sum3A [1] : vector<64x64xf32> to vector<64xf32>
      %broadcast_in_dim3A = vector.shape_cast %reduce_sum3A_101 : vector<64xf32> to vector<64x1xf32>
      %reduce_sum3A_102 = arith.constant dense<0.000000e+00> : vector<64xf32>
      %reduce_sum3A_103 = vector.multi_reduction <add>, %add3A_96, %reduce_sum3A_102 [0] : vector<64x64xf32> to vector<64xf32>
      %broadcast_in_dim3A_104 = vector.shape_cast %reduce_sum3A_103 : vector<64xf32> to vector<1x64xf32>
      %dot_general3A = arith.constant dense<0.000000e+00> : vector<64x1xf32>
      %dot_general3A_105 = tpu.matmul %convert_element_type3A_100, %broadcast_in_dim3A_104, %dot_general3A {dimension_numbers = #tpu.dot_dimension_numbers<[1], [1], [0], [0], [0, 0, 1, 0], [], []>, precision = #tpu.contract_precision<fp32>, transpose_lhs_hint = false} : vector<64x64xf32>, vector<1x64xf32>, vector<64x1xf32> -> vector<64x1xf32>
      %gt3A = arith.constant 0.000000e+00 : f32
      %gt3A_106 = vector.broadcast %gt3A : f32 to vector<64x1xf32>
      %gt3A_107 = arith.cmpf ogt, %dot_general3A_105, %gt3A_106 : vector<64x1xf32>
      %gt3A_108 = arith.constant 0.000000e+00 : f32
      %gt3A_109 = vector.broadcast %gt3A_108 : f32 to vector<64x1xf32>
      %gt3A_110 = arith.cmpf ogt, %dot_general3A_105, %gt3A_109 : vector<64x1xf32>
      %jit3A = arith.constant 1.000000e+00 : f32
      %broadcast_in_dim3A_111 = vector.broadcast %jit3A : f32 to vector<64x1xf32>
      %select_n3A = arith.select %gt3A_110, %dot_general3A_105, %broadcast_in_dim3A_111 : vector<64x1xi1>, vector<64x1xf32>
      %div3A = arith.constant 1.000000e+00 : f32
      %div3A_112 = vector.broadcast %div3A : f32 to vector<64x1xf32>
      %div3A_113 = arith.divf %div3A_112, %select_n3A : vector<64x1xf32>
      %jit3A_114 = arith.constant 0.000000e+00 : f32
      %broadcast_in_dim3A_115 = vector.broadcast %jit3A_114 : f32 to vector<64x1xf32>
      %select_n3A_116 = arith.select %gt3A_107, %div3A_113, %broadcast_in_dim3A_115 : vector<64x1xi1>, vector<64x1xf32>
      %iota3A_117 = tpu.iota {dimensions = array<i32: 1>} : vector<1x64xi32>
      %convert_element_type3A_118 = arith.sitofp %iota3A_117 : vector<1x64xi32> to vector<1x64xf32>
      %gt3A_119 = arith.constant 0.000000e+00 : f32
      %gt3A_120 = vector.broadcast %gt3A_119 : f32 to vector<1x64xf32>
      %gt3A_121 = arith.cmpf ogt, %broadcast_in_dim3A_104, %gt3A_120 : vector<1x64xf32>
      %add3A_122 = arith.constant 1.000000e+00 : f32
      %add3A_123 = vector.broadcast %add3A_122 : f32 to vector<1x64xf32>
      %add3A_124 = arith.addf %convert_element_type3A_118, %add3A_123 : vector<1x64xf32>
      %jit3A_125 = arith.constant 0.000000e+00 : f32
      %broadcast_in_dim3A_126 = vector.broadcast %jit3A_125 : f32 to vector<1x64xf32>
      %select_n3A_127 = arith.select %gt3A_121, %add3A_124, %broadcast_in_dim3A_126 : vector<1x64xi1>, vector<1x64xf32>
      %reduce_max3A = vector.shape_cast %select_n3A_127 : vector<1x64xf32> to vector<1x1x64xf32>
      %reduce_max3A_128 = arith.constant dense<0xFF800000> : vector<1xf32>
      %reduce_max3A_129 = vector.multi_reduction <maximumf>, %reduce_max3A, %reduce_max3A_128 [1, 2] : vector<1x1x64xf32> to vector<1xf32>
      %reduce_max3A_130 = vector.shape_cast %reduce_max3A_129 : vector<1xf32> to vector<1x1x1xf32>
      %reduce_max3A_131 = vector.extract %reduce_max3A_130[0, 0, 0] : f32 from vector<1x1x1xf32>
      %lt3A_132 = vector.broadcast %reduce_max3A_131 : f32 to vector<1x64xf32>
      %lt3A_133 = arith.cmpf olt, %convert_element_type3A_118, %lt3A_132 : vector<1x64xf32>
      %convert_element_type3A_134 = arith.extui %lt3A_133 : vector<1x64xi1> to vector<1x64xi32>
      %convert_element_type3A_135 = arith.sitofp %convert_element_type3A_134 : vector<1x64xi32> to vector<1x64xf32>
      %dot_general3A_136 = arith.constant dense<0.000000e+00> : vector<64x1xf32>
      %dot_general3A_137 = tpu.matmul %convert_element_type3A_100, %convert_element_type3A_135, %dot_general3A_136 {dimension_numbers = #tpu.dot_dimension_numbers<[1], [1], [0], [0], [0, 0, 1, 0], [], []>, precision = #tpu.contract_precision<fp32>, transpose_lhs_hint = false} : vector<64x64xf32>, vector<1x64xf32>, vector<64x1xf32> -> vector<64x1xf32>
      %mul3A = vector.broadcast %dot_general3A_137 : vector<64x1xf32> to vector<64x64xf32>
      %mul3A_138 = vector.broadcast %convert_element_type3A_135 : vector<1x64xf32> to vector<64x64xf32>
      %mul3A_139 = arith.mulf %mul3A, %mul3A_138 : vector<64x64xf32>
      %get3A_140 = arith.constant 0 : index
      %get3A_141 = arith.constant 0 : index
      %get3A_142 = vector.load %arg4[%get3A_140, %get3A_141] : memref<2x512xf32, #tpu.memory_space<vmem>>, vector<1x512xf32>
      %get3A_143 = arith.constant 1 : index
      %get3A_144 = arith.constant 0 : index
      %get3A_145 = vector.load %arg4[%get3A_143, %get3A_144] : memref<2x512xf32, #tpu.memory_space<vmem>>, vector<1x512xf32>
      %gt3A_146 = arith.constant 0.000000e+00 : f32
      %gt3A_147 = vector.broadcast %gt3A_146 : f32 to vector<64x64xf32>
      %gt3A_148 = arith.cmpf ogt, %add3A_96, %gt3A_147 : vector<64x64xf32>
      %get3A_149 = arith.constant 5 : index
      %get3A_150 = arith.constant 0 : index
      %get3A_151 = arith.constant 0 : index
      %get3A_152 = vector.load %arg2[%get3A_149, %get3A_150, %get3A_151] : memref<16x64x512xf32, #tpu.memory_space<vmem>>, vector<1x64x512xf32>
      %get3A_153 = vector.shape_cast %get3A_152 : vector<1x64x512xf32> to vector<64x512xf32>
      %get3A_154 = arith.constant 0 : index
      %get3A_155 = arith.constant 0 : index
      %get3A_156 = vector.load %arg3[%get3A_154, %get3A_155] : memref<512x512xf32, #tpu.memory_space<vmem>>, vector<512x512xf32>
      %dot_general3A_157 = arith.constant dense<0.000000e+00> : vector<64x512xf32>
      %dot_general3A_158 = tpu.matmul %get3A_153, %get3A_156, %dot_general3A_157 {dimension_numbers = #tpu.dot_dimension_numbers<[1], [0], [0], [1], [0, 0, 1, 1], [], []>, transpose_lhs_hint = false} : vector<64x512xf32>, vector<512x512xf32>, vector<64x512xf32> -> vector<64x512xf32>
      %dot_general3A_159 = arith.constant dense<0.000000e+00> : vector<64x512xf32>
      %dot_general3A_160 = tpu.matmul %add3A_96, %dot_general3A_158, %dot_general3A_159 {dimension_numbers = #tpu.dot_dimension_numbers<[0], [0], [1], [1], [0, 1, 1, 1], [], []>, precision = #tpu.contract_precision<fp32>, transpose_lhs_hint = false} : vector<64x64xf32>, vector<64x512xf32>, vector<64x512xf32> -> vector<64x512xf32>
      %dot_general3A_161 = arith.constant dense<0.000000e+00> : vector<64x1xf32>
      %dot_general3A_162 = tpu.matmul %dot_general3A_158, %get3A_142, %dot_general3A_161 {dimension_numbers = #tpu.dot_dimension_numbers<[1], [1], [0], [0], [0, 0, 1, 0], [], []>, precision = #tpu.contract_precision<fp32>, transpose_lhs_hint = false} : vector<64x512xf32>, vector<1x512xf32>, vector<64x1xf32> -> vector<64x1xf32>
      %dot_general3A_163 = arith.constant dense<0.000000e+00> : vector<1x64xf32>
      %dot_general3A_164 = tpu.matmul %get3A_145, %dot_general3A_160, %dot_general3A_163 {dimension_numbers = #tpu.dot_dimension_numbers<[1], [1], [0], [0], [0, 0, 1, 0], [], []>, precision = #tpu.contract_precision<fp32>, transpose_lhs_hint = false} : vector<1x512xf32>, vector<64x512xf32>, vector<1x64xf32> -> vector<1x64xf32>
      %add3A_165 = vector.broadcast %dot_general3A_162 : vector<64x1xf32> to vector<64x64xf32>
      %add3A_166 = vector.broadcast %dot_general3A_164 : vector<1x64xf32> to vector<64x64xf32>
      %add3A_167 = arith.addf %add3A_165, %add3A_166 : vector<64x64xf32>
      %gt3A_168 = arith.constant 0.000000e+00 : f32
      %gt3A_169 = vector.broadcast %gt3A_168 : f32 to vector<64x64xf32>
      %gt3A_170 = arith.cmpf ogt, %add3A_167, %gt3A_169 : vector<64x64xf32>
      %mul3A_171 = arith.constant 2.000000e-01 : f32
      %mul3A_172 = vector.broadcast %mul3A_171 : f32 to vector<64x64xf32>
      %mul3A_173 = arith.mulf %mul3A_172, %add3A_167 : vector<64x64xf32>
      %select_n3A_174 = arith.select %gt3A_170, %add3A_167, %mul3A_173 : vector<64x64xi1>, vector<64x64xf32>
      %jit3A_175 = arith.constant -3.000000e+38 : f32
      %broadcast_in_dim3A_176 = vector.broadcast %jit3A_175 : f32 to vector<64x64xf32>
      %select_n3A_177 = arith.select %gt3A_148, %select_n3A_174, %broadcast_in_dim3A_176 : vector<64x64xi1>, vector<64x64xf32>
      %reduce_max3A_178 = arith.constant dense<0xFF800000> : vector<64xf32>
      %reduce_max3A_179 = vector.multi_reduction <maximumf>, %select_n3A_177, %reduce_max3A_178 [1] : vector<64x64xf32> to vector<64xf32>
      %broadcast_in_dim3A_180 = vector.shape_cast %reduce_max3A_179 : vector<64xf32> to vector<64x1xf32>
      %sub3A = vector.broadcast %broadcast_in_dim3A_180 : vector<64x1xf32> to vector<64x64xf32>
      %sub3A_181 = arith.subf %select_n3A_174, %sub3A : vector<64x64xf32>
      %jit3A_182 = arith.constant -3.000000e+38 : f32
      %broadcast_in_dim3A_183 = vector.broadcast %jit3A_182 : f32 to vector<64x64xf32>
      %select_n3A_184 = arith.select %gt3A_148, %sub3A_181, %broadcast_in_dim3A_183 : vector<64x64xi1>, vector<64x64xf32>
      %exp3A = math.exp %select_n3A_184 : vector<64x64xf32>
      %mul3A_185 = arith.mulf %add3A_96, %exp3A : vector<64x64xf32>
      %reduce_sum3A_186 = arith.constant dense<0.000000e+00> : vector<64xf32>
      %reduce_sum3A_187 = vector.multi_reduction <add>, %mul3A_185, %reduce_sum3A_186 [1] : vector<64x64xf32> to vector<64xf32>
      %broadcast_in_dim3A_188 = vector.shape_cast %reduce_sum3A_187 : vector<64xf32> to vector<64x1xf32>
      %mul3A_189 = arith.mulf %add3A_96, %exp3A : vector<64x64xf32>
      %add3A_190 = arith.constant 1.000000e-16 : f32
      %add3A_191 = vector.broadcast %add3A_190 : f32 to vector<64x1xf32>
      %add3A_192 = arith.addf %broadcast_in_dim3A_188, %add3A_191 : vector<64x1xf32>
      %div3A_193 = vector.broadcast %add3A_192 : vector<64x1xf32> to vector<64x64xf32>
      %div3A_194 = arith.divf %mul3A_189, %div3A_193 : vector<64x64xf32>
      %dot_general3A_195 = arith.constant dense<0.000000e+00> : vector<64x512xf32>
      %dot_general3A_196 = tpu.matmul %div3A_194, %dot_general3A_158, %dot_general3A_195 {dimension_numbers = #tpu.dot_dimension_numbers<[0], [0], [1], [1], [0, 1, 1, 1], [], []>, precision = #tpu.contract_precision<fp32>, transpose_lhs_hint = false} : vector<64x64xf32>, vector<64x512xf32>, vector<64x512xf32> -> vector<64x512xf32>
      %mul3A_197 = vector.broadcast %select_n3A_116 : vector<64x1xf32> to vector<64x512xf32>
      %mul3A_198 = arith.mulf %mul3A_197, %dot_general3A_196 : vector<64x512xf32>
      %dot_general3A_199 = arith.constant dense<0.000000e+00> : vector<64x512xf32>
      %dot_general3A_200 = tpu.matmul %div3A_194, %mul3A_198, %dot_general3A_199 {dimension_numbers = #tpu.dot_dimension_numbers<[1], [0], [0], [1], [0, 0, 1, 1], [], []>, precision = #tpu.contract_precision<fp32>, transpose_lhs_hint = false} : vector<64x64xf32>, vector<64x512xf32>, vector<64x512xf32> -> vector<64x512xf32>
      %mul3A_201 = vector.broadcast %broadcast_in_dim3A : vector<64x1xf32> to vector<64x512xf32>
      %mul3A_202 = arith.mulf %mul3A_201, %dot_general3A_200 : vector<64x512xf32>
      %swap3A = arith.constant 0 : index
      %swap3A_203 = arith.constant 5 : index
      %swap3A_204 = arith.constant 0 : index
      %swap3A_205 = vector.load %arg7[%swap3A, %swap3A_203, %swap3A_204] : memref<64x16x512xf32, #tpu.memory_space<vmem>>, vector<64x1x512xf32>
      %swap3A_206 = vector.shape_cast %swap3A_205 : vector<64x1x512xf32> to vector<64x512xf32>
      %swap3A_207 = vector.shape_cast %mul3A_202 : vector<64x512xf32> to vector<64x1x512xf32>
      tpu.vector_store %arg7[%swap3A, %swap3A_203, %swap3A_204], %swap3A_207 {strides = array<i32>} : memref<64x16x512xf32, #tpu.memory_space<vmem>>, vector<64x1x512xf32>,
      %reduce_sum3A_208 = arith.constant dense<0.000000e+00> : vector<64xf32>
      %reduce_sum3A_209 = vector.multi_reduction <add>, %dot_general3A_158, %reduce_sum3A_208 [1] : vector<64x512xf32> to vector<64xf32>
      %broadcast_in_dim3A_210 = vector.shape_cast %reduce_sum3A_209 : vector<64xf32> to vector<64x1xf32>
      %mul3A_211 = arith.mulf %broadcast_in_dim3A, %broadcast_in_dim3A_210 : vector<64x1xf32>
      %reduce_sum3A_212 = vector.shape_cast %mul3A_211 : vector<64x1xf32> to vector<1x64x1xf32>
      %reduce_sum3A_213 = arith.constant dense<0.000000e+00> : vector<1xf32>
      %reduce_sum3A_214 = vector.multi_reduction <add>, %reduce_sum3A_212, %reduce_sum3A_213 [1, 2] : vector<1x64x1xf32> to vector<1xf32>
      %reduce_sum3A_215 = vector.shape_cast %reduce_sum3A_214 : vector<1xf32> to vector<1x1x1xf32>
      %reduce_sum3A_216 = vector.extract %reduce_sum3A_215[0, 0, 0] : f32 from vector<1x1x1xf32>
      %reduce_sum3A_217 = arith.constant dense<0.000000e+00> : vector<64xf32>
      %reduce_sum3A_218 = vector.multi_reduction <add>, %dot_general3A_160, %reduce_sum3A_217 [1] : vector<64x512xf32> to vector<64xf32>
      %broadcast_in_dim3A_219 = vector.shape_cast %reduce_sum3A_218 : vector<64xf32> to vector<64x1xf32>
      %mul3A_220 = arith.mulf %dot_general3A_105, %broadcast_in_dim3A_219 : vector<64x1xf32>
      %reduce_sum3A_221 = vector.shape_cast %mul3A_220 : vector<64x1xf32> to vector<1x64x1xf32>
      %reduce_sum3A_222 = arith.constant dense<0.000000e+00> : vector<1xf32>
      %reduce_sum3A_223 = vector.multi_reduction <add>, %reduce_sum3A_221, %reduce_sum3A_222 [1, 2] : vector<1x64x1xf32> to vector<1xf32>
      %reduce_sum3A_224 = vector.shape_cast %reduce_sum3A_223 : vector<1xf32> to vector<1x1x1xf32>
      %reduce_sum3A_225 = vector.extract %reduce_sum3A_224[0, 0, 0] : f32 from vector<1x1x1xf32>
      %dot_general3A_226 = arith.constant dense<0.000000e+00> : vector<64x64xf32>
      %dot_general3A_227 = tpu.matmul %dot_general3A_160, %dot_general3A_160, %dot_general3A_226 {dimension_numbers = #tpu.dot_dimension_numbers<[1], [1], [0], [0], [0, 0, 1, 0], [], []>, precision = #tpu.contract_precision<fp32>, transpose_lhs_hint = false} : vector<64x512xf32>, vector<64x512xf32>, vector<64x64xf32> -> vector<64x64xf32>
      %mul3A_228 = arith.mulf %dot_general3A_160, %dot_general3A_160 : vector<64x512xf32>
      %reduce_sum3A_229 = arith.constant dense<0.000000e+00> : vector<64xf32>
      %reduce_sum3A_230 = vector.multi_reduction <add>, %mul3A_228, %reduce_sum3A_229 [1] : vector<64x512xf32> to vector<64xf32>
      %broadcast_in_dim3A_231 = vector.shape_cast %reduce_sum3A_230 : vector<64xf32> to vector<64x1xf32>
      %dot_general3A_232 = arith.constant dense<0.000000e+00> : vector<1x64xf32>
      %dot_general3A_233 = tpu.matmul %broadcast_in_dim3A_231, %convert_element_type3A_100, %dot_general3A_232 {dimension_numbers = #tpu.dot_dimension_numbers<[0], [0], [1], [1], [0, 1, 1, 1], [], []>, precision = #tpu.contract_precision<fp32>, transpose_lhs_hint = false} : vector<64x1xf32>, vector<64x64xf32>, vector<1x64xf32> -> vector<1x64xf32>
      %sqrt3A = math.sqrt %broadcast_in_dim3A_231 : vector<64x1xf32>
      %sqrt3A_234 = math.sqrt %dot_general3A_233 : vector<1x64xf32>
      %mul3A_235 = vector.broadcast %sqrt3A : vector<64x1xf32> to vector<64x64xf32>
      %mul3A_236 = vector.broadcast %sqrt3A_234 : vector<1x64xf32> to vector<64x64xf32>
      %mul3A_237 = arith.mulf %mul3A_235, %mul3A_236 : vector<64x64xf32>
      %add3A_238 = arith.constant 9.99999993E-9 : f32
      %add3A_239 = vector.broadcast %add3A_238 : f32 to vector<64x64xf32>
      %add3A_240 = arith.addf %mul3A_237, %add3A_239 : vector<64x64xf32>
      %div3A_241 = arith.divf %dot_general3A_227, %add3A_240 : vector<64x64xf32>
      %add3A_242 = vector.broadcast %broadcast_in_dim3A_231 : vector<64x1xf32> to vector<64x64xf32>
      %add3A_243 = vector.broadcast %dot_general3A_233 : vector<1x64xf32> to vector<64x64xf32>
      %add3A_244 = arith.addf %add3A_242, %add3A_243 : vector<64x64xf32>
      %mul3A_245 = arith.constant 2.000000e+00 : f32
      %mul3A_246 = vector.broadcast %mul3A_245 : f32 to vector<64x64xf32>
      %mul3A_247 = arith.mulf %mul3A_246, %dot_general3A_227 : vector<64x64xf32>
      %sub3A_248 = arith.subf %add3A_244, %mul3A_247 : vector<64x64xf32>
      %max3A = arith.constant 0.000000e+00 : f32
      %max3A_249 = vector.broadcast %max3A : f32 to vector<64x64xf32>
      %max3A_250 = arith.maximumf %sub3A_248, %max3A_249 : vector<64x64xf32>
      %sqrt3A_251 = math.sqrt %max3A_250 : vector<64x64xf32>
      %mul3A_252 = arith.mulf %div3A_241, %sqrt3A_251 : vector<64x64xf32>
      %sub3A_253 = arith.constant 1.000000e+00 : f32
      %sub3A_254 = vector.broadcast %sub3A_253 : f32 to vector<64x64xf32>
      %sub3A_255 = arith.subf %sub3A_254, %div3A_241 : vector<64x64xf32>
      %sub3A_256 = arith.constant 4.200000e+00 : f32
      %sub3A_257 = vector.broadcast %sub3A_256 : f32 to vector<64x64xf32>
      %sub3A_258 = arith.subf %sub3A_257, %sqrt3A_251 : vector<64x64xf32>
      %max3A_259 = arith.constant 0.000000e+00 : f32
      %max3A_260 = vector.broadcast %max3A_259 : f32 to vector<64x64xf32>
      %max3A_261 = arith.maximumf %sub3A_258, %max3A_260 : vector<64x64xf32>
      %mul3A_262 = arith.mulf %sub3A_255, %max3A_261 : vector<64x64xf32>
      %add3A_263 = arith.addf %mul3A_252, %mul3A_262 : vector<64x64xf32>
      %get3A_264 = arith.constant 0 : index
      %get3A_265 = memref.load %arg8[%get3A_264] : memref<4xf32, #tpu.memory_space<smem>>
      %mul3A_266 = arith.mulf %mul3A_139, %add3A_263 : vector<64x64xf32>
      %reduce_sum3A_267 = vector.shape_cast %mul3A_266 : vector<64x64xf32> to vector<1x64x64xf32>
      %reduce_sum3A_268 = arith.constant dense<0.000000e+00> : vector<1xf32>
      %reduce_sum3A_269 = vector.multi_reduction <add>, %reduce_sum3A_267, %reduce_sum3A_268 [1, 2] : vector<1x64x64xf32> to vector<1xf32>
      %reduce_sum3A_270 = vector.shape_cast %reduce_sum3A_269 : vector<1xf32> to vector<1x1x1xf32>
      %reduce_sum3A_271 = vector.extract %reduce_sum3A_270[0, 0, 0] : f32 from vector<1x1x1xf32>
      %add3A_272 = arith.addf %get3A_265, %reduce_sum3A_271 : f32
      %swap3A_273 = arith.constant 0 : index
      %swap3A_274 = memref.load %arg8[%swap3A_273] : memref<4xf32, #tpu.memory_space<smem>>
      memref.store %add3A_272, %arg8[%swap3A_273] : memref<4xf32, #tpu.memory_space<smem>>
      %get3A_275 = arith.constant 1 : index
      %get3A_276 = memref.load %arg8[%get3A_275] : memref<4xf32, #tpu.memory_space<smem>>
      %add3A_277 = arith.addf %get3A_276, %reduce_sum3A_216 : f32
      %swap3A_278 = arith.constant 1 : index
      %swap3A_279 = memref.load %arg8[%swap3A_278] : memref<4xf32, #tpu.memory_space<smem>>
      memref.store %add3A_277, %arg8[%swap3A_278] : memref<4xf32, #tpu.memory_space<smem>>
      %get3A_280 = arith.constant 2 : index
      %get3A_281 = memref.load %arg8[%get3A_280] : memref<4xf32, #tpu.memory_space<smem>>
      %add3A_282 = arith.addf %get3A_281, %reduce_sum3A_225 : f32
      %swap3A_283 = arith.constant 2 : index
      %swap3A_284 = memref.load %arg8[%swap3A_283] : memref<4xf32, #tpu.memory_space<smem>>
      memref.store %add3A_282, %arg8[%swap3A_283] : memref<4xf32, #tpu.memory_space<smem>>
    } else {
    }
    %eq3A_32 = arith.constant 2 : i32
    %eq3A_33 = arith.cmpi eq, %arg0, %eq3A_32 : i32
    %convert_element_type3A_34 = arith.extui %eq3A_33 : i1 to i32
    %cond3A_35 = arith.constant 0 : i32
    %cond3A_36 = arith.cmpi ne, %convert_element_type3A_34, %cond3A_35 : i32
    scf.if %cond3A_36 {
      %get3A = arith.constant 0 : index
      %get3A_91 = arith.constant 0 : index
      %get3A_92 = arith.constant 0 : index
      %get3A_93 = vector.load %arg1[%get3A, %get3A_91, %get3A_92] : memref<1x64x64xf32, #tpu.memory_space<vmem>>, vector<1x64x64xf32>
      %get3A_94 = vector.shape_cast %get3A_93 : vector<1x64x64xf32> to vector<64x64xf32>
      %add3A = arith.constant 0.000000e+00 : f32
      %add3A_95 = vector.broadcast %add3A : f32 to vector<64x64xf32>
      %add3A_96 = arith.addf %add3A_95, %get3A_94 : vector<64x64xf32>
      %iota3A = tpu.iota {dimensions = array<i32: 0>} : vector<64x64xi32>
      %iota3A_97 = tpu.iota {dimensions = array<i32: 1>} : vector<64x64xi32>
      %eq3A_98 = arith.cmpi eq, %iota3A, %iota3A_97 : vector<64x64xi32>
      %convert_element_type3A_99 = arith.extui %eq3A_98 : vector<64x64xi1> to vector<64x64xi32>
      %convert_element_type3A_100 = arith.sitofp %convert_element_type3A_99 : vector<64x64xi32> to vector<64x64xf32>
      %reduce_sum3A = arith.constant dense<0.000000e+00> : vector<64xf32>
      %reduce_sum3A_101 = vector.multi_reduction <add>, %add3A_96, %reduce_sum3A [1] : vector<64x64xf32> to vector<64xf32>
      %broadcast_in_dim3A = vector.shape_cast %reduce_sum3A_101 : vector<64xf32> to vector<64x1xf32>
      %reduce_sum3A_102 = arith.constant dense<0.000000e+00> : vector<64xf32>
      %reduce_sum3A_103 = vector.multi_reduction <add>, %add3A_96, %reduce_sum3A_102 [0] : vector<64x64xf32> to vector<64xf32>
      %broadcast_in_dim3A_104 = vector.shape_cast %reduce_sum3A_103 : vector<64xf32> to vector<1x64xf32>
      %dot_general3A = arith.constant dense<0.000000e+00> : vector<64x1xf32>
      %dot_general3A_105 = tpu.matmul %convert_element_type3A_100, %broadcast_in_dim3A_104, %dot_general3A {dimension_numbers = #tpu.dot_dimension_numbers<[1], [1], [0], [0], [0, 0, 1, 0], [], []>, precision = #tpu.contract_precision<fp32>, transpose_lhs_hint = false} : vector<64x64xf32>, vector<1x64xf32>, vector<64x1xf32> -> vector<64x1xf32>
      %gt3A = arith.constant 0.000000e+00 : f32
      %gt3A_106 = vector.broadcast %gt3A : f32 to vector<64x1xf32>
      %gt3A_107 = arith.cmpf ogt, %dot_general3A_105, %gt3A_106 : vector<64x1xf32>
      %gt3A_108 = arith.constant 0.000000e+00 : f32
      %gt3A_109 = vector.broadcast %gt3A_108 : f32 to vector<64x1xf32>
      %gt3A_110 = arith.cmpf ogt, %dot_general3A_105, %gt3A_109 : vector<64x1xf32>
      %jit3A = arith.constant 1.000000e+00 : f32
      %broadcast_in_dim3A_111 = vector.broadcast %jit3A : f32 to vector<64x1xf32>
      %select_n3A = arith.select %gt3A_110, %dot_general3A_105, %broadcast_in_dim3A_111 : vector<64x1xi1>, vector<64x1xf32>
      %div3A = arith.constant 1.000000e+00 : f32
      %div3A_112 = vector.broadcast %div3A : f32 to vector<64x1xf32>
      %div3A_113 = arith.divf %div3A_112, %select_n3A : vector<64x1xf32>
      %jit3A_114 = arith.constant 0.000000e+00 : f32
      %broadcast_in_dim3A_115 = vector.broadcast %jit3A_114 : f32 to vector<64x1xf32>
      %select_n3A_116 = arith.select %gt3A_107, %div3A_113, %broadcast_in_dim3A_115 : vector<64x1xi1>, vector<64x1xf32>
      %iota3A_117 = tpu.iota {dimensions = array<i32: 1>} : vector<1x64xi32>
      %convert_element_type3A_118 = arith.sitofp %iota3A_117 : vector<1x64xi32> to vector<1x64xf32>
      %gt3A_119 = arith.constant 0.000000e+00 : f32
      %gt3A_120 = vector.broadcast %gt3A_119 : f32 to vector<1x64xf32>
      %gt3A_121 = arith.cmpf ogt, %broadcast_in_dim3A_104, %gt3A_120 : vector<1x64xf32>
      %add3A_122 = arith.constant 1.000000e+00 : f32
      %add3A_123 = vector.broadcast %add3A_122 : f32 to vector<1x64xf32>
      %add3A_124 = arith.addf %convert_element_type3A_118, %add3A_123 : vector<1x64xf32>
      %jit3A_125 = arith.constant 0.000000e+00 : f32
      %broadcast_in_dim3A_126 = vector.broadcast %jit3A_125 : f32 to vector<1x64xf32>
      %select_n3A_127 = arith.select %gt3A_121, %add3A_124, %broadcast_in_dim3A_126 : vector<1x64xi1>, vector<1x64xf32>
      %reduce_max3A = vector.shape_cast %select_n3A_127 : vector<1x64xf32> to vector<1x1x64xf32>
      %reduce_max3A_128 = arith.constant dense<0xFF800000> : vector<1xf32>
      %reduce_max3A_129 = vector.multi_reduction <maximumf>, %reduce_max3A, %reduce_max3A_128 [1, 2] : vector<1x1x64xf32> to vector<1xf32>
      %reduce_max3A_130 = vector.shape_cast %reduce_max3A_129 : vector<1xf32> to vector<1x1x1xf32>
      %reduce_max3A_131 = vector.extract %reduce_max3A_130[0, 0, 0] : f32 from vector<1x1x1xf32>
      %lt3A_132 = vector.broadcast %reduce_max3A_131 : f32 to vector<1x64xf32>
      %lt3A_133 = arith.cmpf olt, %convert_element_type3A_118, %lt3A_132 : vector<1x64xf32>
      %convert_element_type3A_134 = arith.extui %lt3A_133 : vector<1x64xi1> to vector<1x64xi32>
      %convert_element_type3A_135 = arith.sitofp %convert_element_type3A_134 : vector<1x64xi32> to vector<1x64xf32>
      %dot_general3A_136 = arith.constant dense<0.000000e+00> : vector<64x1xf32>
      %dot_general3A_137 = tpu.matmul %convert_element_type3A_100, %convert_element_type3A_135, %dot_general3A_136 {dimension_numbers = #tpu.dot_dimension_numbers<[1], [1], [0], [0], [0, 0, 1, 0], [], []>, precision = #tpu.contract_precision<fp32>, transpose_lhs_hint = false} : vector<64x64xf32>, vector<1x64xf32>, vector<64x1xf32> -> vector<64x1xf32>
      %mul3A = vector.broadcast %dot_general3A_137 : vector<64x1xf32> to vector<64x64xf32>
      %mul3A_138 = vector.broadcast %convert_element_type3A_135 : vector<1x64xf32> to vector<64x64xf32>
      %mul3A_139 = arith.mulf %mul3A, %mul3A_138 : vector<64x64xf32>
      %get3A_140 = arith.constant 0 : index
      %get3A_141 = arith.constant 0 : index
      %get3A_142 = vector.load %arg4[%get3A_140, %get3A_141] : memref<2x512xf32, #tpu.memory_space<vmem>>, vector<1x512xf32>
      %get3A_143 = arith.constant 1 : index
      %get3A_144 = arith.constant 0 : index
      %get3A_145 = vector.load %arg4[%get3A_143, %get3A_144] : memref<2x512xf32, #tpu.memory_space<vmem>>, vector<1x512xf32>
      %gt3A_146 = arith.constant 0.000000e+00 : f32
      %gt3A_147 = vector.broadcast %gt3A_146 : f32 to vector<64x64xf32>
      %gt3A_148 = arith.cmpf ogt, %add3A_96, %gt3A_147 : vector<64x64xf32>
      %get3A_149 = arith.constant 6 : index
      %get3A_150 = arith.constant 0 : index
      %get3A_151 = arith.constant 0 : index
      %get3A_152 = vector.load %arg2[%get3A_149, %get3A_150, %get3A_151] : memref<16x64x512xf32, #tpu.memory_space<vmem>>, vector<1x64x512xf32>
      %get3A_153 = vector.shape_cast %get3A_152 : vector<1x64x512xf32> to vector<64x512xf32>
      %get3A_154 = arith.constant 0 : index
      %get3A_155 = arith.constant 0 : index
      %get3A_156 = vector.load %arg3[%get3A_154, %get3A_155] : memref<512x512xf32, #tpu.memory_space<vmem>>, vector<512x512xf32>
      %dot_general3A_157 = arith.constant dense<0.000000e+00> : vector<64x512xf32>
      %dot_general3A_158 = tpu.matmul %get3A_153, %get3A_156, %dot_general3A_157 {dimension_numbers = #tpu.dot_dimension_numbers<[1], [0], [0], [1], [0, 0, 1, 1], [], []>, transpose_lhs_hint = false} : vector<64x512xf32>, vector<512x512xf32>, vector<64x512xf32> -> vector<64x512xf32>
      %dot_general3A_159 = arith.constant dense<0.000000e+00> : vector<64x512xf32>
      %dot_general3A_160 = tpu.matmul %add3A_96, %dot_general3A_158, %dot_general3A_159 {dimension_numbers = #tpu.dot_dimension_numbers<[0], [0], [1], [1], [0, 1, 1, 1], [], []>, precision = #tpu.contract_precision<fp32>, transpose_lhs_hint = false} : vector<64x64xf32>, vector<64x512xf32>, vector<64x512xf32> -> vector<64x512xf32>
      %dot_general3A_161 = arith.constant dense<0.000000e+00> : vector<64x1xf32>
      %dot_general3A_162 = tpu.matmul %dot_general3A_158, %get3A_142, %dot_general3A_161 {dimension_numbers = #tpu.dot_dimension_numbers<[1], [1], [0], [0], [0, 0, 1, 0], [], []>, precision = #tpu.contract_precision<fp32>, transpose_lhs_hint = false} : vector<64x512xf32>, vector<1x512xf32>, vector<64x1xf32> -> vector<64x1xf32>
      %dot_general3A_163 = arith.constant dense<0.000000e+00> : vector<1x64xf32>
      %dot_general3A_164 = tpu.matmul %get3A_145, %dot_general3A_160, %dot_general3A_163 {dimension_numbers = #tpu.dot_dimension_numbers<[1], [1], [0], [0], [0, 0, 1, 0], [], []>, precision = #tpu.contract_precision<fp32>, transpose_lhs_hint = false} : vector<1x512xf32>, vector<64x512xf32>, vector<1x64xf32> -> vector<1x64xf32>
      %add3A_165 = vector.broadcast %dot_general3A_162 : vector<64x1xf32> to vector<64x64xf32>
      %add3A_166 = vector.broadcast %dot_general3A_164 : vector<1x64xf32> to vector<64x64xf32>
      %add3A_167 = arith.addf %add3A_165, %add3A_166 : vector<64x64xf32>
      %gt3A_168 = arith.constant 0.000000e+00 : f32
      %gt3A_169 = vector.broadcast %gt3A_168 : f32 to vector<64x64xf32>
      %gt3A_170 = arith.cmpf ogt, %add3A_167, %gt3A_169 : vector<64x64xf32>
      %mul3A_171 = arith.constant 2.000000e-01 : f32
      %mul3A_172 = vector.broadcast %mul3A_171 : f32 to vector<64x64xf32>
      %mul3A_173 = arith.mulf %mul3A_172, %add3A_167 : vector<64x64xf32>
      %select_n3A_174 = arith.select %gt3A_170, %add3A_167, %mul3A_173 : vector<64x64xi1>, vector<64x64xf32>
      %jit3A_175 = arith.constant -3.000000e+38 : f32
      %broadcast_in_dim3A_176 = vector.broadcast %jit3A_175 : f32 to vector<64x64xf32>
      %select_n3A_177 = arith.select %gt3A_148, %select_n3A_174, %broadcast_in_dim3A_176 : vector<64x64xi1>, vector<64x64xf32>
      %reduce_max3A_178 = arith.constant dense<0xFF800000> : vector<64xf32>
      %reduce_max3A_179 = vector.multi_reduction <maximumf>, %select_n3A_177, %reduce_max3A_178 [1] : vector<64x64xf32> to vector<64xf32>
      %broadcast_in_dim3A_180 = vector.shape_cast %reduce_max3A_179 : vector<64xf32> to vector<64x1xf32>
      %sub3A = vector.broadcast %broadcast_in_dim3A_180 : vector<64x1xf32> to vector<64x64xf32>
      %sub3A_181 = arith.subf %select_n3A_174, %sub3A : vector<64x64xf32>
      %jit3A_182 = arith.constant -3.000000e+38 : f32
      %broadcast_in_dim3A_183 = vector.broadcast %jit3A_182 : f32 to vector<64x64xf32>
      %select_n3A_184 = arith.select %gt3A_148, %sub3A_181, %broadcast_in_dim3A_183 : vector<64x64xi1>, vector<64x64xf32>
      %exp3A = math.exp %select_n3A_184 : vector<64x64xf32>
      %mul3A_185 = arith.mulf %add3A_96, %exp3A : vector<64x64xf32>
      %reduce_sum3A_186 = arith.constant dense<0.000000e+00> : vector<64xf32>
      %reduce_sum3A_187 = vector.multi_reduction <add>, %mul3A_185, %reduce_sum3A_186 [1] : vector<64x64xf32> to vector<64xf32>
      %broadcast_in_dim3A_188 = vector.shape_cast %reduce_sum3A_187 : vector<64xf32> to vector<64x1xf32>
      %mul3A_189 = arith.mulf %add3A_96, %exp3A : vector<64x64xf32>
      %add3A_190 = arith.constant 1.000000e-16 : f32
      %add3A_191 = vector.broadcast %add3A_190 : f32 to vector<64x1xf32>
      %add3A_192 = arith.addf %broadcast_in_dim3A_188, %add3A_191 : vector<64x1xf32>
      %div3A_193 = vector.broadcast %add3A_192 : vector<64x1xf32> to vector<64x64xf32>
      %div3A_194 = arith.divf %mul3A_189, %div3A_193 : vector<64x64xf32>
      %dot_general3A_195 = arith.constant dense<0.000000e+00> : vector<64x512xf32>
      %dot_general3A_196 = tpu.matmul %div3A_194, %dot_general3A_158, %dot_general3A_195 {dimension_numbers = #tpu.dot_dimension_numbers<[0], [0], [1], [1], [0, 1, 1, 1], [], []>, precision = #tpu.contract_precision<fp32>, transpose_lhs_hint = false} : vector<64x64xf32>, vector<64x512xf32>, vector<64x512xf32> -> vector<64x512xf32>
      %mul3A_197 = vector.broadcast %select_n3A_116 : vector<64x1xf32> to vector<64x512xf32>
      %mul3A_198 = arith.mulf %mul3A_197, %dot_general3A_196 : vector<64x512xf32>
      %dot_general3A_199 = arith.constant dense<0.000000e+00> : vector<64x512xf32>
      %dot_general3A_200 = tpu.matmul %div3A_194, %mul3A_198, %dot_general3A_199 {dimension_numbers = #tpu.dot_dimension_numbers<[1], [0], [0], [1], [0, 0, 1, 1], [], []>, precision = #tpu.contract_precision<fp32>, transpose_lhs_hint = false} : vector<64x64xf32>, vector<64x512xf32>, vector<64x512xf32> -> vector<64x512xf32>
      %mul3A_201 = vector.broadcast %broadcast_in_dim3A : vector<64x1xf32> to vector<64x512xf32>
      %mul3A_202 = arith.mulf %mul3A_201, %dot_general3A_200 : vector<64x512xf32>
      %swap3A = arith.constant 0 : index
      %swap3A_203 = arith.constant 6 : index
      %swap3A_204 = arith.constant 0 : index
      %swap3A_205 = vector.load %arg7[%swap3A, %swap3A_203, %swap3A_204] : memref<64x16x512xf32, #tpu.memory_space<vmem>>, vector<64x1x512xf32>
      %swap3A_206 = vector.shape_cast %swap3A_205 : vector<64x1x512xf32> to vector<64x512xf32>
      %swap3A_207 = vector.shape_cast %mul3A_202 : vector<64x512xf32> to vector<64x1x512xf32>
      tpu.vector_store %arg7[%swap3A, %swap3A_203, %swap3A_204], %swap3A_207 {strides = array<i32>} : memref<64x16x512xf32, #tpu.memory_space<vmem>>, vector<64x1x512xf32>,
      %reduce_sum3A_208 = arith.constant dense<0.000000e+00> : vector<64xf32>
      %reduce_sum3A_209 = vector.multi_reduction <add>, %dot_general3A_158, %reduce_sum3A_208 [1] : vector<64x512xf32> to vector<64xf32>
      %broadcast_in_dim3A_210 = vector.shape_cast %reduce_sum3A_209 : vector<64xf32> to vector<64x1xf32>
      %mul3A_211 = arith.mulf %broadcast_in_dim3A, %broadcast_in_dim3A_210 : vector<64x1xf32>
      %reduce_sum3A_212 = vector.shape_cast %mul3A_211 : vector<64x1xf32> to vector<1x64x1xf32>
      %reduce_sum3A_213 = arith.constant dense<0.000000e+00> : vector<1xf32>
      %reduce_sum3A_214 = vector.multi_reduction <add>, %reduce_sum3A_212, %reduce_sum3A_213 [1, 2] : vector<1x64x1xf32> to vector<1xf32>
      %reduce_sum3A_215 = vector.shape_cast %reduce_sum3A_214 : vector<1xf32> to vector<1x1x1xf32>
      %reduce_sum3A_216 = vector.extract %reduce_sum3A_215[0, 0, 0] : f32 from vector<1x1x1xf32>
      %reduce_sum3A_217 = arith.constant dense<0.000000e+00> : vector<64xf32>
      %reduce_sum3A_218 = vector.multi_reduction <add>, %dot_general3A_160, %reduce_sum3A_217 [1] : vector<64x512xf32> to vector<64xf32>
      %broadcast_in_dim3A_219 = vector.shape_cast %reduce_sum3A_218 : vector<64xf32> to vector<64x1xf32>
      %mul3A_220 = arith.mulf %dot_general3A_105, %broadcast_in_dim3A_219 : vector<64x1xf32>
      %reduce_sum3A_221 = vector.shape_cast %mul3A_220 : vector<64x1xf32> to vector<1x64x1xf32>
      %reduce_sum3A_222 = arith.constant dense<0.000000e+00> : vector<1xf32>
      %reduce_sum3A_223 = vector.multi_reduction <add>, %reduce_sum3A_221, %reduce_sum3A_222 [1, 2] : vector<1x64x1xf32> to vector<1xf32>
      %reduce_sum3A_224 = vector.shape_cast %reduce_sum3A_223 : vector<1xf32> to vector<1x1x1xf32>
      %reduce_sum3A_225 = vector.extract %reduce_sum3A_224[0, 0, 0] : f32 from vector<1x1x1xf32>
      %dot_general3A_226 = arith.constant dense<0.000000e+00> : vector<64x64xf32>
      %dot_general3A_227 = tpu.matmul %dot_general3A_160, %dot_general3A_160, %dot_general3A_226 {dimension_numbers = #tpu.dot_dimension_numbers<[1], [1], [0], [0], [0, 0, 1, 0], [], []>, precision = #tpu.contract_precision<fp32>, transpose_lhs_hint = false} : vector<64x512xf32>, vector<64x512xf32>, vector<64x64xf32> -> vector<64x64xf32>
      %mul3A_228 = arith.mulf %dot_general3A_160, %dot_general3A_160 : vector<64x512xf32>
      %reduce_sum3A_229 = arith.constant dense<0.000000e+00> : vector<64xf32>
      %reduce_sum3A_230 = vector.multi_reduction <add>, %mul3A_228, %reduce_sum3A_229 [1] : vector<64x512xf32> to vector<64xf32>
      %broadcast_in_dim3A_231 = vector.shape_cast %reduce_sum3A_230 : vector<64xf32> to vector<64x1xf32>
      %dot_general3A_232 = arith.constant dense<0.000000e+00> : vector<1x64xf32>
      %dot_general3A_233 = tpu.matmul %broadcast_in_dim3A_231, %convert_element_type3A_100, %dot_general3A_232 {dimension_numbers = #tpu.dot_dimension_numbers<[0], [0], [1], [1], [0, 1, 1, 1], [], []>, precision = #tpu.contract_precision<fp32>, transpose_lhs_hint = false} : vector<64x1xf32>, vector<64x64xf32>, vector<1x64xf32> -> vector<1x64xf32>
      %sqrt3A = math.sqrt %broadcast_in_dim3A_231 : vector<64x1xf32>
      %sqrt3A_234 = math.sqrt %dot_general3A_233 : vector<1x64xf32>
      %mul3A_235 = vector.broadcast %sqrt3A : vector<64x1xf32> to vector<64x64xf32>
      %mul3A_236 = vector.broadcast %sqrt3A_234 : vector<1x64xf32> to vector<64x64xf32>
      %mul3A_237 = arith.mulf %mul3A_235, %mul3A_236 : vector<64x64xf32>
      %add3A_238 = arith.constant 9.99999993E-9 : f32
      %add3A_239 = vector.broadcast %add3A_238 : f32 to vector<64x64xf32>
      %add3A_240 = arith.addf %mul3A_237, %add3A_239 : vector<64x64xf32>
      %div3A_241 = arith.divf %dot_general3A_227, %add3A_240 : vector<64x64xf32>
      %add3A_242 = vector.broadcast %broadcast_in_dim3A_231 : vector<64x1xf32> to vector<64x64xf32>
      %add3A_243 = vector.broadcast %dot_general3A_233 : vector<1x64xf32> to vector<64x64xf32>
      %add3A_244 = arith.addf %add3A_242, %add3A_243 : vector<64x64xf32>
      %mul3A_245 = arith.constant 2.000000e+00 : f32
      %mul3A_246 = vector.broadcast %mul3A_245 : f32 to vector<64x64xf32>
      %mul3A_247 = arith.mulf %mul3A_246, %dot_general3A_227 : vector<64x64xf32>
      %sub3A_248 = arith.subf %add3A_244, %mul3A_247 : vector<64x64xf32>
      %max3A = arith.constant 0.000000e+00 : f32
      %max3A_249 = vector.broadcast %max3A : f32 to vector<64x64xf32>
      %max3A_250 = arith.maximumf %sub3A_248, %max3A_249 : vector<64x64xf32>
      %sqrt3A_251 = math.sqrt %max3A_250 : vector<64x64xf32>
      %mul3A_252 = arith.mulf %div3A_241, %sqrt3A_251 : vector<64x64xf32>
      %sub3A_253 = arith.constant 1.000000e+00 : f32
      %sub3A_254 = vector.broadcast %sub3A_253 : f32 to vector<64x64xf32>
      %sub3A_255 = arith.subf %sub3A_254, %div3A_241 : vector<64x64xf32>
      %sub3A_256 = arith.constant 4.200000e+00 : f32
      %sub3A_257 = vector.broadcast %sub3A_256 : f32 to vector<64x64xf32>
      %sub3A_258 = arith.subf %sub3A_257, %sqrt3A_251 : vector<64x64xf32>
      %max3A_259 = arith.constant 0.000000e+00 : f32
      %max3A_260 = vector.broadcast %max3A_259 : f32 to vector<64x64xf32>
      %max3A_261 = arith.maximumf %sub3A_258, %max3A_260 : vector<64x64xf32>
      %mul3A_262 = arith.mulf %sub3A_255, %max3A_261 : vector<64x64xf32>
      %add3A_263 = arith.addf %mul3A_252, %mul3A_262 : vector<64x64xf32>
      %get3A_264 = arith.constant 0 : index
      %get3A_265 = memref.load %arg8[%get3A_264] : memref<4xf32, #tpu.memory_space<smem>>
      %mul3A_266 = arith.mulf %mul3A_139, %add3A_263 : vector<64x64xf32>
      %reduce_sum3A_267 = vector.shape_cast %mul3A_266 : vector<64x64xf32> to vector<1x64x64xf32>
      %reduce_sum3A_268 = arith.constant dense<0.000000e+00> : vector<1xf32>
      %reduce_sum3A_269 = vector.multi_reduction <add>, %reduce_sum3A_267, %reduce_sum3A_268 [1, 2] : vector<1x64x64xf32> to vector<1xf32>
      %reduce_sum3A_270 = vector.shape_cast %reduce_sum3A_269 : vector<1xf32> to vector<1x1x1xf32>
      %reduce_sum3A_271 = vector.extract %reduce_sum3A_270[0, 0, 0] : f32 from vector<1x1x1xf32>
      %add3A_272 = arith.addf %get3A_265, %reduce_sum3A_271 : f32
      %swap3A_273 = arith.constant 0 : index
      %swap3A_274 = memref.load %arg8[%swap3A_273] : memref<4xf32, #tpu.memory_space<smem>>
      memref.store %add3A_272, %arg8[%swap3A_273] : memref<4xf32, #tpu.memory_space<smem>>
      %get3A_275 = arith.constant 1 : index
      %get3A_276 = memref.load %arg8[%get3A_275] : memref<4xf32, #tpu.memory_space<smem>>
      %add3A_277 = arith.addf %get3A_276, %reduce_sum3A_216 : f32
      %swap3A_278 = arith.constant 1 : index
      %swap3A_279 = memref.load %arg8[%swap3A_278] : memref<4xf32, #tpu.memory_space<smem>>
      memref.store %add3A_277, %arg8[%swap3A_278] : memref<4xf32, #tpu.memory_space<smem>>
      %get3A_280 = arith.constant 2 : index
      %get3A_281 = memref.load %arg8[%get3A_280] : memref<4xf32, #tpu.memory_space<smem>>
      %add3A_282 = arith.addf %get3A_281, %reduce_sum3A_225 : f32
      %swap3A_283 = arith.constant 2 : index
      %swap3A_284 = memref.load %arg8[%swap3A_283] : memref<4xf32, #tpu.memory_space<smem>>
      memref.store %add3A_282, %arg8[%swap3A_283] : memref<4xf32, #tpu.memory_space<smem>>
    } else {
    }
    %eq3A_37 = arith.constant 3 : i32
    %eq3A_38 = arith.cmpi eq, %arg0, %eq3A_37 : i32
    %convert_element_type3A_39 = arith.extui %eq3A_38 : i1 to i32
    %cond3A_40 = arith.constant 0 : i32
    %cond3A_41 = arith.cmpi ne, %convert_element_type3A_39, %cond3A_40 : i32
    scf.if %cond3A_41 {
      %get3A = arith.constant 0 : index
      %get3A_91 = arith.constant 0 : index
      %get3A_92 = arith.constant 0 : index
      %get3A_93 = vector.load %arg1[%get3A, %get3A_91, %get3A_92] : memref<1x64x64xf32, #tpu.memory_space<vmem>>, vector<1x64x64xf32>
      %get3A_94 = vector.shape_cast %get3A_93 : vector<1x64x64xf32> to vector<64x64xf32>
      %add3A = arith.constant 0.000000e+00 : f32
      %add3A_95 = vector.broadcast %add3A : f32 to vector<64x64xf32>
      %add3A_96 = arith.addf %add3A_95, %get3A_94 : vector<64x64xf32>
      %iota3A = tpu.iota {dimensions = array<i32: 0>} : vector<64x64xi32>
      %iota3A_97 = tpu.iota {dimensions = array<i32: 1>} : vector<64x64xi32>
      %eq3A_98 = arith.cmpi eq, %iota3A, %iota3A_97 : vector<64x64xi32>
      %convert_element_type3A_99 = arith.extui %eq3A_98 : vector<64x64xi1> to vector<64x64xi32>
      %convert_element_type3A_100 = arith.sitofp %convert_element_type3A_99 : vector<64x64xi32> to vector<64x64xf32>
      %reduce_sum3A = arith.constant dense<0.000000e+00> : vector<64xf32>
      %reduce_sum3A_101 = vector.multi_reduction <add>, %add3A_96, %reduce_sum3A [1] : vector<64x64xf32> to vector<64xf32>
      %broadcast_in_dim3A = vector.shape_cast %reduce_sum3A_101 : vector<64xf32> to vector<64x1xf32>
      %reduce_sum3A_102 = arith.constant dense<0.000000e+00> : vector<64xf32>
      %reduce_sum3A_103 = vector.multi_reduction <add>, %add3A_96, %reduce_sum3A_102 [0] : vector<64x64xf32> to vector<64xf32>
      %broadcast_in_dim3A_104 = vector.shape_cast %reduce_sum3A_103 : vector<64xf32> to vector<1x64xf32>
      %dot_general3A = arith.constant dense<0.000000e+00> : vector<64x1xf32>
      %dot_general3A_105 = tpu.matmul %convert_element_type3A_100, %broadcast_in_dim3A_104, %dot_general3A {dimension_numbers = #tpu.dot_dimension_numbers<[1], [1], [0], [0], [0, 0, 1, 0], [], []>, precision = #tpu.contract_precision<fp32>, transpose_lhs_hint = false} : vector<64x64xf32>, vector<1x64xf32>, vector<64x1xf32> -> vector<64x1xf32>
      %gt3A = arith.constant 0.000000e+00 : f32
      %gt3A_106 = vector.broadcast %gt3A : f32 to vector<64x1xf32>
      %gt3A_107 = arith.cmpf ogt, %dot_general3A_105, %gt3A_106 : vector<64x1xf32>
      %gt3A_108 = arith.constant 0.000000e+00 : f32
      %gt3A_109 = vector.broadcast %gt3A_108 : f32 to vector<64x1xf32>
      %gt3A_110 = arith.cmpf ogt, %dot_general3A_105, %gt3A_109 : vector<64x1xf32>
      %jit3A = arith.constant 1.000000e+00 : f32
      %broadcast_in_dim3A_111 = vector.broadcast %jit3A : f32 to vector<64x1xf32>
      %select_n3A = arith.select %gt3A_110, %dot_general3A_105, %broadcast_in_dim3A_111 : vector<64x1xi1>, vector<64x1xf32>
      %div3A = arith.constant 1.000000e+00 : f32
      %div3A_112 = vector.broadcast %div3A : f32 to vector<64x1xf32>
      %div3A_113 = arith.divf %div3A_112, %select_n3A : vector<64x1xf32>
      %jit3A_114 = arith.constant 0.000000e+00 : f32
      %broadcast_in_dim3A_115 = vector.broadcast %jit3A_114 : f32 to vector<64x1xf32>
      %select_n3A_116 = arith.select %gt3A_107, %div3A_113, %broadcast_in_dim3A_115 : vector<64x1xi1>, vector<64x1xf32>
      %iota3A_117 = tpu.iota {dimensions = array<i32: 1>} : vector<1x64xi32>
      %convert_element_type3A_118 = arith.sitofp %iota3A_117 : vector<1x64xi32> to vector<1x64xf32>
      %gt3A_119 = arith.constant 0.000000e+00 : f32
      %gt3A_120 = vector.broadcast %gt3A_119 : f32 to vector<1x64xf32>
      %gt3A_121 = arith.cmpf ogt, %broadcast_in_dim3A_104, %gt3A_120 : vector<1x64xf32>
      %add3A_122 = arith.constant 1.000000e+00 : f32
      %add3A_123 = vector.broadcast %add3A_122 : f32 to vector<1x64xf32>
      %add3A_124 = arith.addf %convert_element_type3A_118, %add3A_123 : vector<1x64xf32>
      %jit3A_125 = arith.constant 0.000000e+00 : f32
      %broadcast_in_dim3A_126 = vector.broadcast %jit3A_125 : f32 to vector<1x64xf32>
      %select_n3A_127 = arith.select %gt3A_121, %add3A_124, %broadcast_in_dim3A_126 : vector<1x64xi1>, vector<1x64xf32>
      %reduce_max3A = vector.shape_cast %select_n3A_127 : vector<1x64xf32> to vector<1x1x64xf32>
      %reduce_max3A_128 = arith.constant dense<0xFF800000> : vector<1xf32>
      %reduce_max3A_129 = vector.multi_reduction <maximumf>, %reduce_max3A, %reduce_max3A_128 [1, 2] : vector<1x1x64xf32> to vector<1xf32>
      %reduce_max3A_130 = vector.shape_cast %reduce_max3A_129 : vector<1xf32> to vector<1x1x1xf32>
      %reduce_max3A_131 = vector.extract %reduce_max3A_130[0, 0, 0] : f32 from vector<1x1x1xf32>
      %lt3A_132 = vector.broadcast %reduce_max3A_131 : f32 to vector<1x64xf32>
      %lt3A_133 = arith.cmpf olt, %convert_element_type3A_118, %lt3A_132 : vector<1x64xf32>
      %convert_element_type3A_134 = arith.extui %lt3A_133 : vector<1x64xi1> to vector<1x64xi32>
      %convert_element_type3A_135 = arith.sitofp %convert_element_type3A_134 : vector<1x64xi32> to vector<1x64xf32>
      %dot_general3A_136 = arith.constant dense<0.000000e+00> : vector<64x1xf32>
      %dot_general3A_137 = tpu.matmul %convert_element_type3A_100, %convert_element_type3A_135, %dot_general3A_136 {dimension_numbers = #tpu.dot_dimension_numbers<[1], [1], [0], [0], [0, 0, 1, 0], [], []>, precision = #tpu.contract_precision<fp32>, transpose_lhs_hint = false} : vector<64x64xf32>, vector<1x64xf32>, vector<64x1xf32> -> vector<64x1xf32>
      %mul3A = vector.broadcast %dot_general3A_137 : vector<64x1xf32> to vector<64x64xf32>
      %mul3A_138 = vector.broadcast %convert_element_type3A_135 : vector<1x64xf32> to vector<64x64xf32>
      %mul3A_139 = arith.mulf %mul3A, %mul3A_138 : vector<64x64xf32>
      %get3A_140 = arith.constant 0 : index
      %get3A_141 = arith.constant 0 : index
      %get3A_142 = vector.load %arg4[%get3A_140, %get3A_141] : memref<2x512xf32, #tpu.memory_space<vmem>>, vector<1x512xf32>
      %get3A_143 = arith.constant 1 : index
      %get3A_144 = arith.constant 0 : index
      %get3A_145 = vector.load %arg4[%get3A_143, %get3A_144] : memref<2x512xf32, #tpu.memory_space<vmem>>, vector<1x512xf32>
      %gt3A_146 = arith.constant 0.000000e+00 : f32
      %gt3A_147 = vector.broadcast %gt3A_146 : f32 to vector<64x64xf32>
      %gt3A_148 = arith.cmpf ogt, %add3A_96, %gt3A_147 : vector<64x64xf32>
      %get3A_149 = arith.constant 7 : index
      %get3A_150 = arith.constant 0 : index
      %get3A_151 = arith.constant 0 : index
      %get3A_152 = vector.load %arg2[%get3A_149, %get3A_150, %get3A_151] : memref<16x64x512xf32, #tpu.memory_space<vmem>>, vector<1x64x512xf32>
      %get3A_153 = vector.shape_cast %get3A_152 : vector<1x64x512xf32> to vector<64x512xf32>
      %get3A_154 = arith.constant 0 : index
      %get3A_155 = arith.constant 0 : index
      %get3A_156 = vector.load %arg3[%get3A_154, %get3A_155] : memref<512x512xf32, #tpu.memory_space<vmem>>, vector<512x512xf32>
      %dot_general3A_157 = arith.constant dense<0.000000e+00> : vector<64x512xf32>
      %dot_general3A_158 = tpu.matmul %get3A_153, %get3A_156, %dot_general3A_157 {dimension_numbers = #tpu.dot_dimension_numbers<[1], [0], [0], [1], [0, 0, 1, 1], [], []>, transpose_lhs_hint = false} : vector<64x512xf32>, vector<512x512xf32>, vector<64x512xf32> -> vector<64x512xf32>
      %dot_general3A_159 = arith.constant dense<0.000000e+00> : vector<64x512xf32>
      %dot_general3A_160 = tpu.matmul %add3A_96, %dot_general3A_158, %dot_general3A_159 {dimension_numbers = #tpu.dot_dimension_numbers<[0], [0], [1], [1], [0, 1, 1, 1], [], []>, precision = #tpu.contract_precision<fp32>, transpose_lhs_hint = false} : vector<64x64xf32>, vector<64x512xf32>, vector<64x512xf32> -> vector<64x512xf32>
      %dot_general3A_161 = arith.constant dense<0.000000e+00> : vector<64x1xf32>
      %dot_general3A_162 = tpu.matmul %dot_general3A_158, %get3A_142, %dot_general3A_161 {dimension_numbers = #tpu.dot_dimension_numbers<[1], [1], [0], [0], [0, 0, 1, 0], [], []>, precision = #tpu.contract_precision<fp32>, transpose_lhs_hint = false} : vector<64x512xf32>, vector<1x512xf32>, vector<64x1xf32> -> vector<64x1xf32>
      %dot_general3A_163 = arith.constant dense<0.000000e+00> : vector<1x64xf32>
      %dot_general3A_164 = tpu.matmul %get3A_145, %dot_general3A_160, %dot_general3A_163 {dimension_numbers = #tpu.dot_dimension_numbers<[1], [1], [0], [0], [0, 0, 1, 0], [], []>, precision = #tpu.contract_precision<fp32>, transpose_lhs_hint = false} : vector<1x512xf32>, vector<64x512xf32>, vector<1x64xf32> -> vector<1x64xf32>
      %add3A_165 = vector.broadcast %dot_general3A_162 : vector<64x1xf32> to vector<64x64xf32>
      %add3A_166 = vector.broadcast %dot_general3A_164 : vector<1x64xf32> to vector<64x64xf32>
      %add3A_167 = arith.addf %add3A_165, %add3A_166 : vector<64x64xf32>
      %gt3A_168 = arith.constant 0.000000e+00 : f32
      %gt3A_169 = vector.broadcast %gt3A_168 : f32 to vector<64x64xf32>
      %gt3A_170 = arith.cmpf ogt, %add3A_167, %gt3A_169 : vector<64x64xf32>
      %mul3A_171 = arith.constant 2.000000e-01 : f32
      %mul3A_172 = vector.broadcast %mul3A_171 : f32 to vector<64x64xf32>
      %mul3A_173 = arith.mulf %mul3A_172, %add3A_167 : vector<64x64xf32>
      %select_n3A_174 = arith.select %gt3A_170, %add3A_167, %mul3A_173 : vector<64x64xi1>, vector<64x64xf32>
      %jit3A_175 = arith.constant -3.000000e+38 : f32
      %broadcast_in_dim3A_176 = vector.broadcast %jit3A_175 : f32 to vector<64x64xf32>
      %select_n3A_177 = arith.select %gt3A_148, %select_n3A_174, %broadcast_in_dim3A_176 : vector<64x64xi1>, vector<64x64xf32>
      %reduce_max3A_178 = arith.constant dense<0xFF800000> : vector<64xf32>
      %reduce_max3A_179 = vector.multi_reduction <maximumf>, %select_n3A_177, %reduce_max3A_178 [1] : vector<64x64xf32> to vector<64xf32>
      %broadcast_in_dim3A_180 = vector.shape_cast %reduce_max3A_179 : vector<64xf32> to vector<64x1xf32>
      %sub3A = vector.broadcast %broadcast_in_dim3A_180 : vector<64x1xf32> to vector<64x64xf32>
      %sub3A_181 = arith.subf %select_n3A_174, %sub3A : vector<64x64xf32>
      %jit3A_182 = arith.constant -3.000000e+38 : f32
      %broadcast_in_dim3A_183 = vector.broadcast %jit3A_182 : f32 to vector<64x64xf32>
      %select_n3A_184 = arith.select %gt3A_148, %sub3A_181, %broadcast_in_dim3A_183 : vector<64x64xi1>, vector<64x64xf32>
      %exp3A = math.exp %select_n3A_184 : vector<64x64xf32>
      %mul3A_185 = arith.mulf %add3A_96, %exp3A : vector<64x64xf32>
      %reduce_sum3A_186 = arith.constant dense<0.000000e+00> : vector<64xf32>
      %reduce_sum3A_187 = vector.multi_reduction <add>, %mul3A_185, %reduce_sum3A_186 [1] : vector<64x64xf32> to vector<64xf32>
      %broadcast_in_dim3A_188 = vector.shape_cast %reduce_sum3A_187 : vector<64xf32> to vector<64x1xf32>
      %mul3A_189 = arith.mulf %add3A_96, %exp3A : vector<64x64xf32>
      %add3A_190 = arith.constant 1.000000e-16 : f32
      %add3A_191 = vector.broadcast %add3A_190 : f32 to vector<64x1xf32>
      %add3A_192 = arith.addf %broadcast_in_dim3A_188, %add3A_191 : vector<64x1xf32>
      %div3A_193 = vector.broadcast %add3A_192 : vector<64x1xf32> to vector<64x64xf32>
      %div3A_194 = arith.divf %mul3A_189, %div3A_193 : vector<64x64xf32>
      %dot_general3A_195 = arith.constant dense<0.000000e+00> : vector<64x512xf32>
      %dot_general3A_196 = tpu.matmul %div3A_194, %dot_general3A_158, %dot_general3A_195 {dimension_numbers = #tpu.dot_dimension_numbers<[0], [0], [1], [1], [0, 1, 1, 1], [], []>, precision = #tpu.contract_precision<fp32>, transpose_lhs_hint = false} : vector<64x64xf32>, vector<64x512xf32>, vector<64x512xf32> -> vector<64x512xf32>
      %mul3A_197 = vector.broadcast %select_n3A_116 : vector<64x1xf32> to vector<64x512xf32>
      %mul3A_198 = arith.mulf %mul3A_197, %dot_general3A_196 : vector<64x512xf32>
      %dot_general3A_199 = arith.constant dense<0.000000e+00> : vector<64x512xf32>
      %dot_general3A_200 = tpu.matmul %div3A_194, %mul3A_198, %dot_general3A_199 {dimension_numbers = #tpu.dot_dimension_numbers<[1], [0], [0], [1], [0, 0, 1, 1], [], []>, precision = #tpu.contract_precision<fp32>, transpose_lhs_hint = false} : vector<64x64xf32>, vector<64x512xf32>, vector<64x512xf32> -> vector<64x512xf32>
      %mul3A_201 = vector.broadcast %broadcast_in_dim3A : vector<64x1xf32> to vector<64x512xf32>
      %mul3A_202 = arith.mulf %mul3A_201, %dot_general3A_200 : vector<64x512xf32>
      %swap3A = arith.constant 0 : index
      %swap3A_203 = arith.constant 7 : index
      %swap3A_204 = arith.constant 0 : index
      %swap3A_205 = vector.load %arg7[%swap3A, %swap3A_203, %swap3A_204] : memref<64x16x512xf32, #tpu.memory_space<vmem>>, vector<64x1x512xf32>
      %swap3A_206 = vector.shape_cast %swap3A_205 : vector<64x1x512xf32> to vector<64x512xf32>
      %swap3A_207 = vector.shape_cast %mul3A_202 : vector<64x512xf32> to vector<64x1x512xf32>
      tpu.vector_store %arg7[%swap3A, %swap3A_203, %swap3A_204], %swap3A_207 {strides = array<i32>} : memref<64x16x512xf32, #tpu.memory_space<vmem>>, vector<64x1x512xf32>,
      %reduce_sum3A_208 = arith.constant dense<0.000000e+00> : vector<64xf32>
      %reduce_sum3A_209 = vector.multi_reduction <add>, %dot_general3A_158, %reduce_sum3A_208 [1] : vector<64x512xf32> to vector<64xf32>
      %broadcast_in_dim3A_210 = vector.shape_cast %reduce_sum3A_209 : vector<64xf32> to vector<64x1xf32>
      %mul3A_211 = arith.mulf %broadcast_in_dim3A, %broadcast_in_dim3A_210 : vector<64x1xf32>
      %reduce_sum3A_212 = vector.shape_cast %mul3A_211 : vector<64x1xf32> to vector<1x64x1xf32>
      %reduce_sum3A_213 = arith.constant dense<0.000000e+00> : vector<1xf32>
      %reduce_sum3A_214 = vector.multi_reduction <add>, %reduce_sum3A_212, %reduce_sum3A_213 [1, 2] : vector<1x64x1xf32> to vector<1xf32>
      %reduce_sum3A_215 = vector.shape_cast %reduce_sum3A_214 : vector<1xf32> to vector<1x1x1xf32>
      %reduce_sum3A_216 = vector.extract %reduce_sum3A_215[0, 0, 0] : f32 from vector<1x1x1xf32>
      %reduce_sum3A_217 = arith.constant dense<0.000000e+00> : vector<64xf32>
      %reduce_sum3A_218 = vector.multi_reduction <add>, %dot_general3A_160, %reduce_sum3A_217 [1] : vector<64x512xf32> to vector<64xf32>
      %broadcast_in_dim3A_219 = vector.shape_cast %reduce_sum3A_218 : vector<64xf32> to vector<64x1xf32>
      %mul3A_220 = arith.mulf %dot_general3A_105, %broadcast_in_dim3A_219 : vector<64x1xf32>
      %reduce_sum3A_221 = vector.shape_cast %mul3A_220 : vector<64x1xf32> to vector<1x64x1xf32>
      %reduce_sum3A_222 = arith.constant dense<0.000000e+00> : vector<1xf32>
      %reduce_sum3A_223 = vector.multi_reduction <add>, %reduce_sum3A_221, %reduce_sum3A_222 [1, 2] : vector<1x64x1xf32> to vector<1xf32>
      %reduce_sum3A_224 = vector.shape_cast %reduce_sum3A_223 : vector<1xf32> to vector<1x1x1xf32>
      %reduce_sum3A_225 = vector.extract %reduce_sum3A_224[0, 0, 0] : f32 from vector<1x1x1xf32>
      %dot_general3A_226 = arith.constant dense<0.000000e+00> : vector<64x64xf32>
      %dot_general3A_227 = tpu.matmul %dot_general3A_160, %dot_general3A_160, %dot_general3A_226 {dimension_numbers = #tpu.dot_dimension_numbers<[1], [1], [0], [0], [0, 0, 1, 0], [], []>, precision = #tpu.contract_precision<fp32>, transpose_lhs_hint = false} : vector<64x512xf32>, vector<64x512xf32>, vector<64x64xf32> -> vector<64x64xf32>
      %mul3A_228 = arith.mulf %dot_general3A_160, %dot_general3A_160 : vector<64x512xf32>
      %reduce_sum3A_229 = arith.constant dense<0.000000e+00> : vector<64xf32>
      %reduce_sum3A_230 = vector.multi_reduction <add>, %mul3A_228, %reduce_sum3A_229 [1] : vector<64x512xf32> to vector<64xf32>
      %broadcast_in_dim3A_231 = vector.shape_cast %reduce_sum3A_230 : vector<64xf32> to vector<64x1xf32>
      %dot_general3A_232 = arith.constant dense<0.000000e+00> : vector<1x64xf32>
      %dot_general3A_233 = tpu.matmul %broadcast_in_dim3A_231, %convert_element_type3A_100, %dot_general3A_232 {dimension_numbers = #tpu.dot_dimension_numbers<[0], [0], [1], [1], [0, 1, 1, 1], [], []>, precision = #tpu.contract_precision<fp32>, transpose_lhs_hint = false} : vector<64x1xf32>, vector<64x64xf32>, vector<1x64xf32> -> vector<1x64xf32>
      %sqrt3A = math.sqrt %broadcast_in_dim3A_231 : vector<64x1xf32>
      %sqrt3A_234 = math.sqrt %dot_general3A_233 : vector<1x64xf32>
      %mul3A_235 = vector.broadcast %sqrt3A : vector<64x1xf32> to vector<64x64xf32>
      %mul3A_236 = vector.broadcast %sqrt3A_234 : vector<1x64xf32> to vector<64x64xf32>
      %mul3A_237 = arith.mulf %mul3A_235, %mul3A_236 : vector<64x64xf32>
      %add3A_238 = arith.constant 9.99999993E-9 : f32
      %add3A_239 = vector.broadcast %add3A_238 : f32 to vector<64x64xf32>
      %add3A_240 = arith.addf %mul3A_237, %add3A_239 : vector<64x64xf32>
      %div3A_241 = arith.divf %dot_general3A_227, %add3A_240 : vector<64x64xf32>
      %add3A_242 = vector.broadcast %broadcast_in_dim3A_231 : vector<64x1xf32> to vector<64x64xf32>
      %add3A_243 = vector.broadcast %dot_general3A_233 : vector<1x64xf32> to vector<64x64xf32>
      %add3A_244 = arith.addf %add3A_242, %add3A_243 : vector<64x64xf32>
      %mul3A_245 = arith.constant 2.000000e+00 : f32
      %mul3A_246 = vector.broadcast %mul3A_245 : f32 to vector<64x64xf32>
      %mul3A_247 = arith.mulf %mul3A_246, %dot_general3A_227 : vector<64x64xf32>
      %sub3A_248 = arith.subf %add3A_244, %mul3A_247 : vector<64x64xf32>
      %max3A = arith.constant 0.000000e+00 : f32
      %max3A_249 = vector.broadcast %max3A : f32 to vector<64x64xf32>
      %max3A_250 = arith.maximumf %sub3A_248, %max3A_249 : vector<64x64xf32>
      %sqrt3A_251 = math.sqrt %max3A_250 : vector<64x64xf32>
      %mul3A_252 = arith.mulf %div3A_241, %sqrt3A_251 : vector<64x64xf32>
      %sub3A_253 = arith.constant 1.000000e+00 : f32
      %sub3A_254 = vector.broadcast %sub3A_253 : f32 to vector<64x64xf32>
      %sub3A_255 = arith.subf %sub3A_254, %div3A_241 : vector<64x64xf32>
      %sub3A_256 = arith.constant 4.200000e+00 : f32
      %sub3A_257 = vector.broadcast %sub3A_256 : f32 to vector<64x64xf32>
      %sub3A_258 = arith.subf %sub3A_257, %sqrt3A_251 : vector<64x64xf32>
      %max3A_259 = arith.constant 0.000000e+00 : f32
      %max3A_260 = vector.broadcast %max3A_259 : f32 to vector<64x64xf32>
      %max3A_261 = arith.maximumf %sub3A_258, %max3A_260 : vector<64x64xf32>
      %mul3A_262 = arith.mulf %sub3A_255, %max3A_261 : vector<64x64xf32>
      %add3A_263 = arith.addf %mul3A_252, %mul3A_262 : vector<64x64xf32>
      %get3A_264 = arith.constant 0 : index
      %get3A_265 = memref.load %arg8[%get3A_264] : memref<4xf32, #tpu.memory_space<smem>>
      %mul3A_266 = arith.mulf %mul3A_139, %add3A_263 : vector<64x64xf32>
      %reduce_sum3A_267 = vector.shape_cast %mul3A_266 : vector<64x64xf32> to vector<1x64x64xf32>
      %reduce_sum3A_268 = arith.constant dense<0.000000e+00> : vector<1xf32>
      %reduce_sum3A_269 = vector.multi_reduction <add>, %reduce_sum3A_267, %reduce_sum3A_268 [1, 2] : vector<1x64x64xf32> to vector<1xf32>
      %reduce_sum3A_270 = vector.shape_cast %reduce_sum3A_269 : vector<1xf32> to vector<1x1x1xf32>
      %reduce_sum3A_271 = vector.extract %reduce_sum3A_270[0, 0, 0] : f32 from vector<1x1x1xf32>
      %add3A_272 = arith.addf %get3A_265, %reduce_sum3A_271 : f32
      %swap3A_273 = arith.constant 0 : index
      %swap3A_274 = memref.load %arg8[%swap3A_273] : memref<4xf32, #tpu.memory_space<smem>>
      memref.store %add3A_272, %arg8[%swap3A_273] : memref<4xf32, #tpu.memory_space<smem>>
      %get3A_275 = arith.constant 1 : index
      %get3A_276 = memref.load %arg8[%get3A_275] : memref<4xf32, #tpu.memory_space<smem>>
      %add3A_277 = arith.addf %get3A_276, %reduce_sum3A_216 : f32
      %swap3A_278 = arith.constant 1 : index
      %swap3A_279 = memref.load %arg8[%swap3A_278] : memref<4xf32, #tpu.memory_space<smem>>
      memref.store %add3A_277, %arg8[%swap3A_278] : memref<4xf32, #tpu.memory_space<smem>>
      %get3A_280 = arith.constant 2 : index
      %get3A_281 = memref.load %arg8[%get3A_280] : memref<4xf32, #tpu.memory_space<smem>>
      %add3A_282 = arith.addf %get3A_281, %reduce_sum3A_225 : f32
      %swap3A_283 = arith.constant 2 : index
      %swap3A_284 = memref.load %arg8[%swap3A_283] : memref<4xf32, #tpu.memory_space<smem>>
      memref.store %add3A_282, %arg8[%swap3A_283] : memref<4xf32, #tpu.memory_space<smem>>
    } else {
    }
    %eq3A_42 = arith.constant 3 : i32
    %eq3A_43 = arith.cmpi eq, %arg0, %eq3A_42 : i32
    %convert_element_type3A_44 = arith.extui %eq3A_43 : i1 to i32
    %cond3A_45 = arith.constant 0 : i32
    %cond3A_46 = arith.cmpi ne, %convert_element_type3A_44, %cond3A_45 : i32
    scf.if %cond3A_46 {
      %get3A = arith.constant 0 : index
      %get3A_91 = arith.constant 0 : index
      %get3A_92 = arith.constant 0 : index
      %get3A_93 = vector.load %arg1[%get3A, %get3A_91, %get3A_92] : memref<1x64x64xf32, #tpu.memory_space<vmem>>, vector<1x64x64xf32>
      %get3A_94 = vector.shape_cast %get3A_93 : vector<1x64x64xf32> to vector<64x64xf32>
      %add3A = arith.constant 0.000000e+00 : f32
      %add3A_95 = vector.broadcast %add3A : f32 to vector<64x64xf32>
      %add3A_96 = arith.addf %add3A_95, %get3A_94 : vector<64x64xf32>
      %iota3A = tpu.iota {dimensions = array<i32: 0>} : vector<64x64xi32>
      %iota3A_97 = tpu.iota {dimensions = array<i32: 1>} : vector<64x64xi32>
      %eq3A_98 = arith.cmpi eq, %iota3A, %iota3A_97 : vector<64x64xi32>
      %convert_element_type3A_99 = arith.extui %eq3A_98 : vector<64x64xi1> to vector<64x64xi32>
      %convert_element_type3A_100 = arith.sitofp %convert_element_type3A_99 : vector<64x64xi32> to vector<64x64xf32>
      %reduce_sum3A = arith.constant dense<0.000000e+00> : vector<64xf32>
      %reduce_sum3A_101 = vector.multi_reduction <add>, %add3A_96, %reduce_sum3A [1] : vector<64x64xf32> to vector<64xf32>
      %broadcast_in_dim3A = vector.shape_cast %reduce_sum3A_101 : vector<64xf32> to vector<64x1xf32>
      %reduce_sum3A_102 = arith.constant dense<0.000000e+00> : vector<64xf32>
      %reduce_sum3A_103 = vector.multi_reduction <add>, %add3A_96, %reduce_sum3A_102 [0] : vector<64x64xf32> to vector<64xf32>
      %broadcast_in_dim3A_104 = vector.shape_cast %reduce_sum3A_103 : vector<64xf32> to vector<1x64xf32>
      %dot_general3A = arith.constant dense<0.000000e+00> : vector<64x1xf32>
      %dot_general3A_105 = tpu.matmul %convert_element_type3A_100, %broadcast_in_dim3A_104, %dot_general3A {dimension_numbers = #tpu.dot_dimension_numbers<[1], [1], [0], [0], [0, 0, 1, 0], [], []>, precision = #tpu.contract_precision<fp32>, transpose_lhs_hint = false} : vector<64x64xf32>, vector<1x64xf32>, vector<64x1xf32> -> vector<64x1xf32>
      %gt3A = arith.constant 0.000000e+00 : f32
      %gt3A_106 = vector.broadcast %gt3A : f32 to vector<64x1xf32>
      %gt3A_107 = arith.cmpf ogt, %dot_general3A_105, %gt3A_106 : vector<64x1xf32>
      %gt3A_108 = arith.constant 0.000000e+00 : f32
      %gt3A_109 = vector.broadcast %gt3A_108 : f32 to vector<64x1xf32>
      %gt3A_110 = arith.cmpf ogt, %dot_general3A_105, %gt3A_109 : vector<64x1xf32>
      %jit3A = arith.constant 1.000000e+00 : f32
      %broadcast_in_dim3A_111 = vector.broadcast %jit3A : f32 to vector<64x1xf32>
      %select_n3A = arith.select %gt3A_110, %dot_general3A_105, %broadcast_in_dim3A_111 : vector<64x1xi1>, vector<64x1xf32>
      %div3A = arith.constant 1.000000e+00 : f32
      %div3A_112 = vector.broadcast %div3A : f32 to vector<64x1xf32>
      %div3A_113 = arith.divf %div3A_112, %select_n3A : vector<64x1xf32>
      %jit3A_114 = arith.constant 0.000000e+00 : f32
      %broadcast_in_dim3A_115 = vector.broadcast %jit3A_114 : f32 to vector<64x1xf32>
      %select_n3A_116 = arith.select %gt3A_107, %div3A_113, %broadcast_in_dim3A_115 : vector<64x1xi1>, vector<64x1xf32>
      %iota3A_117 = tpu.iota {dimensions = array<i32: 1>} : vector<1x64xi32>
      %convert_element_type3A_118 = arith.sitofp %iota3A_117 : vector<1x64xi32> to vector<1x64xf32>
      %gt3A_119 = arith.constant 0.000000e+00 : f32
      %gt3A_120 = vector.broadcast %gt3A_119 : f32 to vector<1x64xf32>
      %gt3A_121 = arith.cmpf ogt, %broadcast_in_dim3A_104, %gt3A_120 : vector<1x64xf32>
      %add3A_122 = arith.constant 1.000000e+00 : f32
      %add3A_123 = vector.broadcast %add3A_122 : f32 to vector<1x64xf32>
      %add3A_124 = arith.addf %convert_element_type3A_118, %add3A_123 : vector<1x64xf32>
      %jit3A_125 = arith.constant 0.000000e+00 : f32
      %broadcast_in_dim3A_126 = vector.broadcast %jit3A_125 : f32 to vector<1x64xf32>
      %select_n3A_127 = arith.select %gt3A_121, %add3A_124, %broadcast_in_dim3A_126 : vector<1x64xi1>, vector<1x64xf32>
      %reduce_max3A = vector.shape_cast %select_n3A_127 : vector<1x64xf32> to vector<1x1x64xf32>
      %reduce_max3A_128 = arith.constant dense<0xFF800000> : vector<1xf32>
      %reduce_max3A_129 = vector.multi_reduction <maximumf>, %reduce_max3A, %reduce_max3A_128 [1, 2] : vector<1x1x64xf32> to vector<1xf32>
      %reduce_max3A_130 = vector.shape_cast %reduce_max3A_129 : vector<1xf32> to vector<1x1x1xf32>
      %reduce_max3A_131 = vector.extract %reduce_max3A_130[0, 0, 0] : f32 from vector<1x1x1xf32>
      %lt3A_132 = vector.broadcast %reduce_max3A_131 : f32 to vector<1x64xf32>
      %lt3A_133 = arith.cmpf olt, %convert_element_type3A_118, %lt3A_132 : vector<1x64xf32>
      %convert_element_type3A_134 = arith.extui %lt3A_133 : vector<1x64xi1> to vector<1x64xi32>
      %convert_element_type3A_135 = arith.sitofp %convert_element_type3A_134 : vector<1x64xi32> to vector<1x64xf32>
      %dot_general3A_136 = arith.constant dense<0.000000e+00> : vector<64x1xf32>
      %dot_general3A_137 = tpu.matmul %convert_element_type3A_100, %convert_element_type3A_135, %dot_general3A_136 {dimension_numbers = #tpu.dot_dimension_numbers<[1], [1], [0], [0], [0, 0, 1, 0], [], []>, precision = #tpu.contract_precision<fp32>, transpose_lhs_hint = false} : vector<64x64xf32>, vector<1x64xf32>, vector<64x1xf32> -> vector<64x1xf32>
      %mul3A = vector.broadcast %dot_general3A_137 : vector<64x1xf32> to vector<64x64xf32>
      %mul3A_138 = vector.broadcast %convert_element_type3A_135 : vector<1x64xf32> to vector<64x64xf32>
      %mul3A_139 = arith.mulf %mul3A, %mul3A_138 : vector<64x64xf32>
      %get3A_140 = arith.constant 0 : index
      %get3A_141 = arith.constant 0 : index
      %get3A_142 = vector.load %arg4[%get3A_140, %get3A_141] : memref<2x512xf32, #tpu.memory_space<vmem>>, vector<1x512xf32>
      %get3A_143 = arith.constant 1 : index
      %get3A_144 = arith.constant 0 : index
      %get3A_145 = vector.load %arg4[%get3A_143, %get3A_144] : memref<2x512xf32, #tpu.memory_space<vmem>>, vector<1x512xf32>
      %gt3A_146 = arith.constant 0.000000e+00 : f32
      %gt3A_147 = vector.broadcast %gt3A_146 : f32 to vector<64x64xf32>
      %gt3A_148 = arith.cmpf ogt, %add3A_96, %gt3A_147 : vector<64x64xf32>
      %get3A_149 = arith.constant 8 : index
      %get3A_150 = arith.constant 0 : index
      %get3A_151 = arith.constant 0 : index
      %get3A_152 = vector.load %arg2[%get3A_149, %get3A_150, %get3A_151] : memref<16x64x512xf32, #tpu.memory_space<vmem>>, vector<1x64x512xf32>
      %get3A_153 = vector.shape_cast %get3A_152 : vector<1x64x512xf32> to vector<64x512xf32>
      %get3A_154 = arith.constant 0 : index
      %get3A_155 = arith.constant 0 : index
      %get3A_156 = vector.load %arg3[%get3A_154, %get3A_155] : memref<512x512xf32, #tpu.memory_space<vmem>>, vector<512x512xf32>
      %dot_general3A_157 = arith.constant dense<0.000000e+00> : vector<64x512xf32>
      %dot_general3A_158 = tpu.matmul %get3A_153, %get3A_156, %dot_general3A_157 {dimension_numbers = #tpu.dot_dimension_numbers<[1], [0], [0], [1], [0, 0, 1, 1], [], []>, transpose_lhs_hint = false} : vector<64x512xf32>, vector<512x512xf32>, vector<64x512xf32> -> vector<64x512xf32>
      %dot_general3A_159 = arith.constant dense<0.000000e+00> : vector<64x512xf32>
      %dot_general3A_160 = tpu.matmul %add3A_96, %dot_general3A_158, %dot_general3A_159 {dimension_numbers = #tpu.dot_dimension_numbers<[0], [0], [1], [1], [0, 1, 1, 1], [], []>, precision = #tpu.contract_precision<fp32>, transpose_lhs_hint = false} : vector<64x64xf32>, vector<64x512xf32>, vector<64x512xf32> -> vector<64x512xf32>
      %dot_general3A_161 = arith.constant dense<0.000000e+00> : vector<64x1xf32>
      %dot_general3A_162 = tpu.matmul %dot_general3A_158, %get3A_142, %dot_general3A_161 {dimension_numbers = #tpu.dot_dimension_numbers<[1], [1], [0], [0], [0, 0, 1, 0], [], []>, precision = #tpu.contract_precision<fp32>, transpose_lhs_hint = false} : vector<64x512xf32>, vector<1x512xf32>, vector<64x1xf32> -> vector<64x1xf32>
      %dot_general3A_163 = arith.constant dense<0.000000e+00> : vector<1x64xf32>
      %dot_general3A_164 = tpu.matmul %get3A_145, %dot_general3A_160, %dot_general3A_163 {dimension_numbers = #tpu.dot_dimension_numbers<[1], [1], [0], [0], [0, 0, 1, 0], [], []>, precision = #tpu.contract_precision<fp32>, transpose_lhs_hint = false} : vector<1x512xf32>, vector<64x512xf32>, vector<1x64xf32> -> vector<1x64xf32>
      %add3A_165 = vector.broadcast %dot_general3A_162 : vector<64x1xf32> to vector<64x64xf32>
      %add3A_166 = vector.broadcast %dot_general3A_164 : vector<1x64xf32> to vector<64x64xf32>
      %add3A_167 = arith.addf %add3A_165, %add3A_166 : vector<64x64xf32>
      %gt3A_168 = arith.constant 0.000000e+00 : f32
      %gt3A_169 = vector.broadcast %gt3A_168 : f32 to vector<64x64xf32>
      %gt3A_170 = arith.cmpf ogt, %add3A_167, %gt3A_169 : vector<64x64xf32>
      %mul3A_171 = arith.constant 2.000000e-01 : f32
      %mul3A_172 = vector.broadcast %mul3A_171 : f32 to vector<64x64xf32>
      %mul3A_173 = arith.mulf %mul3A_172, %add3A_167 : vector<64x64xf32>
      %select_n3A_174 = arith.select %gt3A_170, %add3A_167, %mul3A_173 : vector<64x64xi1>, vector<64x64xf32>
      %jit3A_175 = arith.constant -3.000000e+38 : f32
      %broadcast_in_dim3A_176 = vector.broadcast %jit3A_175 : f32 to vector<64x64xf32>
      %select_n3A_177 = arith.select %gt3A_148, %select_n3A_174, %broadcast_in_dim3A_176 : vector<64x64xi1>, vector<64x64xf32>
      %reduce_max3A_178 = arith.constant dense<0xFF800000> : vector<64xf32>
      %reduce_max3A_179 = vector.multi_reduction <maximumf>, %select_n3A_177, %reduce_max3A_178 [1] : vector<64x64xf32> to vector<64xf32>
      %broadcast_in_dim3A_180 = vector.shape_cast %reduce_max3A_179 : vector<64xf32> to vector<64x1xf32>
      %sub3A = vector.broadcast %broadcast_in_dim3A_180 : vector<64x1xf32> to vector<64x64xf32>
      %sub3A_181 = arith.subf %select_n3A_174, %sub3A : vector<64x64xf32>
      %jit3A_182 = arith.constant -3.000000e+38 : f32
      %broadcast_in_dim3A_183 = vector.broadcast %jit3A_182 : f32 to vector<64x64xf32>
      %select_n3A_184 = arith.select %gt3A_148, %sub3A_181, %broadcast_in_dim3A_183 : vector<64x64xi1>, vector<64x64xf32>
      %exp3A = math.exp %select_n3A_184 : vector<64x64xf32>
      %mul3A_185 = arith.mulf %add3A_96, %exp3A : vector<64x64xf32>
      %reduce_sum3A_186 = arith.constant dense<0.000000e+00> : vector<64xf32>
      %reduce_sum3A_187 = vector.multi_reduction <add>, %mul3A_185, %reduce_sum3A_186 [1] : vector<64x64xf32> to vector<64xf32>
      %broadcast_in_dim3A_188 = vector.shape_cast %reduce_sum3A_187 : vector<64xf32> to vector<64x1xf32>
      %mul3A_189 = arith.mulf %add3A_96, %exp3A : vector<64x64xf32>
      %add3A_190 = arith.constant 1.000000e-16 : f32
      %add3A_191 = vector.broadcast %add3A_190 : f32 to vector<64x1xf32>
      %add3A_192 = arith.addf %broadcast_in_dim3A_188, %add3A_191 : vector<64x1xf32>
      %div3A_193 = vector.broadcast %add3A_192 : vector<64x1xf32> to vector<64x64xf32>
      %div3A_194 = arith.divf %mul3A_189, %div3A_193 : vector<64x64xf32>
      %dot_general3A_195 = arith.constant dense<0.000000e+00> : vector<64x512xf32>
      %dot_general3A_196 = tpu.matmul %div3A_194, %dot_general3A_158, %dot_general3A_195 {dimension_numbers = #tpu.dot_dimension_numbers<[0], [0], [1], [1], [0, 1, 1, 1], [], []>, precision = #tpu.contract_precision<fp32>, transpose_lhs_hint = false} : vector<64x64xf32>, vector<64x512xf32>, vector<64x512xf32> -> vector<64x512xf32>
      %mul3A_197 = vector.broadcast %select_n3A_116 : vector<64x1xf32> to vector<64x512xf32>
      %mul3A_198 = arith.mulf %mul3A_197, %dot_general3A_196 : vector<64x512xf32>
      %dot_general3A_199 = arith.constant dense<0.000000e+00> : vector<64x512xf32>
      %dot_general3A_200 = tpu.matmul %div3A_194, %mul3A_198, %dot_general3A_199 {dimension_numbers = #tpu.dot_dimension_numbers<[1], [0], [0], [1], [0, 0, 1, 1], [], []>, precision = #tpu.contract_precision<fp32>, transpose_lhs_hint = false} : vector<64x64xf32>, vector<64x512xf32>, vector<64x512xf32> -> vector<64x512xf32>
      %mul3A_201 = vector.broadcast %broadcast_in_dim3A : vector<64x1xf32> to vector<64x512xf32>
      %mul3A_202 = arith.mulf %mul3A_201, %dot_general3A_200 : vector<64x512xf32>
      %swap3A = arith.constant 0 : index
      %swap3A_203 = arith.constant 8 : index
      %swap3A_204 = arith.constant 0 : index
      %swap3A_205 = vector.load %arg7[%swap3A, %swap3A_203, %swap3A_204] : memref<64x16x512xf32, #tpu.memory_space<vmem>>, vector<64x1x512xf32>
      %swap3A_206 = vector.shape_cast %swap3A_205 : vector<64x1x512xf32> to vector<64x512xf32>
      %swap3A_207 = vector.shape_cast %mul3A_202 : vector<64x512xf32> to vector<64x1x512xf32>
      tpu.vector_store %arg7[%swap3A, %swap3A_203, %swap3A_204], %swap3A_207 {strides = array<i32>} : memref<64x16x512xf32, #tpu.memory_space<vmem>>, vector<64x1x512xf32>,
      %reduce_sum3A_208 = arith.constant dense<0.000000e+00> : vector<64xf32>
      %reduce_sum3A_209 = vector.multi_reduction <add>, %dot_general3A_158, %reduce_sum3A_208 [1] : vector<64x512xf32> to vector<64xf32>
      %broadcast_in_dim3A_210 = vector.shape_cast %reduce_sum3A_209 : vector<64xf32> to vector<64x1xf32>
      %mul3A_211 = arith.mulf %broadcast_in_dim3A, %broadcast_in_dim3A_210 : vector<64x1xf32>
      %reduce_sum3A_212 = vector.shape_cast %mul3A_211 : vector<64x1xf32> to vector<1x64x1xf32>
      %reduce_sum3A_213 = arith.constant dense<0.000000e+00> : vector<1xf32>
      %reduce_sum3A_214 = vector.multi_reduction <add>, %reduce_sum3A_212, %reduce_sum3A_213 [1, 2] : vector<1x64x1xf32> to vector<1xf32>
      %reduce_sum3A_215 = vector.shape_cast %reduce_sum3A_214 : vector<1xf32> to vector<1x1x1xf32>
      %reduce_sum3A_216 = vector.extract %reduce_sum3A_215[0, 0, 0] : f32 from vector<1x1x1xf32>
      %reduce_sum3A_217 = arith.constant dense<0.000000e+00> : vector<64xf32>
      %reduce_sum3A_218 = vector.multi_reduction <add>, %dot_general3A_160, %reduce_sum3A_217 [1] : vector<64x512xf32> to vector<64xf32>
      %broadcast_in_dim3A_219 = vector.shape_cast %reduce_sum3A_218 : vector<64xf32> to vector<64x1xf32>
      %mul3A_220 = arith.mulf %dot_general3A_105, %broadcast_in_dim3A_219 : vector<64x1xf32>
      %reduce_sum3A_221 = vector.shape_cast %mul3A_220 : vector<64x1xf32> to vector<1x64x1xf32>
      %reduce_sum3A_222 = arith.constant dense<0.000000e+00> : vector<1xf32>
      %reduce_sum3A_223 = vector.multi_reduction <add>, %reduce_sum3A_221, %reduce_sum3A_222 [1, 2] : vector<1x64x1xf32> to vector<1xf32>
      %reduce_sum3A_224 = vector.shape_cast %reduce_sum3A_223 : vector<1xf32> to vector<1x1x1xf32>
      %reduce_sum3A_225 = vector.extract %reduce_sum3A_224[0, 0, 0] : f32 from vector<1x1x1xf32>
      %dot_general3A_226 = arith.constant dense<0.000000e+00> : vector<64x64xf32>
      %dot_general3A_227 = tpu.matmul %dot_general3A_160, %dot_general3A_160, %dot_general3A_226 {dimension_numbers = #tpu.dot_dimension_numbers<[1], [1], [0], [0], [0, 0, 1, 0], [], []>, precision = #tpu.contract_precision<fp32>, transpose_lhs_hint = false} : vector<64x512xf32>, vector<64x512xf32>, vector<64x64xf32> -> vector<64x64xf32>
      %mul3A_228 = arith.mulf %dot_general3A_160, %dot_general3A_160 : vector<64x512xf32>
      %reduce_sum3A_229 = arith.constant dense<0.000000e+00> : vector<64xf32>
      %reduce_sum3A_230 = vector.multi_reduction <add>, %mul3A_228, %reduce_sum3A_229 [1] : vector<64x512xf32> to vector<64xf32>
      %broadcast_in_dim3A_231 = vector.shape_cast %reduce_sum3A_230 : vector<64xf32> to vector<64x1xf32>
      %dot_general3A_232 = arith.constant dense<0.000000e+00> : vector<1x64xf32>
      %dot_general3A_233 = tpu.matmul %broadcast_in_dim3A_231, %convert_element_type3A_100, %dot_general3A_232 {dimension_numbers = #tpu.dot_dimension_numbers<[0], [0], [1], [1], [0, 1, 1, 1], [], []>, precision = #tpu.contract_precision<fp32>, transpose_lhs_hint = false} : vector<64x1xf32>, vector<64x64xf32>, vector<1x64xf32> -> vector<1x64xf32>
      %sqrt3A = math.sqrt %broadcast_in_dim3A_231 : vector<64x1xf32>
      %sqrt3A_234 = math.sqrt %dot_general3A_233 : vector<1x64xf32>
      %mul3A_235 = vector.broadcast %sqrt3A : vector<64x1xf32> to vector<64x64xf32>
      %mul3A_236 = vector.broadcast %sqrt3A_234 : vector<1x64xf32> to vector<64x64xf32>
      %mul3A_237 = arith.mulf %mul3A_235, %mul3A_236 : vector<64x64xf32>
      %add3A_238 = arith.constant 9.99999993E-9 : f32
      %add3A_239 = vector.broadcast %add3A_238 : f32 to vector<64x64xf32>
      %add3A_240 = arith.addf %mul3A_237, %add3A_239 : vector<64x64xf32>
      %div3A_241 = arith.divf %dot_general3A_227, %add3A_240 : vector<64x64xf32>
      %add3A_242 = vector.broadcast %broadcast_in_dim3A_231 : vector<64x1xf32> to vector<64x64xf32>
      %add3A_243 = vector.broadcast %dot_general3A_233 : vector<1x64xf32> to vector<64x64xf32>
      %add3A_244 = arith.addf %add3A_242, %add3A_243 : vector<64x64xf32>
      %mul3A_245 = arith.constant 2.000000e+00 : f32
      %mul3A_246 = vector.broadcast %mul3A_245 : f32 to vector<64x64xf32>
      %mul3A_247 = arith.mulf %mul3A_246, %dot_general3A_227 : vector<64x64xf32>
      %sub3A_248 = arith.subf %add3A_244, %mul3A_247 : vector<64x64xf32>
      %max3A = arith.constant 0.000000e+00 : f32
      %max3A_249 = vector.broadcast %max3A : f32 to vector<64x64xf32>
      %max3A_250 = arith.maximumf %sub3A_248, %max3A_249 : vector<64x64xf32>
      %sqrt3A_251 = math.sqrt %max3A_250 : vector<64x64xf32>
      %mul3A_252 = arith.mulf %div3A_241, %sqrt3A_251 : vector<64x64xf32>
      %sub3A_253 = arith.constant 1.000000e+00 : f32
      %sub3A_254 = vector.broadcast %sub3A_253 : f32 to vector<64x64xf32>
      %sub3A_255 = arith.subf %sub3A_254, %div3A_241 : vector<64x64xf32>
      %sub3A_256 = arith.constant 4.200000e+00 : f32
      %sub3A_257 = vector.broadcast %sub3A_256 : f32 to vector<64x64xf32>
      %sub3A_258 = arith.subf %sub3A_257, %sqrt3A_251 : vector<64x64xf32>
      %max3A_259 = arith.constant 0.000000e+00 : f32
      %max3A_260 = vector.broadcast %max3A_259 : f32 to vector<64x64xf32>
      %max3A_261 = arith.maximumf %sub3A_258, %max3A_260 : vector<64x64xf32>
      %mul3A_262 = arith.mulf %sub3A_255, %max3A_261 : vector<64x64xf32>
      %add3A_263 = arith.addf %mul3A_252, %mul3A_262 : vector<64x64xf32>
      %get3A_264 = arith.constant 0 : index
      %get3A_265 = memref.load %arg8[%get3A_264] : memref<4xf32, #tpu.memory_space<smem>>
      %mul3A_266 = arith.mulf %mul3A_139, %add3A_263 : vector<64x64xf32>
      %reduce_sum3A_267 = vector.shape_cast %mul3A_266 : vector<64x64xf32> to vector<1x64x64xf32>
      %reduce_sum3A_268 = arith.constant dense<0.000000e+00> : vector<1xf32>
      %reduce_sum3A_269 = vector.multi_reduction <add>, %reduce_sum3A_267, %reduce_sum3A_268 [1, 2] : vector<1x64x64xf32> to vector<1xf32>
      %reduce_sum3A_270 = vector.shape_cast %reduce_sum3A_269 : vector<1xf32> to vector<1x1x1xf32>
      %reduce_sum3A_271 = vector.extract %reduce_sum3A_270[0, 0, 0] : f32 from vector<1x1x1xf32>
      %add3A_272 = arith.addf %get3A_265, %reduce_sum3A_271 : f32
      %swap3A_273 = arith.constant 0 : index
      %swap3A_274 = memref.load %arg8[%swap3A_273] : memref<4xf32, #tpu.memory_space<smem>>
      memref.store %add3A_272, %arg8[%swap3A_273] : memref<4xf32, #tpu.memory_space<smem>>
      %get3A_275 = arith.constant 1 : index
      %get3A_276 = memref.load %arg8[%get3A_275] : memref<4xf32, #tpu.memory_space<smem>>
      %add3A_277 = arith.addf %get3A_276, %reduce_sum3A_216 : f32
      %swap3A_278 = arith.constant 1 : index
      %swap3A_279 = memref.load %arg8[%swap3A_278] : memref<4xf32, #tpu.memory_space<smem>>
      memref.store %add3A_277, %arg8[%swap3A_278] : memref<4xf32, #tpu.memory_space<smem>>
      %get3A_280 = arith.constant 2 : index
      %get3A_281 = memref.load %arg8[%get3A_280] : memref<4xf32, #tpu.memory_space<smem>>
      %add3A_282 = arith.addf %get3A_281, %reduce_sum3A_225 : f32
      %swap3A_283 = arith.constant 2 : index
      %swap3A_284 = memref.load %arg8[%swap3A_283] : memref<4xf32, #tpu.memory_space<smem>>
      memref.store %add3A_282, %arg8[%swap3A_283] : memref<4xf32, #tpu.memory_space<smem>>
    } else {
    }
    %eq3A_47 = arith.constant 3 : i32
    %eq3A_48 = arith.cmpi eq, %arg0, %eq3A_47 : i32
    %convert_element_type3A_49 = arith.extui %eq3A_48 : i1 to i32
    %cond3A_50 = arith.constant 0 : i32
    %cond3A_51 = arith.cmpi ne, %convert_element_type3A_49, %cond3A_50 : i32
    scf.if %cond3A_51 {
      %get3A = arith.constant 0 : index
      %get3A_91 = arith.constant 0 : index
      %get3A_92 = arith.constant 0 : index
      %get3A_93 = vector.load %arg1[%get3A, %get3A_91, %get3A_92] : memref<1x64x64xf32, #tpu.memory_space<vmem>>, vector<1x64x64xf32>
      %get3A_94 = vector.shape_cast %get3A_93 : vector<1x64x64xf32> to vector<64x64xf32>
      %add3A = arith.constant 0.000000e+00 : f32
      %add3A_95 = vector.broadcast %add3A : f32 to vector<64x64xf32>
      %add3A_96 = arith.addf %add3A_95, %get3A_94 : vector<64x64xf32>
      %iota3A = tpu.iota {dimensions = array<i32: 0>} : vector<64x64xi32>
      %iota3A_97 = tpu.iota {dimensions = array<i32: 1>} : vector<64x64xi32>
      %eq3A_98 = arith.cmpi eq, %iota3A, %iota3A_97 : vector<64x64xi32>
      %convert_element_type3A_99 = arith.extui %eq3A_98 : vector<64x64xi1> to vector<64x64xi32>
      %convert_element_type3A_100 = arith.sitofp %convert_element_type3A_99 : vector<64x64xi32> to vector<64x64xf32>
      %reduce_sum3A = arith.constant dense<0.000000e+00> : vector<64xf32>
      %reduce_sum3A_101 = vector.multi_reduction <add>, %add3A_96, %reduce_sum3A [1] : vector<64x64xf32> to vector<64xf32>
      %broadcast_in_dim3A = vector.shape_cast %reduce_sum3A_101 : vector<64xf32> to vector<64x1xf32>
      %reduce_sum3A_102 = arith.constant dense<0.000000e+00> : vector<64xf32>
      %reduce_sum3A_103 = vector.multi_reduction <add>, %add3A_96, %reduce_sum3A_102 [0] : vector<64x64xf32> to vector<64xf32>
      %broadcast_in_dim3A_104 = vector.shape_cast %reduce_sum3A_103 : vector<64xf32> to vector<1x64xf32>
      %dot_general3A = arith.constant dense<0.000000e+00> : vector<64x1xf32>
      %dot_general3A_105 = tpu.matmul %convert_element_type3A_100, %broadcast_in_dim3A_104, %dot_general3A {dimension_numbers = #tpu.dot_dimension_numbers<[1], [1], [0], [0], [0, 0, 1, 0], [], []>, precision = #tpu.contract_precision<fp32>, transpose_lhs_hint = false} : vector<64x64xf32>, vector<1x64xf32>, vector<64x1xf32> -> vector<64x1xf32>
      %gt3A = arith.constant 0.000000e+00 : f32
      %gt3A_106 = vector.broadcast %gt3A : f32 to vector<64x1xf32>
      %gt3A_107 = arith.cmpf ogt, %dot_general3A_105, %gt3A_106 : vector<64x1xf32>
      %gt3A_108 = arith.constant 0.000000e+00 : f32
      %gt3A_109 = vector.broadcast %gt3A_108 : f32 to vector<64x1xf32>
      %gt3A_110 = arith.cmpf ogt, %dot_general3A_105, %gt3A_109 : vector<64x1xf32>
      %jit3A = arith.constant 1.000000e+00 : f32
      %broadcast_in_dim3A_111 = vector.broadcast %jit3A : f32 to vector<64x1xf32>
      %select_n3A = arith.select %gt3A_110, %dot_general3A_105, %broadcast_in_dim3A_111 : vector<64x1xi1>, vector<64x1xf32>
      %div3A = arith.constant 1.000000e+00 : f32
      %div3A_112 = vector.broadcast %div3A : f32 to vector<64x1xf32>
      %div3A_113 = arith.divf %div3A_112, %select_n3A : vector<64x1xf32>
      %jit3A_114 = arith.constant 0.000000e+00 : f32
      %broadcast_in_dim3A_115 = vector.broadcast %jit3A_114 : f32 to vector<64x1xf32>
      %select_n3A_116 = arith.select %gt3A_107, %div3A_113, %broadcast_in_dim3A_115 : vector<64x1xi1>, vector<64x1xf32>
      %iota3A_117 = tpu.iota {dimensions = array<i32: 1>} : vector<1x64xi32>
      %convert_element_type3A_118 = arith.sitofp %iota3A_117 : vector<1x64xi32> to vector<1x64xf32>
      %gt3A_119 = arith.constant 0.000000e+00 : f32
      %gt3A_120 = vector.broadcast %gt3A_119 : f32 to vector<1x64xf32>
      %gt3A_121 = arith.cmpf ogt, %broadcast_in_dim3A_104, %gt3A_120 : vector<1x64xf32>
      %add3A_122 = arith.constant 1.000000e+00 : f32
      %add3A_123 = vector.broadcast %add3A_122 : f32 to vector<1x64xf32>
      %add3A_124 = arith.addf %convert_element_type3A_118, %add3A_123 : vector<1x64xf32>
      %jit3A_125 = arith.constant 0.000000e+00 : f32
      %broadcast_in_dim3A_126 = vector.broadcast %jit3A_125 : f32 to vector<1x64xf32>
      %select_n3A_127 = arith.select %gt3A_121, %add3A_124, %broadcast_in_dim3A_126 : vector<1x64xi1>, vector<1x64xf32>
      %reduce_max3A = vector.shape_cast %select_n3A_127 : vector<1x64xf32> to vector<1x1x64xf32>
      %reduce_max3A_128 = arith.constant dense<0xFF800000> : vector<1xf32>
      %reduce_max3A_129 = vector.multi_reduction <maximumf>, %reduce_max3A, %reduce_max3A_128 [1, 2] : vector<1x1x64xf32> to vector<1xf32>
      %reduce_max3A_130 = vector.shape_cast %reduce_max3A_129 : vector<1xf32> to vector<1x1x1xf32>
      %reduce_max3A_131 = vector.extract %reduce_max3A_130[0, 0, 0] : f32 from vector<1x1x1xf32>
      %lt3A_132 = vector.broadcast %reduce_max3A_131 : f32 to vector<1x64xf32>
      %lt3A_133 = arith.cmpf olt, %convert_element_type3A_118, %lt3A_132 : vector<1x64xf32>
      %convert_element_type3A_134 = arith.extui %lt3A_133 : vector<1x64xi1> to vector<1x64xi32>
      %convert_element_type3A_135 = arith.sitofp %convert_element_type3A_134 : vector<1x64xi32> to vector<1x64xf32>
      %dot_general3A_136 = arith.constant dense<0.000000e+00> : vector<64x1xf32>
      %dot_general3A_137 = tpu.matmul %convert_element_type3A_100, %convert_element_type3A_135, %dot_general3A_136 {dimension_numbers = #tpu.dot_dimension_numbers<[1], [1], [0], [0], [0, 0, 1, 0], [], []>, precision = #tpu.contract_precision<fp32>, transpose_lhs_hint = false} : vector<64x64xf32>, vector<1x64xf32>, vector<64x1xf32> -> vector<64x1xf32>
      %mul3A = vector.broadcast %dot_general3A_137 : vector<64x1xf32> to vector<64x64xf32>
      %mul3A_138 = vector.broadcast %convert_element_type3A_135 : vector<1x64xf32> to vector<64x64xf32>
      %mul3A_139 = arith.mulf %mul3A, %mul3A_138 : vector<64x64xf32>
      %get3A_140 = arith.constant 0 : index
      %get3A_141 = arith.constant 0 : index
      %get3A_142 = vector.load %arg4[%get3A_140, %get3A_141] : memref<2x512xf32, #tpu.memory_space<vmem>>, vector<1x512xf32>
      %get3A_143 = arith.constant 1 : index
      %get3A_144 = arith.constant 0 : index
      %get3A_145 = vector.load %arg4[%get3A_143, %get3A_144] : memref<2x512xf32, #tpu.memory_space<vmem>>, vector<1x512xf32>
      %gt3A_146 = arith.constant 0.000000e+00 : f32
      %gt3A_147 = vector.broadcast %gt3A_146 : f32 to vector<64x64xf32>
      %gt3A_148 = arith.cmpf ogt, %add3A_96, %gt3A_147 : vector<64x64xf32>
      %get3A_149 = arith.constant 9 : index
      %get3A_150 = arith.constant 0 : index
      %get3A_151 = arith.constant 0 : index
      %get3A_152 = vector.load %arg2[%get3A_149, %get3A_150, %get3A_151] : memref<16x64x512xf32, #tpu.memory_space<vmem>>, vector<1x64x512xf32>
      %get3A_153 = vector.shape_cast %get3A_152 : vector<1x64x512xf32> to vector<64x512xf32>
      %get3A_154 = arith.constant 0 : index
      %get3A_155 = arith.constant 0 : index
      %get3A_156 = vector.load %arg3[%get3A_154, %get3A_155] : memref<512x512xf32, #tpu.memory_space<vmem>>, vector<512x512xf32>
      %dot_general3A_157 = arith.constant dense<0.000000e+00> : vector<64x512xf32>
      %dot_general3A_158 = tpu.matmul %get3A_153, %get3A_156, %dot_general3A_157 {dimension_numbers = #tpu.dot_dimension_numbers<[1], [0], [0], [1], [0, 0, 1, 1], [], []>, transpose_lhs_hint = false} : vector<64x512xf32>, vector<512x512xf32>, vector<64x512xf32> -> vector<64x512xf32>
      %dot_general3A_159 = arith.constant dense<0.000000e+00> : vector<64x512xf32>
      %dot_general3A_160 = tpu.matmul %add3A_96, %dot_general3A_158, %dot_general3A_159 {dimension_numbers = #tpu.dot_dimension_numbers<[0], [0], [1], [1], [0, 1, 1, 1], [], []>, precision = #tpu.contract_precision<fp32>, transpose_lhs_hint = false} : vector<64x64xf32>, vector<64x512xf32>, vector<64x512xf32> -> vector<64x512xf32>
      %dot_general3A_161 = arith.constant dense<0.000000e+00> : vector<64x1xf32>
      %dot_general3A_162 = tpu.matmul %dot_general3A_158, %get3A_142, %dot_general3A_161 {dimension_numbers = #tpu.dot_dimension_numbers<[1], [1], [0], [0], [0, 0, 1, 0], [], []>, precision = #tpu.contract_precision<fp32>, transpose_lhs_hint = false} : vector<64x512xf32>, vector<1x512xf32>, vector<64x1xf32> -> vector<64x1xf32>
      %dot_general3A_163 = arith.constant dense<0.000000e+00> : vector<1x64xf32>
      %dot_general3A_164 = tpu.matmul %get3A_145, %dot_general3A_160, %dot_general3A_163 {dimension_numbers = #tpu.dot_dimension_numbers<[1], [1], [0], [0], [0, 0, 1, 0], [], []>, precision = #tpu.contract_precision<fp32>, transpose_lhs_hint = false} : vector<1x512xf32>, vector<64x512xf32>, vector<1x64xf32> -> vector<1x64xf32>
      %add3A_165 = vector.broadcast %dot_general3A_162 : vector<64x1xf32> to vector<64x64xf32>
      %add3A_166 = vector.broadcast %dot_general3A_164 : vector<1x64xf32> to vector<64x64xf32>
      %add3A_167 = arith.addf %add3A_165, %add3A_166 : vector<64x64xf32>
      %gt3A_168 = arith.constant 0.000000e+00 : f32
      %gt3A_169 = vector.broadcast %gt3A_168 : f32 to vector<64x64xf32>
      %gt3A_170 = arith.cmpf ogt, %add3A_167, %gt3A_169 : vector<64x64xf32>
      %mul3A_171 = arith.constant 2.000000e-01 : f32
      %mul3A_172 = vector.broadcast %mul3A_171 : f32 to vector<64x64xf32>
      %mul3A_173 = arith.mulf %mul3A_172, %add3A_167 : vector<64x64xf32>
      %select_n3A_174 = arith.select %gt3A_170, %add3A_167, %mul3A_173 : vector<64x64xi1>, vector<64x64xf32>
      %jit3A_175 = arith.constant -3.000000e+38 : f32
      %broadcast_in_dim3A_176 = vector.broadcast %jit3A_175 : f32 to vector<64x64xf32>
      %select_n3A_177 = arith.select %gt3A_148, %select_n3A_174, %broadcast_in_dim3A_176 : vector<64x64xi1>, vector<64x64xf32>
      %reduce_max3A_178 = arith.constant dense<0xFF800000> : vector<64xf32>
      %reduce_max3A_179 = vector.multi_reduction <maximumf>, %select_n3A_177, %reduce_max3A_178 [1] : vector<64x64xf32> to vector<64xf32>
      %broadcast_in_dim3A_180 = vector.shape_cast %reduce_max3A_179 : vector<64xf32> to vector<64x1xf32>
      %sub3A = vector.broadcast %broadcast_in_dim3A_180 : vector<64x1xf32> to vector<64x64xf32>
      %sub3A_181 = arith.subf %select_n3A_174, %sub3A : vector<64x64xf32>
      %jit3A_182 = arith.constant -3.000000e+38 : f32
      %broadcast_in_dim3A_183 = vector.broadcast %jit3A_182 : f32 to vector<64x64xf32>
      %select_n3A_184 = arith.select %gt3A_148, %sub3A_181, %broadcast_in_dim3A_183 : vector<64x64xi1>, vector<64x64xf32>
      %exp3A = math.exp %select_n3A_184 : vector<64x64xf32>
      %mul3A_185 = arith.mulf %add3A_96, %exp3A : vector<64x64xf32>
      %reduce_sum3A_186 = arith.constant dense<0.000000e+00> : vector<64xf32>
      %reduce_sum3A_187 = vector.multi_reduction <add>, %mul3A_185, %reduce_sum3A_186 [1] : vector<64x64xf32> to vector<64xf32>
      %broadcast_in_dim3A_188 = vector.shape_cast %reduce_sum3A_187 : vector<64xf32> to vector<64x1xf32>
      %mul3A_189 = arith.mulf %add3A_96, %exp3A : vector<64x64xf32>
      %add3A_190 = arith.constant 1.000000e-16 : f32
      %add3A_191 = vector.broadcast %add3A_190 : f32 to vector<64x1xf32>
      %add3A_192 = arith.addf %broadcast_in_dim3A_188, %add3A_191 : vector<64x1xf32>
      %div3A_193 = vector.broadcast %add3A_192 : vector<64x1xf32> to vector<64x64xf32>
      %div3A_194 = arith.divf %mul3A_189, %div3A_193 : vector<64x64xf32>
      %dot_general3A_195 = arith.constant dense<0.000000e+00> : vector<64x512xf32>
      %dot_general3A_196 = tpu.matmul %div3A_194, %dot_general3A_158, %dot_general3A_195 {dimension_numbers = #tpu.dot_dimension_numbers<[0], [0], [1], [1], [0, 1, 1, 1], [], []>, precision = #tpu.contract_precision<fp32>, transpose_lhs_hint = false} : vector<64x64xf32>, vector<64x512xf32>, vector<64x512xf32> -> vector<64x512xf32>
      %mul3A_197 = vector.broadcast %select_n3A_116 : vector<64x1xf32> to vector<64x512xf32>
      %mul3A_198 = arith.mulf %mul3A_197, %dot_general3A_196 : vector<64x512xf32>
      %dot_general3A_199 = arith.constant dense<0.000000e+00> : vector<64x512xf32>
      %dot_general3A_200 = tpu.matmul %div3A_194, %mul3A_198, %dot_general3A_199 {dimension_numbers = #tpu.dot_dimension_numbers<[1], [0], [0], [1], [0, 0, 1, 1], [], []>, precision = #tpu.contract_precision<fp32>, transpose_lhs_hint = false} : vector<64x64xf32>, vector<64x512xf32>, vector<64x512xf32> -> vector<64x512xf32>
      %mul3A_201 = vector.broadcast %broadcast_in_dim3A : vector<64x1xf32> to vector<64x512xf32>
      %mul3A_202 = arith.mulf %mul3A_201, %dot_general3A_200 : vector<64x512xf32>
      %swap3A = arith.constant 0 : index
      %swap3A_203 = arith.constant 9 : index
      %swap3A_204 = arith.constant 0 : index
      %swap3A_205 = vector.load %arg7[%swap3A, %swap3A_203, %swap3A_204] : memref<64x16x512xf32, #tpu.memory_space<vmem>>, vector<64x1x512xf32>
      %swap3A_206 = vector.shape_cast %swap3A_205 : vector<64x1x512xf32> to vector<64x512xf32>
      %swap3A_207 = vector.shape_cast %mul3A_202 : vector<64x512xf32> to vector<64x1x512xf32>
      tpu.vector_store %arg7[%swap3A, %swap3A_203, %swap3A_204], %swap3A_207 {strides = array<i32>} : memref<64x16x512xf32, #tpu.memory_space<vmem>>, vector<64x1x512xf32>,
      %reduce_sum3A_208 = arith.constant dense<0.000000e+00> : vector<64xf32>
      %reduce_sum3A_209 = vector.multi_reduction <add>, %dot_general3A_158, %reduce_sum3A_208 [1] : vector<64x512xf32> to vector<64xf32>
      %broadcast_in_dim3A_210 = vector.shape_cast %reduce_sum3A_209 : vector<64xf32> to vector<64x1xf32>
      %mul3A_211 = arith.mulf %broadcast_in_dim3A, %broadcast_in_dim3A_210 : vector<64x1xf32>
      %reduce_sum3A_212 = vector.shape_cast %mul3A_211 : vector<64x1xf32> to vector<1x64x1xf32>
      %reduce_sum3A_213 = arith.constant dense<0.000000e+00> : vector<1xf32>
      %reduce_sum3A_214 = vector.multi_reduction <add>, %reduce_sum3A_212, %reduce_sum3A_213 [1, 2] : vector<1x64x1xf32> to vector<1xf32>
      %reduce_sum3A_215 = vector.shape_cast %reduce_sum3A_214 : vector<1xf32> to vector<1x1x1xf32>
      %reduce_sum3A_216 = vector.extract %reduce_sum3A_215[0, 0, 0] : f32 from vector<1x1x1xf32>
      %reduce_sum3A_217 = arith.constant dense<0.000000e+00> : vector<64xf32>
      %reduce_sum3A_218 = vector.multi_reduction <add>, %dot_general3A_160, %reduce_sum3A_217 [1] : vector<64x512xf32> to vector<64xf32>
      %broadcast_in_dim3A_219 = vector.shape_cast %reduce_sum3A_218 : vector<64xf32> to vector<64x1xf32>
      %mul3A_220 = arith.mulf %dot_general3A_105, %broadcast_in_dim3A_219 : vector<64x1xf32>
      %reduce_sum3A_221 = vector.shape_cast %mul3A_220 : vector<64x1xf32> to vector<1x64x1xf32>
      %reduce_sum3A_222 = arith.constant dense<0.000000e+00> : vector<1xf32>
      %reduce_sum3A_223 = vector.multi_reduction <add>, %reduce_sum3A_221, %reduce_sum3A_222 [1, 2] : vector<1x64x1xf32> to vector<1xf32>
      %reduce_sum3A_224 = vector.shape_cast %reduce_sum3A_223 : vector<1xf32> to vector<1x1x1xf32>
      %reduce_sum3A_225 = vector.extract %reduce_sum3A_224[0, 0, 0] : f32 from vector<1x1x1xf32>
      %dot_general3A_226 = arith.constant dense<0.000000e+00> : vector<64x64xf32>
      %dot_general3A_227 = tpu.matmul %dot_general3A_160, %dot_general3A_160, %dot_general3A_226 {dimension_numbers = #tpu.dot_dimension_numbers<[1], [1], [0], [0], [0, 0, 1, 0], [], []>, precision = #tpu.contract_precision<fp32>, transpose_lhs_hint = false} : vector<64x512xf32>, vector<64x512xf32>, vector<64x64xf32> -> vector<64x64xf32>
      %mul3A_228 = arith.mulf %dot_general3A_160, %dot_general3A_160 : vector<64x512xf32>
      %reduce_sum3A_229 = arith.constant dense<0.000000e+00> : vector<64xf32>
      %reduce_sum3A_230 = vector.multi_reduction <add>, %mul3A_228, %reduce_sum3A_229 [1] : vector<64x512xf32> to vector<64xf32>
      %broadcast_in_dim3A_231 = vector.shape_cast %reduce_sum3A_230 : vector<64xf32> to vector<64x1xf32>
      %dot_general3A_232 = arith.constant dense<0.000000e+00> : vector<1x64xf32>
      %dot_general3A_233 = tpu.matmul %broadcast_in_dim3A_231, %convert_element_type3A_100, %dot_general3A_232 {dimension_numbers = #tpu.dot_dimension_numbers<[0], [0], [1], [1], [0, 1, 1, 1], [], []>, precision = #tpu.contract_precision<fp32>, transpose_lhs_hint = false} : vector<64x1xf32>, vector<64x64xf32>, vector<1x64xf32> -> vector<1x64xf32>
      %sqrt3A = math.sqrt %broadcast_in_dim3A_231 : vector<64x1xf32>
      %sqrt3A_234 = math.sqrt %dot_general3A_233 : vector<1x64xf32>
      %mul3A_235 = vector.broadcast %sqrt3A : vector<64x1xf32> to vector<64x64xf32>
      %mul3A_236 = vector.broadcast %sqrt3A_234 : vector<1x64xf32> to vector<64x64xf32>
      %mul3A_237 = arith.mulf %mul3A_235, %mul3A_236 : vector<64x64xf32>
      %add3A_238 = arith.constant 9.99999993E-9 : f32
      %add3A_239 = vector.broadcast %add3A_238 : f32 to vector<64x64xf32>
      %add3A_240 = arith.addf %mul3A_237, %add3A_239 : vector<64x64xf32>
      %div3A_241 = arith.divf %dot_general3A_227, %add3A_240 : vector<64x64xf32>
      %add3A_242 = vector.broadcast %broadcast_in_dim3A_231 : vector<64x1xf32> to vector<64x64xf32>
      %add3A_243 = vector.broadcast %dot_general3A_233 : vector<1x64xf32> to vector<64x64xf32>
      %add3A_244 = arith.addf %add3A_242, %add3A_243 : vector<64x64xf32>
      %mul3A_245 = arith.constant 2.000000e+00 : f32
      %mul3A_246 = vector.broadcast %mul3A_245 : f32 to vector<64x64xf32>
      %mul3A_247 = arith.mulf %mul3A_246, %dot_general3A_227 : vector<64x64xf32>
      %sub3A_248 = arith.subf %add3A_244, %mul3A_247 : vector<64x64xf32>
      %max3A = arith.constant 0.000000e+00 : f32
      %max3A_249 = vector.broadcast %max3A : f32 to vector<64x64xf32>
      %max3A_250 = arith.maximumf %sub3A_248, %max3A_249 : vector<64x64xf32>
      %sqrt3A_251 = math.sqrt %max3A_250 : vector<64x64xf32>
      %mul3A_252 = arith.mulf %div3A_241, %sqrt3A_251 : vector<64x64xf32>
      %sub3A_253 = arith.constant 1.000000e+00 : f32
      %sub3A_254 = vector.broadcast %sub3A_253 : f32 to vector<64x64xf32>
      %sub3A_255 = arith.subf %sub3A_254, %div3A_241 : vector<64x64xf32>
      %sub3A_256 = arith.constant 4.200000e+00 : f32
      %sub3A_257 = vector.broadcast %sub3A_256 : f32 to vector<64x64xf32>
      %sub3A_258 = arith.subf %sub3A_257, %sqrt3A_251 : vector<64x64xf32>
      %max3A_259 = arith.constant 0.000000e+00 : f32
      %max3A_260 = vector.broadcast %max3A_259 : f32 to vector<64x64xf32>
      %max3A_261 = arith.maximumf %sub3A_258, %max3A_260 : vector<64x64xf32>
      %mul3A_262 = arith.mulf %sub3A_255, %max3A_261 : vector<64x64xf32>
      %add3A_263 = arith.addf %mul3A_252, %mul3A_262 : vector<64x64xf32>
      %get3A_264 = arith.constant 0 : index
      %get3A_265 = memref.load %arg8[%get3A_264] : memref<4xf32, #tpu.memory_space<smem>>
      %mul3A_266 = arith.mulf %mul3A_139, %add3A_263 : vector<64x64xf32>
      %reduce_sum3A_267 = vector.shape_cast %mul3A_266 : vector<64x64xf32> to vector<1x64x64xf32>
      %reduce_sum3A_268 = arith.constant dense<0.000000e+00> : vector<1xf32>
      %reduce_sum3A_269 = vector.multi_reduction <add>, %reduce_sum3A_267, %reduce_sum3A_268 [1, 2] : vector<1x64x64xf32> to vector<1xf32>
      %reduce_sum3A_270 = vector.shape_cast %reduce_sum3A_269 : vector<1xf32> to vector<1x1x1xf32>
      %reduce_sum3A_271 = vector.extract %reduce_sum3A_270[0, 0, 0] : f32 from vector<1x1x1xf32>
      %add3A_272 = arith.addf %get3A_265, %reduce_sum3A_271 : f32
      %swap3A_273 = arith.constant 0 : index
      %swap3A_274 = memref.load %arg8[%swap3A_273] : memref<4xf32, #tpu.memory_space<smem>>
      memref.store %add3A_272, %arg8[%swap3A_273] : memref<4xf32, #tpu.memory_space<smem>>
      %get3A_275 = arith.constant 1 : index
      %get3A_276 = memref.load %arg8[%get3A_275] : memref<4xf32, #tpu.memory_space<smem>>
      %add3A_277 = arith.addf %get3A_276, %reduce_sum3A_216 : f32
      %swap3A_278 = arith.constant 1 : index
      %swap3A_279 = memref.load %arg8[%swap3A_278] : memref<4xf32, #tpu.memory_space<smem>>
      memref.store %add3A_277, %arg8[%swap3A_278] : memref<4xf32, #tpu.memory_space<smem>>
      %get3A_280 = arith.constant 2 : index
      %get3A_281 = memref.load %arg8[%get3A_280] : memref<4xf32, #tpu.memory_space<smem>>
      %add3A_282 = arith.addf %get3A_281, %reduce_sum3A_225 : f32
      %swap3A_283 = arith.constant 2 : index
      %swap3A_284 = memref.load %arg8[%swap3A_283] : memref<4xf32, #tpu.memory_space<smem>>
      memref.store %add3A_282, %arg8[%swap3A_283] : memref<4xf32, #tpu.memory_space<smem>>
    } else {
    }
    %eq3A_52 = arith.constant 4 : i32
    %eq3A_53 = arith.cmpi eq, %arg0, %eq3A_52 : i32
    %convert_element_type3A_54 = arith.extui %eq3A_53 : i1 to i32
    %cond3A_55 = arith.constant 0 : i32
    %cond3A_56 = arith.cmpi ne, %convert_element_type3A_54, %cond3A_55 : i32
    scf.if %cond3A_56 {
      %get3A = arith.constant 0 : index
      %get3A_91 = arith.constant 0 : index
      %get3A_92 = arith.constant 0 : index
      %get3A_93 = vector.load %arg1[%get3A, %get3A_91, %get3A_92] : memref<1x64x64xf32, #tpu.memory_space<vmem>>, vector<1x64x64xf32>
      %get3A_94 = vector.shape_cast %get3A_93 : vector<1x64x64xf32> to vector<64x64xf32>
      %add3A = arith.constant 0.000000e+00 : f32
      %add3A_95 = vector.broadcast %add3A : f32 to vector<64x64xf32>
      %add3A_96 = arith.addf %add3A_95, %get3A_94 : vector<64x64xf32>
      %iota3A = tpu.iota {dimensions = array<i32: 0>} : vector<64x64xi32>
      %iota3A_97 = tpu.iota {dimensions = array<i32: 1>} : vector<64x64xi32>
      %eq3A_98 = arith.cmpi eq, %iota3A, %iota3A_97 : vector<64x64xi32>
      %convert_element_type3A_99 = arith.extui %eq3A_98 : vector<64x64xi1> to vector<64x64xi32>
      %convert_element_type3A_100 = arith.sitofp %convert_element_type3A_99 : vector<64x64xi32> to vector<64x64xf32>
      %reduce_sum3A = arith.constant dense<0.000000e+00> : vector<64xf32>
      %reduce_sum3A_101 = vector.multi_reduction <add>, %add3A_96, %reduce_sum3A [1] : vector<64x64xf32> to vector<64xf32>
      %broadcast_in_dim3A = vector.shape_cast %reduce_sum3A_101 : vector<64xf32> to vector<64x1xf32>
      %reduce_sum3A_102 = arith.constant dense<0.000000e+00> : vector<64xf32>
      %reduce_sum3A_103 = vector.multi_reduction <add>, %add3A_96, %reduce_sum3A_102 [0] : vector<64x64xf32> to vector<64xf32>
      %broadcast_in_dim3A_104 = vector.shape_cast %reduce_sum3A_103 : vector<64xf32> to vector<1x64xf32>
      %dot_general3A = arith.constant dense<0.000000e+00> : vector<64x1xf32>
      %dot_general3A_105 = tpu.matmul %convert_element_type3A_100, %broadcast_in_dim3A_104, %dot_general3A {dimension_numbers = #tpu.dot_dimension_numbers<[1], [1], [0], [0], [0, 0, 1, 0], [], []>, precision = #tpu.contract_precision<fp32>, transpose_lhs_hint = false} : vector<64x64xf32>, vector<1x64xf32>, vector<64x1xf32> -> vector<64x1xf32>
      %gt3A = arith.constant 0.000000e+00 : f32
      %gt3A_106 = vector.broadcast %gt3A : f32 to vector<64x1xf32>
      %gt3A_107 = arith.cmpf ogt, %dot_general3A_105, %gt3A_106 : vector<64x1xf32>
      %gt3A_108 = arith.constant 0.000000e+00 : f32
      %gt3A_109 = vector.broadcast %gt3A_108 : f32 to vector<64x1xf32>
      %gt3A_110 = arith.cmpf ogt, %dot_general3A_105, %gt3A_109 : vector<64x1xf32>
      %jit3A = arith.constant 1.000000e+00 : f32
      %broadcast_in_dim3A_111 = vector.broadcast %jit3A : f32 to vector<64x1xf32>
      %select_n3A = arith.select %gt3A_110, %dot_general3A_105, %broadcast_in_dim3A_111 : vector<64x1xi1>, vector<64x1xf32>
      %div3A = arith.constant 1.000000e+00 : f32
      %div3A_112 = vector.broadcast %div3A : f32 to vector<64x1xf32>
      %div3A_113 = arith.divf %div3A_112, %select_n3A : vector<64x1xf32>
      %jit3A_114 = arith.constant 0.000000e+00 : f32
      %broadcast_in_dim3A_115 = vector.broadcast %jit3A_114 : f32 to vector<64x1xf32>
      %select_n3A_116 = arith.select %gt3A_107, %div3A_113, %broadcast_in_dim3A_115 : vector<64x1xi1>, vector<64x1xf32>
      %iota3A_117 = tpu.iota {dimensions = array<i32: 1>} : vector<1x64xi32>
      %convert_element_type3A_118 = arith.sitofp %iota3A_117 : vector<1x64xi32> to vector<1x64xf32>
      %gt3A_119 = arith.constant 0.000000e+00 : f32
      %gt3A_120 = vector.broadcast %gt3A_119 : f32 to vector<1x64xf32>
      %gt3A_121 = arith.cmpf ogt, %broadcast_in_dim3A_104, %gt3A_120 : vector<1x64xf32>
      %add3A_122 = arith.constant 1.000000e+00 : f32
      %add3A_123 = vector.broadcast %add3A_122 : f32 to vector<1x64xf32>
      %add3A_124 = arith.addf %convert_element_type3A_118, %add3A_123 : vector<1x64xf32>
      %jit3A_125 = arith.constant 0.000000e+00 : f32
      %broadcast_in_dim3A_126 = vector.broadcast %jit3A_125 : f32 to vector<1x64xf32>
      %select_n3A_127 = arith.select %gt3A_121, %add3A_124, %broadcast_in_dim3A_126 : vector<1x64xi1>, vector<1x64xf32>
      %reduce_max3A = vector.shape_cast %select_n3A_127 : vector<1x64xf32> to vector<1x1x64xf32>
      %reduce_max3A_128 = arith.constant dense<0xFF800000> : vector<1xf32>
      %reduce_max3A_129 = vector.multi_reduction <maximumf>, %reduce_max3A, %reduce_max3A_128 [1, 2] : vector<1x1x64xf32> to vector<1xf32>
      %reduce_max3A_130 = vector.shape_cast %reduce_max3A_129 : vector<1xf32> to vector<1x1x1xf32>
      %reduce_max3A_131 = vector.extract %reduce_max3A_130[0, 0, 0] : f32 from vector<1x1x1xf32>
      %lt3A_132 = vector.broadcast %reduce_max3A_131 : f32 to vector<1x64xf32>
      %lt3A_133 = arith.cmpf olt, %convert_element_type3A_118, %lt3A_132 : vector<1x64xf32>
      %convert_element_type3A_134 = arith.extui %lt3A_133 : vector<1x64xi1> to vector<1x64xi32>
      %convert_element_type3A_135 = arith.sitofp %convert_element_type3A_134 : vector<1x64xi32> to vector<1x64xf32>
      %dot_general3A_136 = arith.constant dense<0.000000e+00> : vector<64x1xf32>
      %dot_general3A_137 = tpu.matmul %convert_element_type3A_100, %convert_element_type3A_135, %dot_general3A_136 {dimension_numbers = #tpu.dot_dimension_numbers<[1], [1], [0], [0], [0, 0, 1, 0], [], []>, precision = #tpu.contract_precision<fp32>, transpose_lhs_hint = false} : vector<64x64xf32>, vector<1x64xf32>, vector<64x1xf32> -> vector<64x1xf32>
      %mul3A = vector.broadcast %dot_general3A_137 : vector<64x1xf32> to vector<64x64xf32>
      %mul3A_138 = vector.broadcast %convert_element_type3A_135 : vector<1x64xf32> to vector<64x64xf32>
      %mul3A_139 = arith.mulf %mul3A, %mul3A_138 : vector<64x64xf32>
      %get3A_140 = arith.constant 0 : index
      %get3A_141 = arith.constant 0 : index
      %get3A_142 = vector.load %arg4[%get3A_140, %get3A_141] : memref<2x512xf32, #tpu.memory_space<vmem>>, vector<1x512xf32>
      %get3A_143 = arith.constant 1 : index
      %get3A_144 = arith.constant 0 : index
      %get3A_145 = vector.load %arg4[%get3A_143, %get3A_144] : memref<2x512xf32, #tpu.memory_space<vmem>>, vector<1x512xf32>
      %gt3A_146 = arith.constant 0.000000e+00 : f32
      %gt3A_147 = vector.broadcast %gt3A_146 : f32 to vector<64x64xf32>
      %gt3A_148 = arith.cmpf ogt, %add3A_96, %gt3A_147 : vector<64x64xf32>
      %get3A_149 = arith.constant 10 : index
      %get3A_150 = arith.constant 0 : index
      %get3A_151 = arith.constant 0 : index
      %get3A_152 = vector.load %arg2[%get3A_149, %get3A_150, %get3A_151] : memref<16x64x512xf32, #tpu.memory_space<vmem>>, vector<1x64x512xf32>
      %get3A_153 = vector.shape_cast %get3A_152 : vector<1x64x512xf32> to vector<64x512xf32>
      %get3A_154 = arith.constant 0 : index
      %get3A_155 = arith.constant 0 : index
      %get3A_156 = vector.load %arg3[%get3A_154, %get3A_155] : memref<512x512xf32, #tpu.memory_space<vmem>>, vector<512x512xf32>
      %dot_general3A_157 = arith.constant dense<0.000000e+00> : vector<64x512xf32>
      %dot_general3A_158 = tpu.matmul %get3A_153, %get3A_156, %dot_general3A_157 {dimension_numbers = #tpu.dot_dimension_numbers<[1], [0], [0], [1], [0, 0, 1, 1], [], []>, transpose_lhs_hint = false} : vector<64x512xf32>, vector<512x512xf32>, vector<64x512xf32> -> vector<64x512xf32>
      %dot_general3A_159 = arith.constant dense<0.000000e+00> : vector<64x512xf32>
      %dot_general3A_160 = tpu.matmul %add3A_96, %dot_general3A_158, %dot_general3A_159 {dimension_numbers = #tpu.dot_dimension_numbers<[0], [0], [1], [1], [0, 1, 1, 1], [], []>, precision = #tpu.contract_precision<fp32>, transpose_lhs_hint = false} : vector<64x64xf32>, vector<64x512xf32>, vector<64x512xf32> -> vector<64x512xf32>
      %dot_general3A_161 = arith.constant dense<0.000000e+00> : vector<64x1xf32>
      %dot_general3A_162 = tpu.matmul %dot_general3A_158, %get3A_142, %dot_general3A_161 {dimension_numbers = #tpu.dot_dimension_numbers<[1], [1], [0], [0], [0, 0, 1, 0], [], []>, precision = #tpu.contract_precision<fp32>, transpose_lhs_hint = false} : vector<64x512xf32>, vector<1x512xf32>, vector<64x1xf32> -> vector<64x1xf32>
      %dot_general3A_163 = arith.constant dense<0.000000e+00> : vector<1x64xf32>
      %dot_general3A_164 = tpu.matmul %get3A_145, %dot_general3A_160, %dot_general3A_163 {dimension_numbers = #tpu.dot_dimension_numbers<[1], [1], [0], [0], [0, 0, 1, 0], [], []>, precision = #tpu.contract_precision<fp32>, transpose_lhs_hint = false} : vector<1x512xf32>, vector<64x512xf32>, vector<1x64xf32> -> vector<1x64xf32>
      %add3A_165 = vector.broadcast %dot_general3A_162 : vector<64x1xf32> to vector<64x64xf32>
      %add3A_166 = vector.broadcast %dot_general3A_164 : vector<1x64xf32> to vector<64x64xf32>
      %add3A_167 = arith.addf %add3A_165, %add3A_166 : vector<64x64xf32>
      %gt3A_168 = arith.constant 0.000000e+00 : f32
      %gt3A_169 = vector.broadcast %gt3A_168 : f32 to vector<64x64xf32>
      %gt3A_170 = arith.cmpf ogt, %add3A_167, %gt3A_169 : vector<64x64xf32>
      %mul3A_171 = arith.constant 2.000000e-01 : f32
      %mul3A_172 = vector.broadcast %mul3A_171 : f32 to vector<64x64xf32>
      %mul3A_173 = arith.mulf %mul3A_172, %add3A_167 : vector<64x64xf32>
      %select_n3A_174 = arith.select %gt3A_170, %add3A_167, %mul3A_173 : vector<64x64xi1>, vector<64x64xf32>
      %jit3A_175 = arith.constant -3.000000e+38 : f32
      %broadcast_in_dim3A_176 = vector.broadcast %jit3A_175 : f32 to vector<64x64xf32>
      %select_n3A_177 = arith.select %gt3A_148, %select_n3A_174, %broadcast_in_dim3A_176 : vector<64x64xi1>, vector<64x64xf32>
      %reduce_max3A_178 = arith.constant dense<0xFF800000> : vector<64xf32>
      %reduce_max3A_179 = vector.multi_reduction <maximumf>, %select_n3A_177, %reduce_max3A_178 [1] : vector<64x64xf32> to vector<64xf32>
      %broadcast_in_dim3A_180 = vector.shape_cast %reduce_max3A_179 : vector<64xf32> to vector<64x1xf32>
      %sub3A = vector.broadcast %broadcast_in_dim3A_180 : vector<64x1xf32> to vector<64x64xf32>
      %sub3A_181 = arith.subf %select_n3A_174, %sub3A : vector<64x64xf32>
      %jit3A_182 = arith.constant -3.000000e+38 : f32
      %broadcast_in_dim3A_183 = vector.broadcast %jit3A_182 : f32 to vector<64x64xf32>
      %select_n3A_184 = arith.select %gt3A_148, %sub3A_181, %broadcast_in_dim3A_183 : vector<64x64xi1>, vector<64x64xf32>
      %exp3A = math.exp %select_n3A_184 : vector<64x64xf32>
      %mul3A_185 = arith.mulf %add3A_96, %exp3A : vector<64x64xf32>
      %reduce_sum3A_186 = arith.constant dense<0.000000e+00> : vector<64xf32>
      %reduce_sum3A_187 = vector.multi_reduction <add>, %mul3A_185, %reduce_sum3A_186 [1] : vector<64x64xf32> to vector<64xf32>
      %broadcast_in_dim3A_188 = vector.shape_cast %reduce_sum3A_187 : vector<64xf32> to vector<64x1xf32>
      %mul3A_189 = arith.mulf %add3A_96, %exp3A : vector<64x64xf32>
      %add3A_190 = arith.constant 1.000000e-16 : f32
      %add3A_191 = vector.broadcast %add3A_190 : f32 to vector<64x1xf32>
      %add3A_192 = arith.addf %broadcast_in_dim3A_188, %add3A_191 : vector<64x1xf32>
      %div3A_193 = vector.broadcast %add3A_192 : vector<64x1xf32> to vector<64x64xf32>
      %div3A_194 = arith.divf %mul3A_189, %div3A_193 : vector<64x64xf32>
      %dot_general3A_195 = arith.constant dense<0.000000e+00> : vector<64x512xf32>
      %dot_general3A_196 = tpu.matmul %div3A_194, %dot_general3A_158, %dot_general3A_195 {dimension_numbers = #tpu.dot_dimension_numbers<[0], [0], [1], [1], [0, 1, 1, 1], [], []>, precision = #tpu.contract_precision<fp32>, transpose_lhs_hint = false} : vector<64x64xf32>, vector<64x512xf32>, vector<64x512xf32> -> vector<64x512xf32>
      %mul3A_197 = vector.broadcast %select_n3A_116 : vector<64x1xf32> to vector<64x512xf32>
      %mul3A_198 = arith.mulf %mul3A_197, %dot_general3A_196 : vector<64x512xf32>
      %dot_general3A_199 = arith.constant dense<0.000000e+00> : vector<64x512xf32>
      %dot_general3A_200 = tpu.matmul %div3A_194, %mul3A_198, %dot_general3A_199 {dimension_numbers = #tpu.dot_dimension_numbers<[1], [0], [0], [1], [0, 0, 1, 1], [], []>, precision = #tpu.contract_precision<fp32>, transpose_lhs_hint = false} : vector<64x64xf32>, vector<64x512xf32>, vector<64x512xf32> -> vector<64x512xf32>
      %mul3A_201 = vector.broadcast %broadcast_in_dim3A : vector<64x1xf32> to vector<64x512xf32>
      %mul3A_202 = arith.mulf %mul3A_201, %dot_general3A_200 : vector<64x512xf32>
      %swap3A = arith.constant 0 : index
      %swap3A_203 = arith.constant 10 : index
      %swap3A_204 = arith.constant 0 : index
      %swap3A_205 = vector.load %arg7[%swap3A, %swap3A_203, %swap3A_204] : memref<64x16x512xf32, #tpu.memory_space<vmem>>, vector<64x1x512xf32>
      %swap3A_206 = vector.shape_cast %swap3A_205 : vector<64x1x512xf32> to vector<64x512xf32>
      %swap3A_207 = vector.shape_cast %mul3A_202 : vector<64x512xf32> to vector<64x1x512xf32>
      tpu.vector_store %arg7[%swap3A, %swap3A_203, %swap3A_204], %swap3A_207 {strides = array<i32>} : memref<64x16x512xf32, #tpu.memory_space<vmem>>, vector<64x1x512xf32>,
      %reduce_sum3A_208 = arith.constant dense<0.000000e+00> : vector<64xf32>
      %reduce_sum3A_209 = vector.multi_reduction <add>, %dot_general3A_158, %reduce_sum3A_208 [1] : vector<64x512xf32> to vector<64xf32>
      %broadcast_in_dim3A_210 = vector.shape_cast %reduce_sum3A_209 : vector<64xf32> to vector<64x1xf32>
      %mul3A_211 = arith.mulf %broadcast_in_dim3A, %broadcast_in_dim3A_210 : vector<64x1xf32>
      %reduce_sum3A_212 = vector.shape_cast %mul3A_211 : vector<64x1xf32> to vector<1x64x1xf32>
      %reduce_sum3A_213 = arith.constant dense<0.000000e+00> : vector<1xf32>
      %reduce_sum3A_214 = vector.multi_reduction <add>, %reduce_sum3A_212, %reduce_sum3A_213 [1, 2] : vector<1x64x1xf32> to vector<1xf32>
      %reduce_sum3A_215 = vector.shape_cast %reduce_sum3A_214 : vector<1xf32> to vector<1x1x1xf32>
      %reduce_sum3A_216 = vector.extract %reduce_sum3A_215[0, 0, 0] : f32 from vector<1x1x1xf32>
      %reduce_sum3A_217 = arith.constant dense<0.000000e+00> : vector<64xf32>
      %reduce_sum3A_218 = vector.multi_reduction <add>, %dot_general3A_160, %reduce_sum3A_217 [1] : vector<64x512xf32> to vector<64xf32>
      %broadcast_in_dim3A_219 = vector.shape_cast %reduce_sum3A_218 : vector<64xf32> to vector<64x1xf32>
      %mul3A_220 = arith.mulf %dot_general3A_105, %broadcast_in_dim3A_219 : vector<64x1xf32>
      %reduce_sum3A_221 = vector.shape_cast %mul3A_220 : vector<64x1xf32> to vector<1x64x1xf32>
      %reduce_sum3A_222 = arith.constant dense<0.000000e+00> : vector<1xf32>
      %reduce_sum3A_223 = vector.multi_reduction <add>, %reduce_sum3A_221, %reduce_sum3A_222 [1, 2] : vector<1x64x1xf32> to vector<1xf32>
      %reduce_sum3A_224 = vector.shape_cast %reduce_sum3A_223 : vector<1xf32> to vector<1x1x1xf32>
      %reduce_sum3A_225 = vector.extract %reduce_sum3A_224[0, 0, 0] : f32 from vector<1x1x1xf32>
      %dot_general3A_226 = arith.constant dense<0.000000e+00> : vector<64x64xf32>
      %dot_general3A_227 = tpu.matmul %dot_general3A_160, %dot_general3A_160, %dot_general3A_226 {dimension_numbers = #tpu.dot_dimension_numbers<[1], [1], [0], [0], [0, 0, 1, 0], [], []>, precision = #tpu.contract_precision<fp32>, transpose_lhs_hint = false} : vector<64x512xf32>, vector<64x512xf32>, vector<64x64xf32> -> vector<64x64xf32>
      %mul3A_228 = arith.mulf %dot_general3A_160, %dot_general3A_160 : vector<64x512xf32>
      %reduce_sum3A_229 = arith.constant dense<0.000000e+00> : vector<64xf32>
      %reduce_sum3A_230 = vector.multi_reduction <add>, %mul3A_228, %reduce_sum3A_229 [1] : vector<64x512xf32> to vector<64xf32>
      %broadcast_in_dim3A_231 = vector.shape_cast %reduce_sum3A_230 : vector<64xf32> to vector<64x1xf32>
      %dot_general3A_232 = arith.constant dense<0.000000e+00> : vector<1x64xf32>
      %dot_general3A_233 = tpu.matmul %broadcast_in_dim3A_231, %convert_element_type3A_100, %dot_general3A_232 {dimension_numbers = #tpu.dot_dimension_numbers<[0], [0], [1], [1], [0, 1, 1, 1], [], []>, precision = #tpu.contract_precision<fp32>, transpose_lhs_hint = false} : vector<64x1xf32>, vector<64x64xf32>, vector<1x64xf32> -> vector<1x64xf32>
      %sqrt3A = math.sqrt %broadcast_in_dim3A_231 : vector<64x1xf32>
      %sqrt3A_234 = math.sqrt %dot_general3A_233 : vector<1x64xf32>
      %mul3A_235 = vector.broadcast %sqrt3A : vector<64x1xf32> to vector<64x64xf32>
      %mul3A_236 = vector.broadcast %sqrt3A_234 : vector<1x64xf32> to vector<64x64xf32>
      %mul3A_237 = arith.mulf %mul3A_235, %mul3A_236 : vector<64x64xf32>
      %add3A_238 = arith.constant 9.99999993E-9 : f32
      %add3A_239 = vector.broadcast %add3A_238 : f32 to vector<64x64xf32>
      %add3A_240 = arith.addf %mul3A_237, %add3A_239 : vector<64x64xf32>
      %div3A_241 = arith.divf %dot_general3A_227, %add3A_240 : vector<64x64xf32>
      %add3A_242 = vector.broadcast %broadcast_in_dim3A_231 : vector<64x1xf32> to vector<64x64xf32>
      %add3A_243 = vector.broadcast %dot_general3A_233 : vector<1x64xf32> to vector<64x64xf32>
      %add3A_244 = arith.addf %add3A_242, %add3A_243 : vector<64x64xf32>
      %mul3A_245 = arith.constant 2.000000e+00 : f32
      %mul3A_246 = vector.broadcast %mul3A_245 : f32 to vector<64x64xf32>
      %mul3A_247 = arith.mulf %mul3A_246, %dot_general3A_227 : vector<64x64xf32>
      %sub3A_248 = arith.subf %add3A_244, %mul3A_247 : vector<64x64xf32>
      %max3A = arith.constant 0.000000e+00 : f32
      %max3A_249 = vector.broadcast %max3A : f32 to vector<64x64xf32>
      %max3A_250 = arith.maximumf %sub3A_248, %max3A_249 : vector<64x64xf32>
      %sqrt3A_251 = math.sqrt %max3A_250 : vector<64x64xf32>
      %mul3A_252 = arith.mulf %div3A_241, %sqrt3A_251 : vector<64x64xf32>
      %sub3A_253 = arith.constant 1.000000e+00 : f32
      %sub3A_254 = vector.broadcast %sub3A_253 : f32 to vector<64x64xf32>
      %sub3A_255 = arith.subf %sub3A_254, %div3A_241 : vector<64x64xf32>
      %sub3A_256 = arith.constant 4.200000e+00 : f32
      %sub3A_257 = vector.broadcast %sub3A_256 : f32 to vector<64x64xf32>
      %sub3A_258 = arith.subf %sub3A_257, %sqrt3A_251 : vector<64x64xf32>
      %max3A_259 = arith.constant 0.000000e+00 : f32
      %max3A_260 = vector.broadcast %max3A_259 : f32 to vector<64x64xf32>
      %max3A_261 = arith.maximumf %sub3A_258, %max3A_260 : vector<64x64xf32>
      %mul3A_262 = arith.mulf %sub3A_255, %max3A_261 : vector<64x64xf32>
      %add3A_263 = arith.addf %mul3A_252, %mul3A_262 : vector<64x64xf32>
      %get3A_264 = arith.constant 0 : index
      %get3A_265 = memref.load %arg8[%get3A_264] : memref<4xf32, #tpu.memory_space<smem>>
      %mul3A_266 = arith.mulf %mul3A_139, %add3A_263 : vector<64x64xf32>
      %reduce_sum3A_267 = vector.shape_cast %mul3A_266 : vector<64x64xf32> to vector<1x64x64xf32>
      %reduce_sum3A_268 = arith.constant dense<0.000000e+00> : vector<1xf32>
      %reduce_sum3A_269 = vector.multi_reduction <add>, %reduce_sum3A_267, %reduce_sum3A_268 [1, 2] : vector<1x64x64xf32> to vector<1xf32>
      %reduce_sum3A_270 = vector.shape_cast %reduce_sum3A_269 : vector<1xf32> to vector<1x1x1xf32>
      %reduce_sum3A_271 = vector.extract %reduce_sum3A_270[0, 0, 0] : f32 from vector<1x1x1xf32>
      %add3A_272 = arith.addf %get3A_265, %reduce_sum3A_271 : f32
      %swap3A_273 = arith.constant 0 : index
      %swap3A_274 = memref.load %arg8[%swap3A_273] : memref<4xf32, #tpu.memory_space<smem>>
      memref.store %add3A_272, %arg8[%swap3A_273] : memref<4xf32, #tpu.memory_space<smem>>
      %get3A_275 = arith.constant 1 : index
      %get3A_276 = memref.load %arg8[%get3A_275] : memref<4xf32, #tpu.memory_space<smem>>
      %add3A_277 = arith.addf %get3A_276, %reduce_sum3A_216 : f32
      %swap3A_278 = arith.constant 1 : index
      %swap3A_279 = memref.load %arg8[%swap3A_278] : memref<4xf32, #tpu.memory_space<smem>>
      memref.store %add3A_277, %arg8[%swap3A_278] : memref<4xf32, #tpu.memory_space<smem>>
      %get3A_280 = arith.constant 2 : index
      %get3A_281 = memref.load %arg8[%get3A_280] : memref<4xf32, #tpu.memory_space<smem>>
      %add3A_282 = arith.addf %get3A_281, %reduce_sum3A_225 : f32
      %swap3A_283 = arith.constant 2 : index
      %swap3A_284 = memref.load %arg8[%swap3A_283] : memref<4xf32, #tpu.memory_space<smem>>
      memref.store %add3A_282, %arg8[%swap3A_283] : memref<4xf32, #tpu.memory_space<smem>>
    } else {
    }
    %eq3A_57 = arith.constant 4 : i32
    %eq3A_58 = arith.cmpi eq, %arg0, %eq3A_57 : i32
    %convert_element_type3A_59 = arith.extui %eq3A_58 : i1 to i32
    %cond3A_60 = arith.constant 0 : i32
    %cond3A_61 = arith.cmpi ne, %convert_element_type3A_59, %cond3A_60 : i32
    scf.if %cond3A_61 {
      %get3A = arith.constant 0 : index
      %get3A_91 = arith.constant 0 : index
      %get3A_92 = arith.constant 0 : index
      %get3A_93 = vector.load %arg1[%get3A, %get3A_91, %get3A_92] : memref<1x64x64xf32, #tpu.memory_space<vmem>>, vector<1x64x64xf32>
      %get3A_94 = vector.shape_cast %get3A_93 : vector<1x64x64xf32> to vector<64x64xf32>
      %add3A = arith.constant 0.000000e+00 : f32
      %add3A_95 = vector.broadcast %add3A : f32 to vector<64x64xf32>
      %add3A_96 = arith.addf %add3A_95, %get3A_94 : vector<64x64xf32>
      %iota3A = tpu.iota {dimensions = array<i32: 0>} : vector<64x64xi32>
      %iota3A_97 = tpu.iota {dimensions = array<i32: 1>} : vector<64x64xi32>
      %eq3A_98 = arith.cmpi eq, %iota3A, %iota3A_97 : vector<64x64xi32>
      %convert_element_type3A_99 = arith.extui %eq3A_98 : vector<64x64xi1> to vector<64x64xi32>
      %convert_element_type3A_100 = arith.sitofp %convert_element_type3A_99 : vector<64x64xi32> to vector<64x64xf32>
      %reduce_sum3A = arith.constant dense<0.000000e+00> : vector<64xf32>
      %reduce_sum3A_101 = vector.multi_reduction <add>, %add3A_96, %reduce_sum3A [1] : vector<64x64xf32> to vector<64xf32>
      %broadcast_in_dim3A = vector.shape_cast %reduce_sum3A_101 : vector<64xf32> to vector<64x1xf32>
      %reduce_sum3A_102 = arith.constant dense<0.000000e+00> : vector<64xf32>
      %reduce_sum3A_103 = vector.multi_reduction <add>, %add3A_96, %reduce_sum3A_102 [0] : vector<64x64xf32> to vector<64xf32>
      %broadcast_in_dim3A_104 = vector.shape_cast %reduce_sum3A_103 : vector<64xf32> to vector<1x64xf32>
      %dot_general3A = arith.constant dense<0.000000e+00> : vector<64x1xf32>
      %dot_general3A_105 = tpu.matmul %convert_element_type3A_100, %broadcast_in_dim3A_104, %dot_general3A {dimension_numbers = #tpu.dot_dimension_numbers<[1], [1], [0], [0], [0, 0, 1, 0], [], []>, precision = #tpu.contract_precision<fp32>, transpose_lhs_hint = false} : vector<64x64xf32>, vector<1x64xf32>, vector<64x1xf32> -> vector<64x1xf32>
      %gt3A = arith.constant 0.000000e+00 : f32
      %gt3A_106 = vector.broadcast %gt3A : f32 to vector<64x1xf32>
      %gt3A_107 = arith.cmpf ogt, %dot_general3A_105, %gt3A_106 : vector<64x1xf32>
      %gt3A_108 = arith.constant 0.000000e+00 : f32
      %gt3A_109 = vector.broadcast %gt3A_108 : f32 to vector<64x1xf32>
      %gt3A_110 = arith.cmpf ogt, %dot_general3A_105, %gt3A_109 : vector<64x1xf32>
      %jit3A = arith.constant 1.000000e+00 : f32
      %broadcast_in_dim3A_111 = vector.broadcast %jit3A : f32 to vector<64x1xf32>
      %select_n3A = arith.select %gt3A_110, %dot_general3A_105, %broadcast_in_dim3A_111 : vector<64x1xi1>, vector<64x1xf32>
      %div3A = arith.constant 1.000000e+00 : f32
      %div3A_112 = vector.broadcast %div3A : f32 to vector<64x1xf32>
      %div3A_113 = arith.divf %div3A_112, %select_n3A : vector<64x1xf32>
      %jit3A_114 = arith.constant 0.000000e+00 : f32
      %broadcast_in_dim3A_115 = vector.broadcast %jit3A_114 : f32 to vector<64x1xf32>
      %select_n3A_116 = arith.select %gt3A_107, %div3A_113, %broadcast_in_dim3A_115 : vector<64x1xi1>, vector<64x1xf32>
      %iota3A_117 = tpu.iota {dimensions = array<i32: 1>} : vector<1x64xi32>
      %convert_element_type3A_118 = arith.sitofp %iota3A_117 : vector<1x64xi32> to vector<1x64xf32>
      %gt3A_119 = arith.constant 0.000000e+00 : f32
      %gt3A_120 = vector.broadcast %gt3A_119 : f32 to vector<1x64xf32>
      %gt3A_121 = arith.cmpf ogt, %broadcast_in_dim3A_104, %gt3A_120 : vector<1x64xf32>
      %add3A_122 = arith.constant 1.000000e+00 : f32
      %add3A_123 = vector.broadcast %add3A_122 : f32 to vector<1x64xf32>
      %add3A_124 = arith.addf %convert_element_type3A_118, %add3A_123 : vector<1x64xf32>
      %jit3A_125 = arith.constant 0.000000e+00 : f32
      %broadcast_in_dim3A_126 = vector.broadcast %jit3A_125 : f32 to vector<1x64xf32>
      %select_n3A_127 = arith.select %gt3A_121, %add3A_124, %broadcast_in_dim3A_126 : vector<1x64xi1>, vector<1x64xf32>
      %reduce_max3A = vector.shape_cast %select_n3A_127 : vector<1x64xf32> to vector<1x1x64xf32>
      %reduce_max3A_128 = arith.constant dense<0xFF800000> : vector<1xf32>
      %reduce_max3A_129 = vector.multi_reduction <maximumf>, %reduce_max3A, %reduce_max3A_128 [1, 2] : vector<1x1x64xf32> to vector<1xf32>
      %reduce_max3A_130 = vector.shape_cast %reduce_max3A_129 : vector<1xf32> to vector<1x1x1xf32>
      %reduce_max3A_131 = vector.extract %reduce_max3A_130[0, 0, 0] : f32 from vector<1x1x1xf32>
      %lt3A_132 = vector.broadcast %reduce_max3A_131 : f32 to vector<1x64xf32>
      %lt3A_133 = arith.cmpf olt, %convert_element_type3A_118, %lt3A_132 : vector<1x64xf32>
      %convert_element_type3A_134 = arith.extui %lt3A_133 : vector<1x64xi1> to vector<1x64xi32>
      %convert_element_type3A_135 = arith.sitofp %convert_element_type3A_134 : vector<1x64xi32> to vector<1x64xf32>
      %dot_general3A_136 = arith.constant dense<0.000000e+00> : vector<64x1xf32>
      %dot_general3A_137 = tpu.matmul %convert_element_type3A_100, %convert_element_type3A_135, %dot_general3A_136 {dimension_numbers = #tpu.dot_dimension_numbers<[1], [1], [0], [0], [0, 0, 1, 0], [], []>, precision = #tpu.contract_precision<fp32>, transpose_lhs_hint = false} : vector<64x64xf32>, vector<1x64xf32>, vector<64x1xf32> -> vector<64x1xf32>
      %mul3A = vector.broadcast %dot_general3A_137 : vector<64x1xf32> to vector<64x64xf32>
      %mul3A_138 = vector.broadcast %convert_element_type3A_135 : vector<1x64xf32> to vector<64x64xf32>
      %mul3A_139 = arith.mulf %mul3A, %mul3A_138 : vector<64x64xf32>
      %get3A_140 = arith.constant 0 : index
      %get3A_141 = arith.constant 0 : index
      %get3A_142 = vector.load %arg4[%get3A_140, %get3A_141] : memref<2x512xf32, #tpu.memory_space<vmem>>, vector<1x512xf32>
      %get3A_143 = arith.constant 1 : index
      %get3A_144 = arith.constant 0 : index
      %get3A_145 = vector.load %arg4[%get3A_143, %get3A_144] : memref<2x512xf32, #tpu.memory_space<vmem>>, vector<1x512xf32>
      %gt3A_146 = arith.constant 0.000000e+00 : f32
      %gt3A_147 = vector.broadcast %gt3A_146 : f32 to vector<64x64xf32>
      %gt3A_148 = arith.cmpf ogt, %add3A_96, %gt3A_147 : vector<64x64xf32>
      %get3A_149 = arith.constant 11 : index
      %get3A_150 = arith.constant 0 : index
      %get3A_151 = arith.constant 0 : index
      %get3A_152 = vector.load %arg2[%get3A_149, %get3A_150, %get3A_151] : memref<16x64x512xf32, #tpu.memory_space<vmem>>, vector<1x64x512xf32>
      %get3A_153 = vector.shape_cast %get3A_152 : vector<1x64x512xf32> to vector<64x512xf32>
      %get3A_154 = arith.constant 0 : index
      %get3A_155 = arith.constant 0 : index
      %get3A_156 = vector.load %arg3[%get3A_154, %get3A_155] : memref<512x512xf32, #tpu.memory_space<vmem>>, vector<512x512xf32>
      %dot_general3A_157 = arith.constant dense<0.000000e+00> : vector<64x512xf32>
      %dot_general3A_158 = tpu.matmul %get3A_153, %get3A_156, %dot_general3A_157 {dimension_numbers = #tpu.dot_dimension_numbers<[1], [0], [0], [1], [0, 0, 1, 1], [], []>, transpose_lhs_hint = false} : vector<64x512xf32>, vector<512x512xf32>, vector<64x512xf32> -> vector<64x512xf32>
      %dot_general3A_159 = arith.constant dense<0.000000e+00> : vector<64x512xf32>
      %dot_general3A_160 = tpu.matmul %add3A_96, %dot_general3A_158, %dot_general3A_159 {dimension_numbers = #tpu.dot_dimension_numbers<[0], [0], [1], [1], [0, 1, 1, 1], [], []>, precision = #tpu.contract_precision<fp32>, transpose_lhs_hint = false} : vector<64x64xf32>, vector<64x512xf32>, vector<64x512xf32> -> vector<64x512xf32>
      %dot_general3A_161 = arith.constant dense<0.000000e+00> : vector<64x1xf32>
      %dot_general3A_162 = tpu.matmul %dot_general3A_158, %get3A_142, %dot_general3A_161 {dimension_numbers = #tpu.dot_dimension_numbers<[1], [1], [0], [0], [0, 0, 1, 0], [], []>, precision = #tpu.contract_precision<fp32>, transpose_lhs_hint = false} : vector<64x512xf32>, vector<1x512xf32>, vector<64x1xf32> -> vector<64x1xf32>
      %dot_general3A_163 = arith.constant dense<0.000000e+00> : vector<1x64xf32>
      %dot_general3A_164 = tpu.matmul %get3A_145, %dot_general3A_160, %dot_general3A_163 {dimension_numbers = #tpu.dot_dimension_numbers<[1], [1], [0], [0], [0, 0, 1, 0], [], []>, precision = #tpu.contract_precision<fp32>, transpose_lhs_hint = false} : vector<1x512xf32>, vector<64x512xf32>, vector<1x64xf32> -> vector<1x64xf32>
      %add3A_165 = vector.broadcast %dot_general3A_162 : vector<64x1xf32> to vector<64x64xf32>
      %add3A_166 = vector.broadcast %dot_general3A_164 : vector<1x64xf32> to vector<64x64xf32>
      %add3A_167 = arith.addf %add3A_165, %add3A_166 : vector<64x64xf32>
      %gt3A_168 = arith.constant 0.000000e+00 : f32
      %gt3A_169 = vector.broadcast %gt3A_168 : f32 to vector<64x64xf32>
      %gt3A_170 = arith.cmpf ogt, %add3A_167, %gt3A_169 : vector<64x64xf32>
      %mul3A_171 = arith.constant 2.000000e-01 : f32
      %mul3A_172 = vector.broadcast %mul3A_171 : f32 to vector<64x64xf32>
      %mul3A_173 = arith.mulf %mul3A_172, %add3A_167 : vector<64x64xf32>
      %select_n3A_174 = arith.select %gt3A_170, %add3A_167, %mul3A_173 : vector<64x64xi1>, vector<64x64xf32>
      %jit3A_175 = arith.constant -3.000000e+38 : f32
      %broadcast_in_dim3A_176 = vector.broadcast %jit3A_175 : f32 to vector<64x64xf32>
      %select_n3A_177 = arith.select %gt3A_148, %select_n3A_174, %broadcast_in_dim3A_176 : vector<64x64xi1>, vector<64x64xf32>
      %reduce_max3A_178 = arith.constant dense<0xFF800000> : vector<64xf32>
      %reduce_max3A_179 = vector.multi_reduction <maximumf>, %select_n3A_177, %reduce_max3A_178 [1] : vector<64x64xf32> to vector<64xf32>
      %broadcast_in_dim3A_180 = vector.shape_cast %reduce_max3A_179 : vector<64xf32> to vector<64x1xf32>
      %sub3A = vector.broadcast %broadcast_in_dim3A_180 : vector<64x1xf32> to vector<64x64xf32>
      %sub3A_181 = arith.subf %select_n3A_174, %sub3A : vector<64x64xf32>
      %jit3A_182 = arith.constant -3.000000e+38 : f32
      %broadcast_in_dim3A_183 = vector.broadcast %jit3A_182 : f32 to vector<64x64xf32>
      %select_n3A_184 = arith.select %gt3A_148, %sub3A_181, %broadcast_in_dim3A_183 : vector<64x64xi1>, vector<64x64xf32>
      %exp3A = math.exp %select_n3A_184 : vector<64x64xf32>
      %mul3A_185 = arith.mulf %add3A_96, %exp3A : vector<64x64xf32>
      %reduce_sum3A_186 = arith.constant dense<0.000000e+00> : vector<64xf32>
      %reduce_sum3A_187 = vector.multi_reduction <add>, %mul3A_185, %reduce_sum3A_186 [1] : vector<64x64xf32> to vector<64xf32>
      %broadcast_in_dim3A_188 = vector.shape_cast %reduce_sum3A_187 : vector<64xf32> to vector<64x1xf32>
      %mul3A_189 = arith.mulf %add3A_96, %exp3A : vector<64x64xf32>
      %add3A_190 = arith.constant 1.000000e-16 : f32
      %add3A_191 = vector.broadcast %add3A_190 : f32 to vector<64x1xf32>
      %add3A_192 = arith.addf %broadcast_in_dim3A_188, %add3A_191 : vector<64x1xf32>
      %div3A_193 = vector.broadcast %add3A_192 : vector<64x1xf32> to vector<64x64xf32>
      %div3A_194 = arith.divf %mul3A_189, %div3A_193 : vector<64x64xf32>
      %dot_general3A_195 = arith.constant dense<0.000000e+00> : vector<64x512xf32>
      %dot_general3A_196 = tpu.matmul %div3A_194, %dot_general3A_158, %dot_general3A_195 {dimension_numbers = #tpu.dot_dimension_numbers<[0], [0], [1], [1], [0, 1, 1, 1], [], []>, precision = #tpu.contract_precision<fp32>, transpose_lhs_hint = false} : vector<64x64xf32>, vector<64x512xf32>, vector<64x512xf32> -> vector<64x512xf32>
      %mul3A_197 = vector.broadcast %select_n3A_116 : vector<64x1xf32> to vector<64x512xf32>
      %mul3A_198 = arith.mulf %mul3A_197, %dot_general3A_196 : vector<64x512xf32>
      %dot_general3A_199 = arith.constant dense<0.000000e+00> : vector<64x512xf32>
      %dot_general3A_200 = tpu.matmul %div3A_194, %mul3A_198, %dot_general3A_199 {dimension_numbers = #tpu.dot_dimension_numbers<[1], [0], [0], [1], [0, 0, 1, 1], [], []>, precision = #tpu.contract_precision<fp32>, transpose_lhs_hint = false} : vector<64x64xf32>, vector<64x512xf32>, vector<64x512xf32> -> vector<64x512xf32>
      %mul3A_201 = vector.broadcast %broadcast_in_dim3A : vector<64x1xf32> to vector<64x512xf32>
      %mul3A_202 = arith.mulf %mul3A_201, %dot_general3A_200 : vector<64x512xf32>
      %swap3A = arith.constant 0 : index
      %swap3A_203 = arith.constant 11 : index
      %swap3A_204 = arith.constant 0 : index
      %swap3A_205 = vector.load %arg7[%swap3A, %swap3A_203, %swap3A_204] : memref<64x16x512xf32, #tpu.memory_space<vmem>>, vector<64x1x512xf32>
      %swap3A_206 = vector.shape_cast %swap3A_205 : vector<64x1x512xf32> to vector<64x512xf32>
      %swap3A_207 = vector.shape_cast %mul3A_202 : vector<64x512xf32> to vector<64x1x512xf32>
      tpu.vector_store %arg7[%swap3A, %swap3A_203, %swap3A_204], %swap3A_207 {strides = array<i32>} : memref<64x16x512xf32, #tpu.memory_space<vmem>>, vector<64x1x512xf32>,
      %reduce_sum3A_208 = arith.constant dense<0.000000e+00> : vector<64xf32>
      %reduce_sum3A_209 = vector.multi_reduction <add>, %dot_general3A_158, %reduce_sum3A_208 [1] : vector<64x512xf32> to vector<64xf32>
      %broadcast_in_dim3A_210 = vector.shape_cast %reduce_sum3A_209 : vector<64xf32> to vector<64x1xf32>
      %mul3A_211 = arith.mulf %broadcast_in_dim3A, %broadcast_in_dim3A_210 : vector<64x1xf32>
      %reduce_sum3A_212 = vector.shape_cast %mul3A_211 : vector<64x1xf32> to vector<1x64x1xf32>
      %reduce_sum3A_213 = arith.constant dense<0.000000e+00> : vector<1xf32>
      %reduce_sum3A_214 = vector.multi_reduction <add>, %reduce_sum3A_212, %reduce_sum3A_213 [1, 2] : vector<1x64x1xf32> to vector<1xf32>
      %reduce_sum3A_215 = vector.shape_cast %reduce_sum3A_214 : vector<1xf32> to vector<1x1x1xf32>
      %reduce_sum3A_216 = vector.extract %reduce_sum3A_215[0, 0, 0] : f32 from vector<1x1x1xf32>
      %reduce_sum3A_217 = arith.constant dense<0.000000e+00> : vector<64xf32>
      %reduce_sum3A_218 = vector.multi_reduction <add>, %dot_general3A_160, %reduce_sum3A_217 [1] : vector<64x512xf32> to vector<64xf32>
      %broadcast_in_dim3A_219 = vector.shape_cast %reduce_sum3A_218 : vector<64xf32> to vector<64x1xf32>
      %mul3A_220 = arith.mulf %dot_general3A_105, %broadcast_in_dim3A_219 : vector<64x1xf32>
      %reduce_sum3A_221 = vector.shape_cast %mul3A_220 : vector<64x1xf32> to vector<1x64x1xf32>
      %reduce_sum3A_222 = arith.constant dense<0.000000e+00> : vector<1xf32>
      %reduce_sum3A_223 = vector.multi_reduction <add>, %reduce_sum3A_221, %reduce_sum3A_222 [1, 2] : vector<1x64x1xf32> to vector<1xf32>
      %reduce_sum3A_224 = vector.shape_cast %reduce_sum3A_223 : vector<1xf32> to vector<1x1x1xf32>
      %reduce_sum3A_225 = vector.extract %reduce_sum3A_224[0, 0, 0] : f32 from vector<1x1x1xf32>
      %dot_general3A_226 = arith.constant dense<0.000000e+00> : vector<64x64xf32>
      %dot_general3A_227 = tpu.matmul %dot_general3A_160, %dot_general3A_160, %dot_general3A_226 {dimension_numbers = #tpu.dot_dimension_numbers<[1], [1], [0], [0], [0, 0, 1, 0], [], []>, precision = #tpu.contract_precision<fp32>, transpose_lhs_hint = false} : vector<64x512xf32>, vector<64x512xf32>, vector<64x64xf32> -> vector<64x64xf32>
      %mul3A_228 = arith.mulf %dot_general3A_160, %dot_general3A_160 : vector<64x512xf32>
      %reduce_sum3A_229 = arith.constant dense<0.000000e+00> : vector<64xf32>
      %reduce_sum3A_230 = vector.multi_reduction <add>, %mul3A_228, %reduce_sum3A_229 [1] : vector<64x512xf32> to vector<64xf32>
      %broadcast_in_dim3A_231 = vector.shape_cast %reduce_sum3A_230 : vector<64xf32> to vector<64x1xf32>
      %dot_general3A_232 = arith.constant dense<0.000000e+00> : vector<1x64xf32>
      %dot_general3A_233 = tpu.matmul %broadcast_in_dim3A_231, %convert_element_type3A_100, %dot_general3A_232 {dimension_numbers = #tpu.dot_dimension_numbers<[0], [0], [1], [1], [0, 1, 1, 1], [], []>, precision = #tpu.contract_precision<fp32>, transpose_lhs_hint = false} : vector<64x1xf32>, vector<64x64xf32>, vector<1x64xf32> -> vector<1x64xf32>
      %sqrt3A = math.sqrt %broadcast_in_dim3A_231 : vector<64x1xf32>
      %sqrt3A_234 = math.sqrt %dot_general3A_233 : vector<1x64xf32>
      %mul3A_235 = vector.broadcast %sqrt3A : vector<64x1xf32> to vector<64x64xf32>
      %mul3A_236 = vector.broadcast %sqrt3A_234 : vector<1x64xf32> to vector<64x64xf32>
      %mul3A_237 = arith.mulf %mul3A_235, %mul3A_236 : vector<64x64xf32>
      %add3A_238 = arith.constant 9.99999993E-9 : f32
      %add3A_239 = vector.broadcast %add3A_238 : f32 to vector<64x64xf32>
      %add3A_240 = arith.addf %mul3A_237, %add3A_239 : vector<64x64xf32>
      %div3A_241 = arith.divf %dot_general3A_227, %add3A_240 : vector<64x64xf32>
      %add3A_242 = vector.broadcast %broadcast_in_dim3A_231 : vector<64x1xf32> to vector<64x64xf32>
      %add3A_243 = vector.broadcast %dot_general3A_233 : vector<1x64xf32> to vector<64x64xf32>
      %add3A_244 = arith.addf %add3A_242, %add3A_243 : vector<64x64xf32>
      %mul3A_245 = arith.constant 2.000000e+00 : f32
      %mul3A_246 = vector.broadcast %mul3A_245 : f32 to vector<64x64xf32>
      %mul3A_247 = arith.mulf %mul3A_246, %dot_general3A_227 : vector<64x64xf32>
      %sub3A_248 = arith.subf %add3A_244, %mul3A_247 : vector<64x64xf32>
      %max3A = arith.constant 0.000000e+00 : f32
      %max3A_249 = vector.broadcast %max3A : f32 to vector<64x64xf32>
      %max3A_250 = arith.maximumf %sub3A_248, %max3A_249 : vector<64x64xf32>
      %sqrt3A_251 = math.sqrt %max3A_250 : vector<64x64xf32>
      %mul3A_252 = arith.mulf %div3A_241, %sqrt3A_251 : vector<64x64xf32>
      %sub3A_253 = arith.constant 1.000000e+00 : f32
      %sub3A_254 = vector.broadcast %sub3A_253 : f32 to vector<64x64xf32>
      %sub3A_255 = arith.subf %sub3A_254, %div3A_241 : vector<64x64xf32>
      %sub3A_256 = arith.constant 4.200000e+00 : f32
      %sub3A_257 = vector.broadcast %sub3A_256 : f32 to vector<64x64xf32>
      %sub3A_258 = arith.subf %sub3A_257, %sqrt3A_251 : vector<64x64xf32>
      %max3A_259 = arith.constant 0.000000e+00 : f32
      %max3A_260 = vector.broadcast %max3A_259 : f32 to vector<64x64xf32>
      %max3A_261 = arith.maximumf %sub3A_258, %max3A_260 : vector<64x64xf32>
      %mul3A_262 = arith.mulf %sub3A_255, %max3A_261 : vector<64x64xf32>
      %add3A_263 = arith.addf %mul3A_252, %mul3A_262 : vector<64x64xf32>
      %get3A_264 = arith.constant 0 : index
      %get3A_265 = memref.load %arg8[%get3A_264] : memref<4xf32, #tpu.memory_space<smem>>
      %mul3A_266 = arith.mulf %mul3A_139, %add3A_263 : vector<64x64xf32>
      %reduce_sum3A_267 = vector.shape_cast %mul3A_266 : vector<64x64xf32> to vector<1x64x64xf32>
      %reduce_sum3A_268 = arith.constant dense<0.000000e+00> : vector<1xf32>
      %reduce_sum3A_269 = vector.multi_reduction <add>, %reduce_sum3A_267, %reduce_sum3A_268 [1, 2] : vector<1x64x64xf32> to vector<1xf32>
      %reduce_sum3A_270 = vector.shape_cast %reduce_sum3A_269 : vector<1xf32> to vector<1x1x1xf32>
      %reduce_sum3A_271 = vector.extract %reduce_sum3A_270[0, 0, 0] : f32 from vector<1x1x1xf32>
      %add3A_272 = arith.addf %get3A_265, %reduce_sum3A_271 : f32
      %swap3A_273 = arith.constant 0 : index
      %swap3A_274 = memref.load %arg8[%swap3A_273] : memref<4xf32, #tpu.memory_space<smem>>
      memref.store %add3A_272, %arg8[%swap3A_273] : memref<4xf32, #tpu.memory_space<smem>>
      %get3A_275 = arith.constant 1 : index
      %get3A_276 = memref.load %arg8[%get3A_275] : memref<4xf32, #tpu.memory_space<smem>>
      %add3A_277 = arith.addf %get3A_276, %reduce_sum3A_216 : f32
      %swap3A_278 = arith.constant 1 : index
      %swap3A_279 = memref.load %arg8[%swap3A_278] : memref<4xf32, #tpu.memory_space<smem>>
      memref.store %add3A_277, %arg8[%swap3A_278] : memref<4xf32, #tpu.memory_space<smem>>
      %get3A_280 = arith.constant 2 : index
      %get3A_281 = memref.load %arg8[%get3A_280] : memref<4xf32, #tpu.memory_space<smem>>
      %add3A_282 = arith.addf %get3A_281, %reduce_sum3A_225 : f32
      %swap3A_283 = arith.constant 2 : index
      %swap3A_284 = memref.load %arg8[%swap3A_283] : memref<4xf32, #tpu.memory_space<smem>>
      memref.store %add3A_282, %arg8[%swap3A_283] : memref<4xf32, #tpu.memory_space<smem>>
    } else {
    }
    %eq3A_62 = arith.constant 5 : i32
    %eq3A_63 = arith.cmpi eq, %arg0, %eq3A_62 : i32
    %convert_element_type3A_64 = arith.extui %eq3A_63 : i1 to i32
    %cond3A_65 = arith.constant 0 : i32
    %cond3A_66 = arith.cmpi ne, %convert_element_type3A_64, %cond3A_65 : i32
    scf.if %cond3A_66 {
      %get3A = arith.constant 0 : index
      %get3A_91 = arith.constant 0 : index
      %get3A_92 = arith.constant 0 : index
      %get3A_93 = vector.load %arg1[%get3A, %get3A_91, %get3A_92] : memref<1x64x64xf32, #tpu.memory_space<vmem>>, vector<1x64x64xf32>
      %get3A_94 = vector.shape_cast %get3A_93 : vector<1x64x64xf32> to vector<64x64xf32>
      %add3A = arith.constant 0.000000e+00 : f32
      %add3A_95 = vector.broadcast %add3A : f32 to vector<64x64xf32>
      %add3A_96 = arith.addf %add3A_95, %get3A_94 : vector<64x64xf32>
      %iota3A = tpu.iota {dimensions = array<i32: 0>} : vector<64x64xi32>
      %iota3A_97 = tpu.iota {dimensions = array<i32: 1>} : vector<64x64xi32>
      %eq3A_98 = arith.cmpi eq, %iota3A, %iota3A_97 : vector<64x64xi32>
      %convert_element_type3A_99 = arith.extui %eq3A_98 : vector<64x64xi1> to vector<64x64xi32>
      %convert_element_type3A_100 = arith.sitofp %convert_element_type3A_99 : vector<64x64xi32> to vector<64x64xf32>
      %reduce_sum3A = arith.constant dense<0.000000e+00> : vector<64xf32>
      %reduce_sum3A_101 = vector.multi_reduction <add>, %add3A_96, %reduce_sum3A [1] : vector<64x64xf32> to vector<64xf32>
      %broadcast_in_dim3A = vector.shape_cast %reduce_sum3A_101 : vector<64xf32> to vector<64x1xf32>
      %reduce_sum3A_102 = arith.constant dense<0.000000e+00> : vector<64xf32>
      %reduce_sum3A_103 = vector.multi_reduction <add>, %add3A_96, %reduce_sum3A_102 [0] : vector<64x64xf32> to vector<64xf32>
      %broadcast_in_dim3A_104 = vector.shape_cast %reduce_sum3A_103 : vector<64xf32> to vector<1x64xf32>
      %dot_general3A = arith.constant dense<0.000000e+00> : vector<64x1xf32>
      %dot_general3A_105 = tpu.matmul %convert_element_type3A_100, %broadcast_in_dim3A_104, %dot_general3A {dimension_numbers = #tpu.dot_dimension_numbers<[1], [1], [0], [0], [0, 0, 1, 0], [], []>, precision = #tpu.contract_precision<fp32>, transpose_lhs_hint = false} : vector<64x64xf32>, vector<1x64xf32>, vector<64x1xf32> -> vector<64x1xf32>
      %gt3A = arith.constant 0.000000e+00 : f32
      %gt3A_106 = vector.broadcast %gt3A : f32 to vector<64x1xf32>
      %gt3A_107 = arith.cmpf ogt, %dot_general3A_105, %gt3A_106 : vector<64x1xf32>
      %gt3A_108 = arith.constant 0.000000e+00 : f32
      %gt3A_109 = vector.broadcast %gt3A_108 : f32 to vector<64x1xf32>
      %gt3A_110 = arith.cmpf ogt, %dot_general3A_105, %gt3A_109 : vector<64x1xf32>
      %jit3A = arith.constant 1.000000e+00 : f32
      %broadcast_in_dim3A_111 = vector.broadcast %jit3A : f32 to vector<64x1xf32>
      %select_n3A = arith.select %gt3A_110, %dot_general3A_105, %broadcast_in_dim3A_111 : vector<64x1xi1>, vector<64x1xf32>
      %div3A = arith.constant 1.000000e+00 : f32
      %div3A_112 = vector.broadcast %div3A : f32 to vector<64x1xf32>
      %div3A_113 = arith.divf %div3A_112, %select_n3A : vector<64x1xf32>
      %jit3A_114 = arith.constant 0.000000e+00 : f32
      %broadcast_in_dim3A_115 = vector.broadcast %jit3A_114 : f32 to vector<64x1xf32>
      %select_n3A_116 = arith.select %gt3A_107, %div3A_113, %broadcast_in_dim3A_115 : vector<64x1xi1>, vector<64x1xf32>
      %iota3A_117 = tpu.iota {dimensions = array<i32: 1>} : vector<1x64xi32>
      %convert_element_type3A_118 = arith.sitofp %iota3A_117 : vector<1x64xi32> to vector<1x64xf32>
      %gt3A_119 = arith.constant 0.000000e+00 : f32
      %gt3A_120 = vector.broadcast %gt3A_119 : f32 to vector<1x64xf32>
      %gt3A_121 = arith.cmpf ogt, %broadcast_in_dim3A_104, %gt3A_120 : vector<1x64xf32>
      %add3A_122 = arith.constant 1.000000e+00 : f32
      %add3A_123 = vector.broadcast %add3A_122 : f32 to vector<1x64xf32>
      %add3A_124 = arith.addf %convert_element_type3A_118, %add3A_123 : vector<1x64xf32>
      %jit3A_125 = arith.constant 0.000000e+00 : f32
      %broadcast_in_dim3A_126 = vector.broadcast %jit3A_125 : f32 to vector<1x64xf32>
      %select_n3A_127 = arith.select %gt3A_121, %add3A_124, %broadcast_in_dim3A_126 : vector<1x64xi1>, vector<1x64xf32>
      %reduce_max3A = vector.shape_cast %select_n3A_127 : vector<1x64xf32> to vector<1x1x64xf32>
      %reduce_max3A_128 = arith.constant dense<0xFF800000> : vector<1xf32>
      %reduce_max3A_129 = vector.multi_reduction <maximumf>, %reduce_max3A, %reduce_max3A_128 [1, 2] : vector<1x1x64xf32> to vector<1xf32>
      %reduce_max3A_130 = vector.shape_cast %reduce_max3A_129 : vector<1xf32> to vector<1x1x1xf32>
      %reduce_max3A_131 = vector.extract %reduce_max3A_130[0, 0, 0] : f32 from vector<1x1x1xf32>
      %lt3A_132 = vector.broadcast %reduce_max3A_131 : f32 to vector<1x64xf32>
      %lt3A_133 = arith.cmpf olt, %convert_element_type3A_118, %lt3A_132 : vector<1x64xf32>
      %convert_element_type3A_134 = arith.extui %lt3A_133 : vector<1x64xi1> to vector<1x64xi32>
      %convert_element_type3A_135 = arith.sitofp %convert_element_type3A_134 : vector<1x64xi32> to vector<1x64xf32>
      %dot_general3A_136 = arith.constant dense<0.000000e+00> : vector<64x1xf32>
      %dot_general3A_137 = tpu.matmul %convert_element_type3A_100, %convert_element_type3A_135, %dot_general3A_136 {dimension_numbers = #tpu.dot_dimension_numbers<[1], [1], [0], [0], [0, 0, 1, 0], [], []>, precision = #tpu.contract_precision<fp32>, transpose_lhs_hint = false} : vector<64x64xf32>, vector<1x64xf32>, vector<64x1xf32> -> vector<64x1xf32>
      %mul3A = vector.broadcast %dot_general3A_137 : vector<64x1xf32> to vector<64x64xf32>
      %mul3A_138 = vector.broadcast %convert_element_type3A_135 : vector<1x64xf32> to vector<64x64xf32>
      %mul3A_139 = arith.mulf %mul3A, %mul3A_138 : vector<64x64xf32>
      %get3A_140 = arith.constant 0 : index
      %get3A_141 = arith.constant 0 : index
      %get3A_142 = vector.load %arg4[%get3A_140, %get3A_141] : memref<2x512xf32, #tpu.memory_space<vmem>>, vector<1x512xf32>
      %get3A_143 = arith.constant 1 : index
      %get3A_144 = arith.constant 0 : index
      %get3A_145 = vector.load %arg4[%get3A_143, %get3A_144] : memref<2x512xf32, #tpu.memory_space<vmem>>, vector<1x512xf32>
      %gt3A_146 = arith.constant 0.000000e+00 : f32
      %gt3A_147 = vector.broadcast %gt3A_146 : f32 to vector<64x64xf32>
      %gt3A_148 = arith.cmpf ogt, %add3A_96, %gt3A_147 : vector<64x64xf32>
      %get3A_149 = arith.constant 12 : index
      %get3A_150 = arith.constant 0 : index
      %get3A_151 = arith.constant 0 : index
      %get3A_152 = vector.load %arg2[%get3A_149, %get3A_150, %get3A_151] : memref<16x64x512xf32, #tpu.memory_space<vmem>>, vector<1x64x512xf32>
      %get3A_153 = vector.shape_cast %get3A_152 : vector<1x64x512xf32> to vector<64x512xf32>
      %get3A_154 = arith.constant 0 : index
      %get3A_155 = arith.constant 0 : index
      %get3A_156 = vector.load %arg3[%get3A_154, %get3A_155] : memref<512x512xf32, #tpu.memory_space<vmem>>, vector<512x512xf32>
      %dot_general3A_157 = arith.constant dense<0.000000e+00> : vector<64x512xf32>
      %dot_general3A_158 = tpu.matmul %get3A_153, %get3A_156, %dot_general3A_157 {dimension_numbers = #tpu.dot_dimension_numbers<[1], [0], [0], [1], [0, 0, 1, 1], [], []>, transpose_lhs_hint = false} : vector<64x512xf32>, vector<512x512xf32>, vector<64x512xf32> -> vector<64x512xf32>
      %dot_general3A_159 = arith.constant dense<0.000000e+00> : vector<64x512xf32>
      %dot_general3A_160 = tpu.matmul %add3A_96, %dot_general3A_158, %dot_general3A_159 {dimension_numbers = #tpu.dot_dimension_numbers<[0], [0], [1], [1], [0, 1, 1, 1], [], []>, precision = #tpu.contract_precision<fp32>, transpose_lhs_hint = false} : vector<64x64xf32>, vector<64x512xf32>, vector<64x512xf32> -> vector<64x512xf32>
      %dot_general3A_161 = arith.constant dense<0.000000e+00> : vector<64x1xf32>
      %dot_general3A_162 = tpu.matmul %dot_general3A_158, %get3A_142, %dot_general3A_161 {dimension_numbers = #tpu.dot_dimension_numbers<[1], [1], [0], [0], [0, 0, 1, 0], [], []>, precision = #tpu.contract_precision<fp32>, transpose_lhs_hint = false} : vector<64x512xf32>, vector<1x512xf32>, vector<64x1xf32> -> vector<64x1xf32>
      %dot_general3A_163 = arith.constant dense<0.000000e+00> : vector<1x64xf32>
      %dot_general3A_164 = tpu.matmul %get3A_145, %dot_general3A_160, %dot_general3A_163 {dimension_numbers = #tpu.dot_dimension_numbers<[1], [1], [0], [0], [0, 0, 1, 0], [], []>, precision = #tpu.contract_precision<fp32>, transpose_lhs_hint = false} : vector<1x512xf32>, vector<64x512xf32>, vector<1x64xf32> -> vector<1x64xf32>
      %add3A_165 = vector.broadcast %dot_general3A_162 : vector<64x1xf32> to vector<64x64xf32>
      %add3A_166 = vector.broadcast %dot_general3A_164 : vector<1x64xf32> to vector<64x64xf32>
      %add3A_167 = arith.addf %add3A_165, %add3A_166 : vector<64x64xf32>
      %gt3A_168 = arith.constant 0.000000e+00 : f32
      %gt3A_169 = vector.broadcast %gt3A_168 : f32 to vector<64x64xf32>
      %gt3A_170 = arith.cmpf ogt, %add3A_167, %gt3A_169 : vector<64x64xf32>
      %mul3A_171 = arith.constant 2.000000e-01 : f32
      %mul3A_172 = vector.broadcast %mul3A_171 : f32 to vector<64x64xf32>
      %mul3A_173 = arith.mulf %mul3A_172, %add3A_167 : vector<64x64xf32>
      %select_n3A_174 = arith.select %gt3A_170, %add3A_167, %mul3A_173 : vector<64x64xi1>, vector<64x64xf32>
      %jit3A_175 = arith.constant -3.000000e+38 : f32
      %broadcast_in_dim3A_176 = vector.broadcast %jit3A_175 : f32 to vector<64x64xf32>
      %select_n3A_177 = arith.select %gt3A_148, %select_n3A_174, %broadcast_in_dim3A_176 : vector<64x64xi1>, vector<64x64xf32>
      %reduce_max3A_178 = arith.constant dense<0xFF800000> : vector<64xf32>
      %reduce_max3A_179 = vector.multi_reduction <maximumf>, %select_n3A_177, %reduce_max3A_178 [1] : vector<64x64xf32> to vector<64xf32>
      %broadcast_in_dim3A_180 = vector.shape_cast %reduce_max3A_179 : vector<64xf32> to vector<64x1xf32>
      %sub3A = vector.broadcast %broadcast_in_dim3A_180 : vector<64x1xf32> to vector<64x64xf32>
      %sub3A_181 = arith.subf %select_n3A_174, %sub3A : vector<64x64xf32>
      %jit3A_182 = arith.constant -3.000000e+38 : f32
      %broadcast_in_dim3A_183 = vector.broadcast %jit3A_182 : f32 to vector<64x64xf32>
      %select_n3A_184 = arith.select %gt3A_148, %sub3A_181, %broadcast_in_dim3A_183 : vector<64x64xi1>, vector<64x64xf32>
      %exp3A = math.exp %select_n3A_184 : vector<64x64xf32>
      %mul3A_185 = arith.mulf %add3A_96, %exp3A : vector<64x64xf32>
      %reduce_sum3A_186 = arith.constant dense<0.000000e+00> : vector<64xf32>
      %reduce_sum3A_187 = vector.multi_reduction <add>, %mul3A_185, %reduce_sum3A_186 [1] : vector<64x64xf32> to vector<64xf32>
      %broadcast_in_dim3A_188 = vector.shape_cast %reduce_sum3A_187 : vector<64xf32> to vector<64x1xf32>
      %mul3A_189 = arith.mulf %add3A_96, %exp3A : vector<64x64xf32>
      %add3A_190 = arith.constant 1.000000e-16 : f32
      %add3A_191 = vector.broadcast %add3A_190 : f32 to vector<64x1xf32>
      %add3A_192 = arith.addf %broadcast_in_dim3A_188, %add3A_191 : vector<64x1xf32>
      %div3A_193 = vector.broadcast %add3A_192 : vector<64x1xf32> to vector<64x64xf32>
      %div3A_194 = arith.divf %mul3A_189, %div3A_193 : vector<64x64xf32>
      %dot_general3A_195 = arith.constant dense<0.000000e+00> : vector<64x512xf32>
      %dot_general3A_196 = tpu.matmul %div3A_194, %dot_general3A_158, %dot_general3A_195 {dimension_numbers = #tpu.dot_dimension_numbers<[0], [0], [1], [1], [0, 1, 1, 1], [], []>, precision = #tpu.contract_precision<fp32>, transpose_lhs_hint = false} : vector<64x64xf32>, vector<64x512xf32>, vector<64x512xf32> -> vector<64x512xf32>
      %mul3A_197 = vector.broadcast %select_n3A_116 : vector<64x1xf32> to vector<64x512xf32>
      %mul3A_198 = arith.mulf %mul3A_197, %dot_general3A_196 : vector<64x512xf32>
      %dot_general3A_199 = arith.constant dense<0.000000e+00> : vector<64x512xf32>
      %dot_general3A_200 = tpu.matmul %div3A_194, %mul3A_198, %dot_general3A_199 {dimension_numbers = #tpu.dot_dimension_numbers<[1], [0], [0], [1], [0, 0, 1, 1], [], []>, precision = #tpu.contract_precision<fp32>, transpose_lhs_hint = false} : vector<64x64xf32>, vector<64x512xf32>, vector<64x512xf32> -> vector<64x512xf32>
      %mul3A_201 = vector.broadcast %broadcast_in_dim3A : vector<64x1xf32> to vector<64x512xf32>
      %mul3A_202 = arith.mulf %mul3A_201, %dot_general3A_200 : vector<64x512xf32>
      %swap3A = arith.constant 0 : index
      %swap3A_203 = arith.constant 12 : index
      %swap3A_204 = arith.constant 0 : index
      %swap3A_205 = vector.load %arg7[%swap3A, %swap3A_203, %swap3A_204] : memref<64x16x512xf32, #tpu.memory_space<vmem>>, vector<64x1x512xf32>
      %swap3A_206 = vector.shape_cast %swap3A_205 : vector<64x1x512xf32> to vector<64x512xf32>
      %swap3A_207 = vector.shape_cast %mul3A_202 : vector<64x512xf32> to vector<64x1x512xf32>
      tpu.vector_store %arg7[%swap3A, %swap3A_203, %swap3A_204], %swap3A_207 {strides = array<i32>} : memref<64x16x512xf32, #tpu.memory_space<vmem>>, vector<64x1x512xf32>,
      %reduce_sum3A_208 = arith.constant dense<0.000000e+00> : vector<64xf32>
      %reduce_sum3A_209 = vector.multi_reduction <add>, %dot_general3A_158, %reduce_sum3A_208 [1] : vector<64x512xf32> to vector<64xf32>
      %broadcast_in_dim3A_210 = vector.shape_cast %reduce_sum3A_209 : vector<64xf32> to vector<64x1xf32>
      %mul3A_211 = arith.mulf %broadcast_in_dim3A, %broadcast_in_dim3A_210 : vector<64x1xf32>
      %reduce_sum3A_212 = vector.shape_cast %mul3A_211 : vector<64x1xf32> to vector<1x64x1xf32>
      %reduce_sum3A_213 = arith.constant dense<0.000000e+00> : vector<1xf32>
      %reduce_sum3A_214 = vector.multi_reduction <add>, %reduce_sum3A_212, %reduce_sum3A_213 [1, 2] : vector<1x64x1xf32> to vector<1xf32>
      %reduce_sum3A_215 = vector.shape_cast %reduce_sum3A_214 : vector<1xf32> to vector<1x1x1xf32>
      %reduce_sum3A_216 = vector.extract %reduce_sum3A_215[0, 0, 0] : f32 from vector<1x1x1xf32>
      %reduce_sum3A_217 = arith.constant dense<0.000000e+00> : vector<64xf32>
      %reduce_sum3A_218 = vector.multi_reduction <add>, %dot_general3A_160, %reduce_sum3A_217 [1] : vector<64x512xf32> to vector<64xf32>
      %broadcast_in_dim3A_219 = vector.shape_cast %reduce_sum3A_218 : vector<64xf32> to vector<64x1xf32>
      %mul3A_220 = arith.mulf %dot_general3A_105, %broadcast_in_dim3A_219 : vector<64x1xf32>
      %reduce_sum3A_221 = vector.shape_cast %mul3A_220 : vector<64x1xf32> to vector<1x64x1xf32>
      %reduce_sum3A_222 = arith.constant dense<0.000000e+00> : vector<1xf32>
      %reduce_sum3A_223 = vector.multi_reduction <add>, %reduce_sum3A_221, %reduce_sum3A_222 [1, 2] : vector<1x64x1xf32> to vector<1xf32>
      %reduce_sum3A_224 = vector.shape_cast %reduce_sum3A_223 : vector<1xf32> to vector<1x1x1xf32>
      %reduce_sum3A_225 = vector.extract %reduce_sum3A_224[0, 0, 0] : f32 from vector<1x1x1xf32>
      %dot_general3A_226 = arith.constant dense<0.000000e+00> : vector<64x64xf32>
      %dot_general3A_227 = tpu.matmul %dot_general3A_160, %dot_general3A_160, %dot_general3A_226 {dimension_numbers = #tpu.dot_dimension_numbers<[1], [1], [0], [0], [0, 0, 1, 0], [], []>, precision = #tpu.contract_precision<fp32>, transpose_lhs_hint = false} : vector<64x512xf32>, vector<64x512xf32>, vector<64x64xf32> -> vector<64x64xf32>
      %mul3A_228 = arith.mulf %dot_general3A_160, %dot_general3A_160 : vector<64x512xf32>
      %reduce_sum3A_229 = arith.constant dense<0.000000e+00> : vector<64xf32>
      %reduce_sum3A_230 = vector.multi_reduction <add>, %mul3A_228, %reduce_sum3A_229 [1] : vector<64x512xf32> to vector<64xf32>
      %broadcast_in_dim3A_231 = vector.shape_cast %reduce_sum3A_230 : vector<64xf32> to vector<64x1xf32>
      %dot_general3A_232 = arith.constant dense<0.000000e+00> : vector<1x64xf32>
      %dot_general3A_233 = tpu.matmul %broadcast_in_dim3A_231, %convert_element_type3A_100, %dot_general3A_232 {dimension_numbers = #tpu.dot_dimension_numbers<[0], [0], [1], [1], [0, 1, 1, 1], [], []>, precision = #tpu.contract_precision<fp32>, transpose_lhs_hint = false} : vector<64x1xf32>, vector<64x64xf32>, vector<1x64xf32> -> vector<1x64xf32>
      %sqrt3A = math.sqrt %broadcast_in_dim3A_231 : vector<64x1xf32>
      %sqrt3A_234 = math.sqrt %dot_general3A_233 : vector<1x64xf32>
      %mul3A_235 = vector.broadcast %sqrt3A : vector<64x1xf32> to vector<64x64xf32>
      %mul3A_236 = vector.broadcast %sqrt3A_234 : vector<1x64xf32> to vector<64x64xf32>
      %mul3A_237 = arith.mulf %mul3A_235, %mul3A_236 : vector<64x64xf32>
      %add3A_238 = arith.constant 9.99999993E-9 : f32
      %add3A_239 = vector.broadcast %add3A_238 : f32 to vector<64x64xf32>
      %add3A_240 = arith.addf %mul3A_237, %add3A_239 : vector<64x64xf32>
      %div3A_241 = arith.divf %dot_general3A_227, %add3A_240 : vector<64x64xf32>
      %add3A_242 = vector.broadcast %broadcast_in_dim3A_231 : vector<64x1xf32> to vector<64x64xf32>
      %add3A_243 = vector.broadcast %dot_general3A_233 : vector<1x64xf32> to vector<64x64xf32>
      %add3A_244 = arith.addf %add3A_242, %add3A_243 : vector<64x64xf32>
      %mul3A_245 = arith.constant 2.000000e+00 : f32
      %mul3A_246 = vector.broadcast %mul3A_245 : f32 to vector<64x64xf32>
      %mul3A_247 = arith.mulf %mul3A_246, %dot_general3A_227 : vector<64x64xf32>
      %sub3A_248 = arith.subf %add3A_244, %mul3A_247 : vector<64x64xf32>
      %max3A = arith.constant 0.000000e+00 : f32
      %max3A_249 = vector.broadcast %max3A : f32 to vector<64x64xf32>
      %max3A_250 = arith.maximumf %sub3A_248, %max3A_249 : vector<64x64xf32>
      %sqrt3A_251 = math.sqrt %max3A_250 : vector<64x64xf32>
      %mul3A_252 = arith.mulf %div3A_241, %sqrt3A_251 : vector<64x64xf32>
      %sub3A_253 = arith.constant 1.000000e+00 : f32
      %sub3A_254 = vector.broadcast %sub3A_253 : f32 to vector<64x64xf32>
      %sub3A_255 = arith.subf %sub3A_254, %div3A_241 : vector<64x64xf32>
      %sub3A_256 = arith.constant 4.200000e+00 : f32
      %sub3A_257 = vector.broadcast %sub3A_256 : f32 to vector<64x64xf32>
      %sub3A_258 = arith.subf %sub3A_257, %sqrt3A_251 : vector<64x64xf32>
      %max3A_259 = arith.constant 0.000000e+00 : f32
      %max3A_260 = vector.broadcast %max3A_259 : f32 to vector<64x64xf32>
      %max3A_261 = arith.maximumf %sub3A_258, %max3A_260 : vector<64x64xf32>
      %mul3A_262 = arith.mulf %sub3A_255, %max3A_261 : vector<64x64xf32>
      %add3A_263 = arith.addf %mul3A_252, %mul3A_262 : vector<64x64xf32>
      %get3A_264 = arith.constant 0 : index
      %get3A_265 = memref.load %arg8[%get3A_264] : memref<4xf32, #tpu.memory_space<smem>>
      %mul3A_266 = arith.mulf %mul3A_139, %add3A_263 : vector<64x64xf32>
      %reduce_sum3A_267 = vector.shape_cast %mul3A_266 : vector<64x64xf32> to vector<1x64x64xf32>
      %reduce_sum3A_268 = arith.constant dense<0.000000e+00> : vector<1xf32>
      %reduce_sum3A_269 = vector.multi_reduction <add>, %reduce_sum3A_267, %reduce_sum3A_268 [1, 2] : vector<1x64x64xf32> to vector<1xf32>
      %reduce_sum3A_270 = vector.shape_cast %reduce_sum3A_269 : vector<1xf32> to vector<1x1x1xf32>
      %reduce_sum3A_271 = vector.extract %reduce_sum3A_270[0, 0, 0] : f32 from vector<1x1x1xf32>
      %add3A_272 = arith.addf %get3A_265, %reduce_sum3A_271 : f32
      %swap3A_273 = arith.constant 0 : index
      %swap3A_274 = memref.load %arg8[%swap3A_273] : memref<4xf32, #tpu.memory_space<smem>>
      memref.store %add3A_272, %arg8[%swap3A_273] : memref<4xf32, #tpu.memory_space<smem>>
      %get3A_275 = arith.constant 1 : index
      %get3A_276 = memref.load %arg8[%get3A_275] : memref<4xf32, #tpu.memory_space<smem>>
      %add3A_277 = arith.addf %get3A_276, %reduce_sum3A_216 : f32
      %swap3A_278 = arith.constant 1 : index
      %swap3A_279 = memref.load %arg8[%swap3A_278] : memref<4xf32, #tpu.memory_space<smem>>
      memref.store %add3A_277, %arg8[%swap3A_278] : memref<4xf32, #tpu.memory_space<smem>>
      %get3A_280 = arith.constant 2 : index
      %get3A_281 = memref.load %arg8[%get3A_280] : memref<4xf32, #tpu.memory_space<smem>>
      %add3A_282 = arith.addf %get3A_281, %reduce_sum3A_225 : f32
      %swap3A_283 = arith.constant 2 : index
      %swap3A_284 = memref.load %arg8[%swap3A_283] : memref<4xf32, #tpu.memory_space<smem>>
      memref.store %add3A_282, %arg8[%swap3A_283] : memref<4xf32, #tpu.memory_space<smem>>
    } else {
    }
    %eq3A_67 = arith.constant 5 : i32
    %eq3A_68 = arith.cmpi eq, %arg0, %eq3A_67 : i32
    %convert_element_type3A_69 = arith.extui %eq3A_68 : i1 to i32
    %cond3A_70 = arith.constant 0 : i32
    %cond3A_71 = arith.cmpi ne, %convert_element_type3A_69, %cond3A_70 : i32
    scf.if %cond3A_71 {
      %get3A = arith.constant 0 : index
      %get3A_91 = arith.constant 0 : index
      %get3A_92 = arith.constant 0 : index
      %get3A_93 = vector.load %arg1[%get3A, %get3A_91, %get3A_92] : memref<1x64x64xf32, #tpu.memory_space<vmem>>, vector<1x64x64xf32>
      %get3A_94 = vector.shape_cast %get3A_93 : vector<1x64x64xf32> to vector<64x64xf32>
      %add3A = arith.constant 0.000000e+00 : f32
      %add3A_95 = vector.broadcast %add3A : f32 to vector<64x64xf32>
      %add3A_96 = arith.addf %add3A_95, %get3A_94 : vector<64x64xf32>
      %iota3A = tpu.iota {dimensions = array<i32: 0>} : vector<64x64xi32>
      %iota3A_97 = tpu.iota {dimensions = array<i32: 1>} : vector<64x64xi32>
      %eq3A_98 = arith.cmpi eq, %iota3A, %iota3A_97 : vector<64x64xi32>
      %convert_element_type3A_99 = arith.extui %eq3A_98 : vector<64x64xi1> to vector<64x64xi32>
      %convert_element_type3A_100 = arith.sitofp %convert_element_type3A_99 : vector<64x64xi32> to vector<64x64xf32>
      %reduce_sum3A = arith.constant dense<0.000000e+00> : vector<64xf32>
      %reduce_sum3A_101 = vector.multi_reduction <add>, %add3A_96, %reduce_sum3A [1] : vector<64x64xf32> to vector<64xf32>
      %broadcast_in_dim3A = vector.shape_cast %reduce_sum3A_101 : vector<64xf32> to vector<64x1xf32>
      %reduce_sum3A_102 = arith.constant dense<0.000000e+00> : vector<64xf32>
      %reduce_sum3A_103 = vector.multi_reduction <add>, %add3A_96, %reduce_sum3A_102 [0] : vector<64x64xf32> to vector<64xf32>
      %broadcast_in_dim3A_104 = vector.shape_cast %reduce_sum3A_103 : vector<64xf32> to vector<1x64xf32>
      %dot_general3A = arith.constant dense<0.000000e+00> : vector<64x1xf32>
      %dot_general3A_105 = tpu.matmul %convert_element_type3A_100, %broadcast_in_dim3A_104, %dot_general3A {dimension_numbers = #tpu.dot_dimension_numbers<[1], [1], [0], [0], [0, 0, 1, 0], [], []>, precision = #tpu.contract_precision<fp32>, transpose_lhs_hint = false} : vector<64x64xf32>, vector<1x64xf32>, vector<64x1xf32> -> vector<64x1xf32>
      %gt3A = arith.constant 0.000000e+00 : f32
      %gt3A_106 = vector.broadcast %gt3A : f32 to vector<64x1xf32>
      %gt3A_107 = arith.cmpf ogt, %dot_general3A_105, %gt3A_106 : vector<64x1xf32>
      %gt3A_108 = arith.constant 0.000000e+00 : f32
      %gt3A_109 = vector.broadcast %gt3A_108 : f32 to vector<64x1xf32>
      %gt3A_110 = arith.cmpf ogt, %dot_general3A_105, %gt3A_109 : vector<64x1xf32>
      %jit3A = arith.constant 1.000000e+00 : f32
      %broadcast_in_dim3A_111 = vector.broadcast %jit3A : f32 to vector<64x1xf32>
      %select_n3A = arith.select %gt3A_110, %dot_general3A_105, %broadcast_in_dim3A_111 : vector<64x1xi1>, vector<64x1xf32>
      %div3A = arith.constant 1.000000e+00 : f32
      %div3A_112 = vector.broadcast %div3A : f32 to vector<64x1xf32>
      %div3A_113 = arith.divf %div3A_112, %select_n3A : vector<64x1xf32>
      %jit3A_114 = arith.constant 0.000000e+00 : f32
      %broadcast_in_dim3A_115 = vector.broadcast %jit3A_114 : f32 to vector<64x1xf32>
      %select_n3A_116 = arith.select %gt3A_107, %div3A_113, %broadcast_in_dim3A_115 : vector<64x1xi1>, vector<64x1xf32>
      %iota3A_117 = tpu.iota {dimensions = array<i32: 1>} : vector<1x64xi32>
      %convert_element_type3A_118 = arith.sitofp %iota3A_117 : vector<1x64xi32> to vector<1x64xf32>
      %gt3A_119 = arith.constant 0.000000e+00 : f32
      %gt3A_120 = vector.broadcast %gt3A_119 : f32 to vector<1x64xf32>
      %gt3A_121 = arith.cmpf ogt, %broadcast_in_dim3A_104, %gt3A_120 : vector<1x64xf32>
      %add3A_122 = arith.constant 1.000000e+00 : f32
      %add3A_123 = vector.broadcast %add3A_122 : f32 to vector<1x64xf32>
      %add3A_124 = arith.addf %convert_element_type3A_118, %add3A_123 : vector<1x64xf32>
      %jit3A_125 = arith.constant 0.000000e+00 : f32
      %broadcast_in_dim3A_126 = vector.broadcast %jit3A_125 : f32 to vector<1x64xf32>
      %select_n3A_127 = arith.select %gt3A_121, %add3A_124, %broadcast_in_dim3A_126 : vector<1x64xi1>, vector<1x64xf32>
      %reduce_max3A = vector.shape_cast %select_n3A_127 : vector<1x64xf32> to vector<1x1x64xf32>
      %reduce_max3A_128 = arith.constant dense<0xFF800000> : vector<1xf32>
      %reduce_max3A_129 = vector.multi_reduction <maximumf>, %reduce_max3A, %reduce_max3A_128 [1, 2] : vector<1x1x64xf32> to vector<1xf32>
      %reduce_max3A_130 = vector.shape_cast %reduce_max3A_129 : vector<1xf32> to vector<1x1x1xf32>
      %reduce_max3A_131 = vector.extract %reduce_max3A_130[0, 0, 0] : f32 from vector<1x1x1xf32>
      %lt3A_132 = vector.broadcast %reduce_max3A_131 : f32 to vector<1x64xf32>
      %lt3A_133 = arith.cmpf olt, %convert_element_type3A_118, %lt3A_132 : vector<1x64xf32>
      %convert_element_type3A_134 = arith.extui %lt3A_133 : vector<1x64xi1> to vector<1x64xi32>
      %convert_element_type3A_135 = arith.sitofp %convert_element_type3A_134 : vector<1x64xi32> to vector<1x64xf32>
      %dot_general3A_136 = arith.constant dense<0.000000e+00> : vector<64x1xf32>
      %dot_general3A_137 = tpu.matmul %convert_element_type3A_100, %convert_element_type3A_135, %dot_general3A_136 {dimension_numbers = #tpu.dot_dimension_numbers<[1], [1], [0], [0], [0, 0, 1, 0], [], []>, precision = #tpu.contract_precision<fp32>, transpose_lhs_hint = false} : vector<64x64xf32>, vector<1x64xf32>, vector<64x1xf32> -> vector<64x1xf32>
      %mul3A = vector.broadcast %dot_general3A_137 : vector<64x1xf32> to vector<64x64xf32>
      %mul3A_138 = vector.broadcast %convert_element_type3A_135 : vector<1x64xf32> to vector<64x64xf32>
      %mul3A_139 = arith.mulf %mul3A, %mul3A_138 : vector<64x64xf32>
      %get3A_140 = arith.constant 0 : index
      %get3A_141 = arith.constant 0 : index
      %get3A_142 = vector.load %arg4[%get3A_140, %get3A_141] : memref<2x512xf32, #tpu.memory_space<vmem>>, vector<1x512xf32>
      %get3A_143 = arith.constant 1 : index
      %get3A_144 = arith.constant 0 : index
      %get3A_145 = vector.load %arg4[%get3A_143, %get3A_144] : memref<2x512xf32, #tpu.memory_space<vmem>>, vector<1x512xf32>
      %gt3A_146 = arith.constant 0.000000e+00 : f32
      %gt3A_147 = vector.broadcast %gt3A_146 : f32 to vector<64x64xf32>
      %gt3A_148 = arith.cmpf ogt, %add3A_96, %gt3A_147 : vector<64x64xf32>
      %get3A_149 = arith.constant 13 : index
      %get3A_150 = arith.constant 0 : index
      %get3A_151 = arith.constant 0 : index
      %get3A_152 = vector.load %arg2[%get3A_149, %get3A_150, %get3A_151] : memref<16x64x512xf32, #tpu.memory_space<vmem>>, vector<1x64x512xf32>
      %get3A_153 = vector.shape_cast %get3A_152 : vector<1x64x512xf32> to vector<64x512xf32>
      %get3A_154 = arith.constant 0 : index
      %get3A_155 = arith.constant 0 : index
      %get3A_156 = vector.load %arg3[%get3A_154, %get3A_155] : memref<512x512xf32, #tpu.memory_space<vmem>>, vector<512x512xf32>
      %dot_general3A_157 = arith.constant dense<0.000000e+00> : vector<64x512xf32>
      %dot_general3A_158 = tpu.matmul %get3A_153, %get3A_156, %dot_general3A_157 {dimension_numbers = #tpu.dot_dimension_numbers<[1], [0], [0], [1], [0, 0, 1, 1], [], []>, transpose_lhs_hint = false} : vector<64x512xf32>, vector<512x512xf32>, vector<64x512xf32> -> vector<64x512xf32>
      %dot_general3A_159 = arith.constant dense<0.000000e+00> : vector<64x512xf32>
      %dot_general3A_160 = tpu.matmul %add3A_96, %dot_general3A_158, %dot_general3A_159 {dimension_numbers = #tpu.dot_dimension_numbers<[0], [0], [1], [1], [0, 1, 1, 1], [], []>, precision = #tpu.contract_precision<fp32>, transpose_lhs_hint = false} : vector<64x64xf32>, vector<64x512xf32>, vector<64x512xf32> -> vector<64x512xf32>
      %dot_general3A_161 = arith.constant dense<0.000000e+00> : vector<64x1xf32>
      %dot_general3A_162 = tpu.matmul %dot_general3A_158, %get3A_142, %dot_general3A_161 {dimension_numbers = #tpu.dot_dimension_numbers<[1], [1], [0], [0], [0, 0, 1, 0], [], []>, precision = #tpu.contract_precision<fp32>, transpose_lhs_hint = false} : vector<64x512xf32>, vector<1x512xf32>, vector<64x1xf32> -> vector<64x1xf32>
      %dot_general3A_163 = arith.constant dense<0.000000e+00> : vector<1x64xf32>
      %dot_general3A_164 = tpu.matmul %get3A_145, %dot_general3A_160, %dot_general3A_163 {dimension_numbers = #tpu.dot_dimension_numbers<[1], [1], [0], [0], [0, 0, 1, 0], [], []>, precision = #tpu.contract_precision<fp32>, transpose_lhs_hint = false} : vector<1x512xf32>, vector<64x512xf32>, vector<1x64xf32> -> vector<1x64xf32>
      %add3A_165 = vector.broadcast %dot_general3A_162 : vector<64x1xf32> to vector<64x64xf32>
      %add3A_166 = vector.broadcast %dot_general3A_164 : vector<1x64xf32> to vector<64x64xf32>
      %add3A_167 = arith.addf %add3A_165, %add3A_166 : vector<64x64xf32>
      %gt3A_168 = arith.constant 0.000000e+00 : f32
      %gt3A_169 = vector.broadcast %gt3A_168 : f32 to vector<64x64xf32>
      %gt3A_170 = arith.cmpf ogt, %add3A_167, %gt3A_169 : vector<64x64xf32>
      %mul3A_171 = arith.constant 2.000000e-01 : f32
      %mul3A_172 = vector.broadcast %mul3A_171 : f32 to vector<64x64xf32>
      %mul3A_173 = arith.mulf %mul3A_172, %add3A_167 : vector<64x64xf32>
      %select_n3A_174 = arith.select %gt3A_170, %add3A_167, %mul3A_173 : vector<64x64xi1>, vector<64x64xf32>
      %jit3A_175 = arith.constant -3.000000e+38 : f32
      %broadcast_in_dim3A_176 = vector.broadcast %jit3A_175 : f32 to vector<64x64xf32>
      %select_n3A_177 = arith.select %gt3A_148, %select_n3A_174, %broadcast_in_dim3A_176 : vector<64x64xi1>, vector<64x64xf32>
      %reduce_max3A_178 = arith.constant dense<0xFF800000> : vector<64xf32>
      %reduce_max3A_179 = vector.multi_reduction <maximumf>, %select_n3A_177, %reduce_max3A_178 [1] : vector<64x64xf32> to vector<64xf32>
      %broadcast_in_dim3A_180 = vector.shape_cast %reduce_max3A_179 : vector<64xf32> to vector<64x1xf32>
      %sub3A = vector.broadcast %broadcast_in_dim3A_180 : vector<64x1xf32> to vector<64x64xf32>
      %sub3A_181 = arith.subf %select_n3A_174, %sub3A : vector<64x64xf32>
      %jit3A_182 = arith.constant -3.000000e+38 : f32
      %broadcast_in_dim3A_183 = vector.broadcast %jit3A_182 : f32 to vector<64x64xf32>
      %select_n3A_184 = arith.select %gt3A_148, %sub3A_181, %broadcast_in_dim3A_183 : vector<64x64xi1>, vector<64x64xf32>
      %exp3A = math.exp %select_n3A_184 : vector<64x64xf32>
      %mul3A_185 = arith.mulf %add3A_96, %exp3A : vector<64x64xf32>
      %reduce_sum3A_186 = arith.constant dense<0.000000e+00> : vector<64xf32>
      %reduce_sum3A_187 = vector.multi_reduction <add>, %mul3A_185, %reduce_sum3A_186 [1] : vector<64x64xf32> to vector<64xf32>
      %broadcast_in_dim3A_188 = vector.shape_cast %reduce_sum3A_187 : vector<64xf32> to vector<64x1xf32>
      %mul3A_189 = arith.mulf %add3A_96, %exp3A : vector<64x64xf32>
      %add3A_190 = arith.constant 1.000000e-16 : f32
      %add3A_191 = vector.broadcast %add3A_190 : f32 to vector<64x1xf32>
      %add3A_192 = arith.addf %broadcast_in_dim3A_188, %add3A_191 : vector<64x1xf32>
      %div3A_193 = vector.broadcast %add3A_192 : vector<64x1xf32> to vector<64x64xf32>
      %div3A_194 = arith.divf %mul3A_189, %div3A_193 : vector<64x64xf32>
      %dot_general3A_195 = arith.constant dense<0.000000e+00> : vector<64x512xf32>
      %dot_general3A_196 = tpu.matmul %div3A_194, %dot_general3A_158, %dot_general3A_195 {dimension_numbers = #tpu.dot_dimension_numbers<[0], [0], [1], [1], [0, 1, 1, 1], [], []>, precision = #tpu.contract_precision<fp32>, transpose_lhs_hint = false} : vector<64x64xf32>, vector<64x512xf32>, vector<64x512xf32> -> vector<64x512xf32>
      %mul3A_197 = vector.broadcast %select_n3A_116 : vector<64x1xf32> to vector<64x512xf32>
      %mul3A_198 = arith.mulf %mul3A_197, %dot_general3A_196 : vector<64x512xf32>
      %dot_general3A_199 = arith.constant dense<0.000000e+00> : vector<64x512xf32>
      %dot_general3A_200 = tpu.matmul %div3A_194, %mul3A_198, %dot_general3A_199 {dimension_numbers = #tpu.dot_dimension_numbers<[1], [0], [0], [1], [0, 0, 1, 1], [], []>, precision = #tpu.contract_precision<fp32>, transpose_lhs_hint = false} : vector<64x64xf32>, vector<64x512xf32>, vector<64x512xf32> -> vector<64x512xf32>
      %mul3A_201 = vector.broadcast %broadcast_in_dim3A : vector<64x1xf32> to vector<64x512xf32>
      %mul3A_202 = arith.mulf %mul3A_201, %dot_general3A_200 : vector<64x512xf32>
      %swap3A = arith.constant 0 : index
      %swap3A_203 = arith.constant 13 : index
      %swap3A_204 = arith.constant 0 : index
      %swap3A_205 = vector.load %arg7[%swap3A, %swap3A_203, %swap3A_204] : memref<64x16x512xf32, #tpu.memory_space<vmem>>, vector<64x1x512xf32>
      %swap3A_206 = vector.shape_cast %swap3A_205 : vector<64x1x512xf32> to vector<64x512xf32>
      %swap3A_207 = vector.shape_cast %mul3A_202 : vector<64x512xf32> to vector<64x1x512xf32>
      tpu.vector_store %arg7[%swap3A, %swap3A_203, %swap3A_204], %swap3A_207 {strides = array<i32>} : memref<64x16x512xf32, #tpu.memory_space<vmem>>, vector<64x1x512xf32>,
      %reduce_sum3A_208 = arith.constant dense<0.000000e+00> : vector<64xf32>
      %reduce_sum3A_209 = vector.multi_reduction <add>, %dot_general3A_158, %reduce_sum3A_208 [1] : vector<64x512xf32> to vector<64xf32>
      %broadcast_in_dim3A_210 = vector.shape_cast %reduce_sum3A_209 : vector<64xf32> to vector<64x1xf32>
      %mul3A_211 = arith.mulf %broadcast_in_dim3A, %broadcast_in_dim3A_210 : vector<64x1xf32>
      %reduce_sum3A_212 = vector.shape_cast %mul3A_211 : vector<64x1xf32> to vector<1x64x1xf32>
      %reduce_sum3A_213 = arith.constant dense<0.000000e+00> : vector<1xf32>
      %reduce_sum3A_214 = vector.multi_reduction <add>, %reduce_sum3A_212, %reduce_sum3A_213 [1, 2] : vector<1x64x1xf32> to vector<1xf32>
      %reduce_sum3A_215 = vector.shape_cast %reduce_sum3A_214 : vector<1xf32> to vector<1x1x1xf32>
      %reduce_sum3A_216 = vector.extract %reduce_sum3A_215[0, 0, 0] : f32 from vector<1x1x1xf32>
      %reduce_sum3A_217 = arith.constant dense<0.000000e+00> : vector<64xf32>
      %reduce_sum3A_218 = vector.multi_reduction <add>, %dot_general3A_160, %reduce_sum3A_217 [1] : vector<64x512xf32> to vector<64xf32>
      %broadcast_in_dim3A_219 = vector.shape_cast %reduce_sum3A_218 : vector<64xf32> to vector<64x1xf32>
      %mul3A_220 = arith.mulf %dot_general3A_105, %broadcast_in_dim3A_219 : vector<64x1xf32>
      %reduce_sum3A_221 = vector.shape_cast %mul3A_220 : vector<64x1xf32> to vector<1x64x1xf32>
      %reduce_sum3A_222 = arith.constant dense<0.000000e+00> : vector<1xf32>
      %reduce_sum3A_223 = vector.multi_reduction <add>, %reduce_sum3A_221, %reduce_sum3A_222 [1, 2] : vector<1x64x1xf32> to vector<1xf32>
      %reduce_sum3A_224 = vector.shape_cast %reduce_sum3A_223 : vector<1xf32> to vector<1x1x1xf32>
      %reduce_sum3A_225 = vector.extract %reduce_sum3A_224[0, 0, 0] : f32 from vector<1x1x1xf32>
      %dot_general3A_226 = arith.constant dense<0.000000e+00> : vector<64x64xf32>
      %dot_general3A_227 = tpu.matmul %dot_general3A_160, %dot_general3A_160, %dot_general3A_226 {dimension_numbers = #tpu.dot_dimension_numbers<[1], [1], [0], [0], [0, 0, 1, 0], [], []>, precision = #tpu.contract_precision<fp32>, transpose_lhs_hint = false} : vector<64x512xf32>, vector<64x512xf32>, vector<64x64xf32> -> vector<64x64xf32>
      %mul3A_228 = arith.mulf %dot_general3A_160, %dot_general3A_160 : vector<64x512xf32>
      %reduce_sum3A_229 = arith.constant dense<0.000000e+00> : vector<64xf32>
      %reduce_sum3A_230 = vector.multi_reduction <add>, %mul3A_228, %reduce_sum3A_229 [1] : vector<64x512xf32> to vector<64xf32>
      %broadcast_in_dim3A_231 = vector.shape_cast %reduce_sum3A_230 : vector<64xf32> to vector<64x1xf32>
      %dot_general3A_232 = arith.constant dense<0.000000e+00> : vector<1x64xf32>
      %dot_general3A_233 = tpu.matmul %broadcast_in_dim3A_231, %convert_element_type3A_100, %dot_general3A_232 {dimension_numbers = #tpu.dot_dimension_numbers<[0], [0], [1], [1], [0, 1, 1, 1], [], []>, precision = #tpu.contract_precision<fp32>, transpose_lhs_hint = false} : vector<64x1xf32>, vector<64x64xf32>, vector<1x64xf32> -> vector<1x64xf32>
      %sqrt3A = math.sqrt %broadcast_in_dim3A_231 : vector<64x1xf32>
      %sqrt3A_234 = math.sqrt %dot_general3A_233 : vector<1x64xf32>
      %mul3A_235 = vector.broadcast %sqrt3A : vector<64x1xf32> to vector<64x64xf32>
      %mul3A_236 = vector.broadcast %sqrt3A_234 : vector<1x64xf32> to vector<64x64xf32>
      %mul3A_237 = arith.mulf %mul3A_235, %mul3A_236 : vector<64x64xf32>
      %add3A_238 = arith.constant 9.99999993E-9 : f32
      %add3A_239 = vector.broadcast %add3A_238 : f32 to vector<64x64xf32>
      %add3A_240 = arith.addf %mul3A_237, %add3A_239 : vector<64x64xf32>
      %div3A_241 = arith.divf %dot_general3A_227, %add3A_240 : vector<64x64xf32>
      %add3A_242 = vector.broadcast %broadcast_in_dim3A_231 : vector<64x1xf32> to vector<64x64xf32>
      %add3A_243 = vector.broadcast %dot_general3A_233 : vector<1x64xf32> to vector<64x64xf32>
      %add3A_244 = arith.addf %add3A_242, %add3A_243 : vector<64x64xf32>
      %mul3A_245 = arith.constant 2.000000e+00 : f32
      %mul3A_246 = vector.broadcast %mul3A_245 : f32 to vector<64x64xf32>
      %mul3A_247 = arith.mulf %mul3A_246, %dot_general3A_227 : vector<64x64xf32>
      %sub3A_248 = arith.subf %add3A_244, %mul3A_247 : vector<64x64xf32>
      %max3A = arith.constant 0.000000e+00 : f32
      %max3A_249 = vector.broadcast %max3A : f32 to vector<64x64xf32>
      %max3A_250 = arith.maximumf %sub3A_248, %max3A_249 : vector<64x64xf32>
      %sqrt3A_251 = math.sqrt %max3A_250 : vector<64x64xf32>
      %mul3A_252 = arith.mulf %div3A_241, %sqrt3A_251 : vector<64x64xf32>
      %sub3A_253 = arith.constant 1.000000e+00 : f32
      %sub3A_254 = vector.broadcast %sub3A_253 : f32 to vector<64x64xf32>
      %sub3A_255 = arith.subf %sub3A_254, %div3A_241 : vector<64x64xf32>
      %sub3A_256 = arith.constant 4.200000e+00 : f32
      %sub3A_257 = vector.broadcast %sub3A_256 : f32 to vector<64x64xf32>
      %sub3A_258 = arith.subf %sub3A_257, %sqrt3A_251 : vector<64x64xf32>
      %max3A_259 = arith.constant 0.000000e+00 : f32
      %max3A_260 = vector.broadcast %max3A_259 : f32 to vector<64x64xf32>
      %max3A_261 = arith.maximumf %sub3A_258, %max3A_260 : vector<64x64xf32>
      %mul3A_262 = arith.mulf %sub3A_255, %max3A_261 : vector<64x64xf32>
      %add3A_263 = arith.addf %mul3A_252, %mul3A_262 : vector<64x64xf32>
      %get3A_264 = arith.constant 0 : index
      %get3A_265 = memref.load %arg8[%get3A_264] : memref<4xf32, #tpu.memory_space<smem>>
      %mul3A_266 = arith.mulf %mul3A_139, %add3A_263 : vector<64x64xf32>
      %reduce_sum3A_267 = vector.shape_cast %mul3A_266 : vector<64x64xf32> to vector<1x64x64xf32>
      %reduce_sum3A_268 = arith.constant dense<0.000000e+00> : vector<1xf32>
      %reduce_sum3A_269 = vector.multi_reduction <add>, %reduce_sum3A_267, %reduce_sum3A_268 [1, 2] : vector<1x64x64xf32> to vector<1xf32>
      %reduce_sum3A_270 = vector.shape_cast %reduce_sum3A_269 : vector<1xf32> to vector<1x1x1xf32>
      %reduce_sum3A_271 = vector.extract %reduce_sum3A_270[0, 0, 0] : f32 from vector<1x1x1xf32>
      %add3A_272 = arith.addf %get3A_265, %reduce_sum3A_271 : f32
      %swap3A_273 = arith.constant 0 : index
      %swap3A_274 = memref.load %arg8[%swap3A_273] : memref<4xf32, #tpu.memory_space<smem>>
      memref.store %add3A_272, %arg8[%swap3A_273] : memref<4xf32, #tpu.memory_space<smem>>
      %get3A_275 = arith.constant 1 : index
      %get3A_276 = memref.load %arg8[%get3A_275] : memref<4xf32, #tpu.memory_space<smem>>
      %add3A_277 = arith.addf %get3A_276, %reduce_sum3A_216 : f32
      %swap3A_278 = arith.constant 1 : index
      %swap3A_279 = memref.load %arg8[%swap3A_278] : memref<4xf32, #tpu.memory_space<smem>>
      memref.store %add3A_277, %arg8[%swap3A_278] : memref<4xf32, #tpu.memory_space<smem>>
      %get3A_280 = arith.constant 2 : index
      %get3A_281 = memref.load %arg8[%get3A_280] : memref<4xf32, #tpu.memory_space<smem>>
      %add3A_282 = arith.addf %get3A_281, %reduce_sum3A_225 : f32
      %swap3A_283 = arith.constant 2 : index
      %swap3A_284 = memref.load %arg8[%swap3A_283] : memref<4xf32, #tpu.memory_space<smem>>
      memref.store %add3A_282, %arg8[%swap3A_283] : memref<4xf32, #tpu.memory_space<smem>>
    } else {
    }
    %eq3A_72 = arith.constant 6 : i32
    %eq3A_73 = arith.cmpi eq, %arg0, %eq3A_72 : i32
    %convert_element_type3A_74 = arith.extui %eq3A_73 : i1 to i32
    %cond3A_75 = arith.constant 0 : i32
    %cond3A_76 = arith.cmpi ne, %convert_element_type3A_74, %cond3A_75 : i32
    scf.if %cond3A_76 {
      %get3A = arith.constant 0 : index
      %get3A_91 = arith.constant 0 : index
      %get3A_92 = arith.constant 0 : index
      %get3A_93 = vector.load %arg1[%get3A, %get3A_91, %get3A_92] : memref<1x64x64xf32, #tpu.memory_space<vmem>>, vector<1x64x64xf32>
      %get3A_94 = vector.shape_cast %get3A_93 : vector<1x64x64xf32> to vector<64x64xf32>
      %add3A = arith.constant 0.000000e+00 : f32
      %add3A_95 = vector.broadcast %add3A : f32 to vector<64x64xf32>
      %add3A_96 = arith.addf %add3A_95, %get3A_94 : vector<64x64xf32>
      %iota3A = tpu.iota {dimensions = array<i32: 0>} : vector<64x64xi32>
      %iota3A_97 = tpu.iota {dimensions = array<i32: 1>} : vector<64x64xi32>
      %eq3A_98 = arith.cmpi eq, %iota3A, %iota3A_97 : vector<64x64xi32>
      %convert_element_type3A_99 = arith.extui %eq3A_98 : vector<64x64xi1> to vector<64x64xi32>
      %convert_element_type3A_100 = arith.sitofp %convert_element_type3A_99 : vector<64x64xi32> to vector<64x64xf32>
      %reduce_sum3A = arith.constant dense<0.000000e+00> : vector<64xf32>
      %reduce_sum3A_101 = vector.multi_reduction <add>, %add3A_96, %reduce_sum3A [1] : vector<64x64xf32> to vector<64xf32>
      %broadcast_in_dim3A = vector.shape_cast %reduce_sum3A_101 : vector<64xf32> to vector<64x1xf32>
      %reduce_sum3A_102 = arith.constant dense<0.000000e+00> : vector<64xf32>
      %reduce_sum3A_103 = vector.multi_reduction <add>, %add3A_96, %reduce_sum3A_102 [0] : vector<64x64xf32> to vector<64xf32>
      %broadcast_in_dim3A_104 = vector.shape_cast %reduce_sum3A_103 : vector<64xf32> to vector<1x64xf32>
      %dot_general3A = arith.constant dense<0.000000e+00> : vector<64x1xf32>
      %dot_general3A_105 = tpu.matmul %convert_element_type3A_100, %broadcast_in_dim3A_104, %dot_general3A {dimension_numbers = #tpu.dot_dimension_numbers<[1], [1], [0], [0], [0, 0, 1, 0], [], []>, precision = #tpu.contract_precision<fp32>, transpose_lhs_hint = false} : vector<64x64xf32>, vector<1x64xf32>, vector<64x1xf32> -> vector<64x1xf32>
      %gt3A = arith.constant 0.000000e+00 : f32
      %gt3A_106 = vector.broadcast %gt3A : f32 to vector<64x1xf32>
      %gt3A_107 = arith.cmpf ogt, %dot_general3A_105, %gt3A_106 : vector<64x1xf32>
      %gt3A_108 = arith.constant 0.000000e+00 : f32
      %gt3A_109 = vector.broadcast %gt3A_108 : f32 to vector<64x1xf32>
      %gt3A_110 = arith.cmpf ogt, %dot_general3A_105, %gt3A_109 : vector<64x1xf32>
      %jit3A = arith.constant 1.000000e+00 : f32
      %broadcast_in_dim3A_111 = vector.broadcast %jit3A : f32 to vector<64x1xf32>
      %select_n3A = arith.select %gt3A_110, %dot_general3A_105, %broadcast_in_dim3A_111 : vector<64x1xi1>, vector<64x1xf32>
      %div3A = arith.constant 1.000000e+00 : f32
      %div3A_112 = vector.broadcast %div3A : f32 to vector<64x1xf32>
      %div3A_113 = arith.divf %div3A_112, %select_n3A : vector<64x1xf32>
      %jit3A_114 = arith.constant 0.000000e+00 : f32
      %broadcast_in_dim3A_115 = vector.broadcast %jit3A_114 : f32 to vector<64x1xf32>
      %select_n3A_116 = arith.select %gt3A_107, %div3A_113, %broadcast_in_dim3A_115 : vector<64x1xi1>, vector<64x1xf32>
      %iota3A_117 = tpu.iota {dimensions = array<i32: 1>} : vector<1x64xi32>
      %convert_element_type3A_118 = arith.sitofp %iota3A_117 : vector<1x64xi32> to vector<1x64xf32>
      %gt3A_119 = arith.constant 0.000000e+00 : f32
      %gt3A_120 = vector.broadcast %gt3A_119 : f32 to vector<1x64xf32>
      %gt3A_121 = arith.cmpf ogt, %broadcast_in_dim3A_104, %gt3A_120 : vector<1x64xf32>
      %add3A_122 = arith.constant 1.000000e+00 : f32
      %add3A_123 = vector.broadcast %add3A_122 : f32 to vector<1x64xf32>
      %add3A_124 = arith.addf %convert_element_type3A_118, %add3A_123 : vector<1x64xf32>
      %jit3A_125 = arith.constant 0.000000e+00 : f32
      %broadcast_in_dim3A_126 = vector.broadcast %jit3A_125 : f32 to vector<1x64xf32>
      %select_n3A_127 = arith.select %gt3A_121, %add3A_124, %broadcast_in_dim3A_126 : vector<1x64xi1>, vector<1x64xf32>
      %reduce_max3A = vector.shape_cast %select_n3A_127 : vector<1x64xf32> to vector<1x1x64xf32>
      %reduce_max3A_128 = arith.constant dense<0xFF800000> : vector<1xf32>
      %reduce_max3A_129 = vector.multi_reduction <maximumf>, %reduce_max3A, %reduce_max3A_128 [1, 2] : vector<1x1x64xf32> to vector<1xf32>
      %reduce_max3A_130 = vector.shape_cast %reduce_max3A_129 : vector<1xf32> to vector<1x1x1xf32>
      %reduce_max3A_131 = vector.extract %reduce_max3A_130[0, 0, 0] : f32 from vector<1x1x1xf32>
      %lt3A_132 = vector.broadcast %reduce_max3A_131 : f32 to vector<1x64xf32>
      %lt3A_133 = arith.cmpf olt, %convert_element_type3A_118, %lt3A_132 : vector<1x64xf32>
      %convert_element_type3A_134 = arith.extui %lt3A_133 : vector<1x64xi1> to vector<1x64xi32>
      %convert_element_type3A_135 = arith.sitofp %convert_element_type3A_134 : vector<1x64xi32> to vector<1x64xf32>
      %dot_general3A_136 = arith.constant dense<0.000000e+00> : vector<64x1xf32>
      %dot_general3A_137 = tpu.matmul %convert_element_type3A_100, %convert_element_type3A_135, %dot_general3A_136 {dimension_numbers = #tpu.dot_dimension_numbers<[1], [1], [0], [0], [0, 0, 1, 0], [], []>, precision = #tpu.contract_precision<fp32>, transpose_lhs_hint = false} : vector<64x64xf32>, vector<1x64xf32>, vector<64x1xf32> -> vector<64x1xf32>
      %mul3A = vector.broadcast %dot_general3A_137 : vector<64x1xf32> to vector<64x64xf32>
      %mul3A_138 = vector.broadcast %convert_element_type3A_135 : vector<1x64xf32> to vector<64x64xf32>
      %mul3A_139 = arith.mulf %mul3A, %mul3A_138 : vector<64x64xf32>
      %get3A_140 = arith.constant 0 : index
      %get3A_141 = arith.constant 0 : index
      %get3A_142 = vector.load %arg4[%get3A_140, %get3A_141] : memref<2x512xf32, #tpu.memory_space<vmem>>, vector<1x512xf32>
      %get3A_143 = arith.constant 1 : index
      %get3A_144 = arith.constant 0 : index
      %get3A_145 = vector.load %arg4[%get3A_143, %get3A_144] : memref<2x512xf32, #tpu.memory_space<vmem>>, vector<1x512xf32>
      %gt3A_146 = arith.constant 0.000000e+00 : f32
      %gt3A_147 = vector.broadcast %gt3A_146 : f32 to vector<64x64xf32>
      %gt3A_148 = arith.cmpf ogt, %add3A_96, %gt3A_147 : vector<64x64xf32>
      %get3A_149 = arith.constant 14 : index
      %get3A_150 = arith.constant 0 : index
      %get3A_151 = arith.constant 0 : index
      %get3A_152 = vector.load %arg2[%get3A_149, %get3A_150, %get3A_151] : memref<16x64x512xf32, #tpu.memory_space<vmem>>, vector<1x64x512xf32>
      %get3A_153 = vector.shape_cast %get3A_152 : vector<1x64x512xf32> to vector<64x512xf32>
      %get3A_154 = arith.constant 0 : index
      %get3A_155 = arith.constant 0 : index
      %get3A_156 = vector.load %arg3[%get3A_154, %get3A_155] : memref<512x512xf32, #tpu.memory_space<vmem>>, vector<512x512xf32>
      %dot_general3A_157 = arith.constant dense<0.000000e+00> : vector<64x512xf32>
      %dot_general3A_158 = tpu.matmul %get3A_153, %get3A_156, %dot_general3A_157 {dimension_numbers = #tpu.dot_dimension_numbers<[1], [0], [0], [1], [0, 0, 1, 1], [], []>, transpose_lhs_hint = false} : vector<64x512xf32>, vector<512x512xf32>, vector<64x512xf32> -> vector<64x512xf32>
      %dot_general3A_159 = arith.constant dense<0.000000e+00> : vector<64x512xf32>
      %dot_general3A_160 = tpu.matmul %add3A_96, %dot_general3A_158, %dot_general3A_159 {dimension_numbers = #tpu.dot_dimension_numbers<[0], [0], [1], [1], [0, 1, 1, 1], [], []>, precision = #tpu.contract_precision<fp32>, transpose_lhs_hint = false} : vector<64x64xf32>, vector<64x512xf32>, vector<64x512xf32> -> vector<64x512xf32>
      %dot_general3A_161 = arith.constant dense<0.000000e+00> : vector<64x1xf32>
      %dot_general3A_162 = tpu.matmul %dot_general3A_158, %get3A_142, %dot_general3A_161 {dimension_numbers = #tpu.dot_dimension_numbers<[1], [1], [0], [0], [0, 0, 1, 0], [], []>, precision = #tpu.contract_precision<fp32>, transpose_lhs_hint = false} : vector<64x512xf32>, vector<1x512xf32>, vector<64x1xf32> -> vector<64x1xf32>
      %dot_general3A_163 = arith.constant dense<0.000000e+00> : vector<1x64xf32>
      %dot_general3A_164 = tpu.matmul %get3A_145, %dot_general3A_160, %dot_general3A_163 {dimension_numbers = #tpu.dot_dimension_numbers<[1], [1], [0], [0], [0, 0, 1, 0], [], []>, precision = #tpu.contract_precision<fp32>, transpose_lhs_hint = false} : vector<1x512xf32>, vector<64x512xf32>, vector<1x64xf32> -> vector<1x64xf32>
      %add3A_165 = vector.broadcast %dot_general3A_162 : vector<64x1xf32> to vector<64x64xf32>
      %add3A_166 = vector.broadcast %dot_general3A_164 : vector<1x64xf32> to vector<64x64xf32>
      %add3A_167 = arith.addf %add3A_165, %add3A_166 : vector<64x64xf32>
      %gt3A_168 = arith.constant 0.000000e+00 : f32
      %gt3A_169 = vector.broadcast %gt3A_168 : f32 to vector<64x64xf32>
      %gt3A_170 = arith.cmpf ogt, %add3A_167, %gt3A_169 : vector<64x64xf32>
      %mul3A_171 = arith.constant 2.000000e-01 : f32
      %mul3A_172 = vector.broadcast %mul3A_171 : f32 to vector<64x64xf32>
      %mul3A_173 = arith.mulf %mul3A_172, %add3A_167 : vector<64x64xf32>
      %select_n3A_174 = arith.select %gt3A_170, %add3A_167, %mul3A_173 : vector<64x64xi1>, vector<64x64xf32>
      %jit3A_175 = arith.constant -3.000000e+38 : f32
      %broadcast_in_dim3A_176 = vector.broadcast %jit3A_175 : f32 to vector<64x64xf32>
      %select_n3A_177 = arith.select %gt3A_148, %select_n3A_174, %broadcast_in_dim3A_176 : vector<64x64xi1>, vector<64x64xf32>
      %reduce_max3A_178 = arith.constant dense<0xFF800000> : vector<64xf32>
      %reduce_max3A_179 = vector.multi_reduction <maximumf>, %select_n3A_177, %reduce_max3A_178 [1] : vector<64x64xf32> to vector<64xf32>
      %broadcast_in_dim3A_180 = vector.shape_cast %reduce_max3A_179 : vector<64xf32> to vector<64x1xf32>
      %sub3A = vector.broadcast %broadcast_in_dim3A_180 : vector<64x1xf32> to vector<64x64xf32>
      %sub3A_181 = arith.subf %select_n3A_174, %sub3A : vector<64x64xf32>
      %jit3A_182 = arith.constant -3.000000e+38 : f32
      %broadcast_in_dim3A_183 = vector.broadcast %jit3A_182 : f32 to vector<64x64xf32>
      %select_n3A_184 = arith.select %gt3A_148, %sub3A_181, %broadcast_in_dim3A_183 : vector<64x64xi1>, vector<64x64xf32>
      %exp3A = math.exp %select_n3A_184 : vector<64x64xf32>
      %mul3A_185 = arith.mulf %add3A_96, %exp3A : vector<64x64xf32>
      %reduce_sum3A_186 = arith.constant dense<0.000000e+00> : vector<64xf32>
      %reduce_sum3A_187 = vector.multi_reduction <add>, %mul3A_185, %reduce_sum3A_186 [1] : vector<64x64xf32> to vector<64xf32>
      %broadcast_in_dim3A_188 = vector.shape_cast %reduce_sum3A_187 : vector<64xf32> to vector<64x1xf32>
      %mul3A_189 = arith.mulf %add3A_96, %exp3A : vector<64x64xf32>
      %add3A_190 = arith.constant 1.000000e-16 : f32
      %add3A_191 = vector.broadcast %add3A_190 : f32 to vector<64x1xf32>
      %add3A_192 = arith.addf %broadcast_in_dim3A_188, %add3A_191 : vector<64x1xf32>
      %div3A_193 = vector.broadcast %add3A_192 : vector<64x1xf32> to vector<64x64xf32>
      %div3A_194 = arith.divf %mul3A_189, %div3A_193 : vector<64x64xf32>
      %dot_general3A_195 = arith.constant dense<0.000000e+00> : vector<64x512xf32>
      %dot_general3A_196 = tpu.matmul %div3A_194, %dot_general3A_158, %dot_general3A_195 {dimension_numbers = #tpu.dot_dimension_numbers<[0], [0], [1], [1], [0, 1, 1, 1], [], []>, precision = #tpu.contract_precision<fp32>, transpose_lhs_hint = false} : vector<64x64xf32>, vector<64x512xf32>, vector<64x512xf32> -> vector<64x512xf32>
      %mul3A_197 = vector.broadcast %select_n3A_116 : vector<64x1xf32> to vector<64x512xf32>
      %mul3A_198 = arith.mulf %mul3A_197, %dot_general3A_196 : vector<64x512xf32>
      %dot_general3A_199 = arith.constant dense<0.000000e+00> : vector<64x512xf32>
      %dot_general3A_200 = tpu.matmul %div3A_194, %mul3A_198, %dot_general3A_199 {dimension_numbers = #tpu.dot_dimension_numbers<[1], [0], [0], [1], [0, 0, 1, 1], [], []>, precision = #tpu.contract_precision<fp32>, transpose_lhs_hint = false} : vector<64x64xf32>, vector<64x512xf32>, vector<64x512xf32> -> vector<64x512xf32>
      %mul3A_201 = vector.broadcast %broadcast_in_dim3A : vector<64x1xf32> to vector<64x512xf32>
      %mul3A_202 = arith.mulf %mul3A_201, %dot_general3A_200 : vector<64x512xf32>
      %swap3A = arith.constant 0 : index
      %swap3A_203 = arith.constant 14 : index
      %swap3A_204 = arith.constant 0 : index
      %swap3A_205 = vector.load %arg7[%swap3A, %swap3A_203, %swap3A_204] : memref<64x16x512xf32, #tpu.memory_space<vmem>>, vector<64x1x512xf32>
      %swap3A_206 = vector.shape_cast %swap3A_205 : vector<64x1x512xf32> to vector<64x512xf32>
      %swap3A_207 = vector.shape_cast %mul3A_202 : vector<64x512xf32> to vector<64x1x512xf32>
      tpu.vector_store %arg7[%swap3A, %swap3A_203, %swap3A_204], %swap3A_207 {strides = array<i32>} : memref<64x16x512xf32, #tpu.memory_space<vmem>>, vector<64x1x512xf32>,
      %reduce_sum3A_208 = arith.constant dense<0.000000e+00> : vector<64xf32>
      %reduce_sum3A_209 = vector.multi_reduction <add>, %dot_general3A_158, %reduce_sum3A_208 [1] : vector<64x512xf32> to vector<64xf32>
      %broadcast_in_dim3A_210 = vector.shape_cast %reduce_sum3A_209 : vector<64xf32> to vector<64x1xf32>
      %mul3A_211 = arith.mulf %broadcast_in_dim3A, %broadcast_in_dim3A_210 : vector<64x1xf32>
      %reduce_sum3A_212 = vector.shape_cast %mul3A_211 : vector<64x1xf32> to vector<1x64x1xf32>
      %reduce_sum3A_213 = arith.constant dense<0.000000e+00> : vector<1xf32>
      %reduce_sum3A_214 = vector.multi_reduction <add>, %reduce_sum3A_212, %reduce_sum3A_213 [1, 2] : vector<1x64x1xf32> to vector<1xf32>
      %reduce_sum3A_215 = vector.shape_cast %reduce_sum3A_214 : vector<1xf32> to vector<1x1x1xf32>
      %reduce_sum3A_216 = vector.extract %reduce_sum3A_215[0, 0, 0] : f32 from vector<1x1x1xf32>
      %reduce_sum3A_217 = arith.constant dense<0.000000e+00> : vector<64xf32>
      %reduce_sum3A_218 = vector.multi_reduction <add>, %dot_general3A_160, %reduce_sum3A_217 [1] : vector<64x512xf32> to vector<64xf32>
      %broadcast_in_dim3A_219 = vector.shape_cast %reduce_sum3A_218 : vector<64xf32> to vector<64x1xf32>
      %mul3A_220 = arith.mulf %dot_general3A_105, %broadcast_in_dim3A_219 : vector<64x1xf32>
      %reduce_sum3A_221 = vector.shape_cast %mul3A_220 : vector<64x1xf32> to vector<1x64x1xf32>
      %reduce_sum3A_222 = arith.constant dense<0.000000e+00> : vector<1xf32>
      %reduce_sum3A_223 = vector.multi_reduction <add>, %reduce_sum3A_221, %reduce_sum3A_222 [1, 2] : vector<1x64x1xf32> to vector<1xf32>
      %reduce_sum3A_224 = vector.shape_cast %reduce_sum3A_223 : vector<1xf32> to vector<1x1x1xf32>
      %reduce_sum3A_225 = vector.extract %reduce_sum3A_224[0, 0, 0] : f32 from vector<1x1x1xf32>
      %dot_general3A_226 = arith.constant dense<0.000000e+00> : vector<64x64xf32>
      %dot_general3A_227 = tpu.matmul %dot_general3A_160, %dot_general3A_160, %dot_general3A_226 {dimension_numbers = #tpu.dot_dimension_numbers<[1], [1], [0], [0], [0, 0, 1, 0], [], []>, precision = #tpu.contract_precision<fp32>, transpose_lhs_hint = false} : vector<64x512xf32>, vector<64x512xf32>, vector<64x64xf32> -> vector<64x64xf32>
      %mul3A_228 = arith.mulf %dot_general3A_160, %dot_general3A_160 : vector<64x512xf32>
      %reduce_sum3A_229 = arith.constant dense<0.000000e+00> : vector<64xf32>
      %reduce_sum3A_230 = vector.multi_reduction <add>, %mul3A_228, %reduce_sum3A_229 [1] : vector<64x512xf32> to vector<64xf32>
      %broadcast_in_dim3A_231 = vector.shape_cast %reduce_sum3A_230 : vector<64xf32> to vector<64x1xf32>
      %dot_general3A_232 = arith.constant dense<0.000000e+00> : vector<1x64xf32>
      %dot_general3A_233 = tpu.matmul %broadcast_in_dim3A_231, %convert_element_type3A_100, %dot_general3A_232 {dimension_numbers = #tpu.dot_dimension_numbers<[0], [0], [1], [1], [0, 1, 1, 1], [], []>, precision = #tpu.contract_precision<fp32>, transpose_lhs_hint = false} : vector<64x1xf32>, vector<64x64xf32>, vector<1x64xf32> -> vector<1x64xf32>
      %sqrt3A = math.sqrt %broadcast_in_dim3A_231 : vector<64x1xf32>
      %sqrt3A_234 = math.sqrt %dot_general3A_233 : vector<1x64xf32>
      %mul3A_235 = vector.broadcast %sqrt3A : vector<64x1xf32> to vector<64x64xf32>
      %mul3A_236 = vector.broadcast %sqrt3A_234 : vector<1x64xf32> to vector<64x64xf32>
      %mul3A_237 = arith.mulf %mul3A_235, %mul3A_236 : vector<64x64xf32>
      %add3A_238 = arith.constant 9.99999993E-9 : f32
      %add3A_239 = vector.broadcast %add3A_238 : f32 to vector<64x64xf32>
      %add3A_240 = arith.addf %mul3A_237, %add3A_239 : vector<64x64xf32>
      %div3A_241 = arith.divf %dot_general3A_227, %add3A_240 : vector<64x64xf32>
      %add3A_242 = vector.broadcast %broadcast_in_dim3A_231 : vector<64x1xf32> to vector<64x64xf32>
      %add3A_243 = vector.broadcast %dot_general3A_233 : vector<1x64xf32> to vector<64x64xf32>
      %add3A_244 = arith.addf %add3A_242, %add3A_243 : vector<64x64xf32>
      %mul3A_245 = arith.constant 2.000000e+00 : f32
      %mul3A_246 = vector.broadcast %mul3A_245 : f32 to vector<64x64xf32>
      %mul3A_247 = arith.mulf %mul3A_246, %dot_general3A_227 : vector<64x64xf32>
      %sub3A_248 = arith.subf %add3A_244, %mul3A_247 : vector<64x64xf32>
      %max3A = arith.constant 0.000000e+00 : f32
      %max3A_249 = vector.broadcast %max3A : f32 to vector<64x64xf32>
      %max3A_250 = arith.maximumf %sub3A_248, %max3A_249 : vector<64x64xf32>
      %sqrt3A_251 = math.sqrt %max3A_250 : vector<64x64xf32>
      %mul3A_252 = arith.mulf %div3A_241, %sqrt3A_251 : vector<64x64xf32>
      %sub3A_253 = arith.constant 1.000000e+00 : f32
      %sub3A_254 = vector.broadcast %sub3A_253 : f32 to vector<64x64xf32>
      %sub3A_255 = arith.subf %sub3A_254, %div3A_241 : vector<64x64xf32>
      %sub3A_256 = arith.constant 4.200000e+00 : f32
      %sub3A_257 = vector.broadcast %sub3A_256 : f32 to vector<64x64xf32>
      %sub3A_258 = arith.subf %sub3A_257, %sqrt3A_251 : vector<64x64xf32>
      %max3A_259 = arith.constant 0.000000e+00 : f32
      %max3A_260 = vector.broadcast %max3A_259 : f32 to vector<64x64xf32>
      %max3A_261 = arith.maximumf %sub3A_258, %max3A_260 : vector<64x64xf32>
      %mul3A_262 = arith.mulf %sub3A_255, %max3A_261 : vector<64x64xf32>
      %add3A_263 = arith.addf %mul3A_252, %mul3A_262 : vector<64x64xf32>
      %get3A_264 = arith.constant 0 : index
      %get3A_265 = memref.load %arg8[%get3A_264] : memref<4xf32, #tpu.memory_space<smem>>
      %mul3A_266 = arith.mulf %mul3A_139, %add3A_263 : vector<64x64xf32>
      %reduce_sum3A_267 = vector.shape_cast %mul3A_266 : vector<64x64xf32> to vector<1x64x64xf32>
      %reduce_sum3A_268 = arith.constant dense<0.000000e+00> : vector<1xf32>
      %reduce_sum3A_269 = vector.multi_reduction <add>, %reduce_sum3A_267, %reduce_sum3A_268 [1, 2] : vector<1x64x64xf32> to vector<1xf32>
      %reduce_sum3A_270 = vector.shape_cast %reduce_sum3A_269 : vector<1xf32> to vector<1x1x1xf32>
      %reduce_sum3A_271 = vector.extract %reduce_sum3A_270[0, 0, 0] : f32 from vector<1x1x1xf32>
      %add3A_272 = arith.addf %get3A_265, %reduce_sum3A_271 : f32
      %swap3A_273 = arith.constant 0 : index
      %swap3A_274 = memref.load %arg8[%swap3A_273] : memref<4xf32, #tpu.memory_space<smem>>
      memref.store %add3A_272, %arg8[%swap3A_273] : memref<4xf32, #tpu.memory_space<smem>>
      %get3A_275 = arith.constant 1 : index
      %get3A_276 = memref.load %arg8[%get3A_275] : memref<4xf32, #tpu.memory_space<smem>>
      %add3A_277 = arith.addf %get3A_276, %reduce_sum3A_216 : f32
      %swap3A_278 = arith.constant 1 : index
      %swap3A_279 = memref.load %arg8[%swap3A_278] : memref<4xf32, #tpu.memory_space<smem>>
      memref.store %add3A_277, %arg8[%swap3A_278] : memref<4xf32, #tpu.memory_space<smem>>
      %get3A_280 = arith.constant 2 : index
      %get3A_281 = memref.load %arg8[%get3A_280] : memref<4xf32, #tpu.memory_space<smem>>
      %add3A_282 = arith.addf %get3A_281, %reduce_sum3A_225 : f32
      %swap3A_283 = arith.constant 2 : index
      %swap3A_284 = memref.load %arg8[%swap3A_283] : memref<4xf32, #tpu.memory_space<smem>>
      memref.store %add3A_282, %arg8[%swap3A_283] : memref<4xf32, #tpu.memory_space<smem>>
    } else {
    }
    %eq3A_77 = arith.constant 6 : i32
    %eq3A_78 = arith.cmpi eq, %arg0, %eq3A_77 : i32
    %convert_element_type3A_79 = arith.extui %eq3A_78 : i1 to i32
    %cond3A_80 = arith.constant 0 : i32
    %cond3A_81 = arith.cmpi ne, %convert_element_type3A_79, %cond3A_80 : i32
    scf.if %cond3A_81 {
      %get3A = arith.constant 0 : index
      %get3A_91 = arith.constant 0 : index
      %get3A_92 = arith.constant 0 : index
      %get3A_93 = vector.load %arg1[%get3A, %get3A_91, %get3A_92] : memref<1x64x64xf32, #tpu.memory_space<vmem>>, vector<1x64x64xf32>
      %get3A_94 = vector.shape_cast %get3A_93 : vector<1x64x64xf32> to vector<64x64xf32>
      %add3A = arith.constant 0.000000e+00 : f32
      %add3A_95 = vector.broadcast %add3A : f32 to vector<64x64xf32>
      %add3A_96 = arith.addf %add3A_95, %get3A_94 : vector<64x64xf32>
      %iota3A = tpu.iota {dimensions = array<i32: 0>} : vector<64x64xi32>
      %iota3A_97 = tpu.iota {dimensions = array<i32: 1>} : vector<64x64xi32>
      %eq3A_98 = arith.cmpi eq, %iota3A, %iota3A_97 : vector<64x64xi32>
      %convert_element_type3A_99 = arith.extui %eq3A_98 : vector<64x64xi1> to vector<64x64xi32>
      %convert_element_type3A_100 = arith.sitofp %convert_element_type3A_99 : vector<64x64xi32> to vector<64x64xf32>
      %reduce_sum3A = arith.constant dense<0.000000e+00> : vector<64xf32>
      %reduce_sum3A_101 = vector.multi_reduction <add>, %add3A_96, %reduce_sum3A [1] : vector<64x64xf32> to vector<64xf32>
      %broadcast_in_dim3A = vector.shape_cast %reduce_sum3A_101 : vector<64xf32> to vector<64x1xf32>
      %reduce_sum3A_102 = arith.constant dense<0.000000e+00> : vector<64xf32>
      %reduce_sum3A_103 = vector.multi_reduction <add>, %add3A_96, %reduce_sum3A_102 [0] : vector<64x64xf32> to vector<64xf32>
      %broadcast_in_dim3A_104 = vector.shape_cast %reduce_sum3A_103 : vector<64xf32> to vector<1x64xf32>
      %dot_general3A = arith.constant dense<0.000000e+00> : vector<64x1xf32>
      %dot_general3A_105 = tpu.matmul %convert_element_type3A_100, %broadcast_in_dim3A_104, %dot_general3A {dimension_numbers = #tpu.dot_dimension_numbers<[1], [1], [0], [0], [0, 0, 1, 0], [], []>, precision = #tpu.contract_precision<fp32>, transpose_lhs_hint = false} : vector<64x64xf32>, vector<1x64xf32>, vector<64x1xf32> -> vector<64x1xf32>
      %gt3A = arith.constant 0.000000e+00 : f32
      %gt3A_106 = vector.broadcast %gt3A : f32 to vector<64x1xf32>
      %gt3A_107 = arith.cmpf ogt, %dot_general3A_105, %gt3A_106 : vector<64x1xf32>
      %gt3A_108 = arith.constant 0.000000e+00 : f32
      %gt3A_109 = vector.broadcast %gt3A_108 : f32 to vector<64x1xf32>
      %gt3A_110 = arith.cmpf ogt, %dot_general3A_105, %gt3A_109 : vector<64x1xf32>
      %jit3A = arith.constant 1.000000e+00 : f32
      %broadcast_in_dim3A_111 = vector.broadcast %jit3A : f32 to vector<64x1xf32>
      %select_n3A = arith.select %gt3A_110, %dot_general3A_105, %broadcast_in_dim3A_111 : vector<64x1xi1>, vector<64x1xf32>
      %div3A = arith.constant 1.000000e+00 : f32
      %div3A_112 = vector.broadcast %div3A : f32 to vector<64x1xf32>
      %div3A_113 = arith.divf %div3A_112, %select_n3A : vector<64x1xf32>
      %jit3A_114 = arith.constant 0.000000e+00 : f32
      %broadcast_in_dim3A_115 = vector.broadcast %jit3A_114 : f32 to vector<64x1xf32>
      %select_n3A_116 = arith.select %gt3A_107, %div3A_113, %broadcast_in_dim3A_115 : vector<64x1xi1>, vector<64x1xf32>
      %iota3A_117 = tpu.iota {dimensions = array<i32: 1>} : vector<1x64xi32>
      %convert_element_type3A_118 = arith.sitofp %iota3A_117 : vector<1x64xi32> to vector<1x64xf32>
      %gt3A_119 = arith.constant 0.000000e+00 : f32
      %gt3A_120 = vector.broadcast %gt3A_119 : f32 to vector<1x64xf32>
      %gt3A_121 = arith.cmpf ogt, %broadcast_in_dim3A_104, %gt3A_120 : vector<1x64xf32>
      %add3A_122 = arith.constant 1.000000e+00 : f32
      %add3A_123 = vector.broadcast %add3A_122 : f32 to vector<1x64xf32>
      %add3A_124 = arith.addf %convert_element_type3A_118, %add3A_123 : vector<1x64xf32>
      %jit3A_125 = arith.constant 0.000000e+00 : f32
      %broadcast_in_dim3A_126 = vector.broadcast %jit3A_125 : f32 to vector<1x64xf32>
      %select_n3A_127 = arith.select %gt3A_121, %add3A_124, %broadcast_in_dim3A_126 : vector<1x64xi1>, vector<1x64xf32>
      %reduce_max3A = vector.shape_cast %select_n3A_127 : vector<1x64xf32> to vector<1x1x64xf32>
      %reduce_max3A_128 = arith.constant dense<0xFF800000> : vector<1xf32>
      %reduce_max3A_129 = vector.multi_reduction <maximumf>, %reduce_max3A, %reduce_max3A_128 [1, 2] : vector<1x1x64xf32> to vector<1xf32>
      %reduce_max3A_130 = vector.shape_cast %reduce_max3A_129 : vector<1xf32> to vector<1x1x1xf32>
      %reduce_max3A_131 = vector.extract %reduce_max3A_130[0, 0, 0] : f32 from vector<1x1x1xf32>
      %lt3A_132 = vector.broadcast %reduce_max3A_131 : f32 to vector<1x64xf32>
      %lt3A_133 = arith.cmpf olt, %convert_element_type3A_118, %lt3A_132 : vector<1x64xf32>
      %convert_element_type3A_134 = arith.extui %lt3A_133 : vector<1x64xi1> to vector<1x64xi32>
      %convert_element_type3A_135 = arith.sitofp %convert_element_type3A_134 : vector<1x64xi32> to vector<1x64xf32>
      %dot_general3A_136 = arith.constant dense<0.000000e+00> : vector<64x1xf32>
      %dot_general3A_137 = tpu.matmul %convert_element_type3A_100, %convert_element_type3A_135, %dot_general3A_136 {dimension_numbers = #tpu.dot_dimension_numbers<[1], [1], [0], [0], [0, 0, 1, 0], [], []>, precision = #tpu.contract_precision<fp32>, transpose_lhs_hint = false} : vector<64x64xf32>, vector<1x64xf32>, vector<64x1xf32> -> vector<64x1xf32>
      %mul3A = vector.broadcast %dot_general3A_137 : vector<64x1xf32> to vector<64x64xf32>
      %mul3A_138 = vector.broadcast %convert_element_type3A_135 : vector<1x64xf32> to vector<64x64xf32>
      %mul3A_139 = arith.mulf %mul3A, %mul3A_138 : vector<64x64xf32>
      %get3A_140 = arith.constant 0 : index
      %get3A_141 = arith.constant 0 : index
      %get3A_142 = vector.load %arg4[%get3A_140, %get3A_141] : memref<2x512xf32, #tpu.memory_space<vmem>>, vector<1x512xf32>
      %get3A_143 = arith.constant 1 : index
      %get3A_144 = arith.constant 0 : index
      %get3A_145 = vector.load %arg4[%get3A_143, %get3A_144] : memref<2x512xf32, #tpu.memory_space<vmem>>, vector<1x512xf32>
      %gt3A_146 = arith.constant 0.000000e+00 : f32
      %gt3A_147 = vector.broadcast %gt3A_146 : f32 to vector<64x64xf32>
      %gt3A_148 = arith.cmpf ogt, %add3A_96, %gt3A_147 : vector<64x64xf32>
      %get3A_149 = arith.constant 15 : index
      %get3A_150 = arith.constant 0 : index
      %get3A_151 = arith.constant 0 : index
      %get3A_152 = vector.load %arg2[%get3A_149, %get3A_150, %get3A_151] : memref<16x64x512xf32, #tpu.memory_space<vmem>>, vector<1x64x512xf32>
      %get3A_153 = vector.shape_cast %get3A_152 : vector<1x64x512xf32> to vector<64x512xf32>
      %get3A_154 = arith.constant 0 : index
      %get3A_155 = arith.constant 0 : index
      %get3A_156 = vector.load %arg3[%get3A_154, %get3A_155] : memref<512x512xf32, #tpu.memory_space<vmem>>, vector<512x512xf32>
      %dot_general3A_157 = arith.constant dense<0.000000e+00> : vector<64x512xf32>
      %dot_general3A_158 = tpu.matmul %get3A_153, %get3A_156, %dot_general3A_157 {dimension_numbers = #tpu.dot_dimension_numbers<[1], [0], [0], [1], [0, 0, 1, 1], [], []>, transpose_lhs_hint = false} : vector<64x512xf32>, vector<512x512xf32>, vector<64x512xf32> -> vector<64x512xf32>
      %dot_general3A_159 = arith.constant dense<0.000000e+00> : vector<64x512xf32>
      %dot_general3A_160 = tpu.matmul %add3A_96, %dot_general3A_158, %dot_general3A_159 {dimension_numbers = #tpu.dot_dimension_numbers<[0], [0], [1], [1], [0, 1, 1, 1], [], []>, precision = #tpu.contract_precision<fp32>, transpose_lhs_hint = false} : vector<64x64xf32>, vector<64x512xf32>, vector<64x512xf32> -> vector<64x512xf32>
      %dot_general3A_161 = arith.constant dense<0.000000e+00> : vector<64x1xf32>
      %dot_general3A_162 = tpu.matmul %dot_general3A_158, %get3A_142, %dot_general3A_161 {dimension_numbers = #tpu.dot_dimension_numbers<[1], [1], [0], [0], [0, 0, 1, 0], [], []>, precision = #tpu.contract_precision<fp32>, transpose_lhs_hint = false} : vector<64x512xf32>, vector<1x512xf32>, vector<64x1xf32> -> vector<64x1xf32>
      %dot_general3A_163 = arith.constant dense<0.000000e+00> : vector<1x64xf32>
      %dot_general3A_164 = tpu.matmul %get3A_145, %dot_general3A_160, %dot_general3A_163 {dimension_numbers = #tpu.dot_dimension_numbers<[1], [1], [0], [0], [0, 0, 1, 0], [], []>, precision = #tpu.contract_precision<fp32>, transpose_lhs_hint = false} : vector<1x512xf32>, vector<64x512xf32>, vector<1x64xf32> -> vector<1x64xf32>
      %add3A_165 = vector.broadcast %dot_general3A_162 : vector<64x1xf32> to vector<64x64xf32>
      %add3A_166 = vector.broadcast %dot_general3A_164 : vector<1x64xf32> to vector<64x64xf32>
      %add3A_167 = arith.addf %add3A_165, %add3A_166 : vector<64x64xf32>
      %gt3A_168 = arith.constant 0.000000e+00 : f32
      %gt3A_169 = vector.broadcast %gt3A_168 : f32 to vector<64x64xf32>
      %gt3A_170 = arith.cmpf ogt, %add3A_167, %gt3A_169 : vector<64x64xf32>
      %mul3A_171 = arith.constant 2.000000e-01 : f32
      %mul3A_172 = vector.broadcast %mul3A_171 : f32 to vector<64x64xf32>
      %mul3A_173 = arith.mulf %mul3A_172, %add3A_167 : vector<64x64xf32>
      %select_n3A_174 = arith.select %gt3A_170, %add3A_167, %mul3A_173 : vector<64x64xi1>, vector<64x64xf32>
      %jit3A_175 = arith.constant -3.000000e+38 : f32
      %broadcast_in_dim3A_176 = vector.broadcast %jit3A_175 : f32 to vector<64x64xf32>
      %select_n3A_177 = arith.select %gt3A_148, %select_n3A_174, %broadcast_in_dim3A_176 : vector<64x64xi1>, vector<64x64xf32>
      %reduce_max3A_178 = arith.constant dense<0xFF800000> : vector<64xf32>
      %reduce_max3A_179 = vector.multi_reduction <maximumf>, %select_n3A_177, %reduce_max3A_178 [1] : vector<64x64xf32> to vector<64xf32>
      %broadcast_in_dim3A_180 = vector.shape_cast %reduce_max3A_179 : vector<64xf32> to vector<64x1xf32>
      %sub3A = vector.broadcast %broadcast_in_dim3A_180 : vector<64x1xf32> to vector<64x64xf32>
      %sub3A_181 = arith.subf %select_n3A_174, %sub3A : vector<64x64xf32>
      %jit3A_182 = arith.constant -3.000000e+38 : f32
      %broadcast_in_dim3A_183 = vector.broadcast %jit3A_182 : f32 to vector<64x64xf32>
      %select_n3A_184 = arith.select %gt3A_148, %sub3A_181, %broadcast_in_dim3A_183 : vector<64x64xi1>, vector<64x64xf32>
      %exp3A = math.exp %select_n3A_184 : vector<64x64xf32>
      %mul3A_185 = arith.mulf %add3A_96, %exp3A : vector<64x64xf32>
      %reduce_sum3A_186 = arith.constant dense<0.000000e+00> : vector<64xf32>
      %reduce_sum3A_187 = vector.multi_reduction <add>, %mul3A_185, %reduce_sum3A_186 [1] : vector<64x64xf32> to vector<64xf32>
      %broadcast_in_dim3A_188 = vector.shape_cast %reduce_sum3A_187 : vector<64xf32> to vector<64x1xf32>
      %mul3A_189 = arith.mulf %add3A_96, %exp3A : vector<64x64xf32>
      %add3A_190 = arith.constant 1.000000e-16 : f32
      %add3A_191 = vector.broadcast %add3A_190 : f32 to vector<64x1xf32>
      %add3A_192 = arith.addf %broadcast_in_dim3A_188, %add3A_191 : vector<64x1xf32>
      %div3A_193 = vector.broadcast %add3A_192 : vector<64x1xf32> to vector<64x64xf32>
      %div3A_194 = arith.divf %mul3A_189, %div3A_193 : vector<64x64xf32>
      %dot_general3A_195 = arith.constant dense<0.000000e+00> : vector<64x512xf32>
      %dot_general3A_196 = tpu.matmul %div3A_194, %dot_general3A_158, %dot_general3A_195 {dimension_numbers = #tpu.dot_dimension_numbers<[0], [0], [1], [1], [0, 1, 1, 1], [], []>, precision = #tpu.contract_precision<fp32>, transpose_lhs_hint = false} : vector<64x64xf32>, vector<64x512xf32>, vector<64x512xf32> -> vector<64x512xf32>
      %mul3A_197 = vector.broadcast %select_n3A_116 : vector<64x1xf32> to vector<64x512xf32>
      %mul3A_198 = arith.mulf %mul3A_197, %dot_general3A_196 : vector<64x512xf32>
      %dot_general3A_199 = arith.constant dense<0.000000e+00> : vector<64x512xf32>
      %dot_general3A_200 = tpu.matmul %div3A_194, %mul3A_198, %dot_general3A_199 {dimension_numbers = #tpu.dot_dimension_numbers<[1], [0], [0], [1], [0, 0, 1, 1], [], []>, precision = #tpu.contract_precision<fp32>, transpose_lhs_hint = false} : vector<64x64xf32>, vector<64x512xf32>, vector<64x512xf32> -> vector<64x512xf32>
      %mul3A_201 = vector.broadcast %broadcast_in_dim3A : vector<64x1xf32> to vector<64x512xf32>
      %mul3A_202 = arith.mulf %mul3A_201, %dot_general3A_200 : vector<64x512xf32>
      %swap3A = arith.constant 0 : index
      %swap3A_203 = arith.constant 15 : index
      %swap3A_204 = arith.constant 0 : index
      %swap3A_205 = vector.load %arg7[%swap3A, %swap3A_203, %swap3A_204] : memref<64x16x512xf32, #tpu.memory_space<vmem>>, vector<64x1x512xf32>
      %swap3A_206 = vector.shape_cast %swap3A_205 : vector<64x1x512xf32> to vector<64x512xf32>
      %swap3A_207 = vector.shape_cast %mul3A_202 : vector<64x512xf32> to vector<64x1x512xf32>
      tpu.vector_store %arg7[%swap3A, %swap3A_203, %swap3A_204], %swap3A_207 {strides = array<i32>} : memref<64x16x512xf32, #tpu.memory_space<vmem>>, vector<64x1x512xf32>,
      %reduce_sum3A_208 = arith.constant dense<0.000000e+00> : vector<64xf32>
      %reduce_sum3A_209 = vector.multi_reduction <add>, %dot_general3A_158, %reduce_sum3A_208 [1] : vector<64x512xf32> to vector<64xf32>
      %broadcast_in_dim3A_210 = vector.shape_cast %reduce_sum3A_209 : vector<64xf32> to vector<64x1xf32>
      %mul3A_211 = arith.mulf %broadcast_in_dim3A, %broadcast_in_dim3A_210 : vector<64x1xf32>
      %reduce_sum3A_212 = vector.shape_cast %mul3A_211 : vector<64x1xf32> to vector<1x64x1xf32>
      %reduce_sum3A_213 = arith.constant dense<0.000000e+00> : vector<1xf32>
      %reduce_sum3A_214 = vector.multi_reduction <add>, %reduce_sum3A_212, %reduce_sum3A_213 [1, 2] : vector<1x64x1xf32> to vector<1xf32>
      %reduce_sum3A_215 = vector.shape_cast %reduce_sum3A_214 : vector<1xf32> to vector<1x1x1xf32>
      %reduce_sum3A_216 = vector.extract %reduce_sum3A_215[0, 0, 0] : f32 from vector<1x1x1xf32>
      %reduce_sum3A_217 = arith.constant dense<0.000000e+00> : vector<64xf32>
      %reduce_sum3A_218 = vector.multi_reduction <add>, %dot_general3A_160, %reduce_sum3A_217 [1] : vector<64x512xf32> to vector<64xf32>
      %broadcast_in_dim3A_219 = vector.shape_cast %reduce_sum3A_218 : vector<64xf32> to vector<64x1xf32>
      %mul3A_220 = arith.mulf %dot_general3A_105, %broadcast_in_dim3A_219 : vector<64x1xf32>
      %reduce_sum3A_221 = vector.shape_cast %mul3A_220 : vector<64x1xf32> to vector<1x64x1xf32>
      %reduce_sum3A_222 = arith.constant dense<0.000000e+00> : vector<1xf32>
      %reduce_sum3A_223 = vector.multi_reduction <add>, %reduce_sum3A_221, %reduce_sum3A_222 [1, 2] : vector<1x64x1xf32> to vector<1xf32>
      %reduce_sum3A_224 = vector.shape_cast %reduce_sum3A_223 : vector<1xf32> to vector<1x1x1xf32>
      %reduce_sum3A_225 = vector.extract %reduce_sum3A_224[0, 0, 0] : f32 from vector<1x1x1xf32>
      %dot_general3A_226 = arith.constant dense<0.000000e+00> : vector<64x64xf32>
      %dot_general3A_227 = tpu.matmul %dot_general3A_160, %dot_general3A_160, %dot_general3A_226 {dimension_numbers = #tpu.dot_dimension_numbers<[1], [1], [0], [0], [0, 0, 1, 0], [], []>, precision = #tpu.contract_precision<fp32>, transpose_lhs_hint = false} : vector<64x512xf32>, vector<64x512xf32>, vector<64x64xf32> -> vector<64x64xf32>
      %mul3A_228 = arith.mulf %dot_general3A_160, %dot_general3A_160 : vector<64x512xf32>
      %reduce_sum3A_229 = arith.constant dense<0.000000e+00> : vector<64xf32>
      %reduce_sum3A_230 = vector.multi_reduction <add>, %mul3A_228, %reduce_sum3A_229 [1] : vector<64x512xf32> to vector<64xf32>
      %broadcast_in_dim3A_231 = vector.shape_cast %reduce_sum3A_230 : vector<64xf32> to vector<64x1xf32>
      %dot_general3A_232 = arith.constant dense<0.000000e+00> : vector<1x64xf32>
      %dot_general3A_233 = tpu.matmul %broadcast_in_dim3A_231, %convert_element_type3A_100, %dot_general3A_232 {dimension_numbers = #tpu.dot_dimension_numbers<[0], [0], [1], [1], [0, 1, 1, 1], [], []>, precision = #tpu.contract_precision<fp32>, transpose_lhs_hint = false} : vector<64x1xf32>, vector<64x64xf32>, vector<1x64xf32> -> vector<1x64xf32>
      %sqrt3A = math.sqrt %broadcast_in_dim3A_231 : vector<64x1xf32>
      %sqrt3A_234 = math.sqrt %dot_general3A_233 : vector<1x64xf32>
      %mul3A_235 = vector.broadcast %sqrt3A : vector<64x1xf32> to vector<64x64xf32>
      %mul3A_236 = vector.broadcast %sqrt3A_234 : vector<1x64xf32> to vector<64x64xf32>
      %mul3A_237 = arith.mulf %mul3A_235, %mul3A_236 : vector<64x64xf32>
      %add3A_238 = arith.constant 9.99999993E-9 : f32
      %add3A_239 = vector.broadcast %add3A_238 : f32 to vector<64x64xf32>
      %add3A_240 = arith.addf %mul3A_237, %add3A_239 : vector<64x64xf32>
      %div3A_241 = arith.divf %dot_general3A_227, %add3A_240 : vector<64x64xf32>
      %add3A_242 = vector.broadcast %broadcast_in_dim3A_231 : vector<64x1xf32> to vector<64x64xf32>
      %add3A_243 = vector.broadcast %dot_general3A_233 : vector<1x64xf32> to vector<64x64xf32>
      %add3A_244 = arith.addf %add3A_242, %add3A_243 : vector<64x64xf32>
      %mul3A_245 = arith.constant 2.000000e+00 : f32
      %mul3A_246 = vector.broadcast %mul3A_245 : f32 to vector<64x64xf32>
      %mul3A_247 = arith.mulf %mul3A_246, %dot_general3A_227 : vector<64x64xf32>
      %sub3A_248 = arith.subf %add3A_244, %mul3A_247 : vector<64x64xf32>
      %max3A = arith.constant 0.000000e+00 : f32
      %max3A_249 = vector.broadcast %max3A : f32 to vector<64x64xf32>
      %max3A_250 = arith.maximumf %sub3A_248, %max3A_249 : vector<64x64xf32>
      %sqrt3A_251 = math.sqrt %max3A_250 : vector<64x64xf32>
      %mul3A_252 = arith.mulf %div3A_241, %sqrt3A_251 : vector<64x64xf32>
      %sub3A_253 = arith.constant 1.000000e+00 : f32
      %sub3A_254 = vector.broadcast %sub3A_253 : f32 to vector<64x64xf32>
      %sub3A_255 = arith.subf %sub3A_254, %div3A_241 : vector<64x64xf32>
      %sub3A_256 = arith.constant 4.200000e+00 : f32
      %sub3A_257 = vector.broadcast %sub3A_256 : f32 to vector<64x64xf32>
      %sub3A_258 = arith.subf %sub3A_257, %sqrt3A_251 : vector<64x64xf32>
      %max3A_259 = arith.constant 0.000000e+00 : f32
      %max3A_260 = vector.broadcast %max3A_259 : f32 to vector<64x64xf32>
      %max3A_261 = arith.maximumf %sub3A_258, %max3A_260 : vector<64x64xf32>
      %mul3A_262 = arith.mulf %sub3A_255, %max3A_261 : vector<64x64xf32>
      %add3A_263 = arith.addf %mul3A_252, %mul3A_262 : vector<64x64xf32>
      %get3A_264 = arith.constant 0 : index
      %get3A_265 = memref.load %arg8[%get3A_264] : memref<4xf32, #tpu.memory_space<smem>>
      %mul3A_266 = arith.mulf %mul3A_139, %add3A_263 : vector<64x64xf32>
      %reduce_sum3A_267 = vector.shape_cast %mul3A_266 : vector<64x64xf32> to vector<1x64x64xf32>
      %reduce_sum3A_268 = arith.constant dense<0.000000e+00> : vector<1xf32>
      %reduce_sum3A_269 = vector.multi_reduction <add>, %reduce_sum3A_267, %reduce_sum3A_268 [1, 2] : vector<1x64x64xf32> to vector<1xf32>
      %reduce_sum3A_270 = vector.shape_cast %reduce_sum3A_269 : vector<1xf32> to vector<1x1x1xf32>
      %reduce_sum3A_271 = vector.extract %reduce_sum3A_270[0, 0, 0] : f32 from vector<1x1x1xf32>
      %add3A_272 = arith.addf %get3A_265, %reduce_sum3A_271 : f32
      %swap3A_273 = arith.constant 0 : index
      %swap3A_274 = memref.load %arg8[%swap3A_273] : memref<4xf32, #tpu.memory_space<smem>>
      memref.store %add3A_272, %arg8[%swap3A_273] : memref<4xf32, #tpu.memory_space<smem>>
      %get3A_275 = arith.constant 1 : index
      %get3A_276 = memref.load %arg8[%get3A_275] : memref<4xf32, #tpu.memory_space<smem>>
      %add3A_277 = arith.addf %get3A_276, %reduce_sum3A_216 : f32
      %swap3A_278 = arith.constant 1 : index
      %swap3A_279 = memref.load %arg8[%swap3A_278] : memref<4xf32, #tpu.memory_space<smem>>
      memref.store %add3A_277, %arg8[%swap3A_278] : memref<4xf32, #tpu.memory_space<smem>>
      %get3A_280 = arith.constant 2 : index
      %get3A_281 = memref.load %arg8[%get3A_280] : memref<4xf32, #tpu.memory_space<smem>>
      %add3A_282 = arith.addf %get3A_281, %reduce_sum3A_225 : f32
      %swap3A_283 = arith.constant 2 : index
      %swap3A_284 = memref.load %arg8[%swap3A_283] : memref<4xf32, #tpu.memory_space<smem>>
      memref.store %add3A_282, %arg8[%swap3A_283] : memref<4xf32, #tpu.memory_space<smem>>
    } else {
    }
    %lt3A = arith.constant 7 : i32
    %lt3A_82 = arith.cmpi slt, %arg0, %lt3A : i32
    %convert_element_type3A_83 = arith.extui %lt3A_82 : i1 to i32
    %cond3A_84 = arith.constant 0 : i32
    %cond3A_85 = arith.cmpi ne, %convert_element_type3A_83, %cond3A_84 : i32
    scf.if %cond3A_85 {
      %broadcast_in_dim3A = arith.constant 0.000000e+00 : f32
      %broadcast_in_dim3A_91 = vector.broadcast %broadcast_in_dim3A : f32 to vector<256x16x512xf32>
      %swap3A = arith.constant 0 : index
      %swap3A_92 = arith.constant 0 : index
      %swap3A_93 = arith.constant 0 : index
      %swap3A_94 = vector.load %arg5[%swap3A, %swap3A_92, %swap3A_93] : memref<256x16x512xf32, #tpu.memory_space<vmem>>, vector<256x16x512xf32>
      tpu.vector_store %arg5[%swap3A, %swap3A_92, %swap3A_93], %broadcast_in_dim3A_91 {strides = array<i32>} : memref<256x16x512xf32, #tpu.memory_space<vmem>>, vector<256x16x512xf32>,
    } else {
    }
    %eq3A_86 = arith.constant 7 : i32
    %eq3A_87 = arith.cmpi eq, %arg0, %eq3A_86 : i32
    %convert_element_type3A_88 = arith.extui %eq3A_87 : i1 to i32
    %cond3A_89 = arith.constant 0 : i32
    %cond3A_90 = arith.cmpi ne, %convert_element_type3A_88, %cond3A_89 : i32
    scf.if %cond3A_90 {
      %get3A = arith.constant 0 : index
      %get3A_91 = arith.constant 0 : index
      %get3A_92 = arith.constant 0 : index
      %get3A_93 = vector.load %arg7[%get3A, %get3A_91, %get3A_92] : memref<64x16x512xf32, #tpu.memory_space<vmem>>, vector<64x16x512xf32>
      %swap3A = arith.constant 0 : index
      %swap3A_94 = arith.constant 0 : index
      %swap3A_95 = arith.constant 0 : index
      %swap3A_96 = vector.load %arg5[%swap3A, %swap3A_94, %swap3A_95] : memref<256x16x512xf32, #tpu.memory_space<vmem>>, vector<64x16x512xf32>
      tpu.vector_store %arg5[%swap3A, %swap3A_94, %swap3A_95], %get3A_93 {strides = array<i32>} : memref<256x16x512xf32, #tpu.memory_space<vmem>>, vector<64x16x512xf32>,
      %broadcast_in_dim3A = arith.constant 0.000000e+00 : f32
      %broadcast_in_dim3A_97 = vector.broadcast %broadcast_in_dim3A : f32 to vector<192x16x512xf32>
      %swap3A_98 = arith.constant 64 : index
      %swap3A_99 = arith.constant 0 : index
      %swap3A_100 = arith.constant 0 : index
      %swap3A_101 = vector.load %arg5[%swap3A_98, %swap3A_99, %swap3A_100] : memref<256x16x512xf32, #tpu.memory_space<vmem>>, vector<192x16x512xf32>
      tpu.vector_store %arg5[%swap3A_98, %swap3A_99, %swap3A_100], %broadcast_in_dim3A_97 {strides = array<i32>} : memref<256x16x512xf32, #tpu.memory_space<vmem>>, vector<192x16x512xf32>,
      %get3A_102 = arith.constant 0 : index
      %get3A_103 = arith.constant 0 : index
      %get3A_104 = arith.constant 0 : index
      %get3A_105 = vector.load %arg1[%get3A_102, %get3A_103, %get3A_104] : memref<1x64x64xf32, #tpu.memory_space<vmem>>, vector<1x64x64xf32>
      %get3A_106 = vector.shape_cast %get3A_105 : vector<1x64x64xf32> to vector<64x64xf32>
      %add3A = arith.constant 0.000000e+00 : f32
      %add3A_107 = vector.broadcast %add3A : f32 to vector<64x64xf32>
      %add3A_108 = arith.addf %add3A_107, %get3A_106 : vector<64x64xf32>
      %reduce_sum3A = arith.constant dense<0.000000e+00> : vector<64xf32>
      %reduce_sum3A_109 = vector.multi_reduction <add>, %add3A_108, %reduce_sum3A [0] : vector<64x64xf32> to vector<64xf32>
      %broadcast_in_dim3A_110 = vector.shape_cast %reduce_sum3A_109 : vector<64xf32> to vector<1x64xf32>
      %iota3A = tpu.iota {dimensions = array<i32: 1>} : vector<1x64xi32>
      %convert_element_type3A_111 = arith.sitofp %iota3A : vector<1x64xi32> to vector<1x64xf32>
      %gt3A = arith.constant 0.000000e+00 : f32
      %gt3A_112 = vector.broadcast %gt3A : f32 to vector<1x64xf32>
      %gt3A_113 = arith.cmpf ogt, %broadcast_in_dim3A_110, %gt3A_112 : vector<1x64xf32>
      %add3A_114 = arith.constant 1.000000e+00 : f32
      %add3A_115 = vector.broadcast %add3A_114 : f32 to vector<1x64xf32>
      %add3A_116 = arith.addf %convert_element_type3A_111, %add3A_115 : vector<1x64xf32>
      %jit3A = arith.constant 0.000000e+00 : f32
      %broadcast_in_dim3A_117 = vector.broadcast %jit3A : f32 to vector<1x64xf32>
      %select_n3A = arith.select %gt3A_113, %add3A_116, %broadcast_in_dim3A_117 : vector<1x64xi1>, vector<1x64xf32>
      %reduce_max3A = vector.shape_cast %select_n3A : vector<1x64xf32> to vector<1x1x64xf32>
      %reduce_max3A_118 = arith.constant dense<0xFF800000> : vector<1xf32>
      %reduce_max3A_119 = vector.multi_reduction <maximumf>, %reduce_max3A, %reduce_max3A_118 [1, 2] : vector<1x1x64xf32> to vector<1xf32>
      %reduce_max3A_120 = vector.shape_cast %reduce_max3A_119 : vector<1xf32> to vector<1x1x1xf32>
      %reduce_max3A_121 = vector.extract %reduce_max3A_120[0, 0, 0] : f32 from vector<1x1x1xf32>
      %get3A_122 = arith.constant 1 : index
      %get3A_123 = memref.load %arg8[%get3A_122] : memref<4xf32, #tpu.memory_space<smem>>
      %get3A_124 = arith.constant 2 : index
      %get3A_125 = memref.load %arg8[%get3A_124] : memref<4xf32, #tpu.memory_space<smem>>
      %sub3A = arith.subf %get3A_123, %get3A_125 : f32
      %div3A = arith.constant 0x4C800000 : f32
      %div3A_126 = arith.divf %sub3A, %div3A : f32
      %get3A_127 = arith.constant 0 : index
      %get3A_128 = memref.load %arg8[%get3A_127] : memref<4xf32, #tpu.memory_space<smem>>
      %mul3A = arith.mulf %reduce_max3A_121, %reduce_max3A_121 : f32
      %mul3A_129 = arith.constant 1.600000e+01 : f32
      %mul3A_130 = arith.mulf %mul3A, %mul3A_129 : f32
      %div3A_131 = arith.divf %get3A_128, %mul3A_130 : f32
      %abs3A = math.absf %div3A_131 : f32
      %add3A_132 = arith.constant 1.000000e+00 : f32
      %add3A_133 = arith.addf %reduce_max3A_121, %add3A_132 : f32
      %integer_pow3A = arith.mulf %add3A_133, %add3A_133 : f32
      %div3A_134 = arith.divf %abs3A, %integer_pow3A : f32
      %broadcast_in_dim3A_135 = arith.constant 0.000000e+00 : f32
      %broadcast_in_dim3A_136 = vector.broadcast %broadcast_in_dim3A_135 : f32 to vector<8x128xf32>
      %abs3A_137 = math.absf %div3A_126 : f32
      %add3A_138 = arith.addf %abs3A_137, %div3A_134 : f32
      %add3A_139 = vector.broadcast %add3A_138 : f32 to vector<8x128xf32>
      %add3A_140 = arith.addf %broadcast_in_dim3A_136, %add3A_139 : vector<8x128xf32>
      %swap3A_141 = arith.constant 0 : index
      %swap3A_142 = arith.constant 0 : index
      %swap3A_143 = vector.load %arg6[%swap3A_141, %swap3A_142] : memref<8x128xf32, #tpu.memory_space<vmem>>, vector<8x128xf32>
      tpu.vector_store %arg6[%swap3A_141, %swap3A_142], %add3A_140 {strides = array<i32>} : memref<8x128xf32, #tpu.memory_space<vmem>>, vector<8x128xf32>,
    } else {
    }
    return
  }
  func.func @transform_0(%arg0: i32) -> (i32, i32, i32) {
    %c0_i32 = arith.constant 0 : i32
    %c0_i32_0 = arith.constant 0 : i32
    %c0_i32_1 = arith.constant 0 : i32
    %c0_i32_2 = arith.constant 0 : i32
    return %c0_i32, %c0_i32_0, %c0_i32_1 : i32, i32, i32
  }
  func.func @transform_1(%arg0: i32) -> (i32, i32, i32) {
    %c0_i32 = arith.constant 0 : i32
    %c0_i32_0 = arith.constant 0 : i32
    %c0_i32_1 = arith.constant 0 : i32
    %c0_i32_2 = arith.constant 0 : i32
    return %c0_i32, %c0_i32_0, %c0_i32_1 : i32, i32, i32
  }
  func.func @transform_2(%arg0: i32) -> (i32, i32) {
    %c0_i32 = arith.constant 0 : i32
    %c0_i32_0 = arith.constant 0 : i32
    %c0_i32_1 = arith.constant 0 : i32
    return %c0_i32, %c0_i32_0 : i32, i32
  }
  func.func @transform_3(%arg0: i32) -> (i32, i32) {
    %c0_i32 = arith.constant 0 : i32
    %c0_i32_0 = arith.constant 0 : i32
    %c0_i32_1 = arith.constant 0 : i32
    return %c0_i32, %c0_i32_0 : i32, i32
  }
  func.func @transform_4(%arg0: i32) -> (i32, i32, i32) {
    %eq3A = arith.constant 7 : i32
    %eq3A_0 = arith.cmpi eq, %arg0, %eq3A : i32
    %add3A = arith.constant 1 : i32
    %add3A_1 = arith.addi %arg0, %add3A : i32
    %jit3A = arith.constant 0 : i32
    %select_n3A = arith.select %eq3A_0, %jit3A, %add3A_1 : i32
    %c0_i32 = arith.constant 0 : i32
    %c0_i32_2 = arith.constant 0 : i32
    %c0_i32_3 = arith.constant 0 : i32
    return %select_n3A, %c0_i32, %c0_i32_2 : i32, i32, i32
  }
  func.func @transform_5(%arg0: i32) -> (i32, i32) {
    %c0_i32 = arith.constant 0 : i32
    %c0_i32_0 = arith.constant 0 : i32
    %c0_i32_1 = arith.constant 0 : i32
    return %c0_i32, %c0_i32_0 : i32, i32
  }
}

</mosaic_0001>

<sc_bundles>
// kernel: kernel.4.cloned.1.call-start
scs
__scs_entry_jumppad:
0x0: {  	(pc) =	sbr.rel $0x88, $3  }
0x1: {  	(tag) =	ssettag $0x0;
	lr =	simm.s32 $0x1  }
0x2: {  	[smem:$0x3F9D] =	sst lr;
	_ =	strace $0xD0000000  }
0x3: {  	_ = 	snop  }
0x4: {  	_ = 	snop  }
0x5: {  	_ = 	snop  }
0x6: {  	_ = 	snop  }
0x7: {  	_ = 	snop  }
__scs_overlays_trampoline_lowered:
0x8: {  	[smem:$0x3FAC] =	sst s0  }
0x9: {  	[smem:$0x3FAD] =	sst s1  }
0xa: {  	[smem:$0x3FAE] =	sst s2  }
0xb: {  	[smem:$0x3FAF] =	sst s3  }
0xc: {  	[smem:$0x3FB0] =	sst s4  }
0xd: {  	[smem:$0x3FB1] =	sst s5  }
0xe: {  	[smem:$0x3FB2] =	sst s6  }
0xf: {  	[smem:$0x3FB3] =	sst s7  }
0x10: {  	[smem:$0x3FB4] =	sst s8  }
0x11: {  	[smem:$0x3FB5] =	sst s9;
	s0 =	simm.s32 @!p0 $0x0  }
0x12: {  	s1 =	sld [smem:$0x3F9B];
	s0 =	simm.s32 @p0 $0x1  }
0x13: {  	[smem:$0x3FB6] =	sst s0;
	s0 =	simm.s32 @!p1 $0x0  }
0x14: {  	s2 =	sld [smem:$0x3F9A];
	s0 =	simm.s32 @p1 $0x1  }
0x15: {  	[smem:$0x3FB7] =	sst s0;
	s0 =	simm.s32 @!p2 $0x0  }
0x16: {  	s3 =	sld [smem:$0x3FDB];
	s0 =	simm.s32 @p2 $0x1  }
0x17: {  	s4 =	simm.s32 $0x1BF5;
	[smem:$0x3FB9] =	sst s0  }
0x18: {  	s0 =	sld [smem:$0x3F9C];
	_ =	swait.ge [sflag:s4], $0x0  }
0x19: {  	s7 =	sld [smem:$0x3F9D]  }
0x1a: {  	s8 =	sadd.s32 $0xFFFFE003, lr  }
0x1b: {  	s9 =	sadd.s32 $0xFFFFFEF7, lr;
	s5 =	simm.s32 $0xFFFFFFFF;
	p2 =	slt.u32 s8, $0xFFFFF086  }
0x1c: {  	p1 =	slt.u32 s9, $0xF7A;
	s5 =	simm.s32 @!p2 $0x0  }
0x1d: {  	s5 =	simm.s32 @p1 $0x1;
	p0 =	seq.s32 s7, s2  }
0x1e: {  	s7 =	smul.u32 @!p0 $0xF7A, s2;
	p2 =	seq.s32 @!p0 s5, $0x0  }
0x1f: {  	s9 =	smul.u32 $0xF7A, s1;
	s8 =	simm.s32 @!p0 $0x1BF5;
	p2 =	por !p2, p0  }
0x20: {  	[sflag:s8] =	ssyncset.s32 @!p0 $0xFFFFF086;
	s6 =	sadd.s32 @!p0 s3, s7;
	s7 =	simm.s32 @!p0 $0x108  }
0x21: {  	s3 =	sadd.s32 s3, s9;
	s6 =	sadd.s32 @!p0 $0x88, s6;
	s7 =	simm.s32 @p2 $0x1082  }
0x22: {  	[simem:s7], [sflag:s8] =	dma.local @!p0 [hbm:s6], $0xF7A  }
0x23: {  	s9 =	sor.u32 $0xD0000000, s2;
	s6 =	simm.s32 $0x108;
	_ =	swait.ge @!p0 [sflag:s8], $0x0  }
0x24: {  	s3 =	sadd.s32 $0x88, s3;
	s6 =	simm.s32 @!p1 $0x1082;
	[sflag:s4] =	ssyncset.s32 $0xFFFFF086  }
0x25: {  	[simem:s6], [sflag:s4] =	dma.local [hbm:s3], $0xF7A  }
0x26: {  	[smem:$0x3F9D] =	sst s1;
	(tag) =	ssettag s2;
	_ =	strace s9  }
0x27: {  	s1 =	sld [smem:$0x3FAD]  }
0x28: {  	s2 =	sld [smem:$0x3FAE]  }
0x29: {  	s4 =	sld [smem:$0x3FB0]  }
0x2a: {  	p0 =	seq.s32 s5, $0x0;
	s5 =	sld [smem:$0x3FB1]  }
0x2b: {  	s6 =	sld [smem:$0x3FB2]  }
0x2c: {  	s7 =	sld [smem:$0x3FB3]  }
0x2d: {  	s3 =	simm.s32 $0x108;
	s8 =	sld [smem:$0x3FB4]  }
0x2e: {  	s3 =	simm.s32 @!p0 $0x1082;
	s9 =	sld [smem:$0x3FB5]  }
0x2f: {  	lr =	sadd.s32 s0, s3;
	s0 =	sld [smem:$0x3FAC]  }
0x30: {  	s3 =	sld [smem:$0x3FAF]  }
0x31: {  	[smem:$0x3FB8] =	sst s10  }
0x32: {  	s10 =	sld [smem:$0x3FB6];
	_ =	sdelay $0x3  }
0x33: {  	p0 =	seq.s32 s10, $0x1;
	s10 =	sld [smem:$0x3FB8];
	_ =	sdelay $0x3  }
0x34: {  	[smem:$0x3FB8] =	sst s10  }
0x35: {  	s10 =	sld [smem:$0x3FB7];
	_ =	sdelay $0x3  }
0x36: {  	p1 =	seq.s32 s10, $0x1;
	s10 =	sld [smem:$0x3FB8];
	_ =	sdelay $0x3  }
0x37: {  	[smem:$0x3FB8] =	sst s10  }
0x38: {  	s10 =	sld [smem:$0x3FB9]  }
0x39: {  	_ = 	snop;
	(pc) =	sbr.ind lr, $3  }
0x3a: {  	_ = 	snop  }
0x3b: {  	_ = 	snop  }
0x3c: {  	p2 =	seq.s32 s10, $0x1;
	s10 =	sld [smem:$0x3FB8]  }
0x3d: {  	_ =	shalt  }
0x3e: {  	_ =	shalt  }
0x3f: {  	_ =	shalt  }
0x40: {  	_ =	shalt  }
0x41: {  	_ =	shalt  }
0x42: {  	_ =	shalt  }
0x43: {  	_ =	shalt  }
0x44: {  	_ =	shalt  }
0x45: {  	_ =	shalt  }
0x46: {  	_ =	shalt  }
0x47: {  	_ =	shalt  }
0x48: {  	_ =	shalt  }
0x49: {  	_ =	shalt  }
0x4a: {  	_ =	shalt  }
0x4b: {  	_ =	shalt  }
0x4c: {  	_ =	shalt  }
0x4d: {  	_ =	shalt  }
0x4e: {  	_ =	shalt  }
0x4f: {  	_ =	shalt  }
0x50: {  	_ =	shalt  }
0x51: {  	_ =	shalt  }
0x52: {  	_ =	shalt  }
0x53: {  	_ =	shalt  }
0x54: {  	_ =	shalt  }
0x55: {  	_ =	shalt  }
0x56: {  	_ =	shalt  }
0x57: {  	_ =	shalt  }
0x58: {  	_ =	shalt  }
0x59: {  	_ =	shalt  }
0x5a: {  	_ =	shalt  }
0x5b: {  	_ =	shalt  }
0x5c: {  	_ =	shalt  }
0x5d: {  	_ =	shalt  }
0x5e: {  	_ =	shalt  }
0x5f: {  	_ =	shalt  }
0x60: {  	_ =	shalt  }
0x61: {  	_ =	shalt  }
0x62: {  	_ =	shalt  }
0x63: {  	_ =	shalt  }
0x64: {  	_ =	shalt  }
0x65: {  	_ =	shalt  }
0x66: {  	_ =	shalt  }
0x67: {  	_ =	shalt  }
0x68: {  	_ =	shalt  }
0x69: {  	_ =	shalt  }
0x6a: {  	_ =	shalt  }
0x6b: {  	_ =	shalt  }
0x6c: {  	_ =	shalt  }
0x6d: {  	_ =	shalt  }
0x6e: {  	_ =	shalt  }
0x6f: {  	_ =	shalt  }
0x70: {  	_ =	shalt  }
0x71: {  	_ =	shalt  }
0x72: {  	_ =	shalt  }
0x73: {  	_ =	shalt  }
0x74: {  	_ =	shalt  }
0x75: {  	_ =	shalt  }
0x76: {  	_ =	shalt  }
0x77: {  	_ =	shalt  }
0x78: {  	_ =	shalt  }
0x79: {  	_ =	shalt  }
0x7a: {  	_ =	shalt  }
0x7b: {  	_ =	shalt  }
0x7c: {  	_ =	shalt  }
0x7d: {  	_ =	shalt  }
0x7e: {  	_ =	shalt  }
0x7f: {  	_ =	shalt  }
0x80: {  	_ =	shalt  }
0x81: {  	_ =	shalt  }
0x82: {  	_ =	shalt  }
0x83: {  	_ =	shalt  }
0x84: {  	_ =	shalt  }
0x85: {  	_ =	shalt  }
0x86: {  	_ =	shalt  }
0x87: {  	_ =	shalt  }
.Lfunc_end0:
.L_simem_size_0:
called_computation_lowered:
.L_overlay_start_0:
0x88: {  	s0 =	sld [smem:$0x3FD9]  }
0x89: {  	s1 =	sld [smem:$0x3FFE];
	_ =	sdelay $0x3  }
0x8a: {  	s0 =	sadd.s32 s1, s0  }
0x8b: {  	[smem:$0x3FC4] =	sst s0  }
0x8c: {  	_ = 	snop  }
0x8d: {  	s0 =	sld [smem:$0x3FD0];
	_ =	sdelay $0x2  }
0x8e: {  	s2 =	simm.s32 $0xA;
	s3 =	simm.s32 $0x10;
	s14 =	sld [smem:$0x3FC8]  }
0x8f: {  	[smem:s3], [sflag:s2] =	dma.local [hbm:s0], $0x1  }
0x90: {  	_ =	swait.eq [sflag:s2], $0x1  }
0x91: {  	[sflag:s2] =	ssyncset.done $0x0  }
0x92: {  	[sflag:s2] =	ssyncadd.s32 $0xFFFFFFFF  }
0x93: {  	s15 =	sld [smem:$0x10];
	(tm) =	ssettm $0x1  }
0x94: {  	s16 =	sld [smem:$0x3FFB];
	_ =	sdelay $0x3  }
0x95: {  	_ =	strace s16  }
0x96: {  	s2 =	sld [smem:$0x3FFC];
	_ =	sdelay $0x3  }
0x97: {  	_ =	strace s2  }
0x98: {  	s2 =	sld [smem:$0x3FFD];
	_ =	sdelay $0x3  }
0x99: {  	_ =	strace s2  }
0x9a: {  	_ =	strace $0x8FFFFFFF  }
0x9b: {  	s17 =	sld [smem:$0x3FDB];
	_ =	sdelay $0x1  }
0x9c: {  	s18 =	simm.s32 $_scs_section_size  }
0x9d: {  	s4 =	simm.s32 $_size__tile_overlayer_lowered;
	s5 =	simm.s32 $_tile_overlayer_lowered  }
0x9e: {  	s21 =	simm.s32 $0x1BFF;
	s20 =	sshll.u32 s5, $0x1;
	s2 =	sadd.s32 s18, s17  }
0x9f: {  	s6 =	simm.s32 $0x0;
	s19 =	sshll.u32 s4, $0x1;
	s4 =	sadd.s32 s20, s2  }
0xa0: {  	[timem:s6], [sflag:s21] =	dma.local [hbm:s4], s19  }
0xa1: {  	_ =	swait.ge [sflag:s21], s19  }
0xa2: {  	s3 =	ssub.s32 $0x0, s19;
	[sflag:s21] =	ssyncset.done $0x0  }
0xa3: {  	[sflag:s21] =	ssyncadd.s32 s3;
	_ =	sdelay $0x1  }
0xa4: {  	s22 =	simm.s32 $0x1B8B  }
0xa5: {  	_ =	swait.ge [sflag:s22], $0x1  }
0xa6: {  	[sflag:s22] =	ssyncset.done $0x0  }
0xa7: {  	s23 =	simm.s32 $0x1B8E;
	[sflag:s22] =	ssyncadd.s32 $0xFFFFFFFF  }
0xa8: {  	s24 =	simm.s32 $execute0_lowered;
	[smem:$0x3FD2] =	sst s23  }
0xa9: {  	s3 =	sshll.u32 s24, $0x1;
	_ =	strace $0x80000046;
	[dreg:$0x1] =	wrdreg $0xFFFFFFFF  }
0xaa: {  	s25 =	simm.s32 $_size_execute0_lowered;
	s2 =	sadd.s32 s2, s3;
	[dreg:$0x0] =	wrdreg $0x0  }
0xab: {  	s3 =	sshll.u32 s25, $0x1;
	[dreg:$0x2] =	wrdreg s2  }
0xac: {  	[dreg:$0x3] =	wrdreg s3  }
0xad: {  	[dreg:$0x4] =	wrdreg $0xC0  }
0xae: {  	_ =	task [dreg:s6], $0x5FFFF  }
0xaf: {  	[dreg:$0x1] =	wrdreg $0xFFFFFFFF  }
0xb0: {  	[dreg:$0x0] =	wrdreg $0x60  }
0xb1: {  	[dreg:$0x2] =	wrdreg s14  }
0xb2: {  	[dreg:$0x3] =	wrdreg s15  }
0xb3: {  	[dreg:$0x4] =	wrdreg $0x9000  }
0xb4: {  	[dreg:$0x5] =	wrdreg $0x9  }
0xb5: {  	_ =	task.clear_ibuf [dreg:s6], $0x6FFFF;
	_ =	strace $0x90000046  }
0xb6: {  	s26 =	simm.s32 $0x9;
	_ =	strace $0x80000048  }
0xb7: {  	_ =	swait.ge [sflag:s26], $0x1  }
0xb8: {  	[sflag:s26] =	ssyncadd.s32 $0xFFFFFFFF  }
0xb9: {  	_ =	strace $0x90000048  }
0xba: {  	_ =	sfence  }
0xbb: {  	s28 =	sld [smem:$0x0];
	_ =	sdelay $0x1  }
0xbc: {  	s29 =	srdreg.scid  }
0xbd: {  	s30 =	sshll.u32 s29, $0xD;
	s31 =	sshrl.u32 s29, $0x2  }
0xbe: {  	s1 =	sand.u32 $0x1, s29;
	s2 =	sand.u32 $0x4000, s30;
	s0 =	sadd.s32 s31, s28  }
0xbf: {  	s1 =	sor.u32 s2, s1;
	s0 =	sshll.u32 s0, $0x11  }
0xc0: {  	s0 =	sor.u32 s0, s1  }
0xc1: {  	s0 =	sadd.s32 $0x8F2B, s0  }
0xc2: {  	[sflag:s0] =	ssyncadd.remote.s32 $0x1  }
0xc3: {  	_ =	sfence.sel $0xFFFF  }
0xc4: {  	[dreg:$0x0] =	wrdreg $0xFFFFFFFF;
	(pc) =	sbr.abs _section_cstart, $3  }
0xc5: {  	[dreg:$0x1] =	wrdreg $0xFFFFFFFF  }
0xc6: {  	_ =	task.clear_ibuf [dreg:s6], $0x2FFFF;
	_ =	strace $0x9FFFFFFF  }
0xc7: {  	(tm) =	ssettm $0x7FFFFFFF  }
tec
execute0_lowered:
.L_overlay_start_1:
0x0: {  	(tag) =	ssettag $0x1  }
0x1: {  	s5 =	rddreg [dreg:$0x0]  }
0x2: {  	s1 =	rddreg [dreg:$0x1]  }
0x3: {  	s2 =	rddreg [dreg:$0x2];
	s4 =	simm.s32 $0x0  }
0x4: {  	v0 =	vimm.f32 $0.0e+00;
	[smem:$0x7FF] =	sst s4  }
0x5: {  	s0 =	rddreg [dreg:$0x3];
	_ =	strace $0x80000047;
	[tilespmem:$0x0] =	vst v0  }
0x6: {  	[tilespmem:$0x10] =	vst v0  }
0x7: {  	[tilespmem:$0x20] =	vst v0  }
0x8: {  	[tilespmem:$0x30] =	vst v0  }
0x9: {  	[tilespmem:$0x40] =	vst v0  }
0xa: {  	[tilespmem:$0x50] =	vst v0  }
0xb: {  	[tilespmem:$0x60] =	vst v0  }
0xc: {  	[tilespmem:$0x70] =	vst v0  }
0xd: {  	[tilespmem:$0x80] =	vst v0  }
0xe: {  	[tilespmem:$0x90] =	vst v0  }
0xf: {  	[tilespmem:$0xA0] =	vst v0  }
0x10: {  	[tilespmem:$0xB0] =	vst v0  }
0x11: {  	[tilespmem:$0xC0] =	vst v0  }
0x12: {  	s3 =	stileid.u32;
	[tilespmem:$0xD0] =	vst v0  }
0x13: {  	s6 =	sshll.u32 s3, $0x8;
	[tilespmem:$0xE0] =	vst v0  }
0x14: {  	s20 =	simm.s32 $0x1;
	s6 =	sadd.s32 s6, s2;
	[tilespmem:$0xF0] =	vst v0  }
0x15: {  	[spmem:s6] =	stream.linear.scatter [tilespmem:s4], [sflag:$0x1], $0x100, $0x38;
	[tilespmem:$0xA00] =	vst v63  }
0x16: {  	_ =	swait.ge [sflag:s20], $0x100  }
0x17: {  	s22 =	simm.s32 $0x80;
	s21 =	sshll.u32 s3, $0x7;
	[sflag:s20] =	ssyncset.done $0x0  }
0x18: {  	s7 =	simm.s32 $0x100;
	s6 =	sadd.s32 s5, s21;
	[sflag:s20] =	ssyncadd.s32 $0xFFFFFF00  }
0x19: {  	[tilespmem:s7], [sflag:$0x1] =	stream.strided.gather [hbm4b:s6+s22], $0x200, s7, s22, $0x38;
	[tilespmem:$0xA00] =	vst v63  }
0x1a: {  	_ =	swait.ge [sflag:s20], $0x200  }
0x1b: {  	[sflag:s20] =	ssyncset.done $0x0  }
0x1c: {  	s8 =	simm.s32 $0x300;
	s6 =	sadd.s32 $0x10, s6;
	[sflag:s20] =	ssyncadd.s32 $0xFFFFFE00  }
0x1d: {  	[tilespmem:s8], [sflag:$0x1] =	stream.strided.gather [hbm4b:s6+s22], $0x200, s7, s22, $0x38;
	[tilespmem:$0xA00] =	vst v63  }
0x1e: {  	_ =	swait.ge [sflag:s20], $0x200  }
0x1f: {  	[sflag:s20] =	ssyncset.done $0x0  }
0x20: {  	[sflag:s20] =	ssyncadd.s32 $0xFFFFFE00  }
0x21: {  	v60 =	vld [tilespmem:$0x100]  }
0x22: {  	v1 =	vld [tilespmem:$0x300]  }
0x23: {  	v2 =	vld [tilespmem:$0x110]  }
0x24: {  	v3 =	vld [tilespmem:$0x310]  }
0x25: {  	v4 =	vld [tilespmem:$0x120]  }
0x26: {  	v5 =	vld [tilespmem:$0x320]  }
0x27: {  	v6 =	vld [tilespmem:$0x130]  }
0x28: {  	v7 =	vld [tilespmem:$0x330]  }
0x29: {  	v8 =	vld [tilespmem:$0x140]  }
0x2a: {  	v9 =	vld [tilespmem:$0x340]  }
0x2b: {  	v10 =	vld [tilespmem:$0x150]  }
0x2c: {  	v11 =	vld [tilespmem:$0x350]  }
0x2d: {  	v12 =	vld [tilespmem:$0x160]  }
0x2e: {  	v13 =	vld [tilespmem:$0x360]  }
0x2f: {  	v14 =	vld [tilespmem:$0x170]  }
0x30: {  	v15 =	vld [tilespmem:$0x370]  }
0x31: {  	v16 =	vld [tilespmem:$0x180]  }
0x32: {  	v17 =	vld [tilespmem:$0x380];
	v0 =	vshll.u32 v60, $0x6  }
0x33: {  	v18 =	vld [tilespmem:$0x190];
	v61 =	vshll.u32 v2, $0x6;
	v0 =	vadd.s32 v1, v0  }
0x34: {  	v19 =	vld [tilespmem:$0x390];
	v63 =	vshll.u32 v4, $0x6;
	v62 =	vadd.s32 v3, v61;
	[tilespmem:$0x500] =	vst v0  }
0x35: {  	v20 =	vld [tilespmem:$0x1A0];
	v32 =	vshll.u32 v6, $0x6;
	v31 =	vadd.s32 v5, v63;
	[tilespmem:$0x510] =	vst v62  }
0x36: {  	v21 =	vld [tilespmem:$0x3A0];
	v35 =	vshll.u32 v8, $0x6;
	v34 =	vadd.s32 v7, v32;
	[tilespmem:$0x520] =	vst v31  }
0x37: {  	v22 =	vld [tilespmem:$0x1B0];
	v38 =	vshll.u32 v10, $0x6;
	v37 =	vadd.s32 v9, v35;
	[tilespmem:$0x530] =	vst v34  }
0x38: {  	v23 =	vld [tilespmem:$0x3B0];
	v41 =	vshll.u32 v12, $0x6;
	v40 =	vadd.s32 v11, v38;
	[tilespmem:$0x540] =	vst v37  }
0x39: {  	v24 =	vld [tilespmem:$0x1C0];
	v44 =	vshll.u32 v14, $0x6;
	v43 =	vadd.s32 v13, v41;
	[tilespmem:$0x550] =	vst v40  }
0x3a: {  	v25 =	vld [tilespmem:$0x3C0];
	v47 =	vshll.u32 v16, $0x6;
	v46 =	vadd.s32 v15, v44;
	[tilespmem:$0x560] =	vst v43  }
0x3b: {  	v50 =	vshll.u32 v18, $0x6;
	v49 =	vadd.s32 v17, v47;
	[tilespmem:$0x570] =	vst v46  }
0x3c: {  	v53 =	vshll.u32 v20, $0x6;
	v52 =	vadd.s32 v19, v50;
	[tilespmem:$0x580] =	vst v49  }
0x3d: {  	v56 =	vshll.u32 v22, $0x6;
	v55 =	vadd.s32 v21, v53;
	[tilespmem:$0x590] =	vst v52  }
0x3e: {  	v59 =	vshll.u32 v24, $0x6;
	v58 =	vadd.s32 v23, v56;
	[tilespmem:$0x5A0] =	vst v55  }
0x3f: {  	v61 =	vadd.s32 v25, v59;
	[tilespmem:$0x5B0] =	vst v58  }
0x40: {  	v50 =	vimm.f32 $1.000000000e+00;
	[tilespmem:$0x5C0] =	vst v61  }
0x41: {  	[tilespmem:$0x700] =	vst v50  }
0x42: {  	[tilespmem:$0x710] =	vst v50  }
0x43: {  	[tilespmem:$0x720] =	vst v50  }
0x44: {  	[tilespmem:$0x730] =	vst v50  }
0x45: {  	[tilespmem:$0x740] =	vst v50  }
0x46: {  	[tilespmem:$0x750] =	vst v50  }
0x47: {  	[tilespmem:$0x760] =	vst v50  }
0x48: {  	v26 =	vld [tilespmem:$0x1D0];
	[tilespmem:$0x770] =	vst v50  }
0x49: {  	v27 =	vld [tilespmem:$0x3D0];
	[tilespmem:$0x780] =	vst v50  }
0x4a: {  	v28 =	vld [tilespmem:$0x1E0];
	[tilespmem:$0x790] =	vst v50  }
0x4b: {  	v29 =	vld [tilespmem:$0x3E0];
	[tilespmem:$0x7A0] =	vst v50  }
0x4c: {  	v30 =	vld [tilespmem:$0x3F0];
	[tilespmem:$0x7B0] =	vst v50  }
0x4d: {  	v33 =	vld [tilespmem:$0x200];
	[tilespmem:$0x7C0] =	vst v50  }
0x4e: {  	v36 =	vld [tilespmem:$0x400];
	[tilespmem:$0x7D0] =	vst v50  }
0x4f: {  	v39 =	vld [tilespmem:$0x210];
	[tilespmem:$0x7E0] =	vst v50  }
0x50: {  	v42 =	vld [tilespmem:$0x410];
	[tilespmem:$0x7F0] =	vst v50  }
0x51: {  	v45 =	vld [tilespmem:$0x220];
	[tilespmem:$0x800] =	vst v50  }
0x52: {  	v48 =	vld [tilespmem:$0x420];
	[tilespmem:$0x810] =	vst v50  }
0x53: {  	v51 =	vld [tilespmem:$0x230];
	[tilespmem:$0x820] =	vst v50  }
0x54: {  	v54 =	vld [tilespmem:$0x430];
	[tilespmem:$0x830] =	vst v50  }
0x55: {  	v57 =	vld [tilespmem:$0x240];
	[tilespmem:$0x840] =	vst v50  }
0x56: {  	v2 =	vld [tilespmem:$0x1F0];
	[tilespmem:$0x850] =	vst v50  }
0x57: {  	v60 =	vld [tilespmem:$0x440];
	[tilespmem:$0x860] =	vst v50  }
0x58: {  	v20 =	vld [tilespmem:$0x450];
	[tilespmem:$0x870] =	vst v50  }
0x59: {  	v63 =	vld [tilespmem:$0x250];
	[tilespmem:$0x880] =	vst v50  }
0x5a: {  	v23 =	vld [tilespmem:$0x260];
	[tilespmem:$0x890] =	vst v50  }
0x5b: {  	v32 =	vld [tilespmem:$0x470];
	[tilespmem:$0x8A0] =	vst v50  }
0x5c: {  	v35 =	vld [tilespmem:$0x280];
	[tilespmem:$0x8B0] =	vst v50  }
0x5d: {  	v38 =	vld [tilespmem:$0x480];
	[tilespmem:$0x8C0] =	vst v50  }
0x5e: {  	v41 =	vld [tilespmem:$0x290];
	[tilespmem:$0x8D0] =	vst v50  }
0x5f: {  	v19 =	vshll.u32 v28, $0x6;
	v44 =	vld [tilespmem:$0x490];
	[tilespmem:$0x8E0] =	vst v50  }
0x60: {  	v53 =	vld [tilespmem:$0x4A0];
	v62 =	vshll.u32 v26, $0x6;
	v21 =	vadd.s32 v29, v19;
	[tilespmem:$0x8F0] =	vst v50  }
0x61: {  	v25 =	vshll.u32 v33, $0x6;
	v56 =	vld [tilespmem:$0x2C0];
	v18 =	vadd.s32 v27, v62;
	[tilespmem:$0x5E0] =	vst v21  }
0x62: {  	v59 =	vld [tilespmem:$0x4D0];
	v31 =	vshll.u32 v45, $0x6;
	v27 =	vadd.s32 v36, v25;
	[tilespmem:$0x5D0] =	vst v18  }
0x63: {  	v26 =	vld [tilespmem:$0x460];
	v34 =	vshll.u32 v51, $0x6;
	v33 =	vadd.s32 v48, v31;
	[tilespmem:$0x600] =	vst v27  }
0x64: {  	v29 =	vld [tilespmem:$0x270];
	v37 =	vshll.u32 v57, $0x6;
	v36 =	vadd.s32 v54, v34;
	[tilespmem:$0x620] =	vst v33  }
0x65: {  	v28 =	vshll.u32 v39, $0x6;
	v52 =	vld [tilespmem:$0x2A0];
	[tilespmem:$0x630] =	vst v36;
	v22 =	vshll.u32 v2, $0x6;
	v39 =	vadd.s32 v60, v37  }
0x66: {  	v55 =	vld [tilespmem:$0x4B0];
	v24 =	vadd.s32 v30, v22;
	[tilespmem:$0x640] =	vst v39  }
0x67: {  	v57 =	vld [tilespmem:$0x4C0];
	v30 =	vadd.s32 v42, v28;
	v40 =	vshll.u32 v63, $0x6;
	[tilespmem:$0x5F0] =	vst v24  }
0x68: {  	v54 =	vld [tilespmem:$0x2B0];
	v43 =	vshll.u32 v23, $0x6;
	[tilespmem:$0x610] =	vst v30;
	v42 =	vadd.s32 v20, v40  }
0x69: {  	v58 =	vld [tilespmem:$0x2D0];
	v48 =	vshll.u32 v35, $0x6;
	v45 =	vadd.s32 v26, v43;
	[tilespmem:$0x650] =	vst v42  }
0x6a: {  	v61 =	vld [tilespmem:$0x4E0];
	v51 =	vshll.u32 v41, $0x6;
	v49 =	vadd.s32 v38, v48;
	[tilespmem:$0x660] =	vst v45  }
0x6b: {  	v60 =	vld [tilespmem:$0x2E0];
	v46 =	vshll.u32 v29, $0x6;
	v1 =	vadd.s32 v44, v51;
	[tilespmem:$0x680] =	vst v49  }
0x6c: {  	v62 =	vld [tilespmem:$0x2F0];
	v2 =	vshll.u32 v52, $0x6;
	v47 =	vadd.s32 v32, v46;
	[tilespmem:$0x690] =	vst v1  }
0x6d: {  	v63 =	vld [tilespmem:$0x4F0];
	v1 =	vadd.s32 v53, v2;
	v2 =	vshll.u32 v54, $0x6;
	[tilespmem:$0x670] =	vst v47  }
0x6e: {  	[tilespmem:$0x6A0] =	vst v1;
	v1 =	vadd.s32 v55, v2;
	v2 =	vshll.u32 v56, $0x6  }
0x6f: {  	[tilespmem:$0x6B0] =	vst v1;
	v1 =	vadd.s32 v57, v2;
	v2 =	vshll.u32 v58, $0x6  }
0x70: {  	[tilespmem:$0x6C0] =	vst v1;
	v1 =	vadd.s32 v59, v2;
	v2 =	vshll.u32 v60, $0x6  }
0x71: {  	[tilespmem:$0x6D0] =	vst v1;
	v1 =	vadd.s32 v61, v2;
	v2 =	vshll.u32 v62, $0x6  }
0x72: {  	[tilespmem:$0x6E0] =	vst v1;
	v1 =	vadd.s32 v63, v2  }
0x73: {  	[tilespmem:$0x6F0] =	vst v1  }
0x74: {  	s23 =	simm.s32 $0x500;
	s24 =	simm.s32 $0x700;
	[bflag:$0x0] =	sbarrier.arrive $0xFFFF  }
0x75: {  	[spmem:s2] =	stream.indirect.scatter.add.f32 [tilespmem:s24], [sflag:$0x1], $0x1, s23, s22, $0xb8;
	[tilespmem:$0xA00] =	vst v63  }
0x76: {  	_ =	swait.ge [sflag:s20], $0x80  }
0x77: {  	[sflag:s20] =	ssyncset.done $0x0  }
0x78: {  	s25 =	simm.s32 $0x580;
	s26 =	simm.s32 $0x780;
	[sflag:s20] =	ssyncadd.s32 $0xFFFFFF80  }
0x79: {  	[spmem:s2] =	stream.indirect.scatter.add.f32 [tilespmem:s26], [sflag:$0x1], $0x1, s25, s22, $0xb8;
	[tilespmem:$0xA00] =	vst v63  }
0x7a: {  	_ =	swait.ge [sflag:s20], $0x80  }
0x7b: {  	[sflag:s20] =	ssyncset.done $0x0  }
0x7c: {  	s28 =	simm.s32 $0x600;
	s29 =	simm.s32 $0x800;
	[sflag:s20] =	ssyncadd.s32 $0xFFFFFF80  }
0x7d: {  	[spmem:s2] =	stream.indirect.scatter.add.f32 [tilespmem:s29], [sflag:$0x1], $0x1, s28, s22, $0xb8;
	[tilespmem:$0xA00] =	vst v63  }
0x7e: {  	_ =	swait.ge [sflag:s20], $0x80  }
0x7f: {  	[sflag:s20] =	ssyncset.done $0x0  }
0x80: {  	s30 =	simm.s32 $0x680;
	s31 =	simm.s32 $0x880;
	[sflag:s20] =	ssyncadd.s32 $0xFFFFFF80  }
0x81: {  	[spmem:s2] =	stream.indirect.scatter.add.f32 [tilespmem:s31], [sflag:$0x1], $0x1, s30, s22, $0xb8;
	[tilespmem:$0xA00] =	vst v63  }
0x82: {  	_ =	swait.ge [sflag:s20], $0x80  }
0x83: {  	[sflag:s20] =	ssyncset.done $0x0  }
0x84: {  	[sflag:s20] =	ssyncadd.s32 $0xFFFFFF80  }
0x85: {  	p0 =	sne.s32 s3, $0x0;
	[bflag:$0x0] =	sbarrier.arrive $0xFFFF  }
0x86: {  	_ =	sfence.sel @p0 $0x180000  }
0x87: {  	[bflag:$0x0] =	sbarrier.arrive @p0 $0xFFFF  }
0x88: {  	_ =	strace @p0 $0x90000047  }
0x89: {  	s3 =	simm.s32 @!p0 $0x1C01;
	s2 =	sshrl.u32 @!p0 s2, $0x3;
	[bflag:$0x2] =	sbarrier.arrive @p0 $0xFFFF  }
0x8a: {  	[hbm:s1], [sflag:s3] =	dma.local @!p0 [spmem:s2], $0x200  }
0x8b: {  	s1 =	simm.s32 @!p0 $0x1  }
0x8c: {  	_ =	swait.ge @!p0 [sflag:s1], $0x200  }
0x8d: {  	[sflag:s1] =	ssyncset.done @!p0 $0x0  }
0x8e: {  	[sflag:s1] =	ssyncadd.s32 @!p0 $0xFFFFFE00  }
0x8f: {  	_ =	sfence.sel @!p0 $0x180000  }
0x90: {  	[bflag:$0x0] =	sbarrier.arrive @!p0 $0xFFFF  }
0x91: {  	_ =	strace @!p0 $0x90000047  }
0x92: {  	s0 =	sadd.s32 @!p0 $0x100000, s0;
	[bflag:$0x2] =	sbarrier.arrive @!p0 $0xFFFF  }
0x93: {  	[sflag:s0] =	ssyncadd.tile.s32 @!p0 $0x1;
	_ =	shalt  }
.Lfunc_end2:
_tile_overlayer_lowered:
.L_overlay_start_2:
0x94: {  	(tag) =	ssettag $0x2  }
0x95: {  	s0 =	rddreg [dreg:$0x0];
	s2 =	stileid.u32  }
0x96: {  	s1 =	rddreg [dreg:$0x1];
	p0 =	sne.s32 s2, $0x0  }
0x97: {  	s3 =	rddreg [dreg:$0x2];
	[bflag:$0x3] =	sbarrier.arrive $0xFFFF;
	s2 =	simm.s32 @!p0 $0x1C01  }
0x98: {  	[timem:s3], [sflag:s2] =	dma.local @!p0 [hbm:s0], s1  }
0x99: {  	s0 =	simm.s32 @!p0 $0x1  }
0x9a: {  	_ =	swait.ge @!p0 [sflag:s0], s1  }
0x9b: {  	s1 =	ssub.s32 @!p0 $0x0, s1;
	[sflag:s0] =	ssyncset.done @!p0 $0x0  }
0x9c: {  	[sflag:s0] =	ssyncadd.s32 @!p0 s1  }
0x9d: {  	[bflag:$0x3] =	sbarrier.arrive $0xFFFF  }
0x9e: {  	_ =	shalt  }

</sc_bundles>
